<compile_context>
chip_gen: v7x
topology: tpu7x:2x2x1
jax: 0.10.2.dev20260603
libtpu: 0.0.44.dev20260713+nightly
codegen_flags: <defaults>
</compile_context>

<pallas_src>
import functools

import jax
import jax.numpy as jnp
from jax import lax
from jax.experimental import pallas as pl
from jax.experimental.pallas import tpu as pltpu
from jax.experimental.pallas import tpu_sc as plsc

B, T, K = 128, 8192, 16
N = B * T
NC, NS, L = 2, 16, 16
NW = NC * NS
R = 1024
BS = 44
NTC = BS * T
CPW = (N - NTC) // NW // R
NBUF = 2
TCT = 8192

_mesh = plsc.VectorSubcoreMesh(core_axis_name="c", subcore_axis_name="s")


@functools.partial(
    pl.kernel,
    mesh=_mesh,
    out_type=jax.ShapeDtypeStruct((N - NTC,), jnp.float32),
    compiler_params=pltpu.CompilerParams(needs_layout_passes=False),
    scratch_types=[
        pltpu.VMEM((NBUF, 2, 8, 8, 128), jnp.float32),
        pltpu.VMEM((NBUF, 2, 8, 8, 128), jnp.float32),
        pltpu.VMEM((NBUF, 8, 128), jnp.int32),
        pltpu.VMEM((NBUF, R), jnp.float32),
        pltpu.VMEM((NBUF, R), jnp.float32),
        pltpu.SemaphoreType.DMA,
        pltpu.SemaphoreType.DMA,
        pltpu.SemaphoreType.DMA,
        pltpu.SemaphoreType.DMA,
    ],
)
def _sc_sample(mus_x, sig_x, z_x, noise_x, out_hbm,
               mu_v, sg_v, z_v, nz_v, out_v,
               in_sem0, in_sem1, out_sem0, out_sem1):
    wid = lax.axis_index("s") * NC + lax.axis_index("c")
    cc0 = BS * 8 + wid * CPW

    in_sems = (in_sem0, in_sem1)
    out_sems = (out_sem0, out_sem1)

    def chunk_copies(cc, p, sem):
        b = cc // 8
        tt0 = (cc % 8) * 8
        n0 = b * 128 + tt0
        zn0 = (b // 8) * 64 + tt0
        zbs = b % 8
        return (
            pltpu.make_async_copy(mus_x.at[pl.ds(n0, 8)], mu_v.at[p, 0], sem),
            pltpu.make_async_copy(mus_x.at[pl.ds(n0 + 64, 8)], mu_v.at[p, 1], sem),
            pltpu.make_async_copy(sig_x.at[pl.ds(n0, 8)], sg_v.at[p, 0], sem),
            pltpu.make_async_copy(sig_x.at[pl.ds(n0 + 64, 8)], sg_v.at[p, 1], sem),
            pltpu.make_async_copy(z_x.at[pl.ds(zn0, 8), zbs], z_v.at[p], sem),
            pltpu.make_async_copy(noise_x.at[pl.ds(cc * R, R)], nz_v.at[p], sem),
        )

    def store_copy(cc, p, sem):
        return pltpu.make_async_copy(
            out_v.at[p], out_hbm.at[pl.ds(cc * R - NTC, R)], sem)

    def start_loads(cc, p):
        for c in chunk_copies(cc, p, in_sems[p]):
            c.start()

    def wait_loads(cc, p):
        for c in chunk_copies(cc, p, in_sems[p]):
            c.wait()

    def compute(p):
        def vec_body(i, carry):
            tv = lax.iota(jnp.int32, L) + i * L
            zv = z_v[p, i // 8, pl.ds((i % 8) * L, L)]
            nv = nz_v[p, pl.ds(i * L, L)]
            khi = zv >> 3
            ks = zv & 7
            tt = tv >> 7
            tl = tv & 127
            mu = plsc.load_gather(mu_v.at[p], [khi, tt, ks, tl])
            sg = plsc.load_gather(sg_v.at[p], [khi, tt, ks, tl])
            out_v[p, pl.ds(i * L, L)] = mu + sg * nv
            return carry

        lax.fori_loop(0, R // L, vec_body, 0, unroll=8)

    def half_step(g, c, p):
        cc = cc0 + c
        nxt = jnp.minimum(c + 1, CPW - 1)
        start_loads(cc0 + nxt, 1 - p)
        wait_loads(cc, p)

        @pl.when(g > 0)
        def _():
            store_copy(cc - 2, p, out_sems[p]).wait()

        compute(p)
        store_copy(cc, p, out_sems[p]).start()

    start_loads(cc0, 0)

    def pair_body(g, carry):
        half_step(g, 2 * g, 0)
        half_step(g, 2 * g + 1, 1)
        return carry

    lax.fori_loop(0, CPW // 2, pair_body, 0)

    if CPW % 2:
        c = CPW - 1
        wait_loads(cc0 + c, 0)
        store_copy(cc0 + c - 2, 0, out_sems[0]).wait()
        compute(0)
        store_copy(cc0 + c, 0, out_sems[0]).start()
        store_copy(cc0 + c - 1, 1, out_sems[1]).wait()
        store_copy(cc0 + c, 0, out_sems[0]).wait()
    else:
        wait_loads(cc0 + CPW - 1, 1 - (CPW - 1) % 2)
        store_copy(cc0 + CPW - 2, (CPW - 2) % 2, out_sems[(CPW - 2) % 2]).wait()
        store_copy(cc0 + CPW - 1, (CPW - 1) % 2, out_sems[(CPW - 1) % 2]).wait()


def _tc_body(mus_ref, sig_ref, z_ref, nz_ref, out_ref):
    k_iota = lax.broadcasted_iota(jnp.int32, (K, 128), 0)
    bs = pl.program_id(0) % 8
    for tt in range(T // 128):
        s = pl.ds(tt * 128, 128)
        msk = k_iota == z_ref[tt, bs, :][None, :]
        mu = jnp.sum(jnp.where(msk, mus_ref[0, :, s], 0.0), axis=0)
        sg = jnp.sum(jnp.where(msk, sig_ref[0, :, s], 0.0), axis=0)
        out_ref[s] = mu + sg * nz_ref[s]


_tc_sample = pl.pallas_call(
    _tc_body,
    grid=(BS,),
    in_specs=[
        pl.BlockSpec((1, K, T), lambda g: (g, 0, 0)),
        pl.BlockSpec((1, K, T), lambda g: (g, 0, 0)),
        pl.BlockSpec((64, 8, 128), lambda g: (g // 8, 0, 0)),
        pl.BlockSpec((T,), lambda g: (g,)),
    ],
    out_specs=pl.BlockSpec((T,), lambda g: (g,)),
    out_shape=jax.ShapeDtypeStruct((NTC,), jnp.float32),
)


def kernel(mus, sigmas, z, noise):
    mus_t = jnp.swapaxes(mus, 1, 2)
    sig_t = jnp.swapaxes(sigmas, 1, 2)
    mus_x = (mus.reshape(B, 64, 128, 2, 8)
             .transpose(0, 3, 1, 4, 2)
             .reshape(B * 2 * 64, 8, 128))
    sig_x = (sigmas.reshape(B, 64, 128, 2, 8)
             .transpose(0, 3, 1, 4, 2)
             .reshape(B * 2 * 64, 8, 128))
    z_x = (z.astype(jnp.int32)
           .reshape(16, 8, 64, 128)
           .transpose(0, 2, 1, 3)
           .reshape(1024, 8, 128))
    noise_x = noise.reshape(-1)
    sc_out = _sc_sample(mus_x, sig_x, z_x, noise_x)
    tc_out = _tc_sample(mus_t, sig_t, z_x, noise_x)
    out = jnp.concatenate([tc_out, sc_out])
    return out.reshape(B, T, 1)

# --- scband reference (transcript-rebuilt; emitter-appended) ---
"""Pipeline reference for scband-sample-point-79826262164183 (READ-ONLY COPY).

The authoritative reference and input builder live on the scoring server;
editing this copy changes nothing except your own understanding.
"""

import jax, jax.numpy as jnp
import numpy as np

B, T, K = 128, 8192, 16

def setup_inputs(seed: int = 0) -> dict:
    key = jax.random.key(seed)
    k1, k2, k3, k4 = jax.random.split(key, 4)
    mus = jax.random.normal(k1, (B, T, K), dtype=jnp.float32)
    # sigmas must be positive (std-devs); uniform in (0, 1]
    sigmas = jax.random.uniform(k2, (B, T, K), dtype=jnp.float32, minval=1e-3, maxval=1.0)
    z = jax.random.randint(k3, (B, T), 0, K, dtype=jnp.int64)
    # reparameterized standard-normal noise standing in for p.normal's sampling
    noise = jax.random.normal(k4, (B, T, 1), dtype=jnp.float32)
    return {"mus": mus, "sigmas": sigmas, "z": z, "noise": noise}

def reference(mus, sigmas, z, noise):
    # z = z.unsqueeze(-1)
    z3 = z[..., None]
    # mu = torch.take_along_dim(mus, z, dim=2)
    mu = jnp.take_along_axis(mus, z3, axis=2)
    # sigma = torch.take_along_dim(sigmas, z, dim=2)
    sigma = jnp.take_along_axis(sigmas, z3, axis=2)
    # x = p.normal(mu, sigma)  -> reparameterized sample mu + sigma * eps
    x = mu + sigma * noise
    return x

if __name__ == "__main__":
    import jax
    _d = setup_inputs()
    print(jax.jit(kernel)(*tuple(_d.values())))

</pallas_src>

<mosaic_0001>
#map = affine_map<(d0, d1) -> (0, 0, 0)>
#map1 = affine_map<(d0, d1) -> (0)>
module attributes {stable_mosaic.version = 14 : i64} {
  func.func @_sc_sample(%arg0: i32, %arg1: i32, %arg2: memref<16384x8x128xf32, #tpu.memory_space<hbm>>, %arg3: memref<16384x8x128xf32, #tpu.memory_space<hbm>>, %arg4: memref<1024x8x128xi32, #tpu.memory_space<hbm>>, %arg5: memref<1048576xf32, #tpu.memory_space<hbm>>, %arg6: memref<688128xf32, #tpu.memory_space<hbm>>, %arg7: memref<2x2x8x8x128xf32, #tpu.memory_space<vmem>>, %arg8: memref<2x2x8x8x128xf32, #tpu.memory_space<vmem>>, %arg9: memref<2x8x128xi32, #tpu.memory_space<vmem>>, %arg10: memref<2x1024xf32, #tpu.memory_space<vmem>>, %arg11: memref<2x1024xf32, #tpu.memory_space<vmem>>, %arg12: memref<!tpu.dma_semaphore, #tpu.memory_space<semaphore_mem>>, %arg13: memref<!tpu.dma_semaphore, #tpu.memory_space<semaphore_mem>>, %arg14: memref<!tpu.dma_semaphore, #tpu.memory_space<semaphore_mem>>, %arg15: memref<!tpu.dma_semaphore, #tpu.memory_space<semaphore_mem>>) attributes {dimension_semantics = [#tpu.dimension_semantics<core_parallel>, #tpu.dimension_semantics<subcore_parallel>], iteration_bounds = array<i64: 2, 16>, scalar_prefetch = 0 : i64, scratch_operands = 9 : i64, tpu.core_type = #tpu.core_type<sc_vector_subcore>, window_params = [{transform_indices = #map}, {transform_indices = #map}, {transform_indices = #map}, {transform_indices = #map1}, {transform_indices = #map1}]} {
    %mul3A = arith.constant 2 : i32
    %mul3A_0 = arith.muli %arg1, %mul3A : i32
    %add3A = arith.addi %mul3A_0, %arg0 : i32
    %mul3A_1 = arith.constant 21 : i32
    %mul3A_2 = arith.muli %add3A, %mul3A_1 : i32
    %add3A_3 = arith.constant 352 : i32
    %add3A_4 = arith.addi %add3A_3, %mul3A_2 : i32
    %jit3A = arith.constant 8 : i32
    %div3A = arith.divsi %add3A_4, %jit3A : i32
    %sign3A = arith.constant 0 : i32
    %sign3A_5 = arith.cmpi sgt, %add3A_4, %sign3A : i32
    %sign3A_6 = arith.extui %sign3A_5 : i1 to i32
    %sign3A_7 = arith.constant 0 : i32
    %sign3A_8 = arith.cmpi slt, %add3A_4, %sign3A_7 : i32
    %sign3A_9 = arith.extui %sign3A_8 : i1 to i32
    %sign3A_10 = arith.subi %sign3A_6, %sign3A_9 : i32
    %sign3A_11 = arith.constant 0 : i32
    %sign3A_12 = arith.cmpi sgt, %jit3A, %sign3A_11 : i32
    %sign3A_13 = arith.extui %sign3A_12 : i1 to i32
    %sign3A_14 = arith.constant 0 : i32
    %sign3A_15 = arith.cmpi slt, %jit3A, %sign3A_14 : i32
    %sign3A_16 = arith.extui %sign3A_15 : i1 to i32
    %sign3A_17 = arith.subi %sign3A_13, %sign3A_16 : i32
    %ne3A = arith.cmpi ne, %sign3A_10, %sign3A_17 : i32
    %rem3A = arith.remsi %add3A_4, %jit3A : i32
    %ne3A_18 = arith.constant 0 : i32
    %ne3A_19 = arith.cmpi ne, %rem3A, %ne3A_18 : i32
    %and3A = arith.andi %ne3A, %ne3A_19 : i1
    %sub3A = arith.constant 1 : i32
    %sub3A_20 = arith.subi %div3A, %sub3A : i32
    %select_n3A = arith.select %and3A, %sub3A_20, %div3A : i32
    %jit3A_21 = arith.constant 8 : i32
    %eq3A = arith.constant 0 : i32
    %eq3A_22 = arith.cmpi eq, %jit3A_21, %eq3A : i32
    %jit3A_23 = arith.constant 1 : i32
    %select_n3A_24 = arith.select %eq3A_22, %jit3A_23, %jit3A_21 : i32
    %rem3A_25 = arith.remsi %add3A_4, %select_n3A_24 : i32
    %ne3A_26 = arith.constant 0 : i32
    %ne3A_27 = arith.cmpi ne, %rem3A_25, %ne3A_26 : i32
    %lt3A = arith.constant 0 : i32
    %lt3A_28 = arith.cmpi slt, %rem3A_25, %lt3A : i32
    %lt3A_29 = arith.constant 0 : i32
    %lt3A_30 = arith.cmpi slt, %select_n3A_24, %lt3A_29 : i32
    %ne3A_31 = arith.xori %lt3A_28, %lt3A_30 : i1
    %and3A_32 = arith.andi %ne3A_31, %ne3A_27 : i1
    %add3A_33 = arith.addi %rem3A_25, %select_n3A_24 : i32
    %select_n3A_34 = arith.select %and3A_32, %add3A_33, %rem3A_25 : i32
    %mul3A_35 = arith.constant 8 : i32
    %mul3A_36 = arith.muli %select_n3A_34, %mul3A_35 : i32
    %mul3A_37 = arith.constant 128 : i32
    %mul3A_38 = arith.muli %select_n3A, %mul3A_37 : i32
    %add3A_39 = arith.addi %mul3A_38, %mul3A_36 : i32
    %jit3A_40 = arith.constant 8 : i32
    %div3A_41 = arith.divsi %select_n3A, %jit3A_40 : i32
    %sign3A_42 = arith.constant 0 : i32
    %sign3A_43 = arith.cmpi sgt, %select_n3A, %sign3A_42 : i32
    %sign3A_44 = arith.extui %sign3A_43 : i1 to i32
    %sign3A_45 = arith.constant 0 : i32
    %sign3A_46 = arith.cmpi slt, %select_n3A, %sign3A_45 : i32
    %sign3A_47 = arith.extui %sign3A_46 : i1 to i32
    %sign3A_48 = arith.subi %sign3A_44, %sign3A_47 : i32
    %sign3A_49 = arith.constant 0 : i32
    %sign3A_50 = arith.cmpi sgt, %jit3A_40, %sign3A_49 : i32
    %sign3A_51 = arith.extui %sign3A_50 : i1 to i32
    %sign3A_52 = arith.constant 0 : i32
    %sign3A_53 = arith.cmpi slt, %jit3A_40, %sign3A_52 : i32
    %sign3A_54 = arith.extui %sign3A_53 : i1 to i32
    %sign3A_55 = arith.subi %sign3A_51, %sign3A_54 : i32
    %ne3A_56 = arith.cmpi ne, %sign3A_48, %sign3A_55 : i32
    %rem3A_57 = arith.remsi %select_n3A, %jit3A_40 : i32
    %ne3A_58 = arith.constant 0 : i32
    %ne3A_59 = arith.cmpi ne, %rem3A_57, %ne3A_58 : i32
    %and3A_60 = arith.andi %ne3A_56, %ne3A_59 : i1
    %sub3A_61 = arith.constant 1 : i32
    %sub3A_62 = arith.subi %div3A_41, %sub3A_61 : i32
    %select_n3A_63 = arith.select %and3A_60, %sub3A_62, %div3A_41 : i32
    %mul3A_64 = arith.constant 64 : i32
    %mul3A_65 = arith.muli %select_n3A_63, %mul3A_64 : i32
    %add3A_66 = arith.addi %mul3A_65, %mul3A_36 : i32
    %jit3A_67 = arith.constant 8 : i32
    %eq3A_68 = arith.constant 0 : i32
    %eq3A_69 = arith.cmpi eq, %jit3A_67, %eq3A_68 : i32
    %jit3A_70 = arith.constant 1 : i32
    %select_n3A_71 = arith.select %eq3A_69, %jit3A_70, %jit3A_67 : i32
    %rem3A_72 = arith.remsi %select_n3A, %select_n3A_71 : i32
    %ne3A_73 = arith.constant 0 : i32
    %ne3A_74 = arith.cmpi ne, %rem3A_72, %ne3A_73 : i32
    %lt3A_75 = arith.constant 0 : i32
    %lt3A_76 = arith.cmpi slt, %rem3A_72, %lt3A_75 : i32
    %lt3A_77 = arith.constant 0 : i32
    %lt3A_78 = arith.cmpi slt, %select_n3A_71, %lt3A_77 : i32
    %ne3A_79 = arith.xori %lt3A_76, %lt3A_78 : i1
    %and3A_80 = arith.andi %ne3A_79, %ne3A_74 : i1
    %add3A_81 = arith.addi %rem3A_72, %select_n3A_71 : i32
    %select_n3A_82 = arith.select %and3A_80, %add3A_81, %rem3A_72 : i32
    %add3A_83 = arith.constant 64 : i32
    %add3A_84 = arith.addi %add3A_39, %add3A_83 : i32
    %add3A_85 = arith.constant 64 : i32
    %add3A_86 = arith.addi %add3A_39, %add3A_85 : i32
    %mul3A_87 = arith.constant 1024 : i32
    %mul3A_88 = arith.muli %add3A_4, %mul3A_87 : i32
    %dma_start3A = arith.constant 0 : i32
    %dma_start3A_89 = arith.constant 0 : i32
    %dma_start3A_90 = arith.constant 0 : i32
    %dma_start3A_91 = arith.constant 0 : i32
    %dma_start3A_92 = arith.constant 0 : i32
    %dma_start3A_93 = tpu.memref_slice %arg7[%dma_start3A, %dma_start3A_89, %dma_start3A_90, %dma_start3A_91, %dma_start3A_92] : memref<2x2x8x8x128xf32, #tpu.memory_space<vmem>> -> memref<1x1x8x8x128xf32, #tpu.memory_space<vmem>>
    %dma_start3A_94 = tpu.memref_squeeze %dma_start3A_93 : memref<1x1x8x8x128xf32, #tpu.memory_space<vmem>> -> memref<8x8x128xf32, #tpu.memory_space<vmem>>
    %dma_start3A_95 = arith.constant 0 : i32
    %dma_start3A_96 = arith.constant 0 : i32
    %dma_start3A_97 = tpu.memref_slice %arg2[%add3A_39, %dma_start3A_95, %dma_start3A_96] : memref<16384x8x128xf32, #tpu.memory_space<hbm>> -> memref<8x8x128xf32, #tpu.memory_space<hbm>>
    %dma_start3A_98 = arith.constant 0 : i32
    %dma_start3A_99 = arith.constant 0 : i32
    %dma_start3A_100 = arith.constant 0 : i32
    %dma_start3A_101 = tpu.memref_slice %arg7[%dma_start3A, %dma_start3A_89, %dma_start3A_98, %dma_start3A_99, %dma_start3A_100] : memref<2x2x8x8x128xf32, #tpu.memory_space<vmem>> -> memref<1x1x8x8x128xf32, #tpu.memory_space<vmem>>
    %dma_start3A_102 = tpu.memref_squeeze %dma_start3A_101 : memref<1x1x8x8x128xf32, #tpu.memory_space<vmem>> -> memref<8x8x128xf32, #tpu.memory_space<vmem>>
    %dma_start3A_103 = arith.constant 0 : i32
    %dma_start3A_104 = arith.constant 0 : i32
    %dma_start3A_105 = tpu.memref_slice %arg2[%add3A_39, %dma_start3A_103, %dma_start3A_104] : memref<16384x8x128xf32, #tpu.memory_space<hbm>> -> memref<8x8x128xf32, #tpu.memory_space<hbm>>
    tpu.enqueue_dma source(%dma_start3A_105 : memref<8x8x128xf32, #tpu.memory_space<hbm>>) target(%dma_start3A_102 : memref<8x8x128xf32, #tpu.memory_space<vmem>>) target_semaphore(%arg12 : memref<!tpu.dma_semaphore, #tpu.memory_space<semaphore_mem>>)
    %dma_start3A_106 = arith.constant 0 : i32
    %dma_start3A_107 = arith.constant 1 : i32
    %dma_start3A_108 = arith.constant 0 : i32
    %dma_start3A_109 = arith.constant 0 : i32
    %dma_start3A_110 = arith.constant 0 : i32
    %dma_start3A_111 = tpu.memref_slice %arg7[%dma_start3A_106, %dma_start3A_107, %dma_start3A_108, %dma_start3A_109, %dma_start3A_110] : memref<2x2x8x8x128xf32, #tpu.memory_space<vmem>> -> memref<1x1x8x8x128xf32, #tpu.memory_space<vmem>>
    %dma_start3A_112 = tpu.memref_squeeze %dma_start3A_111 : memref<1x1x8x8x128xf32, #tpu.memory_space<vmem>> -> memref<8x8x128xf32, #tpu.memory_space<vmem>>
    %dma_start3A_113 = arith.constant 0 : i32
    %dma_start3A_114 = arith.constant 0 : i32
    %dma_start3A_115 = tpu.memref_slice %arg2[%add3A_84, %dma_start3A_113, %dma_start3A_114] : memref<16384x8x128xf32, #tpu.memory_space<hbm>> -> memref<8x8x128xf32, #tpu.memory_space<hbm>>
    %dma_start3A_116 = arith.constant 0 : i32
    %dma_start3A_117 = arith.constant 0 : i32
    %dma_start3A_118 = arith.constant 0 : i32
    %dma_start3A_119 = tpu.memref_slice %arg7[%dma_start3A_106, %dma_start3A_107, %dma_start3A_116, %dma_start3A_117, %dma_start3A_118] : memref<2x2x8x8x128xf32, #tpu.memory_space<vmem>> -> memref<1x1x8x8x128xf32, #tpu.memory_space<vmem>>
    %dma_start3A_120 = tpu.memref_squeeze %dma_start3A_119 : memref<1x1x8x8x128xf32, #tpu.memory_space<vmem>> -> memref<8x8x128xf32, #tpu.memory_space<vmem>>
    %dma_start3A_121 = arith.constant 0 : i32
    %dma_start3A_122 = arith.constant 0 : i32
    %dma_start3A_123 = tpu.memref_slice %arg2[%add3A_84, %dma_start3A_121, %dma_start3A_122] : memref<16384x8x128xf32, #tpu.memory_space<hbm>> -> memref<8x8x128xf32, #tpu.memory_space<hbm>>
    tpu.enqueue_dma source(%dma_start3A_123 : memref<8x8x128xf32, #tpu.memory_space<hbm>>) target(%dma_start3A_120 : memref<8x8x128xf32, #tpu.memory_space<vmem>>) target_semaphore(%arg12 : memref<!tpu.dma_semaphore, #tpu.memory_space<semaphore_mem>>)
    %dma_start3A_124 = arith.constant 0 : i32
    %dma_start3A_125 = arith.constant 0 : i32
    %dma_start3A_126 = arith.constant 0 : i32
    %dma_start3A_127 = arith.constant 0 : i32
    %dma_start3A_128 = arith.constant 0 : i32
    %dma_start3A_129 = tpu.memref_slice %arg8[%dma_start3A_124, %dma_start3A_125, %dma_start3A_126, %dma_start3A_127, %dma_start3A_128] : memref<2x2x8x8x128xf32, #tpu.memory_space<vmem>> -> memref<1x1x8x8x128xf32, #tpu.memory_space<vmem>>
    %dma_start3A_130 = tpu.memref_squeeze %dma_start3A_129 : memref<1x1x8x8x128xf32, #tpu.memory_space<vmem>> -> memref<8x8x128xf32, #tpu.memory_space<vmem>>
    %dma_start3A_131 = arith.constant 0 : i32
    %dma_start3A_132 = arith.constant 0 : i32
    %dma_start3A_133 = tpu.memref_slice %arg3[%add3A_39, %dma_start3A_131, %dma_start3A_132] : memref<16384x8x128xf32, #tpu.memory_space<hbm>> -> memref<8x8x128xf32, #tpu.memory_space<hbm>>
    %dma_start3A_134 = arith.constant 0 : i32
    %dma_start3A_135 = arith.constant 0 : i32
    %dma_start3A_136 = arith.constant 0 : i32
    %dma_start3A_137 = tpu.memref_slice %arg8[%dma_start3A_124, %dma_start3A_125, %dma_start3A_134, %dma_start3A_135, %dma_start3A_136] : memref<2x2x8x8x128xf32, #tpu.memory_space<vmem>> -> memref<1x1x8x8x128xf32, #tpu.memory_space<vmem>>
    %dma_start3A_138 = tpu.memref_squeeze %dma_start3A_137 : memref<1x1x8x8x128xf32, #tpu.memory_space<vmem>> -> memref<8x8x128xf32, #tpu.memory_space<vmem>>
    %dma_start3A_139 = arith.constant 0 : i32
    %dma_start3A_140 = arith.constant 0 : i32
    %dma_start3A_141 = tpu.memref_slice %arg3[%add3A_39, %dma_start3A_139, %dma_start3A_140] : memref<16384x8x128xf32, #tpu.memory_space<hbm>> -> memref<8x8x128xf32, #tpu.memory_space<hbm>>
    tpu.enqueue_dma source(%dma_start3A_141 : memref<8x8x128xf32, #tpu.memory_space<hbm>>) target(%dma_start3A_138 : memref<8x8x128xf32, #tpu.memory_space<vmem>>) target_semaphore(%arg12 : memref<!tpu.dma_semaphore, #tpu.memory_space<semaphore_mem>>)
    %dma_start3A_142 = arith.constant 0 : i32
    %dma_start3A_143 = arith.constant 1 : i32
    %dma_start3A_144 = arith.constant 0 : i32
    %dma_start3A_145 = arith.constant 0 : i32
    %dma_start3A_146 = arith.constant 0 : i32
    %dma_start3A_147 = tpu.memref_slice %arg8[%dma_start3A_142, %dma_start3A_143, %dma_start3A_144, %dma_start3A_145, %dma_start3A_146] : memref<2x2x8x8x128xf32, #tpu.memory_space<vmem>> -> memref<1x1x8x8x128xf32, #tpu.memory_space<vmem>>
    %dma_start3A_148 = tpu.memref_squeeze %dma_start3A_147 : memref<1x1x8x8x128xf32, #tpu.memory_space<vmem>> -> memref<8x8x128xf32, #tpu.memory_space<vmem>>
    %dma_start3A_149 = arith.constant 0 : i32
    %dma_start3A_150 = arith.constant 0 : i32
    %dma_start3A_151 = tpu.memref_slice %arg3[%add3A_86, %dma_start3A_149, %dma_start3A_150] : memref<16384x8x128xf32, #tpu.memory_space<hbm>> -> memref<8x8x128xf32, #tpu.memory_space<hbm>>
    %dma_start3A_152 = arith.constant 0 : i32
    %dma_start3A_153 = arith.constant 0 : i32
    %dma_start3A_154 = arith.constant 0 : i32
    %dma_start3A_155 = tpu.memref_slice %arg8[%dma_start3A_142, %dma_start3A_143, %dma_start3A_152, %dma_start3A_153, %dma_start3A_154] : memref<2x2x8x8x128xf32, #tpu.memory_space<vmem>> -> memref<1x1x8x8x128xf32, #tpu.memory_space<vmem>>
    %dma_start3A_156 = tpu.memref_squeeze %dma_start3A_155 : memref<1x1x8x8x128xf32, #tpu.memory_space<vmem>> -> memref<8x8x128xf32, #tpu.memory_space<vmem>>
    %dma_start3A_157 = arith.constant 0 : i32
    %dma_start3A_158 = arith.constant 0 : i32
    %dma_start3A_159 = tpu.memref_slice %arg3[%add3A_86, %dma_start3A_157, %dma_start3A_158] : memref<16384x8x128xf32, #tpu.memory_space<hbm>> -> memref<8x8x128xf32, #tpu.memory_space<hbm>>
    tpu.enqueue_dma source(%dma_start3A_159 : memref<8x8x128xf32, #tpu.memory_space<hbm>>) target(%dma_start3A_156 : memref<8x8x128xf32, #tpu.memory_space<vmem>>) target_semaphore(%arg12 : memref<!tpu.dma_semaphore, #tpu.memory_space<semaphore_mem>>)
    %dma_start3A_160 = arith.constant 0 : i32
    %dma_start3A_161 = arith.constant 0 : i32
    %dma_start3A_162 = arith.constant 0 : i32
    %dma_start3A_163 = tpu.memref_slice %arg9[%dma_start3A_160, %dma_start3A_161, %dma_start3A_162] : memref<2x8x128xi32, #tpu.memory_space<vmem>> -> memref<1x8x128xi32, #tpu.memory_space<vmem>>
    %dma_start3A_164 = tpu.memref_squeeze %dma_start3A_163 : memref<1x8x128xi32, #tpu.memory_space<vmem>> -> memref<8x128xi32, #tpu.memory_space<vmem>>
    %dma_start3A_165 = arith.constant 0 : i32
    %dma_start3A_166 = tpu.memref_slice %arg4[%add3A_66, %select_n3A_82, %dma_start3A_165] : memref<1024x8x128xi32, #tpu.memory_space<hbm>> -> memref<8x1x128xi32, #tpu.memory_space<hbm>>
    %dma_start3A_167 = tpu.memref_squeeze %dma_start3A_166 : memref<8x1x128xi32, #tpu.memory_space<hbm>> -> memref<8x128xi32, #tpu.memory_space<hbm>>
    %dma_start3A_168 = arith.constant 0 : i32
    %dma_start3A_169 = arith.constant 0 : i32
    %dma_start3A_170 = tpu.memref_slice %arg9[%dma_start3A_160, %dma_start3A_168, %dma_start3A_169] : memref<2x8x128xi32, #tpu.memory_space<vmem>> -> memref<1x8x128xi32, #tpu.memory_space<vmem>>
    %dma_start3A_171 = tpu.memref_squeeze %dma_start3A_170 : memref<1x8x128xi32, #tpu.memory_space<vmem>> -> memref<8x128xi32, #tpu.memory_space<vmem>>
    %dma_start3A_172 = arith.constant 0 : i32
    %dma_start3A_173 = tpu.memref_slice %arg4[%add3A_66, %select_n3A_82, %dma_start3A_172] : memref<1024x8x128xi32, #tpu.memory_space<hbm>> -> memref<8x1x128xi32, #tpu.memory_space<hbm>>
    %dma_start3A_174 = tpu.memref_squeeze %dma_start3A_173 : memref<8x1x128xi32, #tpu.memory_space<hbm>> -> memref<8x128xi32, #tpu.memory_space<hbm>>
    tpu.enqueue_dma source(%dma_start3A_174 : memref<8x128xi32, #tpu.memory_space<hbm>>) target(%dma_start3A_171 : memref<8x128xi32, #tpu.memory_space<vmem>>) target_semaphore(%arg12 : memref<!tpu.dma_semaphore, #tpu.memory_space<semaphore_mem>>)
    %dma_start3A_175 = arith.constant 0 : i32
    %dma_start3A_176 = arith.constant 0 : i32
    %dma_start3A_177 = tpu.memref_slice %arg10[%dma_start3A_175, %dma_start3A_176] : memref<2x1024xf32, #tpu.memory_space<vmem>> -> memref<1x1024xf32, #tpu.memory_space<vmem>>
    %dma_start3A_178 = tpu.memref_squeeze %dma_start3A_177 : memref<1x1024xf32, #tpu.memory_space<vmem>> -> memref<1024xf32, #tpu.memory_space<vmem>>
    %dma_start3A_179 = tpu.memref_slice %arg5[%mul3A_88] : memref<1048576xf32, #tpu.memory_space<hbm>> -> memref<1024xf32, #tpu.memory_space<hbm>>
    %dma_start3A_180 = arith.constant 0 : i32
    %dma_start3A_181 = tpu.memref_slice %arg10[%dma_start3A_175, %dma_start3A_180] : memref<2x1024xf32, #tpu.memory_space<vmem>> -> memref<1x1024xf32, #tpu.memory_space<vmem>>
    %dma_start3A_182 = tpu.memref_squeeze %dma_start3A_181 : memref<1x1024xf32, #tpu.memory_space<vmem>> -> memref<1024xf32, #tpu.memory_space<vmem>>
    %dma_start3A_183 = tpu.memref_slice %arg5[%mul3A_88] : memref<1048576xf32, #tpu.memory_space<hbm>> -> memref<1024xf32, #tpu.memory_space<hbm>>
    tpu.enqueue_dma source(%dma_start3A_183 : memref<1024xf32, #tpu.memory_space<hbm>>) target(%dma_start3A_182 : memref<1024xf32, #tpu.memory_space<vmem>>) target_semaphore(%arg12 : memref<!tpu.dma_semaphore, #tpu.memory_space<semaphore_mem>>)
    %scan3A = arith.constant 0 : i32
    %scan3A_184 = arith.constant 0 : i32
    %scan3A_185 = arith.constant 10 : i32
    %scan3A_186 = arith.addi %scan3A_184, %scan3A_185 : i32
    %scan3A_187 = arith.constant 1 : i32
    scf.for %scan3A_450 = %scan3A_184 to %scan3A_186 step %scan3A_187  : i32 {
      %mul3A_451 = arith.constant 2 : i32
      %mul3A_452 = arith.muli %mul3A_451, %scan3A_450 : i32
      %add3A_453 = arith.addi %add3A_4, %mul3A_452 : i32
      %add3A_454 = arith.constant 1 : i32
      %add3A_455 = arith.addi %mul3A_452, %add3A_454 : i32
      %min3A = arith.constant 20 : i32
      %min3A_456 = arith.minsi %add3A_455, %min3A : i32
      %add3A_457 = arith.addi %add3A_4, %min3A_456 : i32
      %jit3A_458 = arith.constant 8 : i32
      %div3A_459 = arith.divsi %add3A_457, %jit3A_458 : i32
      %sign3A_460 = arith.constant 0 : i32
      %sign3A_461 = arith.cmpi sgt, %add3A_457, %sign3A_460 : i32
      %sign3A_462 = arith.extui %sign3A_461 : i1 to i32
      %sign3A_463 = arith.constant 0 : i32
      %sign3A_464 = arith.cmpi slt, %add3A_457, %sign3A_463 : i32
      %sign3A_465 = arith.extui %sign3A_464 : i1 to i32
      %sign3A_466 = arith.subi %sign3A_462, %sign3A_465 : i32
      %sign3A_467 = arith.constant 0 : i32
      %sign3A_468 = arith.cmpi sgt, %jit3A_458, %sign3A_467 : i32
      %sign3A_469 = arith.extui %sign3A_468 : i1 to i32
      %sign3A_470 = arith.constant 0 : i32
      %sign3A_471 = arith.cmpi slt, %jit3A_458, %sign3A_470 : i32
      %sign3A_472 = arith.extui %sign3A_471 : i1 to i32
      %sign3A_473 = arith.subi %sign3A_469, %sign3A_472 : i32
      %ne3A_474 = arith.cmpi ne, %sign3A_466, %sign3A_473 : i32
      %rem3A_475 = arith.remsi %add3A_457, %jit3A_458 : i32
      %ne3A_476 = arith.constant 0 : i32
      %ne3A_477 = arith.cmpi ne, %rem3A_475, %ne3A_476 : i32
      %and3A_478 = arith.andi %ne3A_474, %ne3A_477 : i1
      %sub3A_479 = arith.constant 1 : i32
      %sub3A_480 = arith.subi %div3A_459, %sub3A_479 : i32
      %select_n3A_481 = arith.select %and3A_478, %sub3A_480, %div3A_459 : i32
      %jit3A_482 = arith.constant 8 : i32
      %eq3A_483 = arith.constant 0 : i32
      %eq3A_484 = arith.cmpi eq, %jit3A_482, %eq3A_483 : i32
      %jit3A_485 = arith.constant 1 : i32
      %select_n3A_486 = arith.select %eq3A_484, %jit3A_485, %jit3A_482 : i32
      %rem3A_487 = arith.remsi %add3A_457, %select_n3A_486 : i32
      %ne3A_488 = arith.constant 0 : i32
      %ne3A_489 = arith.cmpi ne, %rem3A_487, %ne3A_488 : i32
      %lt3A_490 = arith.constant 0 : i32
      %lt3A_491 = arith.cmpi slt, %rem3A_487, %lt3A_490 : i32
      %lt3A_492 = arith.constant 0 : i32
      %lt3A_493 = arith.cmpi slt, %select_n3A_486, %lt3A_492 : i32
      %ne3A_494 = arith.xori %lt3A_491, %lt3A_493 : i1
      %and3A_495 = arith.andi %ne3A_494, %ne3A_489 : i1
      %add3A_496 = arith.addi %rem3A_487, %select_n3A_486 : i32
      %select_n3A_497 = arith.select %and3A_495, %add3A_496, %rem3A_487 : i32
      %mul3A_498 = arith.constant 8 : i32
      %mul3A_499 = arith.muli %select_n3A_497, %mul3A_498 : i32
      %mul3A_500 = arith.constant 128 : i32
      %mul3A_501 = arith.muli %select_n3A_481, %mul3A_500 : i32
      %add3A_502 = arith.addi %mul3A_501, %mul3A_499 : i32
      %jit3A_503 = arith.constant 8 : i32
      %div3A_504 = arith.divsi %select_n3A_481, %jit3A_503 : i32
      %sign3A_505 = arith.constant 0 : i32
      %sign3A_506 = arith.cmpi sgt, %select_n3A_481, %sign3A_505 : i32
      %sign3A_507 = arith.extui %sign3A_506 : i1 to i32
      %sign3A_508 = arith.constant 0 : i32
      %sign3A_509 = arith.cmpi slt, %select_n3A_481, %sign3A_508 : i32
      %sign3A_510 = arith.extui %sign3A_509 : i1 to i32
      %sign3A_511 = arith.subi %sign3A_507, %sign3A_510 : i32
      %sign3A_512 = arith.constant 0 : i32
      %sign3A_513 = arith.cmpi sgt, %jit3A_503, %sign3A_512 : i32
      %sign3A_514 = arith.extui %sign3A_513 : i1 to i32
      %sign3A_515 = arith.constant 0 : i32
      %sign3A_516 = arith.cmpi slt, %jit3A_503, %sign3A_515 : i32
      %sign3A_517 = arith.extui %sign3A_516 : i1 to i32
      %sign3A_518 = arith.subi %sign3A_514, %sign3A_517 : i32
      %ne3A_519 = arith.cmpi ne, %sign3A_511, %sign3A_518 : i32
      %rem3A_520 = arith.remsi %select_n3A_481, %jit3A_503 : i32
      %ne3A_521 = arith.constant 0 : i32
      %ne3A_522 = arith.cmpi ne, %rem3A_520, %ne3A_521 : i32
      %and3A_523 = arith.andi %ne3A_519, %ne3A_522 : i1
      %sub3A_524 = arith.constant 1 : i32
      %sub3A_525 = arith.subi %div3A_504, %sub3A_524 : i32
      %select_n3A_526 = arith.select %and3A_523, %sub3A_525, %div3A_504 : i32
      %mul3A_527 = arith.constant 64 : i32
      %mul3A_528 = arith.muli %select_n3A_526, %mul3A_527 : i32
      %add3A_529 = arith.addi %mul3A_528, %mul3A_499 : i32
      %jit3A_530 = arith.constant 8 : i32
      %eq3A_531 = arith.constant 0 : i32
      %eq3A_532 = arith.cmpi eq, %jit3A_530, %eq3A_531 : i32
      %jit3A_533 = arith.constant 1 : i32
      %select_n3A_534 = arith.select %eq3A_532, %jit3A_533, %jit3A_530 : i32
      %rem3A_535 = arith.remsi %select_n3A_481, %select_n3A_534 : i32
      %ne3A_536 = arith.constant 0 : i32
      %ne3A_537 = arith.cmpi ne, %rem3A_535, %ne3A_536 : i32
      %lt3A_538 = arith.constant 0 : i32
      %lt3A_539 = arith.cmpi slt, %rem3A_535, %lt3A_538 : i32
      %lt3A_540 = arith.constant 0 : i32
      %lt3A_541 = arith.cmpi slt, %select_n3A_534, %lt3A_540 : i32
      %ne3A_542 = arith.xori %lt3A_539, %lt3A_541 : i1
      %and3A_543 = arith.andi %ne3A_542, %ne3A_537 : i1
      %add3A_544 = arith.addi %rem3A_535, %select_n3A_534 : i32
      %select_n3A_545 = arith.select %and3A_543, %add3A_544, %rem3A_535 : i32
      %add3A_546 = arith.constant 64 : i32
      %add3A_547 = arith.addi %add3A_502, %add3A_546 : i32
      %add3A_548 = arith.constant 64 : i32
      %add3A_549 = arith.addi %add3A_502, %add3A_548 : i32
      %mul3A_550 = arith.constant 1024 : i32
      %mul3A_551 = arith.muli %add3A_457, %mul3A_550 : i32
      %dma_start3A_552 = arith.constant 1 : i32
      %dma_start3A_553 = arith.constant 0 : i32
      %dma_start3A_554 = arith.constant 0 : i32
      %dma_start3A_555 = arith.constant 0 : i32
      %dma_start3A_556 = arith.constant 0 : i32
      %dma_start3A_557 = tpu.memref_slice %arg7[%dma_start3A_552, %dma_start3A_553, %dma_start3A_554, %dma_start3A_555, %dma_start3A_556] : memref<2x2x8x8x128xf32, #tpu.memory_space<vmem>> -> memref<1x1x8x8x128xf32, #tpu.memory_space<vmem>>
      %dma_start3A_558 = tpu.memref_squeeze %dma_start3A_557 : memref<1x1x8x8x128xf32, #tpu.memory_space<vmem>> -> memref<8x8x128xf32, #tpu.memory_space<vmem>>
      %dma_start3A_559 = arith.constant 0 : i32
      %dma_start3A_560 = arith.constant 0 : i32
      %dma_start3A_561 = tpu.memref_slice %arg2[%add3A_502, %dma_start3A_559, %dma_start3A_560] : memref<16384x8x128xf32, #tpu.memory_space<hbm>> -> memref<8x8x128xf32, #tpu.memory_space<hbm>>
      %dma_start3A_562 = arith.constant 0 : i32
      %dma_start3A_563 = arith.constant 0 : i32
      %dma_start3A_564 = arith.constant 0 : i32
      %dma_start3A_565 = tpu.memref_slice %arg7[%dma_start3A_552, %dma_start3A_553, %dma_start3A_562, %dma_start3A_563, %dma_start3A_564] : memref<2x2x8x8x128xf32, #tpu.memory_space<vmem>> -> memref<1x1x8x8x128xf32, #tpu.memory_space<vmem>>
      %dma_start3A_566 = tpu.memref_squeeze %dma_start3A_565 : memref<1x1x8x8x128xf32, #tpu.memory_space<vmem>> -> memref<8x8x128xf32, #tpu.memory_space<vmem>>
      %dma_start3A_567 = arith.constant 0 : i32
      %dma_start3A_568 = arith.constant 0 : i32
      %dma_start3A_569 = tpu.memref_slice %arg2[%add3A_502, %dma_start3A_567, %dma_start3A_568] : memref<16384x8x128xf32, #tpu.memory_space<hbm>> -> memref<8x8x128xf32, #tpu.memory_space<hbm>>
      tpu.enqueue_dma source(%dma_start3A_569 : memref<8x8x128xf32, #tpu.memory_space<hbm>>) target(%dma_start3A_566 : memref<8x8x128xf32, #tpu.memory_space<vmem>>) target_semaphore(%arg13 : memref<!tpu.dma_semaphore, #tpu.memory_space<semaphore_mem>>)
      %dma_start3A_570 = arith.constant 1 : i32
      %dma_start3A_571 = arith.constant 1 : i32
      %dma_start3A_572 = arith.constant 0 : i32
      %dma_start3A_573 = arith.constant 0 : i32
      %dma_start3A_574 = arith.constant 0 : i32
      %dma_start3A_575 = tpu.memref_slice %arg7[%dma_start3A_570, %dma_start3A_571, %dma_start3A_572, %dma_start3A_573, %dma_start3A_574] : memref<2x2x8x8x128xf32, #tpu.memory_space<vmem>> -> memref<1x1x8x8x128xf32, #tpu.memory_space<vmem>>
      %dma_start3A_576 = tpu.memref_squeeze %dma_start3A_575 : memref<1x1x8x8x128xf32, #tpu.memory_space<vmem>> -> memref<8x8x128xf32, #tpu.memory_space<vmem>>
      %dma_start3A_577 = arith.constant 0 : i32
      %dma_start3A_578 = arith.constant 0 : i32
      %dma_start3A_579 = tpu.memref_slice %arg2[%add3A_547, %dma_start3A_577, %dma_start3A_578] : memref<16384x8x128xf32, #tpu.memory_space<hbm>> -> memref<8x8x128xf32, #tpu.memory_space<hbm>>
      %dma_start3A_580 = arith.constant 0 : i32
      %dma_start3A_581 = arith.constant 0 : i32
      %dma_start3A_582 = arith.constant 0 : i32
      %dma_start3A_583 = tpu.memref_slice %arg7[%dma_start3A_570, %dma_start3A_571, %dma_start3A_580, %dma_start3A_581, %dma_start3A_582] : memref<2x2x8x8x128xf32, #tpu.memory_space<vmem>> -> memref<1x1x8x8x128xf32, #tpu.memory_space<vmem>>
      %dma_start3A_584 = tpu.memref_squeeze %dma_start3A_583 : memref<1x1x8x8x128xf32, #tpu.memory_space<vmem>> -> memref<8x8x128xf32, #tpu.memory_space<vmem>>
      %dma_start3A_585 = arith.constant 0 : i32
      %dma_start3A_586 = arith.constant 0 : i32
      %dma_start3A_587 = tpu.memref_slice %arg2[%add3A_547, %dma_start3A_585, %dma_start3A_586] : memref<16384x8x128xf32, #tpu.memory_space<hbm>> -> memref<8x8x128xf32, #tpu.memory_space<hbm>>
      tpu.enqueue_dma source(%dma_start3A_587 : memref<8x8x128xf32, #tpu.memory_space<hbm>>) target(%dma_start3A_584 : memref<8x8x128xf32, #tpu.memory_space<vmem>>) target_semaphore(%arg13 : memref<!tpu.dma_semaphore, #tpu.memory_space<semaphore_mem>>)
      %dma_start3A_588 = arith.constant 1 : i32
      %dma_start3A_589 = arith.constant 0 : i32
      %dma_start3A_590 = arith.constant 0 : i32
      %dma_start3A_591 = arith.constant 0 : i32
      %dma_start3A_592 = arith.constant 0 : i32
      %dma_start3A_593 = tpu.memref_slice %arg8[%dma_start3A_588, %dma_start3A_589, %dma_start3A_590, %dma_start3A_591, %dma_start3A_592] : memref<2x2x8x8x128xf32, #tpu.memory_space<vmem>> -> memref<1x1x8x8x128xf32, #tpu.memory_space<vmem>>
      %dma_start3A_594 = tpu.memref_squeeze %dma_start3A_593 : memref<1x1x8x8x128xf32, #tpu.memory_space<vmem>> -> memref<8x8x128xf32, #tpu.memory_space<vmem>>
      %dma_start3A_595 = arith.constant 0 : i32
      %dma_start3A_596 = arith.constant 0 : i32
      %dma_start3A_597 = tpu.memref_slice %arg3[%add3A_502, %dma_start3A_595, %dma_start3A_596] : memref<16384x8x128xf32, #tpu.memory_space<hbm>> -> memref<8x8x128xf32, #tpu.memory_space<hbm>>
      %dma_start3A_598 = arith.constant 0 : i32
      %dma_start3A_599 = arith.constant 0 : i32
      %dma_start3A_600 = arith.constant 0 : i32
      %dma_start3A_601 = tpu.memref_slice %arg8[%dma_start3A_588, %dma_start3A_589, %dma_start3A_598, %dma_start3A_599, %dma_start3A_600] : memref<2x2x8x8x128xf32, #tpu.memory_space<vmem>> -> memref<1x1x8x8x128xf32, #tpu.memory_space<vmem>>
      %dma_start3A_602 = tpu.memref_squeeze %dma_start3A_601 : memref<1x1x8x8x128xf32, #tpu.memory_space<vmem>> -> memref<8x8x128xf32, #tpu.memory_space<vmem>>
      %dma_start3A_603 = arith.constant 0 : i32
      %dma_start3A_604 = arith.constant 0 : i32
      %dma_start3A_605 = tpu.memref_slice %arg3[%add3A_502, %dma_start3A_603, %dma_start3A_604] : memref<16384x8x128xf32, #tpu.memory_space<hbm>> -> memref<8x8x128xf32, #tpu.memory_space<hbm>>
      tpu.enqueue_dma source(%dma_start3A_605 : memref<8x8x128xf32, #tpu.memory_space<hbm>>) target(%dma_start3A_602 : memref<8x8x128xf32, #tpu.memory_space<vmem>>) target_semaphore(%arg13 : memref<!tpu.dma_semaphore, #tpu.memory_space<semaphore_mem>>)
      %dma_start3A_606 = arith.constant 1 : i32
      %dma_start3A_607 = arith.constant 1 : i32
      %dma_start3A_608 = arith.constant 0 : i32
      %dma_start3A_609 = arith.constant 0 : i32
      %dma_start3A_610 = arith.constant 0 : i32
      %dma_start3A_611 = tpu.memref_slice %arg8[%dma_start3A_606, %dma_start3A_607, %dma_start3A_608, %dma_start3A_609, %dma_start3A_610] : memref<2x2x8x8x128xf32, #tpu.memory_space<vmem>> -> memref<1x1x8x8x128xf32, #tpu.memory_space<vmem>>
      %dma_start3A_612 = tpu.memref_squeeze %dma_start3A_611 : memref<1x1x8x8x128xf32, #tpu.memory_space<vmem>> -> memref<8x8x128xf32, #tpu.memory_space<vmem>>
      %dma_start3A_613 = arith.constant 0 : i32
      %dma_start3A_614 = arith.constant 0 : i32
      %dma_start3A_615 = tpu.memref_slice %arg3[%add3A_549, %dma_start3A_613, %dma_start3A_614] : memref<16384x8x128xf32, #tpu.memory_space<hbm>> -> memref<8x8x128xf32, #tpu.memory_space<hbm>>
      %dma_start3A_616 = arith.constant 0 : i32
      %dma_start3A_617 = arith.constant 0 : i32
      %dma_start3A_618 = arith.constant 0 : i32
      %dma_start3A_619 = tpu.memref_slice %arg8[%dma_start3A_606, %dma_start3A_607, %dma_start3A_616, %dma_start3A_617, %dma_start3A_618] : memref<2x2x8x8x128xf32, #tpu.memory_space<vmem>> -> memref<1x1x8x8x128xf32, #tpu.memory_space<vmem>>
      %dma_start3A_620 = tpu.memref_squeeze %dma_start3A_619 : memref<1x1x8x8x128xf32, #tpu.memory_space<vmem>> -> memref<8x8x128xf32, #tpu.memory_space<vmem>>
      %dma_start3A_621 = arith.constant 0 : i32
      %dma_start3A_622 = arith.constant 0 : i32
      %dma_start3A_623 = tpu.memref_slice %arg3[%add3A_549, %dma_start3A_621, %dma_start3A_622] : memref<16384x8x128xf32, #tpu.memory_space<hbm>> -> memref<8x8x128xf32, #tpu.memory_space<hbm>>
      tpu.enqueue_dma source(%dma_start3A_623 : memref<8x8x128xf32, #tpu.memory_space<hbm>>) target(%dma_start3A_620 : memref<8x8x128xf32, #tpu.memory_space<vmem>>) target_semaphore(%arg13 : memref<!tpu.dma_semaphore, #tpu.memory_space<semaphore_mem>>)
      %dma_start3A_624 = arith.constant 1 : i32
      %dma_start3A_625 = arith.constant 0 : i32
      %dma_start3A_626 = arith.constant 0 : i32
      %dma_start3A_627 = tpu.memref_slice %arg9[%dma_start3A_624, %dma_start3A_625, %dma_start3A_626] : memref<2x8x128xi32, #tpu.memory_space<vmem>> -> memref<1x8x128xi32, #tpu.memory_space<vmem>>
      %dma_start3A_628 = tpu.memref_squeeze %dma_start3A_627 : memref<1x8x128xi32, #tpu.memory_space<vmem>> -> memref<8x128xi32, #tpu.memory_space<vmem>>
      %dma_start3A_629 = arith.constant 0 : i32
      %dma_start3A_630 = tpu.memref_slice %arg4[%add3A_529, %select_n3A_545, %dma_start3A_629] : memref<1024x8x128xi32, #tpu.memory_space<hbm>> -> memref<8x1x128xi32, #tpu.memory_space<hbm>>
      %dma_start3A_631 = tpu.memref_squeeze %dma_start3A_630 : memref<8x1x128xi32, #tpu.memory_space<hbm>> -> memref<8x128xi32, #tpu.memory_space<hbm>>
      %dma_start3A_632 = arith.constant 0 : i32
      %dma_start3A_633 = arith.constant 0 : i32
      %dma_start3A_634 = tpu.memref_slice %arg9[%dma_start3A_624, %dma_start3A_632, %dma_start3A_633] : memref<2x8x128xi32, #tpu.memory_space<vmem>> -> memref<1x8x128xi32, #tpu.memory_space<vmem>>
      %dma_start3A_635 = tpu.memref_squeeze %dma_start3A_634 : memref<1x8x128xi32, #tpu.memory_space<vmem>> -> memref<8x128xi32, #tpu.memory_space<vmem>>
      %dma_start3A_636 = arith.constant 0 : i32
      %dma_start3A_637 = tpu.memref_slice %arg4[%add3A_529, %select_n3A_545, %dma_start3A_636] : memref<1024x8x128xi32, #tpu.memory_space<hbm>> -> memref<8x1x128xi32, #tpu.memory_space<hbm>>
      %dma_start3A_638 = tpu.memref_squeeze %dma_start3A_637 : memref<8x1x128xi32, #tpu.memory_space<hbm>> -> memref<8x128xi32, #tpu.memory_space<hbm>>
      tpu.enqueue_dma source(%dma_start3A_638 : memref<8x128xi32, #tpu.memory_space<hbm>>) target(%dma_start3A_635 : memref<8x128xi32, #tpu.memory_space<vmem>>) target_semaphore(%arg13 : memref<!tpu.dma_semaphore, #tpu.memory_space<semaphore_mem>>)
      %dma_start3A_639 = arith.constant 1 : i32
      %dma_start3A_640 = arith.constant 0 : i32
      %dma_start3A_641 = tpu.memref_slice %arg10[%dma_start3A_639, %dma_start3A_640] : memref<2x1024xf32, #tpu.memory_space<vmem>> -> memref<1x1024xf32, #tpu.memory_space<vmem>>
      %dma_start3A_642 = tpu.memref_squeeze %dma_start3A_641 : memref<1x1024xf32, #tpu.memory_space<vmem>> -> memref<1024xf32, #tpu.memory_space<vmem>>
      %dma_start3A_643 = tpu.memref_slice %arg5[%mul3A_551] : memref<1048576xf32, #tpu.memory_space<hbm>> -> memref<1024xf32, #tpu.memory_space<hbm>>
      %dma_start3A_644 = arith.constant 0 : i32
      %dma_start3A_645 = tpu.memref_slice %arg10[%dma_start3A_639, %dma_start3A_644] : memref<2x1024xf32, #tpu.memory_space<vmem>> -> memref<1x1024xf32, #tpu.memory_space<vmem>>
      %dma_start3A_646 = tpu.memref_squeeze %dma_start3A_645 : memref<1x1024xf32, #tpu.memory_space<vmem>> -> memref<1024xf32, #tpu.memory_space<vmem>>
      %dma_start3A_647 = tpu.memref_slice %arg5[%mul3A_551] : memref<1048576xf32, #tpu.memory_space<hbm>> -> memref<1024xf32, #tpu.memory_space<hbm>>
      tpu.enqueue_dma source(%dma_start3A_647 : memref<1024xf32, #tpu.memory_space<hbm>>) target(%dma_start3A_646 : memref<1024xf32, #tpu.memory_space<vmem>>) target_semaphore(%arg13 : memref<!tpu.dma_semaphore, #tpu.memory_space<semaphore_mem>>)
      %jit3A_648 = arith.constant 8 : i32
      %div3A_649 = arith.divsi %add3A_453, %jit3A_648 : i32
      %sign3A_650 = arith.constant 0 : i32
      %sign3A_651 = arith.cmpi sgt, %add3A_453, %sign3A_650 : i32
      %sign3A_652 = arith.extui %sign3A_651 : i1 to i32
      %sign3A_653 = arith.constant 0 : i32
      %sign3A_654 = arith.cmpi slt, %add3A_453, %sign3A_653 : i32
      %sign3A_655 = arith.extui %sign3A_654 : i1 to i32
      %sign3A_656 = arith.subi %sign3A_652, %sign3A_655 : i32
      %sign3A_657 = arith.constant 0 : i32
      %sign3A_658 = arith.cmpi sgt, %jit3A_648, %sign3A_657 : i32
      %sign3A_659 = arith.extui %sign3A_658 : i1 to i32
      %sign3A_660 = arith.constant 0 : i32
      %sign3A_661 = arith.cmpi slt, %jit3A_648, %sign3A_660 : i32
      %sign3A_662 = arith.extui %sign3A_661 : i1 to i32
      %sign3A_663 = arith.subi %sign3A_659, %sign3A_662 : i32
      %ne3A_664 = arith.cmpi ne, %sign3A_656, %sign3A_663 : i32
      %rem3A_665 = arith.remsi %add3A_453, %jit3A_648 : i32
      %ne3A_666 = arith.constant 0 : i32
      %ne3A_667 = arith.cmpi ne, %rem3A_665, %ne3A_666 : i32
      %and3A_668 = arith.andi %ne3A_664, %ne3A_667 : i1
      %sub3A_669 = arith.constant 1 : i32
      %sub3A_670 = arith.subi %div3A_649, %sub3A_669 : i32
      %select_n3A_671 = arith.select %and3A_668, %sub3A_670, %div3A_649 : i32
      %jit3A_672 = arith.constant 8 : i32
      %eq3A_673 = arith.constant 0 : i32
      %eq3A_674 = arith.cmpi eq, %jit3A_672, %eq3A_673 : i32
      %jit3A_675 = arith.constant 1 : i32
      %select_n3A_676 = arith.select %eq3A_674, %jit3A_675, %jit3A_672 : i32
      %rem3A_677 = arith.remsi %add3A_453, %select_n3A_676 : i32
      %ne3A_678 = arith.constant 0 : i32
      %ne3A_679 = arith.cmpi ne, %rem3A_677, %ne3A_678 : i32
      %lt3A_680 = arith.constant 0 : i32
      %lt3A_681 = arith.cmpi slt, %rem3A_677, %lt3A_680 : i32
      %lt3A_682 = arith.constant 0 : i32
      %lt3A_683 = arith.cmpi slt, %select_n3A_676, %lt3A_682 : i32
      %ne3A_684 = arith.xori %lt3A_681, %lt3A_683 : i1
      %and3A_685 = arith.andi %ne3A_684, %ne3A_679 : i1
      %add3A_686 = arith.addi %rem3A_677, %select_n3A_676 : i32
      %select_n3A_687 = arith.select %and3A_685, %add3A_686, %rem3A_677 : i32
      %mul3A_688 = arith.constant 8 : i32
      %mul3A_689 = arith.muli %select_n3A_687, %mul3A_688 : i32
      %mul3A_690 = arith.constant 128 : i32
      %mul3A_691 = arith.muli %select_n3A_671, %mul3A_690 : i32
      %add3A_692 = arith.addi %mul3A_691, %mul3A_689 : i32
      %jit3A_693 = arith.constant 8 : i32
      %div3A_694 = arith.divsi %select_n3A_671, %jit3A_693 : i32
      %sign3A_695 = arith.constant 0 : i32
      %sign3A_696 = arith.cmpi sgt, %select_n3A_671, %sign3A_695 : i32
      %sign3A_697 = arith.extui %sign3A_696 : i1 to i32
      %sign3A_698 = arith.constant 0 : i32
      %sign3A_699 = arith.cmpi slt, %select_n3A_671, %sign3A_698 : i32
      %sign3A_700 = arith.extui %sign3A_699 : i1 to i32
      %sign3A_701 = arith.subi %sign3A_697, %sign3A_700 : i32
      %sign3A_702 = arith.constant 0 : i32
      %sign3A_703 = arith.cmpi sgt, %jit3A_693, %sign3A_702 : i32
      %sign3A_704 = arith.extui %sign3A_703 : i1 to i32
      %sign3A_705 = arith.constant 0 : i32
      %sign3A_706 = arith.cmpi slt, %jit3A_693, %sign3A_705 : i32
      %sign3A_707 = arith.extui %sign3A_706 : i1 to i32
      %sign3A_708 = arith.subi %sign3A_704, %sign3A_707 : i32
      %ne3A_709 = arith.cmpi ne, %sign3A_701, %sign3A_708 : i32
      %rem3A_710 = arith.remsi %select_n3A_671, %jit3A_693 : i32
      %ne3A_711 = arith.constant 0 : i32
      %ne3A_712 = arith.cmpi ne, %rem3A_710, %ne3A_711 : i32
      %and3A_713 = arith.andi %ne3A_709, %ne3A_712 : i1
      %sub3A_714 = arith.constant 1 : i32
      %sub3A_715 = arith.subi %div3A_694, %sub3A_714 : i32
      %select_n3A_716 = arith.select %and3A_713, %sub3A_715, %div3A_694 : i32
      %mul3A_717 = arith.constant 64 : i32
      %mul3A_718 = arith.muli %select_n3A_716, %mul3A_717 : i32
      %add3A_719 = arith.addi %mul3A_718, %mul3A_689 : i32
      %jit3A_720 = arith.constant 8 : i32
      %eq3A_721 = arith.constant 0 : i32
      %eq3A_722 = arith.cmpi eq, %jit3A_720, %eq3A_721 : i32
      %jit3A_723 = arith.constant 1 : i32
      %select_n3A_724 = arith.select %eq3A_722, %jit3A_723, %jit3A_720 : i32
      %rem3A_725 = arith.remsi %select_n3A_671, %select_n3A_724 : i32
      %ne3A_726 = arith.constant 0 : i32
      %ne3A_727 = arith.cmpi ne, %rem3A_725, %ne3A_726 : i32
      %lt3A_728 = arith.constant 0 : i32
      %lt3A_729 = arith.cmpi slt, %rem3A_725, %lt3A_728 : i32
      %lt3A_730 = arith.constant 0 : i32
      %lt3A_731 = arith.cmpi slt, %select_n3A_724, %lt3A_730 : i32
      %ne3A_732 = arith.xori %lt3A_729, %lt3A_731 : i1
      %and3A_733 = arith.andi %ne3A_732, %ne3A_727 : i1
      %add3A_734 = arith.addi %rem3A_725, %select_n3A_724 : i32
      %select_n3A_735 = arith.select %and3A_733, %add3A_734, %rem3A_725 : i32
      %add3A_736 = arith.constant 64 : i32
      %add3A_737 = arith.addi %add3A_692, %add3A_736 : i32
      %add3A_738 = arith.constant 64 : i32
      %add3A_739 = arith.addi %add3A_692, %add3A_738 : i32
      %mul3A_740 = arith.constant 1024 : i32
      %mul3A_741 = arith.muli %add3A_453, %mul3A_740 : i32
      %dma_wait3A_742 = arith.constant 0 : i32
      %dma_wait3A_743 = arith.constant 0 : i32
      %dma_wait3A_744 = arith.constant 0 : i32
      %dma_wait3A_745 = arith.constant 0 : i32
      %dma_wait3A_746 = arith.constant 0 : i32
      %dma_wait3A_747 = tpu.memref_slice %arg7[%dma_wait3A_742, %dma_wait3A_743, %dma_wait3A_744, %dma_wait3A_745, %dma_wait3A_746] : memref<2x2x8x8x128xf32, #tpu.memory_space<vmem>> -> memref<1x1x8x8x128xf32, #tpu.memory_space<vmem>>
      %dma_wait3A_748 = tpu.memref_squeeze %dma_wait3A_747 : memref<1x1x8x8x128xf32, #tpu.memory_space<vmem>> -> memref<8x8x128xf32, #tpu.memory_space<vmem>>
      %dma_wait3A_749 = arith.constant 0 : i32
      %dma_wait3A_750 = arith.constant 0 : i32
      %dma_wait3A_751 = tpu.memref_slice %arg2[%add3A_692, %dma_wait3A_749, %dma_wait3A_750] : memref<16384x8x128xf32, #tpu.memory_space<hbm>> -> memref<8x8x128xf32, #tpu.memory_space<hbm>>
      %dma_wait3A_752 = arith.constant 0 : i32
      %dma_wait3A_753 = arith.constant 0 : i32
      %dma_wait3A_754 = arith.constant 0 : i32
      %dma_wait3A_755 = tpu.memref_slice %arg7[%dma_wait3A_742, %dma_wait3A_743, %dma_wait3A_752, %dma_wait3A_753, %dma_wait3A_754] : memref<2x2x8x8x128xf32, #tpu.memory_space<vmem>> -> memref<1x1x8x8x128xf32, #tpu.memory_space<vmem>>
      %dma_wait3A_756 = tpu.memref_squeeze %dma_wait3A_755 : memref<1x1x8x8x128xf32, #tpu.memory_space<vmem>> -> memref<8x8x128xf32, #tpu.memory_space<vmem>>
      %dma_wait3A_757 = arith.constant 0 : i32
      %dma_wait3A_758 = arith.constant 0 : i32
      %dma_wait3A_759 = tpu.memref_slice %arg2[%add3A_692, %dma_wait3A_757, %dma_wait3A_758] : memref<16384x8x128xf32, #tpu.memory_space<hbm>> -> memref<8x8x128xf32, #tpu.memory_space<hbm>>
      tpu.wait_dma2 semaphore(%arg12 : memref<!tpu.dma_semaphore, #tpu.memory_space<semaphore_mem>>) src(%dma_wait3A_759 : memref<8x8x128xf32, #tpu.memory_space<hbm>>) dst(%dma_wait3A_756 : memref<8x8x128xf32, #tpu.memory_space<vmem>>)
      %dma_wait3A_760 = arith.constant 0 : i32
      %dma_wait3A_761 = arith.constant 1 : i32
      %dma_wait3A_762 = arith.constant 0 : i32
      %dma_wait3A_763 = arith.constant 0 : i32
      %dma_wait3A_764 = arith.constant 0 : i32
      %dma_wait3A_765 = tpu.memref_slice %arg7[%dma_wait3A_760, %dma_wait3A_761, %dma_wait3A_762, %dma_wait3A_763, %dma_wait3A_764] : memref<2x2x8x8x128xf32, #tpu.memory_space<vmem>> -> memref<1x1x8x8x128xf32, #tpu.memory_space<vmem>>
      %dma_wait3A_766 = tpu.memref_squeeze %dma_wait3A_765 : memref<1x1x8x8x128xf32, #tpu.memory_space<vmem>> -> memref<8x8x128xf32, #tpu.memory_space<vmem>>
      %dma_wait3A_767 = arith.constant 0 : i32
      %dma_wait3A_768 = arith.constant 0 : i32
      %dma_wait3A_769 = tpu.memref_slice %arg2[%add3A_737, %dma_wait3A_767, %dma_wait3A_768] : memref<16384x8x128xf32, #tpu.memory_space<hbm>> -> memref<8x8x128xf32, #tpu.memory_space<hbm>>
      %dma_wait3A_770 = arith.constant 0 : i32
      %dma_wait3A_771 = arith.constant 0 : i32
      %dma_wait3A_772 = arith.constant 0 : i32
      %dma_wait3A_773 = tpu.memref_slice %arg7[%dma_wait3A_760, %dma_wait3A_761, %dma_wait3A_770, %dma_wait3A_771, %dma_wait3A_772] : memref<2x2x8x8x128xf32, #tpu.memory_space<vmem>> -> memref<1x1x8x8x128xf32, #tpu.memory_space<vmem>>
      %dma_wait3A_774 = tpu.memref_squeeze %dma_wait3A_773 : memref<1x1x8x8x128xf32, #tpu.memory_space<vmem>> -> memref<8x8x128xf32, #tpu.memory_space<vmem>>
      %dma_wait3A_775 = arith.constant 0 : i32
      %dma_wait3A_776 = arith.constant 0 : i32
      %dma_wait3A_777 = tpu.memref_slice %arg2[%add3A_737, %dma_wait3A_775, %dma_wait3A_776] : memref<16384x8x128xf32, #tpu.memory_space<hbm>> -> memref<8x8x128xf32, #tpu.memory_space<hbm>>
      tpu.wait_dma2 semaphore(%arg12 : memref<!tpu.dma_semaphore, #tpu.memory_space<semaphore_mem>>) src(%dma_wait3A_777 : memref<8x8x128xf32, #tpu.memory_space<hbm>>) dst(%dma_wait3A_774 : memref<8x8x128xf32, #tpu.memory_space<vmem>>)
      %dma_wait3A_778 = arith.constant 0 : i32
      %dma_wait3A_779 = arith.constant 0 : i32
      %dma_wait3A_780 = arith.constant 0 : i32
      %dma_wait3A_781 = arith.constant 0 : i32
      %dma_wait3A_782 = arith.constant 0 : i32
      %dma_wait3A_783 = tpu.memref_slice %arg8[%dma_wait3A_778, %dma_wait3A_779, %dma_wait3A_780, %dma_wait3A_781, %dma_wait3A_782] : memref<2x2x8x8x128xf32, #tpu.memory_space<vmem>> -> memref<1x1x8x8x128xf32, #tpu.memory_space<vmem>>
      %dma_wait3A_784 = tpu.memref_squeeze %dma_wait3A_783 : memref<1x1x8x8x128xf32, #tpu.memory_space<vmem>> -> memref<8x8x128xf32, #tpu.memory_space<vmem>>
      %dma_wait3A_785 = arith.constant 0 : i32
      %dma_wait3A_786 = arith.constant 0 : i32
      %dma_wait3A_787 = tpu.memref_slice %arg3[%add3A_692, %dma_wait3A_785, %dma_wait3A_786] : memref<16384x8x128xf32, #tpu.memory_space<hbm>> -> memref<8x8x128xf32, #tpu.memory_space<hbm>>
      %dma_wait3A_788 = arith.constant 0 : i32
      %dma_wait3A_789 = arith.constant 0 : i32
      %dma_wait3A_790 = arith.constant 0 : i32
      %dma_wait3A_791 = tpu.memref_slice %arg8[%dma_wait3A_778, %dma_wait3A_779, %dma_wait3A_788, %dma_wait3A_789, %dma_wait3A_790] : memref<2x2x8x8x128xf32, #tpu.memory_space<vmem>> -> memref<1x1x8x8x128xf32, #tpu.memory_space<vmem>>
      %dma_wait3A_792 = tpu.memref_squeeze %dma_wait3A_791 : memref<1x1x8x8x128xf32, #tpu.memory_space<vmem>> -> memref<8x8x128xf32, #tpu.memory_space<vmem>>
      %dma_wait3A_793 = arith.constant 0 : i32
      %dma_wait3A_794 = arith.constant 0 : i32
      %dma_wait3A_795 = tpu.memref_slice %arg3[%add3A_692, %dma_wait3A_793, %dma_wait3A_794] : memref<16384x8x128xf32, #tpu.memory_space<hbm>> -> memref<8x8x128xf32, #tpu.memory_space<hbm>>
      tpu.wait_dma2 semaphore(%arg12 : memref<!tpu.dma_semaphore, #tpu.memory_space<semaphore_mem>>) src(%dma_wait3A_795 : memref<8x8x128xf32, #tpu.memory_space<hbm>>) dst(%dma_wait3A_792 : memref<8x8x128xf32, #tpu.memory_space<vmem>>)
      %dma_wait3A_796 = arith.constant 0 : i32
      %dma_wait3A_797 = arith.constant 1 : i32
      %dma_wait3A_798 = arith.constant 0 : i32
      %dma_wait3A_799 = arith.constant 0 : i32
      %dma_wait3A_800 = arith.constant 0 : i32
      %dma_wait3A_801 = tpu.memref_slice %arg8[%dma_wait3A_796, %dma_wait3A_797, %dma_wait3A_798, %dma_wait3A_799, %dma_wait3A_800] : memref<2x2x8x8x128xf32, #tpu.memory_space<vmem>> -> memref<1x1x8x8x128xf32, #tpu.memory_space<vmem>>
      %dma_wait3A_802 = tpu.memref_squeeze %dma_wait3A_801 : memref<1x1x8x8x128xf32, #tpu.memory_space<vmem>> -> memref<8x8x128xf32, #tpu.memory_space<vmem>>
      %dma_wait3A_803 = arith.constant 0 : i32
      %dma_wait3A_804 = arith.constant 0 : i32
      %dma_wait3A_805 = tpu.memref_slice %arg3[%add3A_739, %dma_wait3A_803, %dma_wait3A_804] : memref<16384x8x128xf32, #tpu.memory_space<hbm>> -> memref<8x8x128xf32, #tpu.memory_space<hbm>>
      %dma_wait3A_806 = arith.constant 0 : i32
      %dma_wait3A_807 = arith.constant 0 : i32
      %dma_wait3A_808 = arith.constant 0 : i32
      %dma_wait3A_809 = tpu.memref_slice %arg8[%dma_wait3A_796, %dma_wait3A_797, %dma_wait3A_806, %dma_wait3A_807, %dma_wait3A_808] : memref<2x2x8x8x128xf32, #tpu.memory_space<vmem>> -> memref<1x1x8x8x128xf32, #tpu.memory_space<vmem>>
      %dma_wait3A_810 = tpu.memref_squeeze %dma_wait3A_809 : memref<1x1x8x8x128xf32, #tpu.memory_space<vmem>> -> memref<8x8x128xf32, #tpu.memory_space<vmem>>
      %dma_wait3A_811 = arith.constant 0 : i32
      %dma_wait3A_812 = arith.constant 0 : i32
      %dma_wait3A_813 = tpu.memref_slice %arg3[%add3A_739, %dma_wait3A_811, %dma_wait3A_812] : memref<16384x8x128xf32, #tpu.memory_space<hbm>> -> memref<8x8x128xf32, #tpu.memory_space<hbm>>
      tpu.wait_dma2 semaphore(%arg12 : memref<!tpu.dma_semaphore, #tpu.memory_space<semaphore_mem>>) src(%dma_wait3A_813 : memref<8x8x128xf32, #tpu.memory_space<hbm>>) dst(%dma_wait3A_810 : memref<8x8x128xf32, #tpu.memory_space<vmem>>)
      %dma_wait3A_814 = arith.constant 0 : i32
      %dma_wait3A_815 = arith.constant 0 : i32
      %dma_wait3A_816 = arith.constant 0 : i32
      %dma_wait3A_817 = tpu.memref_slice %arg9[%dma_wait3A_814, %dma_wait3A_815, %dma_wait3A_816] : memref<2x8x128xi32, #tpu.memory_space<vmem>> -> memref<1x8x128xi32, #tpu.memory_space<vmem>>
      %dma_wait3A_818 = tpu.memref_squeeze %dma_wait3A_817 : memref<1x8x128xi32, #tpu.memory_space<vmem>> -> memref<8x128xi32, #tpu.memory_space<vmem>>
      %dma_wait3A_819 = arith.constant 0 : i32
      %dma_wait3A_820 = tpu.memref_slice %arg4[%add3A_719, %select_n3A_735, %dma_wait3A_819] : memref<1024x8x128xi32, #tpu.memory_space<hbm>> -> memref<8x1x128xi32, #tpu.memory_space<hbm>>
      %dma_wait3A_821 = tpu.memref_squeeze %dma_wait3A_820 : memref<8x1x128xi32, #tpu.memory_space<hbm>> -> memref<8x128xi32, #tpu.memory_space<hbm>>
      %dma_wait3A_822 = arith.constant 0 : i32
      %dma_wait3A_823 = arith.constant 0 : i32
      %dma_wait3A_824 = tpu.memref_slice %arg9[%dma_wait3A_814, %dma_wait3A_822, %dma_wait3A_823] : memref<2x8x128xi32, #tpu.memory_space<vmem>> -> memref<1x8x128xi32, #tpu.memory_space<vmem>>
      %dma_wait3A_825 = tpu.memref_squeeze %dma_wait3A_824 : memref<1x8x128xi32, #tpu.memory_space<vmem>> -> memref<8x128xi32, #tpu.memory_space<vmem>>
      %dma_wait3A_826 = arith.constant 0 : i32
      %dma_wait3A_827 = tpu.memref_slice %arg4[%add3A_719, %select_n3A_735, %dma_wait3A_826] : memref<1024x8x128xi32, #tpu.memory_space<hbm>> -> memref<8x1x128xi32, #tpu.memory_space<hbm>>
      %dma_wait3A_828 = tpu.memref_squeeze %dma_wait3A_827 : memref<8x1x128xi32, #tpu.memory_space<hbm>> -> memref<8x128xi32, #tpu.memory_space<hbm>>
      tpu.wait_dma2 semaphore(%arg12 : memref<!tpu.dma_semaphore, #tpu.memory_space<semaphore_mem>>) src(%dma_wait3A_828 : memref<8x128xi32, #tpu.memory_space<hbm>>) dst(%dma_wait3A_825 : memref<8x128xi32, #tpu.memory_space<vmem>>)
      %dma_wait3A_829 = arith.constant 0 : i32
      %dma_wait3A_830 = arith.constant 0 : i32
      %dma_wait3A_831 = tpu.memref_slice %arg10[%dma_wait3A_829, %dma_wait3A_830] : memref<2x1024xf32, #tpu.memory_space<vmem>> -> memref<1x1024xf32, #tpu.memory_space<vmem>>
      %dma_wait3A_832 = tpu.memref_squeeze %dma_wait3A_831 : memref<1x1024xf32, #tpu.memory_space<vmem>> -> memref<1024xf32, #tpu.memory_space<vmem>>
      %dma_wait3A_833 = tpu.memref_slice %arg5[%mul3A_741] : memref<1048576xf32, #tpu.memory_space<hbm>> -> memref<1024xf32, #tpu.memory_space<hbm>>
      %dma_wait3A_834 = arith.constant 0 : i32
      %dma_wait3A_835 = tpu.memref_slice %arg10[%dma_wait3A_829, %dma_wait3A_834] : memref<2x1024xf32, #tpu.memory_space<vmem>> -> memref<1x1024xf32, #tpu.memory_space<vmem>>
      %dma_wait3A_836 = tpu.memref_squeeze %dma_wait3A_835 : memref<1x1024xf32, #tpu.memory_space<vmem>> -> memref<1024xf32, #tpu.memory_space<vmem>>
      %dma_wait3A_837 = tpu.memref_slice %arg5[%mul3A_741] : memref<1048576xf32, #tpu.memory_space<hbm>> -> memref<1024xf32, #tpu.memory_space<hbm>>
      tpu.wait_dma2 semaphore(%arg12 : memref<!tpu.dma_semaphore, #tpu.memory_space<semaphore_mem>>) src(%dma_wait3A_837 : memref<1024xf32, #tpu.memory_space<hbm>>) dst(%dma_wait3A_836 : memref<1024xf32, #tpu.memory_space<vmem>>)
      %gt3A = arith.constant 0 : i32
      %gt3A_838 = arith.cmpi sgt, %scan3A_450, %gt3A : i32
      %convert_element_type3A = arith.extui %gt3A_838 : i1 to i32
      %cond3A = arith.constant 0 : i32
      %cond3A_839 = arith.cmpi ne, %convert_element_type3A, %cond3A : i32
      scf.if %cond3A_839 {
        %sub3A_1273 = arith.constant 2 : i32
        %sub3A_1274 = arith.subi %add3A_453, %sub3A_1273 : i32
        %mul3A_1275 = arith.constant 1024 : i32
        %mul3A_1276 = arith.muli %sub3A_1274, %mul3A_1275 : i32
        %sub3A_1277 = arith.constant 360448 : i32
        %sub3A_1278 = arith.subi %mul3A_1276, %sub3A_1277 : i32
        %dma_wait3A_1279 = arith.constant 0 : i32
        %dma_wait3A_1280 = arith.constant 0 : i32
        %dma_wait3A_1281 = tpu.memref_slice %arg11[%dma_wait3A_1279, %dma_wait3A_1280] : memref<2x1024xf32, #tpu.memory_space<vmem>> -> memref<1x1024xf32, #tpu.memory_space<vmem>>
        %dma_wait3A_1282 = tpu.memref_squeeze %dma_wait3A_1281 : memref<1x1024xf32, #tpu.memory_space<vmem>> -> memref<1024xf32, #tpu.memory_space<vmem>>
        %dma_wait3A_1283 = tpu.memref_slice %arg6[%sub3A_1278] : memref<688128xf32, #tpu.memory_space<hbm>> -> memref<1024xf32, #tpu.memory_space<hbm>>
        %dma_wait3A_1284 = tpu.memref_slice %arg6[%sub3A_1278] : memref<688128xf32, #tpu.memory_space<hbm>> -> memref<1024xf32, #tpu.memory_space<hbm>>
        %dma_wait3A_1285 = arith.constant 0 : i32
        %dma_wait3A_1286 = tpu.memref_slice %arg11[%dma_wait3A_1279, %dma_wait3A_1285] : memref<2x1024xf32, #tpu.memory_space<vmem>> -> memref<1x1024xf32, #tpu.memory_space<vmem>>
        %dma_wait3A_1287 = tpu.memref_squeeze %dma_wait3A_1286 : memref<1x1024xf32, #tpu.memory_space<vmem>> -> memref<1024xf32, #tpu.memory_space<vmem>>
        tpu.wait_dma2 semaphore(%arg14 : memref<!tpu.dma_semaphore, #tpu.memory_space<semaphore_mem>>) src(%dma_wait3A_1287 : memref<1024xf32, #tpu.memory_space<vmem>>) dst(%dma_wait3A_1284 : memref<1024xf32, #tpu.memory_space<hbm>>)
      } else {
      }
      %scan3A_840 = arith.constant 0 : i32
      %scan3A_841 = arith.constant 0 : i32
      %scan3A_842 = arith.constant 64 : i32
      %scan3A_843 = arith.addi %scan3A_841, %scan3A_842 : i32
      %scan3A_844 = arith.constant 8 : i32
      scf.for %scan3A_1273 = %scan3A_841 to %scan3A_843 step %scan3A_844  : i32 {
        %iota3A = tpu.iota {dimensions = array<i32: 0>} : vector<16xi32>
        %mul3A_1274 = arith.constant 16 : i32
        %mul3A_1275 = arith.muli %scan3A_1273, %mul3A_1274 : i32
        %add3A_1276 = vector.broadcast %mul3A_1275 : i32 to vector<16xi32>
        %add3A_1277 = arith.addi %iota3A, %add3A_1276 : vector<16xi32>
        %jit3A_1278 = arith.constant 8 : i32
        %div3A_1279 = arith.divsi %scan3A_1273, %jit3A_1278 : i32
        %sign3A_1280 = arith.constant 0 : i32
        %sign3A_1281 = arith.cmpi sgt, %scan3A_1273, %sign3A_1280 : i32
        %sign3A_1282 = arith.extui %sign3A_1281 : i1 to i32
        %sign3A_1283 = arith.constant 0 : i32
        %sign3A_1284 = arith.cmpi slt, %scan3A_1273, %sign3A_1283 : i32
        %sign3A_1285 = arith.extui %sign3A_1284 : i1 to i32
        %sign3A_1286 = arith.subi %sign3A_1282, %sign3A_1285 : i32
        %sign3A_1287 = arith.constant 0 : i32
        %sign3A_1288 = arith.cmpi sgt, %jit3A_1278, %sign3A_1287 : i32
        %sign3A_1289 = arith.extui %sign3A_1288 : i1 to i32
        %sign3A_1290 = arith.constant 0 : i32
        %sign3A_1291 = arith.cmpi slt, %jit3A_1278, %sign3A_1290 : i32
        %sign3A_1292 = arith.extui %sign3A_1291 : i1 to i32
        %sign3A_1293 = arith.subi %sign3A_1289, %sign3A_1292 : i32
        %ne3A_1294 = arith.cmpi ne, %sign3A_1286, %sign3A_1293 : i32
        %rem3A_1295 = arith.remsi %scan3A_1273, %jit3A_1278 : i32
        %ne3A_1296 = arith.constant 0 : i32
        %ne3A_1297 = arith.cmpi ne, %rem3A_1295, %ne3A_1296 : i32
        %and3A_1298 = arith.andi %ne3A_1294, %ne3A_1297 : i1
        %sub3A_1299 = arith.constant 1 : i32
        %sub3A_1300 = arith.subi %div3A_1279, %sub3A_1299 : i32
        %select_n3A_1301 = arith.select %and3A_1298, %sub3A_1300, %div3A_1279 : i32
        %jit3A_1302 = arith.constant 8 : i32
        %eq3A_1303 = arith.constant 0 : i32
        %eq3A_1304 = arith.cmpi eq, %jit3A_1302, %eq3A_1303 : i32
        %jit3A_1305 = arith.constant 1 : i32
        %select_n3A_1306 = arith.select %eq3A_1304, %jit3A_1305, %jit3A_1302 : i32
        %rem3A_1307 = arith.remsi %scan3A_1273, %select_n3A_1306 : i32
        %ne3A_1308 = arith.constant 0 : i32
        %ne3A_1309 = arith.cmpi ne, %rem3A_1307, %ne3A_1308 : i32
        %lt3A_1310 = arith.constant 0 : i32
        %lt3A_1311 = arith.cmpi slt, %rem3A_1307, %lt3A_1310 : i32
        %lt3A_1312 = arith.constant 0 : i32
        %lt3A_1313 = arith.cmpi slt, %select_n3A_1306, %lt3A_1312 : i32
        %ne3A_1314 = arith.xori %lt3A_1311, %lt3A_1313 : i1
        %and3A_1315 = arith.andi %ne3A_1314, %ne3A_1309 : i1
        %add3A_1316 = arith.addi %rem3A_1307, %select_n3A_1306 : i32
        %select_n3A_1317 = arith.select %and3A_1315, %add3A_1316, %rem3A_1307 : i32
        %mul3A_1318 = arith.constant 16 : i32
        %mul3A_1319 = arith.muli %select_n3A_1317, %mul3A_1318 : i32
        %get3A = arith.constant 0 : i32
        %get3A_1320 = arith.index_cast %get3A : i32 to index
        %get3A_1321 = arith.index_cast %select_n3A_1301 : i32 to index
        %get3A_1322 = arith.index_cast %mul3A_1319 : i32 to index
        %get3A_1323 = tpu.vector_load %arg9[%get3A_1320, %get3A_1321, %get3A_1322] {strides = array<i32>} : memref<2x8x128xi32, #tpu.memory_space<vmem>>, vector<16xi32>,
        %mul3A_1324 = arith.constant 16 : i32
        %mul3A_1325 = arith.muli %scan3A_1273, %mul3A_1324 : i32
        %get3A_1326 = arith.constant 0 : i32
        %get3A_1327 = arith.index_cast %get3A_1326 : i32 to index
        %get3A_1328 = arith.index_cast %mul3A_1325 : i32 to index
        %get3A_1329 = tpu.vector_load %arg10[%get3A_1327, %get3A_1328] {strides = array<i32>} : memref<2x1024xf32, #tpu.memory_space<vmem>>, vector<16xf32>,
        %shift_right_arithmetic3A = arith.constant 3 : i32
        %shift_right_arithmetic3A_1330 = vector.broadcast %shift_right_arithmetic3A : i32 to vector<16xi32>
        %shift_right_arithmetic3A_1331 = arith.shrsi %get3A_1323, %shift_right_arithmetic3A_1330 : vector<16xi32>
        %and3A_1332 = arith.constant 7 : i32
        %and3A_1333 = vector.broadcast %and3A_1332 : i32 to vector<16xi32>
        %and3A_1334 = arith.andi %get3A_1323, %and3A_1333 : vector<16xi32>
        %shift_right_arithmetic3A_1335 = arith.constant 7 : i32
        %shift_right_arithmetic3A_1336 = vector.broadcast %shift_right_arithmetic3A_1335 : i32 to vector<16xi32>
        %shift_right_arithmetic3A_1337 = arith.shrsi %add3A_1277, %shift_right_arithmetic3A_1336 : vector<16xi32>
        %and3A_1338 = arith.constant 127 : i32
        %and3A_1339 = vector.broadcast %and3A_1338 : i32 to vector<16xi32>
        %and3A_1340 = arith.andi %add3A_1277, %and3A_1339 : vector<16xi32>
        %gather3A = arith.constant 0 : i32
        %gather3A_1341 = arith.constant 0 : i32
        %gather3A_1342 = arith.constant 0 : i32
        %gather3A_1343 = arith.constant 0 : i32
        %gather3A_1344 = arith.constant 0 : i32
        %gather3A_1345 = tpu.memref_slice %arg7[%gather3A, %gather3A_1341, %gather3A_1342, %gather3A_1343, %gather3A_1344] : memref<2x2x8x8x128xf32, #tpu.memory_space<vmem>> -> memref<1x2x8x8x128xf32, #tpu.memory_space<vmem>>
        %gather3A_1346 = tpu.memref_squeeze %gather3A_1345 : memref<1x2x8x8x128xf32, #tpu.memory_space<vmem>> -> memref<2x8x8x128xf32, #tpu.memory_space<vmem>>
        %gather3A_1347 = tpu.vector_load_idx %gather3A_1346[%shift_right_arithmetic3A_1331, %shift_right_arithmetic3A_1337, %and3A_1334, %and3A_1340] : memref<2x8x8x128xf32, #tpu.memory_space<vmem>>[vector<16xi32>, vector<16xi32>, vector<16xi32>, vector<16xi32>], vector<16xf32>,
        %gather3A_1348 = arith.constant 0 : i32
        %gather3A_1349 = arith.constant 0 : i32
        %gather3A_1350 = arith.constant 0 : i32
        %gather3A_1351 = arith.constant 0 : i32
        %gather3A_1352 = arith.constant 0 : i32
        %gather3A_1353 = tpu.memref_slice %arg8[%gather3A_1348, %gather3A_1349, %gather3A_1350, %gather3A_1351, %gather3A_1352] : memref<2x2x8x8x128xf32, #tpu.memory_space<vmem>> -> memref<1x2x8x8x128xf32, #tpu.memory_space<vmem>>
        %gather3A_1354 = tpu.memref_squeeze %gather3A_1353 : memref<1x2x8x8x128xf32, #tpu.memory_space<vmem>> -> memref<2x8x8x128xf32, #tpu.memory_space<vmem>>
        %gather3A_1355 = tpu.vector_load_idx %gather3A_1354[%shift_right_arithmetic3A_1331, %shift_right_arithmetic3A_1337, %and3A_1334, %and3A_1340] : memref<2x8x8x128xf32, #tpu.memory_space<vmem>>[vector<16xi32>, vector<16xi32>, vector<16xi32>, vector<16xi32>], vector<16xf32>,
        %mul3A_1356 = arith.mulf %gather3A_1355, %get3A_1329 : vector<16xf32>
        %add3A_1357 = arith.addf %gather3A_1347, %mul3A_1356 : vector<16xf32>
        %mul3A_1358 = arith.constant 16 : i32
        %mul3A_1359 = arith.muli %scan3A_1273, %mul3A_1358 : i32
        %swap3A = arith.constant 0 : i32
        %swap3A_1360 = arith.index_cast %swap3A : i32 to index
        %swap3A_1361 = arith.index_cast %mul3A_1359 : i32 to index
        %swap3A_1362 = tpu.vector_load %arg11[%swap3A_1360, %swap3A_1361] {strides = array<i32>} : memref<2x1024xf32, #tpu.memory_space<vmem>>, vector<16xf32>,
        tpu.vector_store %arg11[%swap3A_1360, %swap3A_1361], %add3A_1357 {strides = array<i32>} : memref<2x1024xf32, #tpu.memory_space<vmem>>, vector<16xf32>,
        %scan3A_1363 = arith.constant 1 : i32
        %scan3A_1364 = arith.addi %scan3A_1273, %scan3A_1363 : i32
        %iota3A_1365 = tpu.iota {dimensions = array<i32: 0>} : vector<16xi32>
        %mul3A_1366 = arith.constant 16 : i32
        %mul3A_1367 = arith.muli %scan3A_1364, %mul3A_1366 : i32
        %add3A_1368 = vector.broadcast %mul3A_1367 : i32 to vector<16xi32>
        %add3A_1369 = arith.addi %iota3A_1365, %add3A_1368 : vector<16xi32>
        %jit3A_1370 = arith.constant 8 : i32
        %div3A_1371 = arith.divsi %scan3A_1364, %jit3A_1370 : i32
        %sign3A_1372 = arith.constant 0 : i32
        %sign3A_1373 = arith.cmpi sgt, %scan3A_1364, %sign3A_1372 : i32
        %sign3A_1374 = arith.extui %sign3A_1373 : i1 to i32
        %sign3A_1375 = arith.constant 0 : i32
        %sign3A_1376 = arith.cmpi slt, %scan3A_1364, %sign3A_1375 : i32
        %sign3A_1377 = arith.extui %sign3A_1376 : i1 to i32
        %sign3A_1378 = arith.subi %sign3A_1374, %sign3A_1377 : i32
        %sign3A_1379 = arith.constant 0 : i32
        %sign3A_1380 = arith.cmpi sgt, %jit3A_1370, %sign3A_1379 : i32
        %sign3A_1381 = arith.extui %sign3A_1380 : i1 to i32
        %sign3A_1382 = arith.constant 0 : i32
        %sign3A_1383 = arith.cmpi slt, %jit3A_1370, %sign3A_1382 : i32
        %sign3A_1384 = arith.extui %sign3A_1383 : i1 to i32
        %sign3A_1385 = arith.subi %sign3A_1381, %sign3A_1384 : i32
        %ne3A_1386 = arith.cmpi ne, %sign3A_1378, %sign3A_1385 : i32
        %rem3A_1387 = arith.remsi %scan3A_1364, %jit3A_1370 : i32
        %ne3A_1388 = arith.constant 0 : i32
        %ne3A_1389 = arith.cmpi ne, %rem3A_1387, %ne3A_1388 : i32
        %and3A_1390 = arith.andi %ne3A_1386, %ne3A_1389 : i1
        %sub3A_1391 = arith.constant 1 : i32
        %sub3A_1392 = arith.subi %div3A_1371, %sub3A_1391 : i32
        %select_n3A_1393 = arith.select %and3A_1390, %sub3A_1392, %div3A_1371 : i32
        %jit3A_1394 = arith.constant 8 : i32
        %eq3A_1395 = arith.constant 0 : i32
        %eq3A_1396 = arith.cmpi eq, %jit3A_1394, %eq3A_1395 : i32
        %jit3A_1397 = arith.constant 1 : i32
        %select_n3A_1398 = arith.select %eq3A_1396, %jit3A_1397, %jit3A_1394 : i32
        %rem3A_1399 = arith.remsi %scan3A_1364, %select_n3A_1398 : i32
        %ne3A_1400 = arith.constant 0 : i32
        %ne3A_1401 = arith.cmpi ne, %rem3A_1399, %ne3A_1400 : i32
        %lt3A_1402 = arith.constant 0 : i32
        %lt3A_1403 = arith.cmpi slt, %rem3A_1399, %lt3A_1402 : i32
        %lt3A_1404 = arith.constant 0 : i32
        %lt3A_1405 = arith.cmpi slt, %select_n3A_1398, %lt3A_1404 : i32
        %ne3A_1406 = arith.xori %lt3A_1403, %lt3A_1405 : i1
        %and3A_1407 = arith.andi %ne3A_1406, %ne3A_1401 : i1
        %add3A_1408 = arith.addi %rem3A_1399, %select_n3A_1398 : i32
        %select_n3A_1409 = arith.select %and3A_1407, %add3A_1408, %rem3A_1399 : i32
        %mul3A_1410 = arith.constant 16 : i32
        %mul3A_1411 = arith.muli %select_n3A_1409, %mul3A_1410 : i32
        %get3A_1412 = arith.constant 0 : i32
        %get3A_1413 = arith.index_cast %get3A_1412 : i32 to index
        %get3A_1414 = arith.index_cast %select_n3A_1393 : i32 to index
        %get3A_1415 = arith.index_cast %mul3A_1411 : i32 to index
        %get3A_1416 = tpu.vector_load %arg9[%get3A_1413, %get3A_1414, %get3A_1415] {strides = array<i32>} : memref<2x8x128xi32, #tpu.memory_space<vmem>>, vector<16xi32>,
        %mul3A_1417 = arith.constant 16 : i32
        %mul3A_1418 = arith.muli %scan3A_1364, %mul3A_1417 : i32
        %get3A_1419 = arith.constant 0 : i32
        %get3A_1420 = arith.index_cast %get3A_1419 : i32 to index
        %get3A_1421 = arith.index_cast %mul3A_1418 : i32 to index
        %get3A_1422 = tpu.vector_load %arg10[%get3A_1420, %get3A_1421] {strides = array<i32>} : memref<2x1024xf32, #tpu.memory_space<vmem>>, vector<16xf32>,
        %shift_right_arithmetic3A_1423 = arith.constant 3 : i32
        %shift_right_arithmetic3A_1424 = vector.broadcast %shift_right_arithmetic3A_1423 : i32 to vector<16xi32>
        %shift_right_arithmetic3A_1425 = arith.shrsi %get3A_1416, %shift_right_arithmetic3A_1424 : vector<16xi32>
        %and3A_1426 = arith.constant 7 : i32
        %and3A_1427 = vector.broadcast %and3A_1426 : i32 to vector<16xi32>
        %and3A_1428 = arith.andi %get3A_1416, %and3A_1427 : vector<16xi32>
        %shift_right_arithmetic3A_1429 = arith.constant 7 : i32
        %shift_right_arithmetic3A_1430 = vector.broadcast %shift_right_arithmetic3A_1429 : i32 to vector<16xi32>
        %shift_right_arithmetic3A_1431 = arith.shrsi %add3A_1369, %shift_right_arithmetic3A_1430 : vector<16xi32>
        %and3A_1432 = arith.constant 127 : i32
        %and3A_1433 = vector.broadcast %and3A_1432 : i32 to vector<16xi32>
        %and3A_1434 = arith.andi %add3A_1369, %and3A_1433 : vector<16xi32>
        %gather3A_1435 = arith.constant 0 : i32
        %gather3A_1436 = arith.constant 0 : i32
        %gather3A_1437 = arith.constant 0 : i32
        %gather3A_1438 = arith.constant 0 : i32
        %gather3A_1439 = arith.constant 0 : i32
        %gather3A_1440 = tpu.memref_slice %arg7[%gather3A_1435, %gather3A_1436, %gather3A_1437, %gather3A_1438, %gather3A_1439] : memref<2x2x8x8x128xf32, #tpu.memory_space<vmem>> -> memref<1x2x8x8x128xf32, #tpu.memory_space<vmem>>
        %gather3A_1441 = tpu.memref_squeeze %gather3A_1440 : memref<1x2x8x8x128xf32, #tpu.memory_space<vmem>> -> memref<2x8x8x128xf32, #tpu.memory_space<vmem>>
        %gather3A_1442 = tpu.vector_load_idx %gather3A_1441[%shift_right_arithmetic3A_1425, %shift_right_arithmetic3A_1431, %and3A_1428, %and3A_1434] : memref<2x8x8x128xf32, #tpu.memory_space<vmem>>[vector<16xi32>, vector<16xi32>, vector<16xi32>, vector<16xi32>], vector<16xf32>,
        %gather3A_1443 = arith.constant 0 : i32
        %gather3A_1444 = arith.constant 0 : i32
        %gather3A_1445 = arith.constant 0 : i32
        %gather3A_1446 = arith.constant 0 : i32
        %gather3A_1447 = arith.constant 0 : i32
        %gather3A_1448 = tpu.memref_slice %arg8[%gather3A_1443, %gather3A_1444, %gather3A_1445, %gather3A_1446, %gather3A_1447] : memref<2x2x8x8x128xf32, #tpu.memory_space<vmem>> -> memref<1x2x8x8x128xf32, #tpu.memory_space<vmem>>
        %gather3A_1449 = tpu.memref_squeeze %gather3A_1448 : memref<1x2x8x8x128xf32, #tpu.memory_space<vmem>> -> memref<2x8x8x128xf32, #tpu.memory_space<vmem>>
        %gather3A_1450 = tpu.vector_load_idx %gather3A_1449[%shift_right_arithmetic3A_1425, %shift_right_arithmetic3A_1431, %and3A_1428, %and3A_1434] : memref<2x8x8x128xf32, #tpu.memory_space<vmem>>[vector<16xi32>, vector<16xi32>, vector<16xi32>, vector<16xi32>], vector<16xf32>,
        %mul3A_1451 = arith.mulf %gather3A_1450, %get3A_1422 : vector<16xf32>
        %add3A_1452 = arith.addf %gather3A_1442, %mul3A_1451 : vector<16xf32>
        %mul3A_1453 = arith.constant 16 : i32
        %mul3A_1454 = arith.muli %scan3A_1364, %mul3A_1453 : i32
        %swap3A_1455 = arith.constant 0 : i32
        %swap3A_1456 = arith.index_cast %swap3A_1455 : i32 to index
        %swap3A_1457 = arith.index_cast %mul3A_1454 : i32 to index
        %swap3A_1458 = tpu.vector_load %arg11[%swap3A_1456, %swap3A_1457] {strides = array<i32>} : memref<2x1024xf32, #tpu.memory_space<vmem>>, vector<16xf32>,
        tpu.vector_store %arg11[%swap3A_1456, %swap3A_1457], %add3A_1452 {strides = array<i32>} : memref<2x1024xf32, #tpu.memory_space<vmem>>, vector<16xf32>,
        %scan3A_1459 = arith.constant 2 : i32
        %scan3A_1460 = arith.addi %scan3A_1273, %scan3A_1459 : i32
        %iota3A_1461 = tpu.iota {dimensions = array<i32: 0>} : vector<16xi32>
        %mul3A_1462 = arith.constant 16 : i32
        %mul3A_1463 = arith.muli %scan3A_1460, %mul3A_1462 : i32
        %add3A_1464 = vector.broadcast %mul3A_1463 : i32 to vector<16xi32>
        %add3A_1465 = arith.addi %iota3A_1461, %add3A_1464 : vector<16xi32>
        %jit3A_1466 = arith.constant 8 : i32
        %div3A_1467 = arith.divsi %scan3A_1460, %jit3A_1466 : i32
        %sign3A_1468 = arith.constant 0 : i32
        %sign3A_1469 = arith.cmpi sgt, %scan3A_1460, %sign3A_1468 : i32
        %sign3A_1470 = arith.extui %sign3A_1469 : i1 to i32
        %sign3A_1471 = arith.constant 0 : i32
        %sign3A_1472 = arith.cmpi slt, %scan3A_1460, %sign3A_1471 : i32
        %sign3A_1473 = arith.extui %sign3A_1472 : i1 to i32
        %sign3A_1474 = arith.subi %sign3A_1470, %sign3A_1473 : i32
        %sign3A_1475 = arith.constant 0 : i32
        %sign3A_1476 = arith.cmpi sgt, %jit3A_1466, %sign3A_1475 : i32
        %sign3A_1477 = arith.extui %sign3A_1476 : i1 to i32
        %sign3A_1478 = arith.constant 0 : i32
        %sign3A_1479 = arith.cmpi slt, %jit3A_1466, %sign3A_1478 : i32
        %sign3A_1480 = arith.extui %sign3A_1479 : i1 to i32
        %sign3A_1481 = arith.subi %sign3A_1477, %sign3A_1480 : i32
        %ne3A_1482 = arith.cmpi ne, %sign3A_1474, %sign3A_1481 : i32
        %rem3A_1483 = arith.remsi %scan3A_1460, %jit3A_1466 : i32
        %ne3A_1484 = arith.constant 0 : i32
        %ne3A_1485 = arith.cmpi ne, %rem3A_1483, %ne3A_1484 : i32
        %and3A_1486 = arith.andi %ne3A_1482, %ne3A_1485 : i1
        %sub3A_1487 = arith.constant 1 : i32
        %sub3A_1488 = arith.subi %div3A_1467, %sub3A_1487 : i32
        %select_n3A_1489 = arith.select %and3A_1486, %sub3A_1488, %div3A_1467 : i32
        %jit3A_1490 = arith.constant 8 : i32
        %eq3A_1491 = arith.constant 0 : i32
        %eq3A_1492 = arith.cmpi eq, %jit3A_1490, %eq3A_1491 : i32
        %jit3A_1493 = arith.constant 1 : i32
        %select_n3A_1494 = arith.select %eq3A_1492, %jit3A_1493, %jit3A_1490 : i32
        %rem3A_1495 = arith.remsi %scan3A_1460, %select_n3A_1494 : i32
        %ne3A_1496 = arith.constant 0 : i32
        %ne3A_1497 = arith.cmpi ne, %rem3A_1495, %ne3A_1496 : i32
        %lt3A_1498 = arith.constant 0 : i32
        %lt3A_1499 = arith.cmpi slt, %rem3A_1495, %lt3A_1498 : i32
        %lt3A_1500 = arith.constant 0 : i32
        %lt3A_1501 = arith.cmpi slt, %select_n3A_1494, %lt3A_1500 : i32
        %ne3A_1502 = arith.xori %lt3A_1499, %lt3A_1501 : i1
        %and3A_1503 = arith.andi %ne3A_1502, %ne3A_1497 : i1
        %add3A_1504 = arith.addi %rem3A_1495, %select_n3A_1494 : i32
        %select_n3A_1505 = arith.select %and3A_1503, %add3A_1504, %rem3A_1495 : i32
        %mul3A_1506 = arith.constant 16 : i32
        %mul3A_1507 = arith.muli %select_n3A_1505, %mul3A_1506 : i32
        %get3A_1508 = arith.constant 0 : i32
        %get3A_1509 = arith.index_cast %get3A_1508 : i32 to index
        %get3A_1510 = arith.index_cast %select_n3A_1489 : i32 to index
        %get3A_1511 = arith.index_cast %mul3A_1507 : i32 to index
        %get3A_1512 = tpu.vector_load %arg9[%get3A_1509, %get3A_1510, %get3A_1511] {strides = array<i32>} : memref<2x8x128xi32, #tpu.memory_space<vmem>>, vector<16xi32>,
        %mul3A_1513 = arith.constant 16 : i32
        %mul3A_1514 = arith.muli %scan3A_1460, %mul3A_1513 : i32
        %get3A_1515 = arith.constant 0 : i32
        %get3A_1516 = arith.index_cast %get3A_1515 : i32 to index
        %get3A_1517 = arith.index_cast %mul3A_1514 : i32 to index
        %get3A_1518 = tpu.vector_load %arg10[%get3A_1516, %get3A_1517] {strides = array<i32>} : memref<2x1024xf32, #tpu.memory_space<vmem>>, vector<16xf32>,
        %shift_right_arithmetic3A_1519 = arith.constant 3 : i32
        %shift_right_arithmetic3A_1520 = vector.broadcast %shift_right_arithmetic3A_1519 : i32 to vector<16xi32>
        %shift_right_arithmetic3A_1521 = arith.shrsi %get3A_1512, %shift_right_arithmetic3A_1520 : vector<16xi32>
        %and3A_1522 = arith.constant 7 : i32
        %and3A_1523 = vector.broadcast %and3A_1522 : i32 to vector<16xi32>
        %and3A_1524 = arith.andi %get3A_1512, %and3A_1523 : vector<16xi32>
        %shift_right_arithmetic3A_1525 = arith.constant 7 : i32
        %shift_right_arithmetic3A_1526 = vector.broadcast %shift_right_arithmetic3A_1525 : i32 to vector<16xi32>
        %shift_right_arithmetic3A_1527 = arith.shrsi %add3A_1465, %shift_right_arithmetic3A_1526 : vector<16xi32>
        %and3A_1528 = arith.constant 127 : i32
        %and3A_1529 = vector.broadcast %and3A_1528 : i32 to vector<16xi32>
        %and3A_1530 = arith.andi %add3A_1465, %and3A_1529 : vector<16xi32>
        %gather3A_1531 = arith.constant 0 : i32
        %gather3A_1532 = arith.constant 0 : i32
        %gather3A_1533 = arith.constant 0 : i32
        %gather3A_1534 = arith.constant 0 : i32
        %gather3A_1535 = arith.constant 0 : i32
        %gather3A_1536 = tpu.memref_slice %arg7[%gather3A_1531, %gather3A_1532, %gather3A_1533, %gather3A_1534, %gather3A_1535] : memref<2x2x8x8x128xf32, #tpu.memory_space<vmem>> -> memref<1x2x8x8x128xf32, #tpu.memory_space<vmem>>
        %gather3A_1537 = tpu.memref_squeeze %gather3A_1536 : memref<1x2x8x8x128xf32, #tpu.memory_space<vmem>> -> memref<2x8x8x128xf32, #tpu.memory_space<vmem>>
        %gather3A_1538 = tpu.vector_load_idx %gather3A_1537[%shift_right_arithmetic3A_1521, %shift_right_arithmetic3A_1527, %and3A_1524, %and3A_1530] : memref<2x8x8x128xf32, #tpu.memory_space<vmem>>[vector<16xi32>, vector<16xi32>, vector<16xi32>, vector<16xi32>], vector<16xf32>,
        %gather3A_1539 = arith.constant 0 : i32
        %gather3A_1540 = arith.constant 0 : i32
        %gather3A_1541 = arith.constant 0 : i32
        %gather3A_1542 = arith.constant 0 : i32
        %gather3A_1543 = arith.constant 0 : i32
        %gather3A_1544 = tpu.memref_slice %arg8[%gather3A_1539, %gather3A_1540, %gather3A_1541, %gather3A_1542, %gather3A_1543] : memref<2x2x8x8x128xf32, #tpu.memory_space<vmem>> -> memref<1x2x8x8x128xf32, #tpu.memory_space<vmem>>
        %gather3A_1545 = tpu.memref_squeeze %gather3A_1544 : memref<1x2x8x8x128xf32, #tpu.memory_space<vmem>> -> memref<2x8x8x128xf32, #tpu.memory_space<vmem>>
        %gather3A_1546 = tpu.vector_load_idx %gather3A_1545[%shift_right_arithmetic3A_1521, %shift_right_arithmetic3A_1527, %and3A_1524, %and3A_1530] : memref<2x8x8x128xf32, #tpu.memory_space<vmem>>[vector<16xi32>, vector<16xi32>, vector<16xi32>, vector<16xi32>], vector<16xf32>,
        %mul3A_1547 = arith.mulf %gather3A_1546, %get3A_1518 : vector<16xf32>
        %add3A_1548 = arith.addf %gather3A_1538, %mul3A_1547 : vector<16xf32>
        %mul3A_1549 = arith.constant 16 : i32
        %mul3A_1550 = arith.muli %scan3A_1460, %mul3A_1549 : i32
        %swap3A_1551 = arith.constant 0 : i32
        %swap3A_1552 = arith.index_cast %swap3A_1551 : i32 to index
        %swap3A_1553 = arith.index_cast %mul3A_1550 : i32 to index
        %swap3A_1554 = tpu.vector_load %arg11[%swap3A_1552, %swap3A_1553] {strides = array<i32>} : memref<2x1024xf32, #tpu.memory_space<vmem>>, vector<16xf32>,
        tpu.vector_store %arg11[%swap3A_1552, %swap3A_1553], %add3A_1548 {strides = array<i32>} : memref<2x1024xf32, #tpu.memory_space<vmem>>, vector<16xf32>,
        %scan3A_1555 = arith.constant 3 : i32
        %scan3A_1556 = arith.addi %scan3A_1273, %scan3A_1555 : i32
        %iota3A_1557 = tpu.iota {dimensions = array<i32: 0>} : vector<16xi32>
        %mul3A_1558 = arith.constant 16 : i32
        %mul3A_1559 = arith.muli %scan3A_1556, %mul3A_1558 : i32
        %add3A_1560 = vector.broadcast %mul3A_1559 : i32 to vector<16xi32>
        %add3A_1561 = arith.addi %iota3A_1557, %add3A_1560 : vector<16xi32>
        %jit3A_1562 = arith.constant 8 : i32
        %div3A_1563 = arith.divsi %scan3A_1556, %jit3A_1562 : i32
        %sign3A_1564 = arith.constant 0 : i32
        %sign3A_1565 = arith.cmpi sgt, %scan3A_1556, %sign3A_1564 : i32
        %sign3A_1566 = arith.extui %sign3A_1565 : i1 to i32
        %sign3A_1567 = arith.constant 0 : i32
        %sign3A_1568 = arith.cmpi slt, %scan3A_1556, %sign3A_1567 : i32
        %sign3A_1569 = arith.extui %sign3A_1568 : i1 to i32
        %sign3A_1570 = arith.subi %sign3A_1566, %sign3A_1569 : i32
        %sign3A_1571 = arith.constant 0 : i32
        %sign3A_1572 = arith.cmpi sgt, %jit3A_1562, %sign3A_1571 : i32
        %sign3A_1573 = arith.extui %sign3A_1572 : i1 to i32
        %sign3A_1574 = arith.constant 0 : i32
        %sign3A_1575 = arith.cmpi slt, %jit3A_1562, %sign3A_1574 : i32
        %sign3A_1576 = arith.extui %sign3A_1575 : i1 to i32
        %sign3A_1577 = arith.subi %sign3A_1573, %sign3A_1576 : i32
        %ne3A_1578 = arith.cmpi ne, %sign3A_1570, %sign3A_1577 : i32
        %rem3A_1579 = arith.remsi %scan3A_1556, %jit3A_1562 : i32
        %ne3A_1580 = arith.constant 0 : i32
        %ne3A_1581 = arith.cmpi ne, %rem3A_1579, %ne3A_1580 : i32
        %and3A_1582 = arith.andi %ne3A_1578, %ne3A_1581 : i1
        %sub3A_1583 = arith.constant 1 : i32
        %sub3A_1584 = arith.subi %div3A_1563, %sub3A_1583 : i32
        %select_n3A_1585 = arith.select %and3A_1582, %sub3A_1584, %div3A_1563 : i32
        %jit3A_1586 = arith.constant 8 : i32
        %eq3A_1587 = arith.constant 0 : i32
        %eq3A_1588 = arith.cmpi eq, %jit3A_1586, %eq3A_1587 : i32
        %jit3A_1589 = arith.constant 1 : i32
        %select_n3A_1590 = arith.select %eq3A_1588, %jit3A_1589, %jit3A_1586 : i32
        %rem3A_1591 = arith.remsi %scan3A_1556, %select_n3A_1590 : i32
        %ne3A_1592 = arith.constant 0 : i32
        %ne3A_1593 = arith.cmpi ne, %rem3A_1591, %ne3A_1592 : i32
        %lt3A_1594 = arith.constant 0 : i32
        %lt3A_1595 = arith.cmpi slt, %rem3A_1591, %lt3A_1594 : i32
        %lt3A_1596 = arith.constant 0 : i32
        %lt3A_1597 = arith.cmpi slt, %select_n3A_1590, %lt3A_1596 : i32
        %ne3A_1598 = arith.xori %lt3A_1595, %lt3A_1597 : i1
        %and3A_1599 = arith.andi %ne3A_1598, %ne3A_1593 : i1
        %add3A_1600 = arith.addi %rem3A_1591, %select_n3A_1590 : i32
        %select_n3A_1601 = arith.select %and3A_1599, %add3A_1600, %rem3A_1591 : i32
        %mul3A_1602 = arith.constant 16 : i32
        %mul3A_1603 = arith.muli %select_n3A_1601, %mul3A_1602 : i32
        %get3A_1604 = arith.constant 0 : i32
        %get3A_1605 = arith.index_cast %get3A_1604 : i32 to index
        %get3A_1606 = arith.index_cast %select_n3A_1585 : i32 to index
        %get3A_1607 = arith.index_cast %mul3A_1603 : i32 to index
        %get3A_1608 = tpu.vector_load %arg9[%get3A_1605, %get3A_1606, %get3A_1607] {strides = array<i32>} : memref<2x8x128xi32, #tpu.memory_space<vmem>>, vector<16xi32>,
        %mul3A_1609 = arith.constant 16 : i32
        %mul3A_1610 = arith.muli %scan3A_1556, %mul3A_1609 : i32
        %get3A_1611 = arith.constant 0 : i32
        %get3A_1612 = arith.index_cast %get3A_1611 : i32 to index
        %get3A_1613 = arith.index_cast %mul3A_1610 : i32 to index
        %get3A_1614 = tpu.vector_load %arg10[%get3A_1612, %get3A_1613] {strides = array<i32>} : memref<2x1024xf32, #tpu.memory_space<vmem>>, vector<16xf32>,
        %shift_right_arithmetic3A_1615 = arith.constant 3 : i32
        %shift_right_arithmetic3A_1616 = vector.broadcast %shift_right_arithmetic3A_1615 : i32 to vector<16xi32>
        %shift_right_arithmetic3A_1617 = arith.shrsi %get3A_1608, %shift_right_arithmetic3A_1616 : vector<16xi32>
        %and3A_1618 = arith.constant 7 : i32
        %and3A_1619 = vector.broadcast %and3A_1618 : i32 to vector<16xi32>
        %and3A_1620 = arith.andi %get3A_1608, %and3A_1619 : vector<16xi32>
        %shift_right_arithmetic3A_1621 = arith.constant 7 : i32
        %shift_right_arithmetic3A_1622 = vector.broadcast %shift_right_arithmetic3A_1621 : i32 to vector<16xi32>
        %shift_right_arithmetic3A_1623 = arith.shrsi %add3A_1561, %shift_right_arithmetic3A_1622 : vector<16xi32>
        %and3A_1624 = arith.constant 127 : i32
        %and3A_1625 = vector.broadcast %and3A_1624 : i32 to vector<16xi32>
        %and3A_1626 = arith.andi %add3A_1561, %and3A_1625 : vector<16xi32>
        %gather3A_1627 = arith.constant 0 : i32
        %gather3A_1628 = arith.constant 0 : i32
        %gather3A_1629 = arith.constant 0 : i32
        %gather3A_1630 = arith.constant 0 : i32
        %gather3A_1631 = arith.constant 0 : i32
        %gather3A_1632 = tpu.memref_slice %arg7[%gather3A_1627, %gather3A_1628, %gather3A_1629, %gather3A_1630, %gather3A_1631] : memref<2x2x8x8x128xf32, #tpu.memory_space<vmem>> -> memref<1x2x8x8x128xf32, #tpu.memory_space<vmem>>
        %gather3A_1633 = tpu.memref_squeeze %gather3A_1632 : memref<1x2x8x8x128xf32, #tpu.memory_space<vmem>> -> memref<2x8x8x128xf32, #tpu.memory_space<vmem>>
        %gather3A_1634 = tpu.vector_load_idx %gather3A_1633[%shift_right_arithmetic3A_1617, %shift_right_arithmetic3A_1623, %and3A_1620, %and3A_1626] : memref<2x8x8x128xf32, #tpu.memory_space<vmem>>[vector<16xi32>, vector<16xi32>, vector<16xi32>, vector<16xi32>], vector<16xf32>,
        %gather3A_1635 = arith.constant 0 : i32
        %gather3A_1636 = arith.constant 0 : i32
        %gather3A_1637 = arith.constant 0 : i32
        %gather3A_1638 = arith.constant 0 : i32
        %gather3A_1639 = arith.constant 0 : i32
        %gather3A_1640 = tpu.memref_slice %arg8[%gather3A_1635, %gather3A_1636, %gather3A_1637, %gather3A_1638, %gather3A_1639] : memref<2x2x8x8x128xf32, #tpu.memory_space<vmem>> -> memref<1x2x8x8x128xf32, #tpu.memory_space<vmem>>
        %gather3A_1641 = tpu.memref_squeeze %gather3A_1640 : memref<1x2x8x8x128xf32, #tpu.memory_space<vmem>> -> memref<2x8x8x128xf32, #tpu.memory_space<vmem>>
        %gather3A_1642 = tpu.vector_load_idx %gather3A_1641[%shift_right_arithmetic3A_1617, %shift_right_arithmetic3A_1623, %and3A_1620, %and3A_1626] : memref<2x8x8x128xf32, #tpu.memory_space<vmem>>[vector<16xi32>, vector<16xi32>, vector<16xi32>, vector<16xi32>], vector<16xf32>,
        %mul3A_1643 = arith.mulf %gather3A_1642, %get3A_1614 : vector<16xf32>
        %add3A_1644 = arith.addf %gather3A_1634, %mul3A_1643 : vector<16xf32>
        %mul3A_1645 = arith.constant 16 : i32
        %mul3A_1646 = arith.muli %scan3A_1556, %mul3A_1645 : i32
        %swap3A_1647 = arith.constant 0 : i32
        %swap3A_1648 = arith.index_cast %swap3A_1647 : i32 to index
        %swap3A_1649 = arith.index_cast %mul3A_1646 : i32 to index
        %swap3A_1650 = tpu.vector_load %arg11[%swap3A_1648, %swap3A_1649] {strides = array<i32>} : memref<2x1024xf32, #tpu.memory_space<vmem>>, vector<16xf32>,
        tpu.vector_store %arg11[%swap3A_1648, %swap3A_1649], %add3A_1644 {strides = array<i32>} : memref<2x1024xf32, #tpu.memory_space<vmem>>, vector<16xf32>,
        %scan3A_1651 = arith.constant 4 : i32
        %scan3A_1652 = arith.addi %scan3A_1273, %scan3A_1651 : i32
        %iota3A_1653 = tpu.iota {dimensions = array<i32: 0>} : vector<16xi32>
        %mul3A_1654 = arith.constant 16 : i32
        %mul3A_1655 = arith.muli %scan3A_1652, %mul3A_1654 : i32
        %add3A_1656 = vector.broadcast %mul3A_1655 : i32 to vector<16xi32>
        %add3A_1657 = arith.addi %iota3A_1653, %add3A_1656 : vector<16xi32>
        %jit3A_1658 = arith.constant 8 : i32
        %div3A_1659 = arith.divsi %scan3A_1652, %jit3A_1658 : i32
        %sign3A_1660 = arith.constant 0 : i32
        %sign3A_1661 = arith.cmpi sgt, %scan3A_1652, %sign3A_1660 : i32
        %sign3A_1662 = arith.extui %sign3A_1661 : i1 to i32
        %sign3A_1663 = arith.constant 0 : i32
        %sign3A_1664 = arith.cmpi slt, %scan3A_1652, %sign3A_1663 : i32
        %sign3A_1665 = arith.extui %sign3A_1664 : i1 to i32
        %sign3A_1666 = arith.subi %sign3A_1662, %sign3A_1665 : i32
        %sign3A_1667 = arith.constant 0 : i32
        %sign3A_1668 = arith.cmpi sgt, %jit3A_1658, %sign3A_1667 : i32
        %sign3A_1669 = arith.extui %sign3A_1668 : i1 to i32
        %sign3A_1670 = arith.constant 0 : i32
        %sign3A_1671 = arith.cmpi slt, %jit3A_1658, %sign3A_1670 : i32
        %sign3A_1672 = arith.extui %sign3A_1671 : i1 to i32
        %sign3A_1673 = arith.subi %sign3A_1669, %sign3A_1672 : i32
        %ne3A_1674 = arith.cmpi ne, %sign3A_1666, %sign3A_1673 : i32
        %rem3A_1675 = arith.remsi %scan3A_1652, %jit3A_1658 : i32
        %ne3A_1676 = arith.constant 0 : i32
        %ne3A_1677 = arith.cmpi ne, %rem3A_1675, %ne3A_1676 : i32
        %and3A_1678 = arith.andi %ne3A_1674, %ne3A_1677 : i1
        %sub3A_1679 = arith.constant 1 : i32
        %sub3A_1680 = arith.subi %div3A_1659, %sub3A_1679 : i32
        %select_n3A_1681 = arith.select %and3A_1678, %sub3A_1680, %div3A_1659 : i32
        %jit3A_1682 = arith.constant 8 : i32
        %eq3A_1683 = arith.constant 0 : i32
        %eq3A_1684 = arith.cmpi eq, %jit3A_1682, %eq3A_1683 : i32
        %jit3A_1685 = arith.constant 1 : i32
        %select_n3A_1686 = arith.select %eq3A_1684, %jit3A_1685, %jit3A_1682 : i32
        %rem3A_1687 = arith.remsi %scan3A_1652, %select_n3A_1686 : i32
        %ne3A_1688 = arith.constant 0 : i32
        %ne3A_1689 = arith.cmpi ne, %rem3A_1687, %ne3A_1688 : i32
        %lt3A_1690 = arith.constant 0 : i32
        %lt3A_1691 = arith.cmpi slt, %rem3A_1687, %lt3A_1690 : i32
        %lt3A_1692 = arith.constant 0 : i32
        %lt3A_1693 = arith.cmpi slt, %select_n3A_1686, %lt3A_1692 : i32
        %ne3A_1694 = arith.xori %lt3A_1691, %lt3A_1693 : i1
        %and3A_1695 = arith.andi %ne3A_1694, %ne3A_1689 : i1
        %add3A_1696 = arith.addi %rem3A_1687, %select_n3A_1686 : i32
        %select_n3A_1697 = arith.select %and3A_1695, %add3A_1696, %rem3A_1687 : i32
        %mul3A_1698 = arith.constant 16 : i32
        %mul3A_1699 = arith.muli %select_n3A_1697, %mul3A_1698 : i32
        %get3A_1700 = arith.constant 0 : i32
        %get3A_1701 = arith.index_cast %get3A_1700 : i32 to index
        %get3A_1702 = arith.index_cast %select_n3A_1681 : i32 to index
        %get3A_1703 = arith.index_cast %mul3A_1699 : i32 to index
        %get3A_1704 = tpu.vector_load %arg9[%get3A_1701, %get3A_1702, %get3A_1703] {strides = array<i32>} : memref<2x8x128xi32, #tpu.memory_space<vmem>>, vector<16xi32>,
        %mul3A_1705 = arith.constant 16 : i32
        %mul3A_1706 = arith.muli %scan3A_1652, %mul3A_1705 : i32
        %get3A_1707 = arith.constant 0 : i32
        %get3A_1708 = arith.index_cast %get3A_1707 : i32 to index
        %get3A_1709 = arith.index_cast %mul3A_1706 : i32 to index
        %get3A_1710 = tpu.vector_load %arg10[%get3A_1708, %get3A_1709] {strides = array<i32>} : memref<2x1024xf32, #tpu.memory_space<vmem>>, vector<16xf32>,
        %shift_right_arithmetic3A_1711 = arith.constant 3 : i32
        %shift_right_arithmetic3A_1712 = vector.broadcast %shift_right_arithmetic3A_1711 : i32 to vector<16xi32>
        %shift_right_arithmetic3A_1713 = arith.shrsi %get3A_1704, %shift_right_arithmetic3A_1712 : vector<16xi32>
        %and3A_1714 = arith.constant 7 : i32
        %and3A_1715 = vector.broadcast %and3A_1714 : i32 to vector<16xi32>
        %and3A_1716 = arith.andi %get3A_1704, %and3A_1715 : vector<16xi32>
        %shift_right_arithmetic3A_1717 = arith.constant 7 : i32
        %shift_right_arithmetic3A_1718 = vector.broadcast %shift_right_arithmetic3A_1717 : i32 to vector<16xi32>
        %shift_right_arithmetic3A_1719 = arith.shrsi %add3A_1657, %shift_right_arithmetic3A_1718 : vector<16xi32>
        %and3A_1720 = arith.constant 127 : i32
        %and3A_1721 = vector.broadcast %and3A_1720 : i32 to vector<16xi32>
        %and3A_1722 = arith.andi %add3A_1657, %and3A_1721 : vector<16xi32>
        %gather3A_1723 = arith.constant 0 : i32
        %gather3A_1724 = arith.constant 0 : i32
        %gather3A_1725 = arith.constant 0 : i32
        %gather3A_1726 = arith.constant 0 : i32
        %gather3A_1727 = arith.constant 0 : i32
        %gather3A_1728 = tpu.memref_slice %arg7[%gather3A_1723, %gather3A_1724, %gather3A_1725, %gather3A_1726, %gather3A_1727] : memref<2x2x8x8x128xf32, #tpu.memory_space<vmem>> -> memref<1x2x8x8x128xf32, #tpu.memory_space<vmem>>
        %gather3A_1729 = tpu.memref_squeeze %gather3A_1728 : memref<1x2x8x8x128xf32, #tpu.memory_space<vmem>> -> memref<2x8x8x128xf32, #tpu.memory_space<vmem>>
        %gather3A_1730 = tpu.vector_load_idx %gather3A_1729[%shift_right_arithmetic3A_1713, %shift_right_arithmetic3A_1719, %and3A_1716, %and3A_1722] : memref<2x8x8x128xf32, #tpu.memory_space<vmem>>[vector<16xi32>, vector<16xi32>, vector<16xi32>, vector<16xi32>], vector<16xf32>,
        %gather3A_1731 = arith.constant 0 : i32
        %gather3A_1732 = arith.constant 0 : i32
        %gather3A_1733 = arith.constant 0 : i32
        %gather3A_1734 = arith.constant 0 : i32
        %gather3A_1735 = arith.constant 0 : i32
        %gather3A_1736 = tpu.memref_slice %arg8[%gather3A_1731, %gather3A_1732, %gather3A_1733, %gather3A_1734, %gather3A_1735] : memref<2x2x8x8x128xf32, #tpu.memory_space<vmem>> -> memref<1x2x8x8x128xf32, #tpu.memory_space<vmem>>
        %gather3A_1737 = tpu.memref_squeeze %gather3A_1736 : memref<1x2x8x8x128xf32, #tpu.memory_space<vmem>> -> memref<2x8x8x128xf32, #tpu.memory_space<vmem>>
        %gather3A_1738 = tpu.vector_load_idx %gather3A_1737[%shift_right_arithmetic3A_1713, %shift_right_arithmetic3A_1719, %and3A_1716, %and3A_1722] : memref<2x8x8x128xf32, #tpu.memory_space<vmem>>[vector<16xi32>, vector<16xi32>, vector<16xi32>, vector<16xi32>], vector<16xf32>,
        %mul3A_1739 = arith.mulf %gather3A_1738, %get3A_1710 : vector<16xf32>
        %add3A_1740 = arith.addf %gather3A_1730, %mul3A_1739 : vector<16xf32>
        %mul3A_1741 = arith.constant 16 : i32
        %mul3A_1742 = arith.muli %scan3A_1652, %mul3A_1741 : i32
        %swap3A_1743 = arith.constant 0 : i32
        %swap3A_1744 = arith.index_cast %swap3A_1743 : i32 to index
        %swap3A_1745 = arith.index_cast %mul3A_1742 : i32 to index
        %swap3A_1746 = tpu.vector_load %arg11[%swap3A_1744, %swap3A_1745] {strides = array<i32>} : memref<2x1024xf32, #tpu.memory_space<vmem>>, vector<16xf32>,
        tpu.vector_store %arg11[%swap3A_1744, %swap3A_1745], %add3A_1740 {strides = array<i32>} : memref<2x1024xf32, #tpu.memory_space<vmem>>, vector<16xf32>,
        %scan3A_1747 = arith.constant 5 : i32
        %scan3A_1748 = arith.addi %scan3A_1273, %scan3A_1747 : i32
        %iota3A_1749 = tpu.iota {dimensions = array<i32: 0>} : vector<16xi32>
        %mul3A_1750 = arith.constant 16 : i32
        %mul3A_1751 = arith.muli %scan3A_1748, %mul3A_1750 : i32
        %add3A_1752 = vector.broadcast %mul3A_1751 : i32 to vector<16xi32>
        %add3A_1753 = arith.addi %iota3A_1749, %add3A_1752 : vector<16xi32>
        %jit3A_1754 = arith.constant 8 : i32
        %div3A_1755 = arith.divsi %scan3A_1748, %jit3A_1754 : i32
        %sign3A_1756 = arith.constant 0 : i32
        %sign3A_1757 = arith.cmpi sgt, %scan3A_1748, %sign3A_1756 : i32
        %sign3A_1758 = arith.extui %sign3A_1757 : i1 to i32
        %sign3A_1759 = arith.constant 0 : i32
        %sign3A_1760 = arith.cmpi slt, %scan3A_1748, %sign3A_1759 : i32
        %sign3A_1761 = arith.extui %sign3A_1760 : i1 to i32
        %sign3A_1762 = arith.subi %sign3A_1758, %sign3A_1761 : i32
        %sign3A_1763 = arith.constant 0 : i32
        %sign3A_1764 = arith.cmpi sgt, %jit3A_1754, %sign3A_1763 : i32
        %sign3A_1765 = arith.extui %sign3A_1764 : i1 to i32
        %sign3A_1766 = arith.constant 0 : i32
        %sign3A_1767 = arith.cmpi slt, %jit3A_1754, %sign3A_1766 : i32
        %sign3A_1768 = arith.extui %sign3A_1767 : i1 to i32
        %sign3A_1769 = arith.subi %sign3A_1765, %sign3A_1768 : i32
        %ne3A_1770 = arith.cmpi ne, %sign3A_1762, %sign3A_1769 : i32
        %rem3A_1771 = arith.remsi %scan3A_1748, %jit3A_1754 : i32
        %ne3A_1772 = arith.constant 0 : i32
        %ne3A_1773 = arith.cmpi ne, %rem3A_1771, %ne3A_1772 : i32
        %and3A_1774 = arith.andi %ne3A_1770, %ne3A_1773 : i1
        %sub3A_1775 = arith.constant 1 : i32
        %sub3A_1776 = arith.subi %div3A_1755, %sub3A_1775 : i32
        %select_n3A_1777 = arith.select %and3A_1774, %sub3A_1776, %div3A_1755 : i32
        %jit3A_1778 = arith.constant 8 : i32
        %eq3A_1779 = arith.constant 0 : i32
        %eq3A_1780 = arith.cmpi eq, %jit3A_1778, %eq3A_1779 : i32
        %jit3A_1781 = arith.constant 1 : i32
        %select_n3A_1782 = arith.select %eq3A_1780, %jit3A_1781, %jit3A_1778 : i32
        %rem3A_1783 = arith.remsi %scan3A_1748, %select_n3A_1782 : i32
        %ne3A_1784 = arith.constant 0 : i32
        %ne3A_1785 = arith.cmpi ne, %rem3A_1783, %ne3A_1784 : i32
        %lt3A_1786 = arith.constant 0 : i32
        %lt3A_1787 = arith.cmpi slt, %rem3A_1783, %lt3A_1786 : i32
        %lt3A_1788 = arith.constant 0 : i32
        %lt3A_1789 = arith.cmpi slt, %select_n3A_1782, %lt3A_1788 : i32
        %ne3A_1790 = arith.xori %lt3A_1787, %lt3A_1789 : i1
        %and3A_1791 = arith.andi %ne3A_1790, %ne3A_1785 : i1
        %add3A_1792 = arith.addi %rem3A_1783, %select_n3A_1782 : i32
        %select_n3A_1793 = arith.select %and3A_1791, %add3A_1792, %rem3A_1783 : i32
        %mul3A_1794 = arith.constant 16 : i32
        %mul3A_1795 = arith.muli %select_n3A_1793, %mul3A_1794 : i32
        %get3A_1796 = arith.constant 0 : i32
        %get3A_1797 = arith.index_cast %get3A_1796 : i32 to index
        %get3A_1798 = arith.index_cast %select_n3A_1777 : i32 to index
        %get3A_1799 = arith.index_cast %mul3A_1795 : i32 to index
        %get3A_1800 = tpu.vector_load %arg9[%get3A_1797, %get3A_1798, %get3A_1799] {strides = array<i32>} : memref<2x8x128xi32, #tpu.memory_space<vmem>>, vector<16xi32>,
        %mul3A_1801 = arith.constant 16 : i32
        %mul3A_1802 = arith.muli %scan3A_1748, %mul3A_1801 : i32
        %get3A_1803 = arith.constant 0 : i32
        %get3A_1804 = arith.index_cast %get3A_1803 : i32 to index
        %get3A_1805 = arith.index_cast %mul3A_1802 : i32 to index
        %get3A_1806 = tpu.vector_load %arg10[%get3A_1804, %get3A_1805] {strides = array<i32>} : memref<2x1024xf32, #tpu.memory_space<vmem>>, vector<16xf32>,
        %shift_right_arithmetic3A_1807 = arith.constant 3 : i32
        %shift_right_arithmetic3A_1808 = vector.broadcast %shift_right_arithmetic3A_1807 : i32 to vector<16xi32>
        %shift_right_arithmetic3A_1809 = arith.shrsi %get3A_1800, %shift_right_arithmetic3A_1808 : vector<16xi32>
        %and3A_1810 = arith.constant 7 : i32
        %and3A_1811 = vector.broadcast %and3A_1810 : i32 to vector<16xi32>
        %and3A_1812 = arith.andi %get3A_1800, %and3A_1811 : vector<16xi32>
        %shift_right_arithmetic3A_1813 = arith.constant 7 : i32
        %shift_right_arithmetic3A_1814 = vector.broadcast %shift_right_arithmetic3A_1813 : i32 to vector<16xi32>
        %shift_right_arithmetic3A_1815 = arith.shrsi %add3A_1753, %shift_right_arithmetic3A_1814 : vector<16xi32>
        %and3A_1816 = arith.constant 127 : i32
        %and3A_1817 = vector.broadcast %and3A_1816 : i32 to vector<16xi32>
        %and3A_1818 = arith.andi %add3A_1753, %and3A_1817 : vector<16xi32>
        %gather3A_1819 = arith.constant 0 : i32
        %gather3A_1820 = arith.constant 0 : i32
        %gather3A_1821 = arith.constant 0 : i32
        %gather3A_1822 = arith.constant 0 : i32
        %gather3A_1823 = arith.constant 0 : i32
        %gather3A_1824 = tpu.memref_slice %arg7[%gather3A_1819, %gather3A_1820, %gather3A_1821, %gather3A_1822, %gather3A_1823] : memref<2x2x8x8x128xf32, #tpu.memory_space<vmem>> -> memref<1x2x8x8x128xf32, #tpu.memory_space<vmem>>
        %gather3A_1825 = tpu.memref_squeeze %gather3A_1824 : memref<1x2x8x8x128xf32, #tpu.memory_space<vmem>> -> memref<2x8x8x128xf32, #tpu.memory_space<vmem>>
        %gather3A_1826 = tpu.vector_load_idx %gather3A_1825[%shift_right_arithmetic3A_1809, %shift_right_arithmetic3A_1815, %and3A_1812, %and3A_1818] : memref<2x8x8x128xf32, #tpu.memory_space<vmem>>[vector<16xi32>, vector<16xi32>, vector<16xi32>, vector<16xi32>], vector<16xf32>,
        %gather3A_1827 = arith.constant 0 : i32
        %gather3A_1828 = arith.constant 0 : i32
        %gather3A_1829 = arith.constant 0 : i32
        %gather3A_1830 = arith.constant 0 : i32
        %gather3A_1831 = arith.constant 0 : i32
        %gather3A_1832 = tpu.memref_slice %arg8[%gather3A_1827, %gather3A_1828, %gather3A_1829, %gather3A_1830, %gather3A_1831] : memref<2x2x8x8x128xf32, #tpu.memory_space<vmem>> -> memref<1x2x8x8x128xf32, #tpu.memory_space<vmem>>
        %gather3A_1833 = tpu.memref_squeeze %gather3A_1832 : memref<1x2x8x8x128xf32, #tpu.memory_space<vmem>> -> memref<2x8x8x128xf32, #tpu.memory_space<vmem>>
        %gather3A_1834 = tpu.vector_load_idx %gather3A_1833[%shift_right_arithmetic3A_1809, %shift_right_arithmetic3A_1815, %and3A_1812, %and3A_1818] : memref<2x8x8x128xf32, #tpu.memory_space<vmem>>[vector<16xi32>, vector<16xi32>, vector<16xi32>, vector<16xi32>], vector<16xf32>,
        %mul3A_1835 = arith.mulf %gather3A_1834, %get3A_1806 : vector<16xf32>
        %add3A_1836 = arith.addf %gather3A_1826, %mul3A_1835 : vector<16xf32>
        %mul3A_1837 = arith.constant 16 : i32
        %mul3A_1838 = arith.muli %scan3A_1748, %mul3A_1837 : i32
        %swap3A_1839 = arith.constant 0 : i32
        %swap3A_1840 = arith.index_cast %swap3A_1839 : i32 to index
        %swap3A_1841 = arith.index_cast %mul3A_1838 : i32 to index
        %swap3A_1842 = tpu.vector_load %arg11[%swap3A_1840, %swap3A_1841] {strides = array<i32>} : memref<2x1024xf32, #tpu.memory_space<vmem>>, vector<16xf32>,
        tpu.vector_store %arg11[%swap3A_1840, %swap3A_1841], %add3A_1836 {strides = array<i32>} : memref<2x1024xf32, #tpu.memory_space<vmem>>, vector<16xf32>,
        %scan3A_1843 = arith.constant 6 : i32
        %scan3A_1844 = arith.addi %scan3A_1273, %scan3A_1843 : i32
        %iota3A_1845 = tpu.iota {dimensions = array<i32: 0>} : vector<16xi32>
        %mul3A_1846 = arith.constant 16 : i32
        %mul3A_1847 = arith.muli %scan3A_1844, %mul3A_1846 : i32
        %add3A_1848 = vector.broadcast %mul3A_1847 : i32 to vector<16xi32>
        %add3A_1849 = arith.addi %iota3A_1845, %add3A_1848 : vector<16xi32>
        %jit3A_1850 = arith.constant 8 : i32
        %div3A_1851 = arith.divsi %scan3A_1844, %jit3A_1850 : i32
        %sign3A_1852 = arith.constant 0 : i32
        %sign3A_1853 = arith.cmpi sgt, %scan3A_1844, %sign3A_1852 : i32
        %sign3A_1854 = arith.extui %sign3A_1853 : i1 to i32
        %sign3A_1855 = arith.constant 0 : i32
        %sign3A_1856 = arith.cmpi slt, %scan3A_1844, %sign3A_1855 : i32
        %sign3A_1857 = arith.extui %sign3A_1856 : i1 to i32
        %sign3A_1858 = arith.subi %sign3A_1854, %sign3A_1857 : i32
        %sign3A_1859 = arith.constant 0 : i32
        %sign3A_1860 = arith.cmpi sgt, %jit3A_1850, %sign3A_1859 : i32
        %sign3A_1861 = arith.extui %sign3A_1860 : i1 to i32
        %sign3A_1862 = arith.constant 0 : i32
        %sign3A_1863 = arith.cmpi slt, %jit3A_1850, %sign3A_1862 : i32
        %sign3A_1864 = arith.extui %sign3A_1863 : i1 to i32
        %sign3A_1865 = arith.subi %sign3A_1861, %sign3A_1864 : i32
        %ne3A_1866 = arith.cmpi ne, %sign3A_1858, %sign3A_1865 : i32
        %rem3A_1867 = arith.remsi %scan3A_1844, %jit3A_1850 : i32
        %ne3A_1868 = arith.constant 0 : i32
        %ne3A_1869 = arith.cmpi ne, %rem3A_1867, %ne3A_1868 : i32
        %and3A_1870 = arith.andi %ne3A_1866, %ne3A_1869 : i1
        %sub3A_1871 = arith.constant 1 : i32
        %sub3A_1872 = arith.subi %div3A_1851, %sub3A_1871 : i32
        %select_n3A_1873 = arith.select %and3A_1870, %sub3A_1872, %div3A_1851 : i32
        %jit3A_1874 = arith.constant 8 : i32
        %eq3A_1875 = arith.constant 0 : i32
        %eq3A_1876 = arith.cmpi eq, %jit3A_1874, %eq3A_1875 : i32
        %jit3A_1877 = arith.constant 1 : i32
        %select_n3A_1878 = arith.select %eq3A_1876, %jit3A_1877, %jit3A_1874 : i32
        %rem3A_1879 = arith.remsi %scan3A_1844, %select_n3A_1878 : i32
        %ne3A_1880 = arith.constant 0 : i32
        %ne3A_1881 = arith.cmpi ne, %rem3A_1879, %ne3A_1880 : i32
        %lt3A_1882 = arith.constant 0 : i32
        %lt3A_1883 = arith.cmpi slt, %rem3A_1879, %lt3A_1882 : i32
        %lt3A_1884 = arith.constant 0 : i32
        %lt3A_1885 = arith.cmpi slt, %select_n3A_1878, %lt3A_1884 : i32
        %ne3A_1886 = arith.xori %lt3A_1883, %lt3A_1885 : i1
        %and3A_1887 = arith.andi %ne3A_1886, %ne3A_1881 : i1
        %add3A_1888 = arith.addi %rem3A_1879, %select_n3A_1878 : i32
        %select_n3A_1889 = arith.select %and3A_1887, %add3A_1888, %rem3A_1879 : i32
        %mul3A_1890 = arith.constant 16 : i32
        %mul3A_1891 = arith.muli %select_n3A_1889, %mul3A_1890 : i32
        %get3A_1892 = arith.constant 0 : i32
        %get3A_1893 = arith.index_cast %get3A_1892 : i32 to index
        %get3A_1894 = arith.index_cast %select_n3A_1873 : i32 to index
        %get3A_1895 = arith.index_cast %mul3A_1891 : i32 to index
        %get3A_1896 = tpu.vector_load %arg9[%get3A_1893, %get3A_1894, %get3A_1895] {strides = array<i32>} : memref<2x8x128xi32, #tpu.memory_space<vmem>>, vector<16xi32>,
        %mul3A_1897 = arith.constant 16 : i32
        %mul3A_1898 = arith.muli %scan3A_1844, %mul3A_1897 : i32
        %get3A_1899 = arith.constant 0 : i32
        %get3A_1900 = arith.index_cast %get3A_1899 : i32 to index
        %get3A_1901 = arith.index_cast %mul3A_1898 : i32 to index
        %get3A_1902 = tpu.vector_load %arg10[%get3A_1900, %get3A_1901] {strides = array<i32>} : memref<2x1024xf32, #tpu.memory_space<vmem>>, vector<16xf32>,
        %shift_right_arithmetic3A_1903 = arith.constant 3 : i32
        %shift_right_arithmetic3A_1904 = vector.broadcast %shift_right_arithmetic3A_1903 : i32 to vector<16xi32>
        %shift_right_arithmetic3A_1905 = arith.shrsi %get3A_1896, %shift_right_arithmetic3A_1904 : vector<16xi32>
        %and3A_1906 = arith.constant 7 : i32
        %and3A_1907 = vector.broadcast %and3A_1906 : i32 to vector<16xi32>
        %and3A_1908 = arith.andi %get3A_1896, %and3A_1907 : vector<16xi32>
        %shift_right_arithmetic3A_1909 = arith.constant 7 : i32
        %shift_right_arithmetic3A_1910 = vector.broadcast %shift_right_arithmetic3A_1909 : i32 to vector<16xi32>
        %shift_right_arithmetic3A_1911 = arith.shrsi %add3A_1849, %shift_right_arithmetic3A_1910 : vector<16xi32>
        %and3A_1912 = arith.constant 127 : i32
        %and3A_1913 = vector.broadcast %and3A_1912 : i32 to vector<16xi32>
        %and3A_1914 = arith.andi %add3A_1849, %and3A_1913 : vector<16xi32>
        %gather3A_1915 = arith.constant 0 : i32
        %gather3A_1916 = arith.constant 0 : i32
        %gather3A_1917 = arith.constant 0 : i32
        %gather3A_1918 = arith.constant 0 : i32
        %gather3A_1919 = arith.constant 0 : i32
        %gather3A_1920 = tpu.memref_slice %arg7[%gather3A_1915, %gather3A_1916, %gather3A_1917, %gather3A_1918, %gather3A_1919] : memref<2x2x8x8x128xf32, #tpu.memory_space<vmem>> -> memref<1x2x8x8x128xf32, #tpu.memory_space<vmem>>
        %gather3A_1921 = tpu.memref_squeeze %gather3A_1920 : memref<1x2x8x8x128xf32, #tpu.memory_space<vmem>> -> memref<2x8x8x128xf32, #tpu.memory_space<vmem>>
        %gather3A_1922 = tpu.vector_load_idx %gather3A_1921[%shift_right_arithmetic3A_1905, %shift_right_arithmetic3A_1911, %and3A_1908, %and3A_1914] : memref<2x8x8x128xf32, #tpu.memory_space<vmem>>[vector<16xi32>, vector<16xi32>, vector<16xi32>, vector<16xi32>], vector<16xf32>,
        %gather3A_1923 = arith.constant 0 : i32
        %gather3A_1924 = arith.constant 0 : i32
        %gather3A_1925 = arith.constant 0 : i32
        %gather3A_1926 = arith.constant 0 : i32
        %gather3A_1927 = arith.constant 0 : i32
        %gather3A_1928 = tpu.memref_slice %arg8[%gather3A_1923, %gather3A_1924, %gather3A_1925, %gather3A_1926, %gather3A_1927] : memref<2x2x8x8x128xf32, #tpu.memory_space<vmem>> -> memref<1x2x8x8x128xf32, #tpu.memory_space<vmem>>
        %gather3A_1929 = tpu.memref_squeeze %gather3A_1928 : memref<1x2x8x8x128xf32, #tpu.memory_space<vmem>> -> memref<2x8x8x128xf32, #tpu.memory_space<vmem>>
        %gather3A_1930 = tpu.vector_load_idx %gather3A_1929[%shift_right_arithmetic3A_1905, %shift_right_arithmetic3A_1911, %and3A_1908, %and3A_1914] : memref<2x8x8x128xf32, #tpu.memory_space<vmem>>[vector<16xi32>, vector<16xi32>, vector<16xi32>, vector<16xi32>], vector<16xf32>,
        %mul3A_1931 = arith.mulf %gather3A_1930, %get3A_1902 : vector<16xf32>
        %add3A_1932 = arith.addf %gather3A_1922, %mul3A_1931 : vector<16xf32>
        %mul3A_1933 = arith.constant 16 : i32
        %mul3A_1934 = arith.muli %scan3A_1844, %mul3A_1933 : i32
        %swap3A_1935 = arith.constant 0 : i32
        %swap3A_1936 = arith.index_cast %swap3A_1935 : i32 to index
        %swap3A_1937 = arith.index_cast %mul3A_1934 : i32 to index
        %swap3A_1938 = tpu.vector_load %arg11[%swap3A_1936, %swap3A_1937] {strides = array<i32>} : memref<2x1024xf32, #tpu.memory_space<vmem>>, vector<16xf32>,
        tpu.vector_store %arg11[%swap3A_1936, %swap3A_1937], %add3A_1932 {strides = array<i32>} : memref<2x1024xf32, #tpu.memory_space<vmem>>, vector<16xf32>,
        %scan3A_1939 = arith.constant 7 : i32
        %scan3A_1940 = arith.addi %scan3A_1273, %scan3A_1939 : i32
        %iota3A_1941 = tpu.iota {dimensions = array<i32: 0>} : vector<16xi32>
        %mul3A_1942 = arith.constant 16 : i32
        %mul3A_1943 = arith.muli %scan3A_1940, %mul3A_1942 : i32
        %add3A_1944 = vector.broadcast %mul3A_1943 : i32 to vector<16xi32>
        %add3A_1945 = arith.addi %iota3A_1941, %add3A_1944 : vector<16xi32>
        %jit3A_1946 = arith.constant 8 : i32
        %div3A_1947 = arith.divsi %scan3A_1940, %jit3A_1946 : i32
        %sign3A_1948 = arith.constant 0 : i32
        %sign3A_1949 = arith.cmpi sgt, %scan3A_1940, %sign3A_1948 : i32
        %sign3A_1950 = arith.extui %sign3A_1949 : i1 to i32
        %sign3A_1951 = arith.constant 0 : i32
        %sign3A_1952 = arith.cmpi slt, %scan3A_1940, %sign3A_1951 : i32
        %sign3A_1953 = arith.extui %sign3A_1952 : i1 to i32
        %sign3A_1954 = arith.subi %sign3A_1950, %sign3A_1953 : i32
        %sign3A_1955 = arith.constant 0 : i32
        %sign3A_1956 = arith.cmpi sgt, %jit3A_1946, %sign3A_1955 : i32
        %sign3A_1957 = arith.extui %sign3A_1956 : i1 to i32
        %sign3A_1958 = arith.constant 0 : i32
        %sign3A_1959 = arith.cmpi slt, %jit3A_1946, %sign3A_1958 : i32
        %sign3A_1960 = arith.extui %sign3A_1959 : i1 to i32
        %sign3A_1961 = arith.subi %sign3A_1957, %sign3A_1960 : i32
        %ne3A_1962 = arith.cmpi ne, %sign3A_1954, %sign3A_1961 : i32
        %rem3A_1963 = arith.remsi %scan3A_1940, %jit3A_1946 : i32
        %ne3A_1964 = arith.constant 0 : i32
        %ne3A_1965 = arith.cmpi ne, %rem3A_1963, %ne3A_1964 : i32
        %and3A_1966 = arith.andi %ne3A_1962, %ne3A_1965 : i1
        %sub3A_1967 = arith.constant 1 : i32
        %sub3A_1968 = arith.subi %div3A_1947, %sub3A_1967 : i32
        %select_n3A_1969 = arith.select %and3A_1966, %sub3A_1968, %div3A_1947 : i32
        %jit3A_1970 = arith.constant 8 : i32
        %eq3A_1971 = arith.constant 0 : i32
        %eq3A_1972 = arith.cmpi eq, %jit3A_1970, %eq3A_1971 : i32
        %jit3A_1973 = arith.constant 1 : i32
        %select_n3A_1974 = arith.select %eq3A_1972, %jit3A_1973, %jit3A_1970 : i32
        %rem3A_1975 = arith.remsi %scan3A_1940, %select_n3A_1974 : i32
        %ne3A_1976 = arith.constant 0 : i32
        %ne3A_1977 = arith.cmpi ne, %rem3A_1975, %ne3A_1976 : i32
        %lt3A_1978 = arith.constant 0 : i32
        %lt3A_1979 = arith.cmpi slt, %rem3A_1975, %lt3A_1978 : i32
        %lt3A_1980 = arith.constant 0 : i32
        %lt3A_1981 = arith.cmpi slt, %select_n3A_1974, %lt3A_1980 : i32
        %ne3A_1982 = arith.xori %lt3A_1979, %lt3A_1981 : i1
        %and3A_1983 = arith.andi %ne3A_1982, %ne3A_1977 : i1
        %add3A_1984 = arith.addi %rem3A_1975, %select_n3A_1974 : i32
        %select_n3A_1985 = arith.select %and3A_1983, %add3A_1984, %rem3A_1975 : i32
        %mul3A_1986 = arith.constant 16 : i32
        %mul3A_1987 = arith.muli %select_n3A_1985, %mul3A_1986 : i32
        %get3A_1988 = arith.constant 0 : i32
        %get3A_1989 = arith.index_cast %get3A_1988 : i32 to index
        %get3A_1990 = arith.index_cast %select_n3A_1969 : i32 to index
        %get3A_1991 = arith.index_cast %mul3A_1987 : i32 to index
        %get3A_1992 = tpu.vector_load %arg9[%get3A_1989, %get3A_1990, %get3A_1991] {strides = array<i32>} : memref<2x8x128xi32, #tpu.memory_space<vmem>>, vector<16xi32>,
        %mul3A_1993 = arith.constant 16 : i32
        %mul3A_1994 = arith.muli %scan3A_1940, %mul3A_1993 : i32
        %get3A_1995 = arith.constant 0 : i32
        %get3A_1996 = arith.index_cast %get3A_1995 : i32 to index
        %get3A_1997 = arith.index_cast %mul3A_1994 : i32 to index
        %get3A_1998 = tpu.vector_load %arg10[%get3A_1996, %get3A_1997] {strides = array<i32>} : memref<2x1024xf32, #tpu.memory_space<vmem>>, vector<16xf32>,
        %shift_right_arithmetic3A_1999 = arith.constant 3 : i32
        %shift_right_arithmetic3A_2000 = vector.broadcast %shift_right_arithmetic3A_1999 : i32 to vector<16xi32>
        %shift_right_arithmetic3A_2001 = arith.shrsi %get3A_1992, %shift_right_arithmetic3A_2000 : vector<16xi32>
        %and3A_2002 = arith.constant 7 : i32
        %and3A_2003 = vector.broadcast %and3A_2002 : i32 to vector<16xi32>
        %and3A_2004 = arith.andi %get3A_1992, %and3A_2003 : vector<16xi32>
        %shift_right_arithmetic3A_2005 = arith.constant 7 : i32
        %shift_right_arithmetic3A_2006 = vector.broadcast %shift_right_arithmetic3A_2005 : i32 to vector<16xi32>
        %shift_right_arithmetic3A_2007 = arith.shrsi %add3A_1945, %shift_right_arithmetic3A_2006 : vector<16xi32>
        %and3A_2008 = arith.constant 127 : i32
        %and3A_2009 = vector.broadcast %and3A_2008 : i32 to vector<16xi32>
        %and3A_2010 = arith.andi %add3A_1945, %and3A_2009 : vector<16xi32>
        %gather3A_2011 = arith.constant 0 : i32
        %gather3A_2012 = arith.constant 0 : i32
        %gather3A_2013 = arith.constant 0 : i32
        %gather3A_2014 = arith.constant 0 : i32
        %gather3A_2015 = arith.constant 0 : i32
        %gather3A_2016 = tpu.memref_slice %arg7[%gather3A_2011, %gather3A_2012, %gather3A_2013, %gather3A_2014, %gather3A_2015] : memref<2x2x8x8x128xf32, #tpu.memory_space<vmem>> -> memref<1x2x8x8x128xf32, #tpu.memory_space<vmem>>
        %gather3A_2017 = tpu.memref_squeeze %gather3A_2016 : memref<1x2x8x8x128xf32, #tpu.memory_space<vmem>> -> memref<2x8x8x128xf32, #tpu.memory_space<vmem>>
        %gather3A_2018 = tpu.vector_load_idx %gather3A_2017[%shift_right_arithmetic3A_2001, %shift_right_arithmetic3A_2007, %and3A_2004, %and3A_2010] : memref<2x8x8x128xf32, #tpu.memory_space<vmem>>[vector<16xi32>, vector<16xi32>, vector<16xi32>, vector<16xi32>], vector<16xf32>,
        %gather3A_2019 = arith.constant 0 : i32
        %gather3A_2020 = arith.constant 0 : i32
        %gather3A_2021 = arith.constant 0 : i32
        %gather3A_2022 = arith.constant 0 : i32
        %gather3A_2023 = arith.constant 0 : i32
        %gather3A_2024 = tpu.memref_slice %arg8[%gather3A_2019, %gather3A_2020, %gather3A_2021, %gather3A_2022, %gather3A_2023] : memref<2x2x8x8x128xf32, #tpu.memory_space<vmem>> -> memref<1x2x8x8x128xf32, #tpu.memory_space<vmem>>
        %gather3A_2025 = tpu.memref_squeeze %gather3A_2024 : memref<1x2x8x8x128xf32, #tpu.memory_space<vmem>> -> memref<2x8x8x128xf32, #tpu.memory_space<vmem>>
        %gather3A_2026 = tpu.vector_load_idx %gather3A_2025[%shift_right_arithmetic3A_2001, %shift_right_arithmetic3A_2007, %and3A_2004, %and3A_2010] : memref<2x8x8x128xf32, #tpu.memory_space<vmem>>[vector<16xi32>, vector<16xi32>, vector<16xi32>, vector<16xi32>], vector<16xf32>,
        %mul3A_2027 = arith.mulf %gather3A_2026, %get3A_1998 : vector<16xf32>
        %add3A_2028 = arith.addf %gather3A_2018, %mul3A_2027 : vector<16xf32>
        %mul3A_2029 = arith.constant 16 : i32
        %mul3A_2030 = arith.muli %scan3A_1940, %mul3A_2029 : i32
        %swap3A_2031 = arith.constant 0 : i32
        %swap3A_2032 = arith.index_cast %swap3A_2031 : i32 to index
        %swap3A_2033 = arith.index_cast %mul3A_2030 : i32 to index
        %swap3A_2034 = tpu.vector_load %arg11[%swap3A_2032, %swap3A_2033] {strides = array<i32>} : memref<2x1024xf32, #tpu.memory_space<vmem>>, vector<16xf32>,
        tpu.vector_store %arg11[%swap3A_2032, %swap3A_2033], %add3A_2028 {strides = array<i32>} : memref<2x1024xf32, #tpu.memory_space<vmem>>, vector<16xf32>,
      }
      %scan3A_845 = arith.constant 64 : i32
      %mul3A_846 = arith.constant 1024 : i32
      %mul3A_847 = arith.muli %add3A_453, %mul3A_846 : i32
      %sub3A_848 = arith.constant 360448 : i32
      %sub3A_849 = arith.subi %mul3A_847, %sub3A_848 : i32
      %dma_start3A_850 = arith.constant 0 : i32
      %dma_start3A_851 = arith.constant 0 : i32
      %dma_start3A_852 = tpu.memref_slice %arg11[%dma_start3A_850, %dma_start3A_851] : memref<2x1024xf32, #tpu.memory_space<vmem>> -> memref<1x1024xf32, #tpu.memory_space<vmem>>
      %dma_start3A_853 = tpu.memref_squeeze %dma_start3A_852 : memref<1x1024xf32, #tpu.memory_space<vmem>> -> memref<1024xf32, #tpu.memory_space<vmem>>
      %dma_start3A_854 = tpu.memref_slice %arg6[%sub3A_849] : memref<688128xf32, #tpu.memory_space<hbm>> -> memref<1024xf32, #tpu.memory_space<hbm>>
      %dma_start3A_855 = tpu.memref_slice %arg6[%sub3A_849] : memref<688128xf32, #tpu.memory_space<hbm>> -> memref<1024xf32, #tpu.memory_space<hbm>>
      %dma_start3A_856 = arith.constant 0 : i32
      %dma_start3A_857 = tpu.memref_slice %arg11[%dma_start3A_850, %dma_start3A_856] : memref<2x1024xf32, #tpu.memory_space<vmem>> -> memref<1x1024xf32, #tpu.memory_space<vmem>>
      %dma_start3A_858 = tpu.memref_squeeze %dma_start3A_857 : memref<1x1024xf32, #tpu.memory_space<vmem>> -> memref<1024xf32, #tpu.memory_space<vmem>>
      tpu.enqueue_dma source(%dma_start3A_858 : memref<1024xf32, #tpu.memory_space<vmem>>) target(%dma_start3A_855 : memref<1024xf32, #tpu.memory_space<hbm>>) target_semaphore(%arg14 : memref<!tpu.dma_semaphore, #tpu.memory_space<semaphore_mem>>)
      %mul3A_859 = arith.constant 2 : i32
      %mul3A_860 = arith.muli %mul3A_859, %scan3A_450 : i32
      %add3A_861 = arith.constant 1 : i32
      %add3A_862 = arith.addi %mul3A_860, %add3A_861 : i32
      %add3A_863 = arith.addi %add3A_4, %add3A_862 : i32
      %add3A_864 = arith.constant 1 : i32
      %add3A_865 = arith.addi %add3A_862, %add3A_864 : i32
      %min3A_866 = arith.constant 20 : i32
      %min3A_867 = arith.minsi %add3A_865, %min3A_866 : i32
      %add3A_868 = arith.addi %add3A_4, %min3A_867 : i32
      %jit3A_869 = arith.constant 8 : i32
      %div3A_870 = arith.divsi %add3A_868, %jit3A_869 : i32
      %sign3A_871 = arith.constant 0 : i32
      %sign3A_872 = arith.cmpi sgt, %add3A_868, %sign3A_871 : i32
      %sign3A_873 = arith.extui %sign3A_872 : i1 to i32
      %sign3A_874 = arith.constant 0 : i32
      %sign3A_875 = arith.cmpi slt, %add3A_868, %sign3A_874 : i32
      %sign3A_876 = arith.extui %sign3A_875 : i1 to i32
      %sign3A_877 = arith.subi %sign3A_873, %sign3A_876 : i32
      %sign3A_878 = arith.constant 0 : i32
      %sign3A_879 = arith.cmpi sgt, %jit3A_869, %sign3A_878 : i32
      %sign3A_880 = arith.extui %sign3A_879 : i1 to i32
      %sign3A_881 = arith.constant 0 : i32
      %sign3A_882 = arith.cmpi slt, %jit3A_869, %sign3A_881 : i32
      %sign3A_883 = arith.extui %sign3A_882 : i1 to i32
      %sign3A_884 = arith.subi %sign3A_880, %sign3A_883 : i32
      %ne3A_885 = arith.cmpi ne, %sign3A_877, %sign3A_884 : i32
      %rem3A_886 = arith.remsi %add3A_868, %jit3A_869 : i32
      %ne3A_887 = arith.constant 0 : i32
      %ne3A_888 = arith.cmpi ne, %rem3A_886, %ne3A_887 : i32
      %and3A_889 = arith.andi %ne3A_885, %ne3A_888 : i1
      %sub3A_890 = arith.constant 1 : i32
      %sub3A_891 = arith.subi %div3A_870, %sub3A_890 : i32
      %select_n3A_892 = arith.select %and3A_889, %sub3A_891, %div3A_870 : i32
      %jit3A_893 = arith.constant 8 : i32
      %eq3A_894 = arith.constant 0 : i32
      %eq3A_895 = arith.cmpi eq, %jit3A_893, %eq3A_894 : i32
      %jit3A_896 = arith.constant 1 : i32
      %select_n3A_897 = arith.select %eq3A_895, %jit3A_896, %jit3A_893 : i32
      %rem3A_898 = arith.remsi %add3A_868, %select_n3A_897 : i32
      %ne3A_899 = arith.constant 0 : i32
      %ne3A_900 = arith.cmpi ne, %rem3A_898, %ne3A_899 : i32
      %lt3A_901 = arith.constant 0 : i32
      %lt3A_902 = arith.cmpi slt, %rem3A_898, %lt3A_901 : i32
      %lt3A_903 = arith.constant 0 : i32
      %lt3A_904 = arith.cmpi slt, %select_n3A_897, %lt3A_903 : i32
      %ne3A_905 = arith.xori %lt3A_902, %lt3A_904 : i1
      %and3A_906 = arith.andi %ne3A_905, %ne3A_900 : i1
      %add3A_907 = arith.addi %rem3A_898, %select_n3A_897 : i32
      %select_n3A_908 = arith.select %and3A_906, %add3A_907, %rem3A_898 : i32
      %mul3A_909 = arith.constant 8 : i32
      %mul3A_910 = arith.muli %select_n3A_908, %mul3A_909 : i32
      %mul3A_911 = arith.constant 128 : i32
      %mul3A_912 = arith.muli %select_n3A_892, %mul3A_911 : i32
      %add3A_913 = arith.addi %mul3A_912, %mul3A_910 : i32
      %jit3A_914 = arith.constant 8 : i32
      %div3A_915 = arith.divsi %select_n3A_892, %jit3A_914 : i32
      %sign3A_916 = arith.constant 0 : i32
      %sign3A_917 = arith.cmpi sgt, %select_n3A_892, %sign3A_916 : i32
      %sign3A_918 = arith.extui %sign3A_917 : i1 to i32
      %sign3A_919 = arith.constant 0 : i32
      %sign3A_920 = arith.cmpi slt, %select_n3A_892, %sign3A_919 : i32
      %sign3A_921 = arith.extui %sign3A_920 : i1 to i32
      %sign3A_922 = arith.subi %sign3A_918, %sign3A_921 : i32
      %sign3A_923 = arith.constant 0 : i32
      %sign3A_924 = arith.cmpi sgt, %jit3A_914, %sign3A_923 : i32
      %sign3A_925 = arith.extui %sign3A_924 : i1 to i32
      %sign3A_926 = arith.constant 0 : i32
      %sign3A_927 = arith.cmpi slt, %jit3A_914, %sign3A_926 : i32
      %sign3A_928 = arith.extui %sign3A_927 : i1 to i32
      %sign3A_929 = arith.subi %sign3A_925, %sign3A_928 : i32
      %ne3A_930 = arith.cmpi ne, %sign3A_922, %sign3A_929 : i32
      %rem3A_931 = arith.remsi %select_n3A_892, %jit3A_914 : i32
      %ne3A_932 = arith.constant 0 : i32
      %ne3A_933 = arith.cmpi ne, %rem3A_931, %ne3A_932 : i32
      %and3A_934 = arith.andi %ne3A_930, %ne3A_933 : i1
      %sub3A_935 = arith.constant 1 : i32
      %sub3A_936 = arith.subi %div3A_915, %sub3A_935 : i32
      %select_n3A_937 = arith.select %and3A_934, %sub3A_936, %div3A_915 : i32
      %mul3A_938 = arith.constant 64 : i32
      %mul3A_939 = arith.muli %select_n3A_937, %mul3A_938 : i32
      %add3A_940 = arith.addi %mul3A_939, %mul3A_910 : i32
      %jit3A_941 = arith.constant 8 : i32
      %eq3A_942 = arith.constant 0 : i32
      %eq3A_943 = arith.cmpi eq, %jit3A_941, %eq3A_942 : i32
      %jit3A_944 = arith.constant 1 : i32
      %select_n3A_945 = arith.select %eq3A_943, %jit3A_944, %jit3A_941 : i32
      %rem3A_946 = arith.remsi %select_n3A_892, %select_n3A_945 : i32
      %ne3A_947 = arith.constant 0 : i32
      %ne3A_948 = arith.cmpi ne, %rem3A_946, %ne3A_947 : i32
      %lt3A_949 = arith.constant 0 : i32
      %lt3A_950 = arith.cmpi slt, %rem3A_946, %lt3A_949 : i32
      %lt3A_951 = arith.constant 0 : i32
      %lt3A_952 = arith.cmpi slt, %select_n3A_945, %lt3A_951 : i32
      %ne3A_953 = arith.xori %lt3A_950, %lt3A_952 : i1
      %and3A_954 = arith.andi %ne3A_953, %ne3A_948 : i1
      %add3A_955 = arith.addi %rem3A_946, %select_n3A_945 : i32
      %select_n3A_956 = arith.select %and3A_954, %add3A_955, %rem3A_946 : i32
      %add3A_957 = arith.constant 64 : i32
      %add3A_958 = arith.addi %add3A_913, %add3A_957 : i32
      %add3A_959 = arith.constant 64 : i32
      %add3A_960 = arith.addi %add3A_913, %add3A_959 : i32
      %mul3A_961 = arith.constant 1024 : i32
      %mul3A_962 = arith.muli %add3A_868, %mul3A_961 : i32
      %dma_start3A_963 = arith.constant 0 : i32
      %dma_start3A_964 = arith.constant 0 : i32
      %dma_start3A_965 = arith.constant 0 : i32
      %dma_start3A_966 = arith.constant 0 : i32
      %dma_start3A_967 = arith.constant 0 : i32
      %dma_start3A_968 = tpu.memref_slice %arg7[%dma_start3A_963, %dma_start3A_964, %dma_start3A_965, %dma_start3A_966, %dma_start3A_967] : memref<2x2x8x8x128xf32, #tpu.memory_space<vmem>> -> memref<1x1x8x8x128xf32, #tpu.memory_space<vmem>>
      %dma_start3A_969 = tpu.memref_squeeze %dma_start3A_968 : memref<1x1x8x8x128xf32, #tpu.memory_space<vmem>> -> memref<8x8x128xf32, #tpu.memory_space<vmem>>
      %dma_start3A_970 = arith.constant 0 : i32
      %dma_start3A_971 = arith.constant 0 : i32
      %dma_start3A_972 = tpu.memref_slice %arg2[%add3A_913, %dma_start3A_970, %dma_start3A_971] : memref<16384x8x128xf32, #tpu.memory_space<hbm>> -> memref<8x8x128xf32, #tpu.memory_space<hbm>>
      %dma_start3A_973 = arith.constant 0 : i32
      %dma_start3A_974 = arith.constant 0 : i32
      %dma_start3A_975 = arith.constant 0 : i32
      %dma_start3A_976 = tpu.memref_slice %arg7[%dma_start3A_963, %dma_start3A_964, %dma_start3A_973, %dma_start3A_974, %dma_start3A_975] : memref<2x2x8x8x128xf32, #tpu.memory_space<vmem>> -> memref<1x1x8x8x128xf32, #tpu.memory_space<vmem>>
      %dma_start3A_977 = tpu.memref_squeeze %dma_start3A_976 : memref<1x1x8x8x128xf32, #tpu.memory_space<vmem>> -> memref<8x8x128xf32, #tpu.memory_space<vmem>>
      %dma_start3A_978 = arith.constant 0 : i32
      %dma_start3A_979 = arith.constant 0 : i32
      %dma_start3A_980 = tpu.memref_slice %arg2[%add3A_913, %dma_start3A_978, %dma_start3A_979] : memref<16384x8x128xf32, #tpu.memory_space<hbm>> -> memref<8x8x128xf32, #tpu.memory_space<hbm>>
      tpu.enqueue_dma source(%dma_start3A_980 : memref<8x8x128xf32, #tpu.memory_space<hbm>>) target(%dma_start3A_977 : memref<8x8x128xf32, #tpu.memory_space<vmem>>) target_semaphore(%arg12 : memref<!tpu.dma_semaphore, #tpu.memory_space<semaphore_mem>>)
      %dma_start3A_981 = arith.constant 0 : i32
      %dma_start3A_982 = arith.constant 1 : i32
      %dma_start3A_983 = arith.constant 0 : i32
      %dma_start3A_984 = arith.constant 0 : i32
      %dma_start3A_985 = arith.constant 0 : i32
      %dma_start3A_986 = tpu.memref_slice %arg7[%dma_start3A_981, %dma_start3A_982, %dma_start3A_983, %dma_start3A_984, %dma_start3A_985] : memref<2x2x8x8x128xf32, #tpu.memory_space<vmem>> -> memref<1x1x8x8x128xf32, #tpu.memory_space<vmem>>
      %dma_start3A_987 = tpu.memref_squeeze %dma_start3A_986 : memref<1x1x8x8x128xf32, #tpu.memory_space<vmem>> -> memref<8x8x128xf32, #tpu.memory_space<vmem>>
      %dma_start3A_988 = arith.constant 0 : i32
      %dma_start3A_989 = arith.constant 0 : i32
      %dma_start3A_990 = tpu.memref_slice %arg2[%add3A_958, %dma_start3A_988, %dma_start3A_989] : memref<16384x8x128xf32, #tpu.memory_space<hbm>> -> memref<8x8x128xf32, #tpu.memory_space<hbm>>
      %dma_start3A_991 = arith.constant 0 : i32
      %dma_start3A_992 = arith.constant 0 : i32
      %dma_start3A_993 = arith.constant 0 : i32
      %dma_start3A_994 = tpu.memref_slice %arg7[%dma_start3A_981, %dma_start3A_982, %dma_start3A_991, %dma_start3A_992, %dma_start3A_993] : memref<2x2x8x8x128xf32, #tpu.memory_space<vmem>> -> memref<1x1x8x8x128xf32, #tpu.memory_space<vmem>>
      %dma_start3A_995 = tpu.memref_squeeze %dma_start3A_994 : memref<1x1x8x8x128xf32, #tpu.memory_space<vmem>> -> memref<8x8x128xf32, #tpu.memory_space<vmem>>
      %dma_start3A_996 = arith.constant 0 : i32
      %dma_start3A_997 = arith.constant 0 : i32
      %dma_start3A_998 = tpu.memref_slice %arg2[%add3A_958, %dma_start3A_996, %dma_start3A_997] : memref<16384x8x128xf32, #tpu.memory_space<hbm>> -> memref<8x8x128xf32, #tpu.memory_space<hbm>>
      tpu.enqueue_dma source(%dma_start3A_998 : memref<8x8x128xf32, #tpu.memory_space<hbm>>) target(%dma_start3A_995 : memref<8x8x128xf32, #tpu.memory_space<vmem>>) target_semaphore(%arg12 : memref<!tpu.dma_semaphore, #tpu.memory_space<semaphore_mem>>)
      %dma_start3A_999 = arith.constant 0 : i32
      %dma_start3A_1000 = arith.constant 0 : i32
      %dma_start3A_1001 = arith.constant 0 : i32
      %dma_start3A_1002 = arith.constant 0 : i32
      %dma_start3A_1003 = arith.constant 0 : i32
      %dma_start3A_1004 = tpu.memref_slice %arg8[%dma_start3A_999, %dma_start3A_1000, %dma_start3A_1001, %dma_start3A_1002, %dma_start3A_1003] : memref<2x2x8x8x128xf32, #tpu.memory_space<vmem>> -> memref<1x1x8x8x128xf32, #tpu.memory_space<vmem>>
      %dma_start3A_1005 = tpu.memref_squeeze %dma_start3A_1004 : memref<1x1x8x8x128xf32, #tpu.memory_space<vmem>> -> memref<8x8x128xf32, #tpu.memory_space<vmem>>
      %dma_start3A_1006 = arith.constant 0 : i32
      %dma_start3A_1007 = arith.constant 0 : i32
      %dma_start3A_1008 = tpu.memref_slice %arg3[%add3A_913, %dma_start3A_1006, %dma_start3A_1007] : memref<16384x8x128xf32, #tpu.memory_space<hbm>> -> memref<8x8x128xf32, #tpu.memory_space<hbm>>
      %dma_start3A_1009 = arith.constant 0 : i32
      %dma_start3A_1010 = arith.constant 0 : i32
      %dma_start3A_1011 = arith.constant 0 : i32
      %dma_start3A_1012 = tpu.memref_slice %arg8[%dma_start3A_999, %dma_start3A_1000, %dma_start3A_1009, %dma_start3A_1010, %dma_start3A_1011] : memref<2x2x8x8x128xf32, #tpu.memory_space<vmem>> -> memref<1x1x8x8x128xf32, #tpu.memory_space<vmem>>
      %dma_start3A_1013 = tpu.memref_squeeze %dma_start3A_1012 : memref<1x1x8x8x128xf32, #tpu.memory_space<vmem>> -> memref<8x8x128xf32, #tpu.memory_space<vmem>>
      %dma_start3A_1014 = arith.constant 0 : i32
      %dma_start3A_1015 = arith.constant 0 : i32
      %dma_start3A_1016 = tpu.memref_slice %arg3[%add3A_913, %dma_start3A_1014, %dma_start3A_1015] : memref<16384x8x128xf32, #tpu.memory_space<hbm>> -> memref<8x8x128xf32, #tpu.memory_space<hbm>>
      tpu.enqueue_dma source(%dma_start3A_1016 : memref<8x8x128xf32, #tpu.memory_space<hbm>>) target(%dma_start3A_1013 : memref<8x8x128xf32, #tpu.memory_space<vmem>>) target_semaphore(%arg12 : memref<!tpu.dma_semaphore, #tpu.memory_space<semaphore_mem>>)
      %dma_start3A_1017 = arith.constant 0 : i32
      %dma_start3A_1018 = arith.constant 1 : i32
      %dma_start3A_1019 = arith.constant 0 : i32
      %dma_start3A_1020 = arith.constant 0 : i32
      %dma_start3A_1021 = arith.constant 0 : i32
      %dma_start3A_1022 = tpu.memref_slice %arg8[%dma_start3A_1017, %dma_start3A_1018, %dma_start3A_1019, %dma_start3A_1020, %dma_start3A_1021] : memref<2x2x8x8x128xf32, #tpu.memory_space<vmem>> -> memref<1x1x8x8x128xf32, #tpu.memory_space<vmem>>
      %dma_start3A_1023 = tpu.memref_squeeze %dma_start3A_1022 : memref<1x1x8x8x128xf32, #tpu.memory_space<vmem>> -> memref<8x8x128xf32, #tpu.memory_space<vmem>>
      %dma_start3A_1024 = arith.constant 0 : i32
      %dma_start3A_1025 = arith.constant 0 : i32
      %dma_start3A_1026 = tpu.memref_slice %arg3[%add3A_960, %dma_start3A_1024, %dma_start3A_1025] : memref<16384x8x128xf32, #tpu.memory_space<hbm>> -> memref<8x8x128xf32, #tpu.memory_space<hbm>>
      %dma_start3A_1027 = arith.constant 0 : i32
      %dma_start3A_1028 = arith.constant 0 : i32
      %dma_start3A_1029 = arith.constant 0 : i32
      %dma_start3A_1030 = tpu.memref_slice %arg8[%dma_start3A_1017, %dma_start3A_1018, %dma_start3A_1027, %dma_start3A_1028, %dma_start3A_1029] : memref<2x2x8x8x128xf32, #tpu.memory_space<vmem>> -> memref<1x1x8x8x128xf32, #tpu.memory_space<vmem>>
      %dma_start3A_1031 = tpu.memref_squeeze %dma_start3A_1030 : memref<1x1x8x8x128xf32, #tpu.memory_space<vmem>> -> memref<8x8x128xf32, #tpu.memory_space<vmem>>
      %dma_start3A_1032 = arith.constant 0 : i32
      %dma_start3A_1033 = arith.constant 0 : i32
      %dma_start3A_1034 = tpu.memref_slice %arg3[%add3A_960, %dma_start3A_1032, %dma_start3A_1033] : memref<16384x8x128xf32, #tpu.memory_space<hbm>> -> memref<8x8x128xf32, #tpu.memory_space<hbm>>
      tpu.enqueue_dma source(%dma_start3A_1034 : memref<8x8x128xf32, #tpu.memory_space<hbm>>) target(%dma_start3A_1031 : memref<8x8x128xf32, #tpu.memory_space<vmem>>) target_semaphore(%arg12 : memref<!tpu.dma_semaphore, #tpu.memory_space<semaphore_mem>>)
      %dma_start3A_1035 = arith.constant 0 : i32
      %dma_start3A_1036 = arith.constant 0 : i32
      %dma_start3A_1037 = arith.constant 0 : i32
      %dma_start3A_1038 = tpu.memref_slice %arg9[%dma_start3A_1035, %dma_start3A_1036, %dma_start3A_1037] : memref<2x8x128xi32, #tpu.memory_space<vmem>> -> memref<1x8x128xi32, #tpu.memory_space<vmem>>
      %dma_start3A_1039 = tpu.memref_squeeze %dma_start3A_1038 : memref<1x8x128xi32, #tpu.memory_space<vmem>> -> memref<8x128xi32, #tpu.memory_space<vmem>>
      %dma_start3A_1040 = arith.constant 0 : i32
      %dma_start3A_1041 = tpu.memref_slice %arg4[%add3A_940, %select_n3A_956, %dma_start3A_1040] : memref<1024x8x128xi32, #tpu.memory_space<hbm>> -> memref<8x1x128xi32, #tpu.memory_space<hbm>>
      %dma_start3A_1042 = tpu.memref_squeeze %dma_start3A_1041 : memref<8x1x128xi32, #tpu.memory_space<hbm>> -> memref<8x128xi32, #tpu.memory_space<hbm>>
      %dma_start3A_1043 = arith.constant 0 : i32
      %dma_start3A_1044 = arith.constant 0 : i32
      %dma_start3A_1045 = tpu.memref_slice %arg9[%dma_start3A_1035, %dma_start3A_1043, %dma_start3A_1044] : memref<2x8x128xi32, #tpu.memory_space<vmem>> -> memref<1x8x128xi32, #tpu.memory_space<vmem>>
      %dma_start3A_1046 = tpu.memref_squeeze %dma_start3A_1045 : memref<1x8x128xi32, #tpu.memory_space<vmem>> -> memref<8x128xi32, #tpu.memory_space<vmem>>
      %dma_start3A_1047 = arith.constant 0 : i32
      %dma_start3A_1048 = tpu.memref_slice %arg4[%add3A_940, %select_n3A_956, %dma_start3A_1047] : memref<1024x8x128xi32, #tpu.memory_space<hbm>> -> memref<8x1x128xi32, #tpu.memory_space<hbm>>
      %dma_start3A_1049 = tpu.memref_squeeze %dma_start3A_1048 : memref<8x1x128xi32, #tpu.memory_space<hbm>> -> memref<8x128xi32, #tpu.memory_space<hbm>>
      tpu.enqueue_dma source(%dma_start3A_1049 : memref<8x128xi32, #tpu.memory_space<hbm>>) target(%dma_start3A_1046 : memref<8x128xi32, #tpu.memory_space<vmem>>) target_semaphore(%arg12 : memref<!tpu.dma_semaphore, #tpu.memory_space<semaphore_mem>>)
      %dma_start3A_1050 = arith.constant 0 : i32
      %dma_start3A_1051 = arith.constant 0 : i32
      %dma_start3A_1052 = tpu.memref_slice %arg10[%dma_start3A_1050, %dma_start3A_1051] : memref<2x1024xf32, #tpu.memory_space<vmem>> -> memref<1x1024xf32, #tpu.memory_space<vmem>>
      %dma_start3A_1053 = tpu.memref_squeeze %dma_start3A_1052 : memref<1x1024xf32, #tpu.memory_space<vmem>> -> memref<1024xf32, #tpu.memory_space<vmem>>
      %dma_start3A_1054 = tpu.memref_slice %arg5[%mul3A_962] : memref<1048576xf32, #tpu.memory_space<hbm>> -> memref<1024xf32, #tpu.memory_space<hbm>>
      %dma_start3A_1055 = arith.constant 0 : i32
      %dma_start3A_1056 = tpu.memref_slice %arg10[%dma_start3A_1050, %dma_start3A_1055] : memref<2x1024xf32, #tpu.memory_space<vmem>> -> memref<1x1024xf32, #tpu.memory_space<vmem>>
      %dma_start3A_1057 = tpu.memref_squeeze %dma_start3A_1056 : memref<1x1024xf32, #tpu.memory_space<vmem>> -> memref<1024xf32, #tpu.memory_space<vmem>>
      %dma_start3A_1058 = tpu.memref_slice %arg5[%mul3A_962] : memref<1048576xf32, #tpu.memory_space<hbm>> -> memref<1024xf32, #tpu.memory_space<hbm>>
      tpu.enqueue_dma source(%dma_start3A_1058 : memref<1024xf32, #tpu.memory_space<hbm>>) target(%dma_start3A_1057 : memref<1024xf32, #tpu.memory_space<vmem>>) target_semaphore(%arg12 : memref<!tpu.dma_semaphore, #tpu.memory_space<semaphore_mem>>)
      %jit3A_1059 = arith.constant 8 : i32
      %div3A_1060 = arith.divsi %add3A_863, %jit3A_1059 : i32
      %sign3A_1061 = arith.constant 0 : i32
      %sign3A_1062 = arith.cmpi sgt, %add3A_863, %sign3A_1061 : i32
      %sign3A_1063 = arith.extui %sign3A_1062 : i1 to i32
      %sign3A_1064 = arith.constant 0 : i32
      %sign3A_1065 = arith.cmpi slt, %add3A_863, %sign3A_1064 : i32
      %sign3A_1066 = arith.extui %sign3A_1065 : i1 to i32
      %sign3A_1067 = arith.subi %sign3A_1063, %sign3A_1066 : i32
      %sign3A_1068 = arith.constant 0 : i32
      %sign3A_1069 = arith.cmpi sgt, %jit3A_1059, %sign3A_1068 : i32
      %sign3A_1070 = arith.extui %sign3A_1069 : i1 to i32
      %sign3A_1071 = arith.constant 0 : i32
      %sign3A_1072 = arith.cmpi slt, %jit3A_1059, %sign3A_1071 : i32
      %sign3A_1073 = arith.extui %sign3A_1072 : i1 to i32
      %sign3A_1074 = arith.subi %sign3A_1070, %sign3A_1073 : i32
      %ne3A_1075 = arith.cmpi ne, %sign3A_1067, %sign3A_1074 : i32
      %rem3A_1076 = arith.remsi %add3A_863, %jit3A_1059 : i32
      %ne3A_1077 = arith.constant 0 : i32
      %ne3A_1078 = arith.cmpi ne, %rem3A_1076, %ne3A_1077 : i32
      %and3A_1079 = arith.andi %ne3A_1075, %ne3A_1078 : i1
      %sub3A_1080 = arith.constant 1 : i32
      %sub3A_1081 = arith.subi %div3A_1060, %sub3A_1080 : i32
      %select_n3A_1082 = arith.select %and3A_1079, %sub3A_1081, %div3A_1060 : i32
      %jit3A_1083 = arith.constant 8 : i32
      %eq3A_1084 = arith.constant 0 : i32
      %eq3A_1085 = arith.cmpi eq, %jit3A_1083, %eq3A_1084 : i32
      %jit3A_1086 = arith.constant 1 : i32
      %select_n3A_1087 = arith.select %eq3A_1085, %jit3A_1086, %jit3A_1083 : i32
      %rem3A_1088 = arith.remsi %add3A_863, %select_n3A_1087 : i32
      %ne3A_1089 = arith.constant 0 : i32
      %ne3A_1090 = arith.cmpi ne, %rem3A_1088, %ne3A_1089 : i32
      %lt3A_1091 = arith.constant 0 : i32
      %lt3A_1092 = arith.cmpi slt, %rem3A_1088, %lt3A_1091 : i32
      %lt3A_1093 = arith.constant 0 : i32
      %lt3A_1094 = arith.cmpi slt, %select_n3A_1087, %lt3A_1093 : i32
      %ne3A_1095 = arith.xori %lt3A_1092, %lt3A_1094 : i1
      %and3A_1096 = arith.andi %ne3A_1095, %ne3A_1090 : i1
      %add3A_1097 = arith.addi %rem3A_1088, %select_n3A_1087 : i32
      %select_n3A_1098 = arith.select %and3A_1096, %add3A_1097, %rem3A_1088 : i32
      %mul3A_1099 = arith.constant 8 : i32
      %mul3A_1100 = arith.muli %select_n3A_1098, %mul3A_1099 : i32
      %mul3A_1101 = arith.constant 128 : i32
      %mul3A_1102 = arith.muli %select_n3A_1082, %mul3A_1101 : i32
      %add3A_1103 = arith.addi %mul3A_1102, %mul3A_1100 : i32
      %jit3A_1104 = arith.constant 8 : i32
      %div3A_1105 = arith.divsi %select_n3A_1082, %jit3A_1104 : i32
      %sign3A_1106 = arith.constant 0 : i32
      %sign3A_1107 = arith.cmpi sgt, %select_n3A_1082, %sign3A_1106 : i32
      %sign3A_1108 = arith.extui %sign3A_1107 : i1 to i32
      %sign3A_1109 = arith.constant 0 : i32
      %sign3A_1110 = arith.cmpi slt, %select_n3A_1082, %sign3A_1109 : i32
      %sign3A_1111 = arith.extui %sign3A_1110 : i1 to i32
      %sign3A_1112 = arith.subi %sign3A_1108, %sign3A_1111 : i32
      %sign3A_1113 = arith.constant 0 : i32
      %sign3A_1114 = arith.cmpi sgt, %jit3A_1104, %sign3A_1113 : i32
      %sign3A_1115 = arith.extui %sign3A_1114 : i1 to i32
      %sign3A_1116 = arith.constant 0 : i32
      %sign3A_1117 = arith.cmpi slt, %jit3A_1104, %sign3A_1116 : i32
      %sign3A_1118 = arith.extui %sign3A_1117 : i1 to i32
      %sign3A_1119 = arith.subi %sign3A_1115, %sign3A_1118 : i32
      %ne3A_1120 = arith.cmpi ne, %sign3A_1112, %sign3A_1119 : i32
      %rem3A_1121 = arith.remsi %select_n3A_1082, %jit3A_1104 : i32
      %ne3A_1122 = arith.constant 0 : i32
      %ne3A_1123 = arith.cmpi ne, %rem3A_1121, %ne3A_1122 : i32
      %and3A_1124 = arith.andi %ne3A_1120, %ne3A_1123 : i1
      %sub3A_1125 = arith.constant 1 : i32
      %sub3A_1126 = arith.subi %div3A_1105, %sub3A_1125 : i32
      %select_n3A_1127 = arith.select %and3A_1124, %sub3A_1126, %div3A_1105 : i32
      %mul3A_1128 = arith.constant 64 : i32
      %mul3A_1129 = arith.muli %select_n3A_1127, %mul3A_1128 : i32
      %add3A_1130 = arith.addi %mul3A_1129, %mul3A_1100 : i32
      %jit3A_1131 = arith.constant 8 : i32
      %eq3A_1132 = arith.constant 0 : i32
      %eq3A_1133 = arith.cmpi eq, %jit3A_1131, %eq3A_1132 : i32
      %jit3A_1134 = arith.constant 1 : i32
      %select_n3A_1135 = arith.select %eq3A_1133, %jit3A_1134, %jit3A_1131 : i32
      %rem3A_1136 = arith.remsi %select_n3A_1082, %select_n3A_1135 : i32
      %ne3A_1137 = arith.constant 0 : i32
      %ne3A_1138 = arith.cmpi ne, %rem3A_1136, %ne3A_1137 : i32
      %lt3A_1139 = arith.constant 0 : i32
      %lt3A_1140 = arith.cmpi slt, %rem3A_1136, %lt3A_1139 : i32
      %lt3A_1141 = arith.constant 0 : i32
      %lt3A_1142 = arith.cmpi slt, %select_n3A_1135, %lt3A_1141 : i32
      %ne3A_1143 = arith.xori %lt3A_1140, %lt3A_1142 : i1
      %and3A_1144 = arith.andi %ne3A_1143, %ne3A_1138 : i1
      %add3A_1145 = arith.addi %rem3A_1136, %select_n3A_1135 : i32
      %select_n3A_1146 = arith.select %and3A_1144, %add3A_1145, %rem3A_1136 : i32
      %add3A_1147 = arith.constant 64 : i32
      %add3A_1148 = arith.addi %add3A_1103, %add3A_1147 : i32
      %add3A_1149 = arith.constant 64 : i32
      %add3A_1150 = arith.addi %add3A_1103, %add3A_1149 : i32
      %mul3A_1151 = arith.constant 1024 : i32
      %mul3A_1152 = arith.muli %add3A_863, %mul3A_1151 : i32
      %dma_wait3A_1153 = arith.constant 1 : i32
      %dma_wait3A_1154 = arith.constant 0 : i32
      %dma_wait3A_1155 = arith.constant 0 : i32
      %dma_wait3A_1156 = arith.constant 0 : i32
      %dma_wait3A_1157 = arith.constant 0 : i32
      %dma_wait3A_1158 = tpu.memref_slice %arg7[%dma_wait3A_1153, %dma_wait3A_1154, %dma_wait3A_1155, %dma_wait3A_1156, %dma_wait3A_1157] : memref<2x2x8x8x128xf32, #tpu.memory_space<vmem>> -> memref<1x1x8x8x128xf32, #tpu.memory_space<vmem>>
      %dma_wait3A_1159 = tpu.memref_squeeze %dma_wait3A_1158 : memref<1x1x8x8x128xf32, #tpu.memory_space<vmem>> -> memref<8x8x128xf32, #tpu.memory_space<vmem>>
      %dma_wait3A_1160 = arith.constant 0 : i32
      %dma_wait3A_1161 = arith.constant 0 : i32
      %dma_wait3A_1162 = tpu.memref_slice %arg2[%add3A_1103, %dma_wait3A_1160, %dma_wait3A_1161] : memref<16384x8x128xf32, #tpu.memory_space<hbm>> -> memref<8x8x128xf32, #tpu.memory_space<hbm>>
      %dma_wait3A_1163 = arith.constant 0 : i32
      %dma_wait3A_1164 = arith.constant 0 : i32
      %dma_wait3A_1165 = arith.constant 0 : i32
      %dma_wait3A_1166 = tpu.memref_slice %arg7[%dma_wait3A_1153, %dma_wait3A_1154, %dma_wait3A_1163, %dma_wait3A_1164, %dma_wait3A_1165] : memref<2x2x8x8x128xf32, #tpu.memory_space<vmem>> -> memref<1x1x8x8x128xf32, #tpu.memory_space<vmem>>
      %dma_wait3A_1167 = tpu.memref_squeeze %dma_wait3A_1166 : memref<1x1x8x8x128xf32, #tpu.memory_space<vmem>> -> memref<8x8x128xf32, #tpu.memory_space<vmem>>
      %dma_wait3A_1168 = arith.constant 0 : i32
      %dma_wait3A_1169 = arith.constant 0 : i32
      %dma_wait3A_1170 = tpu.memref_slice %arg2[%add3A_1103, %dma_wait3A_1168, %dma_wait3A_1169] : memref<16384x8x128xf32, #tpu.memory_space<hbm>> -> memref<8x8x128xf32, #tpu.memory_space<hbm>>
      tpu.wait_dma2 semaphore(%arg13 : memref<!tpu.dma_semaphore, #tpu.memory_space<semaphore_mem>>) src(%dma_wait3A_1170 : memref<8x8x128xf32, #tpu.memory_space<hbm>>) dst(%dma_wait3A_1167 : memref<8x8x128xf32, #tpu.memory_space<vmem>>)
      %dma_wait3A_1171 = arith.constant 1 : i32
      %dma_wait3A_1172 = arith.constant 1 : i32
      %dma_wait3A_1173 = arith.constant 0 : i32
      %dma_wait3A_1174 = arith.constant 0 : i32
      %dma_wait3A_1175 = arith.constant 0 : i32
      %dma_wait3A_1176 = tpu.memref_slice %arg7[%dma_wait3A_1171, %dma_wait3A_1172, %dma_wait3A_1173, %dma_wait3A_1174, %dma_wait3A_1175] : memref<2x2x8x8x128xf32, #tpu.memory_space<vmem>> -> memref<1x1x8x8x128xf32, #tpu.memory_space<vmem>>
      %dma_wait3A_1177 = tpu.memref_squeeze %dma_wait3A_1176 : memref<1x1x8x8x128xf32, #tpu.memory_space<vmem>> -> memref<8x8x128xf32, #tpu.memory_space<vmem>>
      %dma_wait3A_1178 = arith.constant 0 : i32
      %dma_wait3A_1179 = arith.constant 0 : i32
      %dma_wait3A_1180 = tpu.memref_slice %arg2[%add3A_1148, %dma_wait3A_1178, %dma_wait3A_1179] : memref<16384x8x128xf32, #tpu.memory_space<hbm>> -> memref<8x8x128xf32, #tpu.memory_space<hbm>>
      %dma_wait3A_1181 = arith.constant 0 : i32
      %dma_wait3A_1182 = arith.constant 0 : i32
      %dma_wait3A_1183 = arith.constant 0 : i32
      %dma_wait3A_1184 = tpu.memref_slice %arg7[%dma_wait3A_1171, %dma_wait3A_1172, %dma_wait3A_1181, %dma_wait3A_1182, %dma_wait3A_1183] : memref<2x2x8x8x128xf32, #tpu.memory_space<vmem>> -> memref<1x1x8x8x128xf32, #tpu.memory_space<vmem>>
      %dma_wait3A_1185 = tpu.memref_squeeze %dma_wait3A_1184 : memref<1x1x8x8x128xf32, #tpu.memory_space<vmem>> -> memref<8x8x128xf32, #tpu.memory_space<vmem>>
      %dma_wait3A_1186 = arith.constant 0 : i32
      %dma_wait3A_1187 = arith.constant 0 : i32
      %dma_wait3A_1188 = tpu.memref_slice %arg2[%add3A_1148, %dma_wait3A_1186, %dma_wait3A_1187] : memref<16384x8x128xf32, #tpu.memory_space<hbm>> -> memref<8x8x128xf32, #tpu.memory_space<hbm>>
      tpu.wait_dma2 semaphore(%arg13 : memref<!tpu.dma_semaphore, #tpu.memory_space<semaphore_mem>>) src(%dma_wait3A_1188 : memref<8x8x128xf32, #tpu.memory_space<hbm>>) dst(%dma_wait3A_1185 : memref<8x8x128xf32, #tpu.memory_space<vmem>>)
      %dma_wait3A_1189 = arith.constant 1 : i32
      %dma_wait3A_1190 = arith.constant 0 : i32
      %dma_wait3A_1191 = arith.constant 0 : i32
      %dma_wait3A_1192 = arith.constant 0 : i32
      %dma_wait3A_1193 = arith.constant 0 : i32
      %dma_wait3A_1194 = tpu.memref_slice %arg8[%dma_wait3A_1189, %dma_wait3A_1190, %dma_wait3A_1191, %dma_wait3A_1192, %dma_wait3A_1193] : memref<2x2x8x8x128xf32, #tpu.memory_space<vmem>> -> memref<1x1x8x8x128xf32, #tpu.memory_space<vmem>>
      %dma_wait3A_1195 = tpu.memref_squeeze %dma_wait3A_1194 : memref<1x1x8x8x128xf32, #tpu.memory_space<vmem>> -> memref<8x8x128xf32, #tpu.memory_space<vmem>>
      %dma_wait3A_1196 = arith.constant 0 : i32
      %dma_wait3A_1197 = arith.constant 0 : i32
      %dma_wait3A_1198 = tpu.memref_slice %arg3[%add3A_1103, %dma_wait3A_1196, %dma_wait3A_1197] : memref<16384x8x128xf32, #tpu.memory_space<hbm>> -> memref<8x8x128xf32, #tpu.memory_space<hbm>>
      %dma_wait3A_1199 = arith.constant 0 : i32
      %dma_wait3A_1200 = arith.constant 0 : i32
      %dma_wait3A_1201 = arith.constant 0 : i32
      %dma_wait3A_1202 = tpu.memref_slice %arg8[%dma_wait3A_1189, %dma_wait3A_1190, %dma_wait3A_1199, %dma_wait3A_1200, %dma_wait3A_1201] : memref<2x2x8x8x128xf32, #tpu.memory_space<vmem>> -> memref<1x1x8x8x128xf32, #tpu.memory_space<vmem>>
      %dma_wait3A_1203 = tpu.memref_squeeze %dma_wait3A_1202 : memref<1x1x8x8x128xf32, #tpu.memory_space<vmem>> -> memref<8x8x128xf32, #tpu.memory_space<vmem>>
      %dma_wait3A_1204 = arith.constant 0 : i32
      %dma_wait3A_1205 = arith.constant 0 : i32
      %dma_wait3A_1206 = tpu.memref_slice %arg3[%add3A_1103, %dma_wait3A_1204, %dma_wait3A_1205] : memref<16384x8x128xf32, #tpu.memory_space<hbm>> -> memref<8x8x128xf32, #tpu.memory_space<hbm>>
      tpu.wait_dma2 semaphore(%arg13 : memref<!tpu.dma_semaphore, #tpu.memory_space<semaphore_mem>>) src(%dma_wait3A_1206 : memref<8x8x128xf32, #tpu.memory_space<hbm>>) dst(%dma_wait3A_1203 : memref<8x8x128xf32, #tpu.memory_space<vmem>>)
      %dma_wait3A_1207 = arith.constant 1 : i32
      %dma_wait3A_1208 = arith.constant 1 : i32
      %dma_wait3A_1209 = arith.constant 0 : i32
      %dma_wait3A_1210 = arith.constant 0 : i32
      %dma_wait3A_1211 = arith.constant 0 : i32
      %dma_wait3A_1212 = tpu.memref_slice %arg8[%dma_wait3A_1207, %dma_wait3A_1208, %dma_wait3A_1209, %dma_wait3A_1210, %dma_wait3A_1211] : memref<2x2x8x8x128xf32, #tpu.memory_space<vmem>> -> memref<1x1x8x8x128xf32, #tpu.memory_space<vmem>>
      %dma_wait3A_1213 = tpu.memref_squeeze %dma_wait3A_1212 : memref<1x1x8x8x128xf32, #tpu.memory_space<vmem>> -> memref<8x8x128xf32, #tpu.memory_space<vmem>>
      %dma_wait3A_1214 = arith.constant 0 : i32
      %dma_wait3A_1215 = arith.constant 0 : i32
      %dma_wait3A_1216 = tpu.memref_slice %arg3[%add3A_1150, %dma_wait3A_1214, %dma_wait3A_1215] : memref<16384x8x128xf32, #tpu.memory_space<hbm>> -> memref<8x8x128xf32, #tpu.memory_space<hbm>>
      %dma_wait3A_1217 = arith.constant 0 : i32
      %dma_wait3A_1218 = arith.constant 0 : i32
      %dma_wait3A_1219 = arith.constant 0 : i32
      %dma_wait3A_1220 = tpu.memref_slice %arg8[%dma_wait3A_1207, %dma_wait3A_1208, %dma_wait3A_1217, %dma_wait3A_1218, %dma_wait3A_1219] : memref<2x2x8x8x128xf32, #tpu.memory_space<vmem>> -> memref<1x1x8x8x128xf32, #tpu.memory_space<vmem>>
      %dma_wait3A_1221 = tpu.memref_squeeze %dma_wait3A_1220 : memref<1x1x8x8x128xf32, #tpu.memory_space<vmem>> -> memref<8x8x128xf32, #tpu.memory_space<vmem>>
      %dma_wait3A_1222 = arith.constant 0 : i32
      %dma_wait3A_1223 = arith.constant 0 : i32
      %dma_wait3A_1224 = tpu.memref_slice %arg3[%add3A_1150, %dma_wait3A_1222, %dma_wait3A_1223] : memref<16384x8x128xf32, #tpu.memory_space<hbm>> -> memref<8x8x128xf32, #tpu.memory_space<hbm>>
      tpu.wait_dma2 semaphore(%arg13 : memref<!tpu.dma_semaphore, #tpu.memory_space<semaphore_mem>>) src(%dma_wait3A_1224 : memref<8x8x128xf32, #tpu.memory_space<hbm>>) dst(%dma_wait3A_1221 : memref<8x8x128xf32, #tpu.memory_space<vmem>>)
      %dma_wait3A_1225 = arith.constant 1 : i32
      %dma_wait3A_1226 = arith.constant 0 : i32
      %dma_wait3A_1227 = arith.constant 0 : i32
      %dma_wait3A_1228 = tpu.memref_slice %arg9[%dma_wait3A_1225, %dma_wait3A_1226, %dma_wait3A_1227] : memref<2x8x128xi32, #tpu.memory_space<vmem>> -> memref<1x8x128xi32, #tpu.memory_space<vmem>>
      %dma_wait3A_1229 = tpu.memref_squeeze %dma_wait3A_1228 : memref<1x8x128xi32, #tpu.memory_space<vmem>> -> memref<8x128xi32, #tpu.memory_space<vmem>>
      %dma_wait3A_1230 = arith.constant 0 : i32
      %dma_wait3A_1231 = tpu.memref_slice %arg4[%add3A_1130, %select_n3A_1146, %dma_wait3A_1230] : memref<1024x8x128xi32, #tpu.memory_space<hbm>> -> memref<8x1x128xi32, #tpu.memory_space<hbm>>
      %dma_wait3A_1232 = tpu.memref_squeeze %dma_wait3A_1231 : memref<8x1x128xi32, #tpu.memory_space<hbm>> -> memref<8x128xi32, #tpu.memory_space<hbm>>
      %dma_wait3A_1233 = arith.constant 0 : i32
      %dma_wait3A_1234 = arith.constant 0 : i32
      %dma_wait3A_1235 = tpu.memref_slice %arg9[%dma_wait3A_1225, %dma_wait3A_1233, %dma_wait3A_1234] : memref<2x8x128xi32, #tpu.memory_space<vmem>> -> memref<1x8x128xi32, #tpu.memory_space<vmem>>
      %dma_wait3A_1236 = tpu.memref_squeeze %dma_wait3A_1235 : memref<1x8x128xi32, #tpu.memory_space<vmem>> -> memref<8x128xi32, #tpu.memory_space<vmem>>
      %dma_wait3A_1237 = arith.constant 0 : i32
      %dma_wait3A_1238 = tpu.memref_slice %arg4[%add3A_1130, %select_n3A_1146, %dma_wait3A_1237] : memref<1024x8x128xi32, #tpu.memory_space<hbm>> -> memref<8x1x128xi32, #tpu.memory_space<hbm>>
      %dma_wait3A_1239 = tpu.memref_squeeze %dma_wait3A_1238 : memref<8x1x128xi32, #tpu.memory_space<hbm>> -> memref<8x128xi32, #tpu.memory_space<hbm>>
      tpu.wait_dma2 semaphore(%arg13 : memref<!tpu.dma_semaphore, #tpu.memory_space<semaphore_mem>>) src(%dma_wait3A_1239 : memref<8x128xi32, #tpu.memory_space<hbm>>) dst(%dma_wait3A_1236 : memref<8x128xi32, #tpu.memory_space<vmem>>)
      %dma_wait3A_1240 = arith.constant 1 : i32
      %dma_wait3A_1241 = arith.constant 0 : i32
      %dma_wait3A_1242 = tpu.memref_slice %arg10[%dma_wait3A_1240, %dma_wait3A_1241] : memref<2x1024xf32, #tpu.memory_space<vmem>> -> memref<1x1024xf32, #tpu.memory_space<vmem>>
      %dma_wait3A_1243 = tpu.memref_squeeze %dma_wait3A_1242 : memref<1x1024xf32, #tpu.memory_space<vmem>> -> memref<1024xf32, #tpu.memory_space<vmem>>
      %dma_wait3A_1244 = tpu.memref_slice %arg5[%mul3A_1152] : memref<1048576xf32, #tpu.memory_space<hbm>> -> memref<1024xf32, #tpu.memory_space<hbm>>
      %dma_wait3A_1245 = arith.constant 0 : i32
      %dma_wait3A_1246 = tpu.memref_slice %arg10[%dma_wait3A_1240, %dma_wait3A_1245] : memref<2x1024xf32, #tpu.memory_space<vmem>> -> memref<1x1024xf32, #tpu.memory_space<vmem>>
      %dma_wait3A_1247 = tpu.memref_squeeze %dma_wait3A_1246 : memref<1x1024xf32, #tpu.memory_space<vmem>> -> memref<1024xf32, #tpu.memory_space<vmem>>
      %dma_wait3A_1248 = tpu.memref_slice %arg5[%mul3A_1152] : memref<1048576xf32, #tpu.memory_space<hbm>> -> memref<1024xf32, #tpu.memory_space<hbm>>
      tpu.wait_dma2 semaphore(%arg13 : memref<!tpu.dma_semaphore, #tpu.memory_space<semaphore_mem>>) src(%dma_wait3A_1248 : memref<1024xf32, #tpu.memory_space<hbm>>) dst(%dma_wait3A_1247 : memref<1024xf32, #tpu.memory_space<vmem>>)
      %gt3A_1249 = arith.constant 0 : i32
      %gt3A_1250 = arith.cmpi sgt, %scan3A_450, %gt3A_1249 : i32
      %convert_element_type3A_1251 = arith.extui %gt3A_1250 : i1 to i32
      %cond3A_1252 = arith.constant 0 : i32
      %cond3A_1253 = arith.cmpi ne, %convert_element_type3A_1251, %cond3A_1252 : i32
      scf.if %cond3A_1253 {
        %sub3A_1273 = arith.constant 2 : i32
        %sub3A_1274 = arith.subi %add3A_863, %sub3A_1273 : i32
        %mul3A_1275 = arith.constant 1024 : i32
        %mul3A_1276 = arith.muli %sub3A_1274, %mul3A_1275 : i32
        %sub3A_1277 = arith.constant 360448 : i32
        %sub3A_1278 = arith.subi %mul3A_1276, %sub3A_1277 : i32
        %dma_wait3A_1279 = arith.constant 1 : i32
        %dma_wait3A_1280 = arith.constant 0 : i32
        %dma_wait3A_1281 = tpu.memref_slice %arg11[%dma_wait3A_1279, %dma_wait3A_1280] : memref<2x1024xf32, #tpu.memory_space<vmem>> -> memref<1x1024xf32, #tpu.memory_space<vmem>>
        %dma_wait3A_1282 = tpu.memref_squeeze %dma_wait3A_1281 : memref<1x1024xf32, #tpu.memory_space<vmem>> -> memref<1024xf32, #tpu.memory_space<vmem>>
        %dma_wait3A_1283 = tpu.memref_slice %arg6[%sub3A_1278] : memref<688128xf32, #tpu.memory_space<hbm>> -> memref<1024xf32, #tpu.memory_space<hbm>>
        %dma_wait3A_1284 = tpu.memref_slice %arg6[%sub3A_1278] : memref<688128xf32, #tpu.memory_space<hbm>> -> memref<1024xf32, #tpu.memory_space<hbm>>
        %dma_wait3A_1285 = arith.constant 0 : i32
        %dma_wait3A_1286 = tpu.memref_slice %arg11[%dma_wait3A_1279, %dma_wait3A_1285] : memref<2x1024xf32, #tpu.memory_space<vmem>> -> memref<1x1024xf32, #tpu.memory_space<vmem>>
        %dma_wait3A_1287 = tpu.memref_squeeze %dma_wait3A_1286 : memref<1x1024xf32, #tpu.memory_space<vmem>> -> memref<1024xf32, #tpu.memory_space<vmem>>
        tpu.wait_dma2 semaphore(%arg15 : memref<!tpu.dma_semaphore, #tpu.memory_space<semaphore_mem>>) src(%dma_wait3A_1287 : memref<1024xf32, #tpu.memory_space<vmem>>) dst(%dma_wait3A_1284 : memref<1024xf32, #tpu.memory_space<hbm>>)
      } else {
      }
      %scan3A_1254 = arith.constant 0 : i32
      %scan3A_1255 = arith.constant 0 : i32
      %scan3A_1256 = arith.constant 64 : i32
      %scan3A_1257 = arith.addi %scan3A_1255, %scan3A_1256 : i32
      %scan3A_1258 = arith.constant 8 : i32
      scf.for %scan3A_1273 = %scan3A_1255 to %scan3A_1257 step %scan3A_1258  : i32 {
        %iota3A = tpu.iota {dimensions = array<i32: 0>} : vector<16xi32>
        %mul3A_1274 = arith.constant 16 : i32
        %mul3A_1275 = arith.muli %scan3A_1273, %mul3A_1274 : i32
        %add3A_1276 = vector.broadcast %mul3A_1275 : i32 to vector<16xi32>
        %add3A_1277 = arith.addi %iota3A, %add3A_1276 : vector<16xi32>
        %jit3A_1278 = arith.constant 8 : i32
        %div3A_1279 = arith.divsi %scan3A_1273, %jit3A_1278 : i32
        %sign3A_1280 = arith.constant 0 : i32
        %sign3A_1281 = arith.cmpi sgt, %scan3A_1273, %sign3A_1280 : i32
        %sign3A_1282 = arith.extui %sign3A_1281 : i1 to i32
        %sign3A_1283 = arith.constant 0 : i32
        %sign3A_1284 = arith.cmpi slt, %scan3A_1273, %sign3A_1283 : i32
        %sign3A_1285 = arith.extui %sign3A_1284 : i1 to i32
        %sign3A_1286 = arith.subi %sign3A_1282, %sign3A_1285 : i32
        %sign3A_1287 = arith.constant 0 : i32
        %sign3A_1288 = arith.cmpi sgt, %jit3A_1278, %sign3A_1287 : i32
        %sign3A_1289 = arith.extui %sign3A_1288 : i1 to i32
        %sign3A_1290 = arith.constant 0 : i32
        %sign3A_1291 = arith.cmpi slt, %jit3A_1278, %sign3A_1290 : i32
        %sign3A_1292 = arith.extui %sign3A_1291 : i1 to i32
        %sign3A_1293 = arith.subi %sign3A_1289, %sign3A_1292 : i32
        %ne3A_1294 = arith.cmpi ne, %sign3A_1286, %sign3A_1293 : i32
        %rem3A_1295 = arith.remsi %scan3A_1273, %jit3A_1278 : i32
        %ne3A_1296 = arith.constant 0 : i32
        %ne3A_1297 = arith.cmpi ne, %rem3A_1295, %ne3A_1296 : i32
        %and3A_1298 = arith.andi %ne3A_1294, %ne3A_1297 : i1
        %sub3A_1299 = arith.constant 1 : i32
        %sub3A_1300 = arith.subi %div3A_1279, %sub3A_1299 : i32
        %select_n3A_1301 = arith.select %and3A_1298, %sub3A_1300, %div3A_1279 : i32
        %jit3A_1302 = arith.constant 8 : i32
        %eq3A_1303 = arith.constant 0 : i32
        %eq3A_1304 = arith.cmpi eq, %jit3A_1302, %eq3A_1303 : i32
        %jit3A_1305 = arith.constant 1 : i32
        %select_n3A_1306 = arith.select %eq3A_1304, %jit3A_1305, %jit3A_1302 : i32
        %rem3A_1307 = arith.remsi %scan3A_1273, %select_n3A_1306 : i32
        %ne3A_1308 = arith.constant 0 : i32
        %ne3A_1309 = arith.cmpi ne, %rem3A_1307, %ne3A_1308 : i32
        %lt3A_1310 = arith.constant 0 : i32
        %lt3A_1311 = arith.cmpi slt, %rem3A_1307, %lt3A_1310 : i32
        %lt3A_1312 = arith.constant 0 : i32
        %lt3A_1313 = arith.cmpi slt, %select_n3A_1306, %lt3A_1312 : i32
        %ne3A_1314 = arith.xori %lt3A_1311, %lt3A_1313 : i1
        %and3A_1315 = arith.andi %ne3A_1314, %ne3A_1309 : i1
        %add3A_1316 = arith.addi %rem3A_1307, %select_n3A_1306 : i32
        %select_n3A_1317 = arith.select %and3A_1315, %add3A_1316, %rem3A_1307 : i32
        %mul3A_1318 = arith.constant 16 : i32
        %mul3A_1319 = arith.muli %select_n3A_1317, %mul3A_1318 : i32
        %get3A = arith.constant 1 : i32
        %get3A_1320 = arith.index_cast %get3A : i32 to index
        %get3A_1321 = arith.index_cast %select_n3A_1301 : i32 to index
        %get3A_1322 = arith.index_cast %mul3A_1319 : i32 to index
        %get3A_1323 = tpu.vector_load %arg9[%get3A_1320, %get3A_1321, %get3A_1322] {strides = array<i32>} : memref<2x8x128xi32, #tpu.memory_space<vmem>>, vector<16xi32>,
        %mul3A_1324 = arith.constant 16 : i32
        %mul3A_1325 = arith.muli %scan3A_1273, %mul3A_1324 : i32
        %get3A_1326 = arith.constant 1 : i32
        %get3A_1327 = arith.index_cast %get3A_1326 : i32 to index
        %get3A_1328 = arith.index_cast %mul3A_1325 : i32 to index
        %get3A_1329 = tpu.vector_load %arg10[%get3A_1327, %get3A_1328] {strides = array<i32>} : memref<2x1024xf32, #tpu.memory_space<vmem>>, vector<16xf32>,
        %shift_right_arithmetic3A = arith.constant 3 : i32
        %shift_right_arithmetic3A_1330 = vector.broadcast %shift_right_arithmetic3A : i32 to vector<16xi32>
        %shift_right_arithmetic3A_1331 = arith.shrsi %get3A_1323, %shift_right_arithmetic3A_1330 : vector<16xi32>
        %and3A_1332 = arith.constant 7 : i32
        %and3A_1333 = vector.broadcast %and3A_1332 : i32 to vector<16xi32>
        %and3A_1334 = arith.andi %get3A_1323, %and3A_1333 : vector<16xi32>
        %shift_right_arithmetic3A_1335 = arith.constant 7 : i32
        %shift_right_arithmetic3A_1336 = vector.broadcast %shift_right_arithmetic3A_1335 : i32 to vector<16xi32>
        %shift_right_arithmetic3A_1337 = arith.shrsi %add3A_1277, %shift_right_arithmetic3A_1336 : vector<16xi32>
        %and3A_1338 = arith.constant 127 : i32
        %and3A_1339 = vector.broadcast %and3A_1338 : i32 to vector<16xi32>
        %and3A_1340 = arith.andi %add3A_1277, %and3A_1339 : vector<16xi32>
        %gather3A = arith.constant 1 : i32
        %gather3A_1341 = arith.constant 0 : i32
        %gather3A_1342 = arith.constant 0 : i32
        %gather3A_1343 = arith.constant 0 : i32
        %gather3A_1344 = arith.constant 0 : i32
        %gather3A_1345 = tpu.memref_slice %arg7[%gather3A, %gather3A_1341, %gather3A_1342, %gather3A_1343, %gather3A_1344] : memref<2x2x8x8x128xf32, #tpu.memory_space<vmem>> -> memref<1x2x8x8x128xf32, #tpu.memory_space<vmem>>
        %gather3A_1346 = tpu.memref_squeeze %gather3A_1345 : memref<1x2x8x8x128xf32, #tpu.memory_space<vmem>> -> memref<2x8x8x128xf32, #tpu.memory_space<vmem>>
        %gather3A_1347 = tpu.vector_load_idx %gather3A_1346[%shift_right_arithmetic3A_1331, %shift_right_arithmetic3A_1337, %and3A_1334, %and3A_1340] : memref<2x8x8x128xf32, #tpu.memory_space<vmem>>[vector<16xi32>, vector<16xi32>, vector<16xi32>, vector<16xi32>], vector<16xf32>,
        %gather3A_1348 = arith.constant 1 : i32
        %gather3A_1349 = arith.constant 0 : i32
        %gather3A_1350 = arith.constant 0 : i32
        %gather3A_1351 = arith.constant 0 : i32
        %gather3A_1352 = arith.constant 0 : i32
        %gather3A_1353 = tpu.memref_slice %arg8[%gather3A_1348, %gather3A_1349, %gather3A_1350, %gather3A_1351, %gather3A_1352] : memref<2x2x8x8x128xf32, #tpu.memory_space<vmem>> -> memref<1x2x8x8x128xf32, #tpu.memory_space<vmem>>
        %gather3A_1354 = tpu.memref_squeeze %gather3A_1353 : memref<1x2x8x8x128xf32, #tpu.memory_space<vmem>> -> memref<2x8x8x128xf32, #tpu.memory_space<vmem>>
        %gather3A_1355 = tpu.vector_load_idx %gather3A_1354[%shift_right_arithmetic3A_1331, %shift_right_arithmetic3A_1337, %and3A_1334, %and3A_1340] : memref<2x8x8x128xf32, #tpu.memory_space<vmem>>[vector<16xi32>, vector<16xi32>, vector<16xi32>, vector<16xi32>], vector<16xf32>,
        %mul3A_1356 = arith.mulf %gather3A_1355, %get3A_1329 : vector<16xf32>
        %add3A_1357 = arith.addf %gather3A_1347, %mul3A_1356 : vector<16xf32>
        %mul3A_1358 = arith.constant 16 : i32
        %mul3A_1359 = arith.muli %scan3A_1273, %mul3A_1358 : i32
        %swap3A = arith.constant 1 : i32
        %swap3A_1360 = arith.index_cast %swap3A : i32 to index
        %swap3A_1361 = arith.index_cast %mul3A_1359 : i32 to index
        %swap3A_1362 = tpu.vector_load %arg11[%swap3A_1360, %swap3A_1361] {strides = array<i32>} : memref<2x1024xf32, #tpu.memory_space<vmem>>, vector<16xf32>,
        tpu.vector_store %arg11[%swap3A_1360, %swap3A_1361], %add3A_1357 {strides = array<i32>} : memref<2x1024xf32, #tpu.memory_space<vmem>>, vector<16xf32>,
        %scan3A_1363 = arith.constant 1 : i32
        %scan3A_1364 = arith.addi %scan3A_1273, %scan3A_1363 : i32
        %iota3A_1365 = tpu.iota {dimensions = array<i32: 0>} : vector<16xi32>
        %mul3A_1366 = arith.constant 16 : i32
        %mul3A_1367 = arith.muli %scan3A_1364, %mul3A_1366 : i32
        %add3A_1368 = vector.broadcast %mul3A_1367 : i32 to vector<16xi32>
        %add3A_1369 = arith.addi %iota3A_1365, %add3A_1368 : vector<16xi32>
        %jit3A_1370 = arith.constant 8 : i32
        %div3A_1371 = arith.divsi %scan3A_1364, %jit3A_1370 : i32
        %sign3A_1372 = arith.constant 0 : i32
        %sign3A_1373 = arith.cmpi sgt, %scan3A_1364, %sign3A_1372 : i32
        %sign3A_1374 = arith.extui %sign3A_1373 : i1 to i32
        %sign3A_1375 = arith.constant 0 : i32
        %sign3A_1376 = arith.cmpi slt, %scan3A_1364, %sign3A_1375 : i32
        %sign3A_1377 = arith.extui %sign3A_1376 : i1 to i32
        %sign3A_1378 = arith.subi %sign3A_1374, %sign3A_1377 : i32
        %sign3A_1379 = arith.constant 0 : i32
        %sign3A_1380 = arith.cmpi sgt, %jit3A_1370, %sign3A_1379 : i32
        %sign3A_1381 = arith.extui %sign3A_1380 : i1 to i32
        %sign3A_1382 = arith.constant 0 : i32
        %sign3A_1383 = arith.cmpi slt, %jit3A_1370, %sign3A_1382 : i32
        %sign3A_1384 = arith.extui %sign3A_1383 : i1 to i32
        %sign3A_1385 = arith.subi %sign3A_1381, %sign3A_1384 : i32
        %ne3A_1386 = arith.cmpi ne, %sign3A_1378, %sign3A_1385 : i32
        %rem3A_1387 = arith.remsi %scan3A_1364, %jit3A_1370 : i32
        %ne3A_1388 = arith.constant 0 : i32
        %ne3A_1389 = arith.cmpi ne, %rem3A_1387, %ne3A_1388 : i32
        %and3A_1390 = arith.andi %ne3A_1386, %ne3A_1389 : i1
        %sub3A_1391 = arith.constant 1 : i32
        %sub3A_1392 = arith.subi %div3A_1371, %sub3A_1391 : i32
        %select_n3A_1393 = arith.select %and3A_1390, %sub3A_1392, %div3A_1371 : i32
        %jit3A_1394 = arith.constant 8 : i32
        %eq3A_1395 = arith.constant 0 : i32
        %eq3A_1396 = arith.cmpi eq, %jit3A_1394, %eq3A_1395 : i32
        %jit3A_1397 = arith.constant 1 : i32
        %select_n3A_1398 = arith.select %eq3A_1396, %jit3A_1397, %jit3A_1394 : i32
        %rem3A_1399 = arith.remsi %scan3A_1364, %select_n3A_1398 : i32
        %ne3A_1400 = arith.constant 0 : i32
        %ne3A_1401 = arith.cmpi ne, %rem3A_1399, %ne3A_1400 : i32
        %lt3A_1402 = arith.constant 0 : i32
        %lt3A_1403 = arith.cmpi slt, %rem3A_1399, %lt3A_1402 : i32
        %lt3A_1404 = arith.constant 0 : i32
        %lt3A_1405 = arith.cmpi slt, %select_n3A_1398, %lt3A_1404 : i32
        %ne3A_1406 = arith.xori %lt3A_1403, %lt3A_1405 : i1
        %and3A_1407 = arith.andi %ne3A_1406, %ne3A_1401 : i1
        %add3A_1408 = arith.addi %rem3A_1399, %select_n3A_1398 : i32
        %select_n3A_1409 = arith.select %and3A_1407, %add3A_1408, %rem3A_1399 : i32
        %mul3A_1410 = arith.constant 16 : i32
        %mul3A_1411 = arith.muli %select_n3A_1409, %mul3A_1410 : i32
        %get3A_1412 = arith.constant 1 : i32
        %get3A_1413 = arith.index_cast %get3A_1412 : i32 to index
        %get3A_1414 = arith.index_cast %select_n3A_1393 : i32 to index
        %get3A_1415 = arith.index_cast %mul3A_1411 : i32 to index
        %get3A_1416 = tpu.vector_load %arg9[%get3A_1413, %get3A_1414, %get3A_1415] {strides = array<i32>} : memref<2x8x128xi32, #tpu.memory_space<vmem>>, vector<16xi32>,
        %mul3A_1417 = arith.constant 16 : i32
        %mul3A_1418 = arith.muli %scan3A_1364, %mul3A_1417 : i32
        %get3A_1419 = arith.constant 1 : i32
        %get3A_1420 = arith.index_cast %get3A_1419 : i32 to index
        %get3A_1421 = arith.index_cast %mul3A_1418 : i32 to index
        %get3A_1422 = tpu.vector_load %arg10[%get3A_1420, %get3A_1421] {strides = array<i32>} : memref<2x1024xf32, #tpu.memory_space<vmem>>, vector<16xf32>,
        %shift_right_arithmetic3A_1423 = arith.constant 3 : i32
        %shift_right_arithmetic3A_1424 = vector.broadcast %shift_right_arithmetic3A_1423 : i32 to vector<16xi32>
        %shift_right_arithmetic3A_1425 = arith.shrsi %get3A_1416, %shift_right_arithmetic3A_1424 : vector<16xi32>
        %and3A_1426 = arith.constant 7 : i32
        %and3A_1427 = vector.broadcast %and3A_1426 : i32 to vector<16xi32>
        %and3A_1428 = arith.andi %get3A_1416, %and3A_1427 : vector<16xi32>
        %shift_right_arithmetic3A_1429 = arith.constant 7 : i32
        %shift_right_arithmetic3A_1430 = vector.broadcast %shift_right_arithmetic3A_1429 : i32 to vector<16xi32>
        %shift_right_arithmetic3A_1431 = arith.shrsi %add3A_1369, %shift_right_arithmetic3A_1430 : vector<16xi32>
        %and3A_1432 = arith.constant 127 : i32
        %and3A_1433 = vector.broadcast %and3A_1432 : i32 to vector<16xi32>
        %and3A_1434 = arith.andi %add3A_1369, %and3A_1433 : vector<16xi32>
        %gather3A_1435 = arith.constant 1 : i32
        %gather3A_1436 = arith.constant 0 : i32
        %gather3A_1437 = arith.constant 0 : i32
        %gather3A_1438 = arith.constant 0 : i32
        %gather3A_1439 = arith.constant 0 : i32
        %gather3A_1440 = tpu.memref_slice %arg7[%gather3A_1435, %gather3A_1436, %gather3A_1437, %gather3A_1438, %gather3A_1439] : memref<2x2x8x8x128xf32, #tpu.memory_space<vmem>> -> memref<1x2x8x8x128xf32, #tpu.memory_space<vmem>>
        %gather3A_1441 = tpu.memref_squeeze %gather3A_1440 : memref<1x2x8x8x128xf32, #tpu.memory_space<vmem>> -> memref<2x8x8x128xf32, #tpu.memory_space<vmem>>
        %gather3A_1442 = tpu.vector_load_idx %gather3A_1441[%shift_right_arithmetic3A_1425, %shift_right_arithmetic3A_1431, %and3A_1428, %and3A_1434] : memref<2x8x8x128xf32, #tpu.memory_space<vmem>>[vector<16xi32>, vector<16xi32>, vector<16xi32>, vector<16xi32>], vector<16xf32>,
        %gather3A_1443 = arith.constant 1 : i32
        %gather3A_1444 = arith.constant 0 : i32
        %gather3A_1445 = arith.constant 0 : i32
        %gather3A_1446 = arith.constant 0 : i32
        %gather3A_1447 = arith.constant 0 : i32
        %gather3A_1448 = tpu.memref_slice %arg8[%gather3A_1443, %gather3A_1444, %gather3A_1445, %gather3A_1446, %gather3A_1447] : memref<2x2x8x8x128xf32, #tpu.memory_space<vmem>> -> memref<1x2x8x8x128xf32, #tpu.memory_space<vmem>>
        %gather3A_1449 = tpu.memref_squeeze %gather3A_1448 : memref<1x2x8x8x128xf32, #tpu.memory_space<vmem>> -> memref<2x8x8x128xf32, #tpu.memory_space<vmem>>
        %gather3A_1450 = tpu.vector_load_idx %gather3A_1449[%shift_right_arithmetic3A_1425, %shift_right_arithmetic3A_1431, %and3A_1428, %and3A_1434] : memref<2x8x8x128xf32, #tpu.memory_space<vmem>>[vector<16xi32>, vector<16xi32>, vector<16xi32>, vector<16xi32>], vector<16xf32>,
        %mul3A_1451 = arith.mulf %gather3A_1450, %get3A_1422 : vector<16xf32>
        %add3A_1452 = arith.addf %gather3A_1442, %mul3A_1451 : vector<16xf32>
        %mul3A_1453 = arith.constant 16 : i32
        %mul3A_1454 = arith.muli %scan3A_1364, %mul3A_1453 : i32
        %swap3A_1455 = arith.constant 1 : i32
        %swap3A_1456 = arith.index_cast %swap3A_1455 : i32 to index
        %swap3A_1457 = arith.index_cast %mul3A_1454 : i32 to index
        %swap3A_1458 = tpu.vector_load %arg11[%swap3A_1456, %swap3A_1457] {strides = array<i32>} : memref<2x1024xf32, #tpu.memory_space<vmem>>, vector<16xf32>,
        tpu.vector_store %arg11[%swap3A_1456, %swap3A_1457], %add3A_1452 {strides = array<i32>} : memref<2x1024xf32, #tpu.memory_space<vmem>>, vector<16xf32>,
        %scan3A_1459 = arith.constant 2 : i32
        %scan3A_1460 = arith.addi %scan3A_1273, %scan3A_1459 : i32
        %iota3A_1461 = tpu.iota {dimensions = array<i32: 0>} : vector<16xi32>
        %mul3A_1462 = arith.constant 16 : i32
        %mul3A_1463 = arith.muli %scan3A_1460, %mul3A_1462 : i32
        %add3A_1464 = vector.broadcast %mul3A_1463 : i32 to vector<16xi32>
        %add3A_1465 = arith.addi %iota3A_1461, %add3A_1464 : vector<16xi32>
        %jit3A_1466 = arith.constant 8 : i32
        %div3A_1467 = arith.divsi %scan3A_1460, %jit3A_1466 : i32
        %sign3A_1468 = arith.constant 0 : i32
        %sign3A_1469 = arith.cmpi sgt, %scan3A_1460, %sign3A_1468 : i32
        %sign3A_1470 = arith.extui %sign3A_1469 : i1 to i32
        %sign3A_1471 = arith.constant 0 : i32
        %sign3A_1472 = arith.cmpi slt, %scan3A_1460, %sign3A_1471 : i32
        %sign3A_1473 = arith.extui %sign3A_1472 : i1 to i32
        %sign3A_1474 = arith.subi %sign3A_1470, %sign3A_1473 : i32
        %sign3A_1475 = arith.constant 0 : i32
        %sign3A_1476 = arith.cmpi sgt, %jit3A_1466, %sign3A_1475 : i32
        %sign3A_1477 = arith.extui %sign3A_1476 : i1 to i32
        %sign3A_1478 = arith.constant 0 : i32
        %sign3A_1479 = arith.cmpi slt, %jit3A_1466, %sign3A_1478 : i32
        %sign3A_1480 = arith.extui %sign3A_1479 : i1 to i32
        %sign3A_1481 = arith.subi %sign3A_1477, %sign3A_1480 : i32
        %ne3A_1482 = arith.cmpi ne, %sign3A_1474, %sign3A_1481 : i32
        %rem3A_1483 = arith.remsi %scan3A_1460, %jit3A_1466 : i32
        %ne3A_1484 = arith.constant 0 : i32
        %ne3A_1485 = arith.cmpi ne, %rem3A_1483, %ne3A_1484 : i32
        %and3A_1486 = arith.andi %ne3A_1482, %ne3A_1485 : i1
        %sub3A_1487 = arith.constant 1 : i32
        %sub3A_1488 = arith.subi %div3A_1467, %sub3A_1487 : i32
        %select_n3A_1489 = arith.select %and3A_1486, %sub3A_1488, %div3A_1467 : i32
        %jit3A_1490 = arith.constant 8 : i32
        %eq3A_1491 = arith.constant 0 : i32
        %eq3A_1492 = arith.cmpi eq, %jit3A_1490, %eq3A_1491 : i32
        %jit3A_1493 = arith.constant 1 : i32
        %select_n3A_1494 = arith.select %eq3A_1492, %jit3A_1493, %jit3A_1490 : i32
        %rem3A_1495 = arith.remsi %scan3A_1460, %select_n3A_1494 : i32
        %ne3A_1496 = arith.constant 0 : i32
        %ne3A_1497 = arith.cmpi ne, %rem3A_1495, %ne3A_1496 : i32
        %lt3A_1498 = arith.constant 0 : i32
        %lt3A_1499 = arith.cmpi slt, %rem3A_1495, %lt3A_1498 : i32
        %lt3A_1500 = arith.constant 0 : i32
        %lt3A_1501 = arith.cmpi slt, %select_n3A_1494, %lt3A_1500 : i32
        %ne3A_1502 = arith.xori %lt3A_1499, %lt3A_1501 : i1
        %and3A_1503 = arith.andi %ne3A_1502, %ne3A_1497 : i1
        %add3A_1504 = arith.addi %rem3A_1495, %select_n3A_1494 : i32
        %select_n3A_1505 = arith.select %and3A_1503, %add3A_1504, %rem3A_1495 : i32
        %mul3A_1506 = arith.constant 16 : i32
        %mul3A_1507 = arith.muli %select_n3A_1505, %mul3A_1506 : i32
        %get3A_1508 = arith.constant 1 : i32
        %get3A_1509 = arith.index_cast %get3A_1508 : i32 to index
        %get3A_1510 = arith.index_cast %select_n3A_1489 : i32 to index
        %get3A_1511 = arith.index_cast %mul3A_1507 : i32 to index
        %get3A_1512 = tpu.vector_load %arg9[%get3A_1509, %get3A_1510, %get3A_1511] {strides = array<i32>} : memref<2x8x128xi32, #tpu.memory_space<vmem>>, vector<16xi32>,
        %mul3A_1513 = arith.constant 16 : i32
        %mul3A_1514 = arith.muli %scan3A_1460, %mul3A_1513 : i32
        %get3A_1515 = arith.constant 1 : i32
        %get3A_1516 = arith.index_cast %get3A_1515 : i32 to index
        %get3A_1517 = arith.index_cast %mul3A_1514 : i32 to index
        %get3A_1518 = tpu.vector_load %arg10[%get3A_1516, %get3A_1517] {strides = array<i32>} : memref<2x1024xf32, #tpu.memory_space<vmem>>, vector<16xf32>,
        %shift_right_arithmetic3A_1519 = arith.constant 3 : i32
        %shift_right_arithmetic3A_1520 = vector.broadcast %shift_right_arithmetic3A_1519 : i32 to vector<16xi32>
        %shift_right_arithmetic3A_1521 = arith.shrsi %get3A_1512, %shift_right_arithmetic3A_1520 : vector<16xi32>
        %and3A_1522 = arith.constant 7 : i32
        %and3A_1523 = vector.broadcast %and3A_1522 : i32 to vector<16xi32>
        %and3A_1524 = arith.andi %get3A_1512, %and3A_1523 : vector<16xi32>
        %shift_right_arithmetic3A_1525 = arith.constant 7 : i32
        %shift_right_arithmetic3A_1526 = vector.broadcast %shift_right_arithmetic3A_1525 : i32 to vector<16xi32>
        %shift_right_arithmetic3A_1527 = arith.shrsi %add3A_1465, %shift_right_arithmetic3A_1526 : vector<16xi32>
        %and3A_1528 = arith.constant 127 : i32
        %and3A_1529 = vector.broadcast %and3A_1528 : i32 to vector<16xi32>
        %and3A_1530 = arith.andi %add3A_1465, %and3A_1529 : vector<16xi32>
        %gather3A_1531 = arith.constant 1 : i32
        %gather3A_1532 = arith.constant 0 : i32
        %gather3A_1533 = arith.constant 0 : i32
        %gather3A_1534 = arith.constant 0 : i32
        %gather3A_1535 = arith.constant 0 : i32
        %gather3A_1536 = tpu.memref_slice %arg7[%gather3A_1531, %gather3A_1532, %gather3A_1533, %gather3A_1534, %gather3A_1535] : memref<2x2x8x8x128xf32, #tpu.memory_space<vmem>> -> memref<1x2x8x8x128xf32, #tpu.memory_space<vmem>>
        %gather3A_1537 = tpu.memref_squeeze %gather3A_1536 : memref<1x2x8x8x128xf32, #tpu.memory_space<vmem>> -> memref<2x8x8x128xf32, #tpu.memory_space<vmem>>
        %gather3A_1538 = tpu.vector_load_idx %gather3A_1537[%shift_right_arithmetic3A_1521, %shift_right_arithmetic3A_1527, %and3A_1524, %and3A_1530] : memref<2x8x8x128xf32, #tpu.memory_space<vmem>>[vector<16xi32>, vector<16xi32>, vector<16xi32>, vector<16xi32>], vector<16xf32>,
        %gather3A_1539 = arith.constant 1 : i32
        %gather3A_1540 = arith.constant 0 : i32
        %gather3A_1541 = arith.constant 0 : i32
        %gather3A_1542 = arith.constant 0 : i32
        %gather3A_1543 = arith.constant 0 : i32
        %gather3A_1544 = tpu.memref_slice %arg8[%gather3A_1539, %gather3A_1540, %gather3A_1541, %gather3A_1542, %gather3A_1543] : memref<2x2x8x8x128xf32, #tpu.memory_space<vmem>> -> memref<1x2x8x8x128xf32, #tpu.memory_space<vmem>>
        %gather3A_1545 = tpu.memref_squeeze %gather3A_1544 : memref<1x2x8x8x128xf32, #tpu.memory_space<vmem>> -> memref<2x8x8x128xf32, #tpu.memory_space<vmem>>
        %gather3A_1546 = tpu.vector_load_idx %gather3A_1545[%shift_right_arithmetic3A_1521, %shift_right_arithmetic3A_1527, %and3A_1524, %and3A_1530] : memref<2x8x8x128xf32, #tpu.memory_space<vmem>>[vector<16xi32>, vector<16xi32>, vector<16xi32>, vector<16xi32>], vector<16xf32>,
        %mul3A_1547 = arith.mulf %gather3A_1546, %get3A_1518 : vector<16xf32>
        %add3A_1548 = arith.addf %gather3A_1538, %mul3A_1547 : vector<16xf32>
        %mul3A_1549 = arith.constant 16 : i32
        %mul3A_1550 = arith.muli %scan3A_1460, %mul3A_1549 : i32
        %swap3A_1551 = arith.constant 1 : i32
        %swap3A_1552 = arith.index_cast %swap3A_1551 : i32 to index
        %swap3A_1553 = arith.index_cast %mul3A_1550 : i32 to index
        %swap3A_1554 = tpu.vector_load %arg11[%swap3A_1552, %swap3A_1553] {strides = array<i32>} : memref<2x1024xf32, #tpu.memory_space<vmem>>, vector<16xf32>,
        tpu.vector_store %arg11[%swap3A_1552, %swap3A_1553], %add3A_1548 {strides = array<i32>} : memref<2x1024xf32, #tpu.memory_space<vmem>>, vector<16xf32>,
        %scan3A_1555 = arith.constant 3 : i32
        %scan3A_1556 = arith.addi %scan3A_1273, %scan3A_1555 : i32
        %iota3A_1557 = tpu.iota {dimensions = array<i32: 0>} : vector<16xi32>
        %mul3A_1558 = arith.constant 16 : i32
        %mul3A_1559 = arith.muli %scan3A_1556, %mul3A_1558 : i32
        %add3A_1560 = vector.broadcast %mul3A_1559 : i32 to vector<16xi32>
        %add3A_1561 = arith.addi %iota3A_1557, %add3A_1560 : vector<16xi32>
        %jit3A_1562 = arith.constant 8 : i32
        %div3A_1563 = arith.divsi %scan3A_1556, %jit3A_1562 : i32
        %sign3A_1564 = arith.constant 0 : i32
        %sign3A_1565 = arith.cmpi sgt, %scan3A_1556, %sign3A_1564 : i32
        %sign3A_1566 = arith.extui %sign3A_1565 : i1 to i32
        %sign3A_1567 = arith.constant 0 : i32
        %sign3A_1568 = arith.cmpi slt, %scan3A_1556, %sign3A_1567 : i32
        %sign3A_1569 = arith.extui %sign3A_1568 : i1 to i32
        %sign3A_1570 = arith.subi %sign3A_1566, %sign3A_1569 : i32
        %sign3A_1571 = arith.constant 0 : i32
        %sign3A_1572 = arith.cmpi sgt, %jit3A_1562, %sign3A_1571 : i32
        %sign3A_1573 = arith.extui %sign3A_1572 : i1 to i32
        %sign3A_1574 = arith.constant 0 : i32
        %sign3A_1575 = arith.cmpi slt, %jit3A_1562, %sign3A_1574 : i32
        %sign3A_1576 = arith.extui %sign3A_1575 : i1 to i32
        %sign3A_1577 = arith.subi %sign3A_1573, %sign3A_1576 : i32
        %ne3A_1578 = arith.cmpi ne, %sign3A_1570, %sign3A_1577 : i32
        %rem3A_1579 = arith.remsi %scan3A_1556, %jit3A_1562 : i32
        %ne3A_1580 = arith.constant 0 : i32
        %ne3A_1581 = arith.cmpi ne, %rem3A_1579, %ne3A_1580 : i32
        %and3A_1582 = arith.andi %ne3A_1578, %ne3A_1581 : i1
        %sub3A_1583 = arith.constant 1 : i32
        %sub3A_1584 = arith.subi %div3A_1563, %sub3A_1583 : i32
        %select_n3A_1585 = arith.select %and3A_1582, %sub3A_1584, %div3A_1563 : i32
        %jit3A_1586 = arith.constant 8 : i32
        %eq3A_1587 = arith.constant 0 : i32
        %eq3A_1588 = arith.cmpi eq, %jit3A_1586, %eq3A_1587 : i32
        %jit3A_1589 = arith.constant 1 : i32
        %select_n3A_1590 = arith.select %eq3A_1588, %jit3A_1589, %jit3A_1586 : i32
        %rem3A_1591 = arith.remsi %scan3A_1556, %select_n3A_1590 : i32
        %ne3A_1592 = arith.constant 0 : i32
        %ne3A_1593 = arith.cmpi ne, %rem3A_1591, %ne3A_1592 : i32
        %lt3A_1594 = arith.constant 0 : i32
        %lt3A_1595 = arith.cmpi slt, %rem3A_1591, %lt3A_1594 : i32
        %lt3A_1596 = arith.constant 0 : i32
        %lt3A_1597 = arith.cmpi slt, %select_n3A_1590, %lt3A_1596 : i32
        %ne3A_1598 = arith.xori %lt3A_1595, %lt3A_1597 : i1
        %and3A_1599 = arith.andi %ne3A_1598, %ne3A_1593 : i1
        %add3A_1600 = arith.addi %rem3A_1591, %select_n3A_1590 : i32
        %select_n3A_1601 = arith.select %and3A_1599, %add3A_1600, %rem3A_1591 : i32
        %mul3A_1602 = arith.constant 16 : i32
        %mul3A_1603 = arith.muli %select_n3A_1601, %mul3A_1602 : i32
        %get3A_1604 = arith.constant 1 : i32
        %get3A_1605 = arith.index_cast %get3A_1604 : i32 to index
        %get3A_1606 = arith.index_cast %select_n3A_1585 : i32 to index
        %get3A_1607 = arith.index_cast %mul3A_1603 : i32 to index
        %get3A_1608 = tpu.vector_load %arg9[%get3A_1605, %get3A_1606, %get3A_1607] {strides = array<i32>} : memref<2x8x128xi32, #tpu.memory_space<vmem>>, vector<16xi32>,
        %mul3A_1609 = arith.constant 16 : i32
        %mul3A_1610 = arith.muli %scan3A_1556, %mul3A_1609 : i32
        %get3A_1611 = arith.constant 1 : i32
        %get3A_1612 = arith.index_cast %get3A_1611 : i32 to index
        %get3A_1613 = arith.index_cast %mul3A_1610 : i32 to index
        %get3A_1614 = tpu.vector_load %arg10[%get3A_1612, %get3A_1613] {strides = array<i32>} : memref<2x1024xf32, #tpu.memory_space<vmem>>, vector<16xf32>,
        %shift_right_arithmetic3A_1615 = arith.constant 3 : i32
        %shift_right_arithmetic3A_1616 = vector.broadcast %shift_right_arithmetic3A_1615 : i32 to vector<16xi32>
        %shift_right_arithmetic3A_1617 = arith.shrsi %get3A_1608, %shift_right_arithmetic3A_1616 : vector<16xi32>
        %and3A_1618 = arith.constant 7 : i32
        %and3A_1619 = vector.broadcast %and3A_1618 : i32 to vector<16xi32>
        %and3A_1620 = arith.andi %get3A_1608, %and3A_1619 : vector<16xi32>
        %shift_right_arithmetic3A_1621 = arith.constant 7 : i32
        %shift_right_arithmetic3A_1622 = vector.broadcast %shift_right_arithmetic3A_1621 : i32 to vector<16xi32>
        %shift_right_arithmetic3A_1623 = arith.shrsi %add3A_1561, %shift_right_arithmetic3A_1622 : vector<16xi32>
        %and3A_1624 = arith.constant 127 : i32
        %and3A_1625 = vector.broadcast %and3A_1624 : i32 to vector<16xi32>
        %and3A_1626 = arith.andi %add3A_1561, %and3A_1625 : vector<16xi32>
        %gather3A_1627 = arith.constant 1 : i32
        %gather3A_1628 = arith.constant 0 : i32
        %gather3A_1629 = arith.constant 0 : i32
        %gather3A_1630 = arith.constant 0 : i32
        %gather3A_1631 = arith.constant 0 : i32
        %gather3A_1632 = tpu.memref_slice %arg7[%gather3A_1627, %gather3A_1628, %gather3A_1629, %gather3A_1630, %gather3A_1631] : memref<2x2x8x8x128xf32, #tpu.memory_space<vmem>> -> memref<1x2x8x8x128xf32, #tpu.memory_space<vmem>>
        %gather3A_1633 = tpu.memref_squeeze %gather3A_1632 : memref<1x2x8x8x128xf32, #tpu.memory_space<vmem>> -> memref<2x8x8x128xf32, #tpu.memory_space<vmem>>
        %gather3A_1634 = tpu.vector_load_idx %gather3A_1633[%shift_right_arithmetic3A_1617, %shift_right_arithmetic3A_1623, %and3A_1620, %and3A_1626] : memref<2x8x8x128xf32, #tpu.memory_space<vmem>>[vector<16xi32>, vector<16xi32>, vector<16xi32>, vector<16xi32>], vector<16xf32>,
        %gather3A_1635 = arith.constant 1 : i32
        %gather3A_1636 = arith.constant 0 : i32
        %gather3A_1637 = arith.constant 0 : i32
        %gather3A_1638 = arith.constant 0 : i32
        %gather3A_1639 = arith.constant 0 : i32
        %gather3A_1640 = tpu.memref_slice %arg8[%gather3A_1635, %gather3A_1636, %gather3A_1637, %gather3A_1638, %gather3A_1639] : memref<2x2x8x8x128xf32, #tpu.memory_space<vmem>> -> memref<1x2x8x8x128xf32, #tpu.memory_space<vmem>>
        %gather3A_1641 = tpu.memref_squeeze %gather3A_1640 : memref<1x2x8x8x128xf32, #tpu.memory_space<vmem>> -> memref<2x8x8x128xf32, #tpu.memory_space<vmem>>
        %gather3A_1642 = tpu.vector_load_idx %gather3A_1641[%shift_right_arithmetic3A_1617, %shift_right_arithmetic3A_1623, %and3A_1620, %and3A_1626] : memref<2x8x8x128xf32, #tpu.memory_space<vmem>>[vector<16xi32>, vector<16xi32>, vector<16xi32>, vector<16xi32>], vector<16xf32>,
        %mul3A_1643 = arith.mulf %gather3A_1642, %get3A_1614 : vector<16xf32>
        %add3A_1644 = arith.addf %gather3A_1634, %mul3A_1643 : vector<16xf32>
        %mul3A_1645 = arith.constant 16 : i32
        %mul3A_1646 = arith.muli %scan3A_1556, %mul3A_1645 : i32
        %swap3A_1647 = arith.constant 1 : i32
        %swap3A_1648 = arith.index_cast %swap3A_1647 : i32 to index
        %swap3A_1649 = arith.index_cast %mul3A_1646 : i32 to index
        %swap3A_1650 = tpu.vector_load %arg11[%swap3A_1648, %swap3A_1649] {strides = array<i32>} : memref<2x1024xf32, #tpu.memory_space<vmem>>, vector<16xf32>,
        tpu.vector_store %arg11[%swap3A_1648, %swap3A_1649], %add3A_1644 {strides = array<i32>} : memref<2x1024xf32, #tpu.memory_space<vmem>>, vector<16xf32>,
        %scan3A_1651 = arith.constant 4 : i32
        %scan3A_1652 = arith.addi %scan3A_1273, %scan3A_1651 : i32
        %iota3A_1653 = tpu.iota {dimensions = array<i32: 0>} : vector<16xi32>
        %mul3A_1654 = arith.constant 16 : i32
        %mul3A_1655 = arith.muli %scan3A_1652, %mul3A_1654 : i32
        %add3A_1656 = vector.broadcast %mul3A_1655 : i32 to vector<16xi32>
        %add3A_1657 = arith.addi %iota3A_1653, %add3A_1656 : vector<16xi32>
        %jit3A_1658 = arith.constant 8 : i32
        %div3A_1659 = arith.divsi %scan3A_1652, %jit3A_1658 : i32
        %sign3A_1660 = arith.constant 0 : i32
        %sign3A_1661 = arith.cmpi sgt, %scan3A_1652, %sign3A_1660 : i32
        %sign3A_1662 = arith.extui %sign3A_1661 : i1 to i32
        %sign3A_1663 = arith.constant 0 : i32
        %sign3A_1664 = arith.cmpi slt, %scan3A_1652, %sign3A_1663 : i32
        %sign3A_1665 = arith.extui %sign3A_1664 : i1 to i32
        %sign3A_1666 = arith.subi %sign3A_1662, %sign3A_1665 : i32
        %sign3A_1667 = arith.constant 0 : i32
        %sign3A_1668 = arith.cmpi sgt, %jit3A_1658, %sign3A_1667 : i32
        %sign3A_1669 = arith.extui %sign3A_1668 : i1 to i32
        %sign3A_1670 = arith.constant 0 : i32
        %sign3A_1671 = arith.cmpi slt, %jit3A_1658, %sign3A_1670 : i32
        %sign3A_1672 = arith.extui %sign3A_1671 : i1 to i32
        %sign3A_1673 = arith.subi %sign3A_1669, %sign3A_1672 : i32
        %ne3A_1674 = arith.cmpi ne, %sign3A_1666, %sign3A_1673 : i32
        %rem3A_1675 = arith.remsi %scan3A_1652, %jit3A_1658 : i32
        %ne3A_1676 = arith.constant 0 : i32
        %ne3A_1677 = arith.cmpi ne, %rem3A_1675, %ne3A_1676 : i32
        %and3A_1678 = arith.andi %ne3A_1674, %ne3A_1677 : i1
        %sub3A_1679 = arith.constant 1 : i32
        %sub3A_1680 = arith.subi %div3A_1659, %sub3A_1679 : i32
        %select_n3A_1681 = arith.select %and3A_1678, %sub3A_1680, %div3A_1659 : i32
        %jit3A_1682 = arith.constant 8 : i32
        %eq3A_1683 = arith.constant 0 : i32
        %eq3A_1684 = arith.cmpi eq, %jit3A_1682, %eq3A_1683 : i32
        %jit3A_1685 = arith.constant 1 : i32
        %select_n3A_1686 = arith.select %eq3A_1684, %jit3A_1685, %jit3A_1682 : i32
        %rem3A_1687 = arith.remsi %scan3A_1652, %select_n3A_1686 : i32
        %ne3A_1688 = arith.constant 0 : i32
        %ne3A_1689 = arith.cmpi ne, %rem3A_1687, %ne3A_1688 : i32
        %lt3A_1690 = arith.constant 0 : i32
        %lt3A_1691 = arith.cmpi slt, %rem3A_1687, %lt3A_1690 : i32
        %lt3A_1692 = arith.constant 0 : i32
        %lt3A_1693 = arith.cmpi slt, %select_n3A_1686, %lt3A_1692 : i32
        %ne3A_1694 = arith.xori %lt3A_1691, %lt3A_1693 : i1
        %and3A_1695 = arith.andi %ne3A_1694, %ne3A_1689 : i1
        %add3A_1696 = arith.addi %rem3A_1687, %select_n3A_1686 : i32
        %select_n3A_1697 = arith.select %and3A_1695, %add3A_1696, %rem3A_1687 : i32
        %mul3A_1698 = arith.constant 16 : i32
        %mul3A_1699 = arith.muli %select_n3A_1697, %mul3A_1698 : i32
        %get3A_1700 = arith.constant 1 : i32
        %get3A_1701 = arith.index_cast %get3A_1700 : i32 to index
        %get3A_1702 = arith.index_cast %select_n3A_1681 : i32 to index
        %get3A_1703 = arith.index_cast %mul3A_1699 : i32 to index
        %get3A_1704 = tpu.vector_load %arg9[%get3A_1701, %get3A_1702, %get3A_1703] {strides = array<i32>} : memref<2x8x128xi32, #tpu.memory_space<vmem>>, vector<16xi32>,
        %mul3A_1705 = arith.constant 16 : i32
        %mul3A_1706 = arith.muli %scan3A_1652, %mul3A_1705 : i32
        %get3A_1707 = arith.constant 1 : i32
        %get3A_1708 = arith.index_cast %get3A_1707 : i32 to index
        %get3A_1709 = arith.index_cast %mul3A_1706 : i32 to index
        %get3A_1710 = tpu.vector_load %arg10[%get3A_1708, %get3A_1709] {strides = array<i32>} : memref<2x1024xf32, #tpu.memory_space<vmem>>, vector<16xf32>,
        %shift_right_arithmetic3A_1711 = arith.constant 3 : i32
        %shift_right_arithmetic3A_1712 = vector.broadcast %shift_right_arithmetic3A_1711 : i32 to vector<16xi32>
        %shift_right_arithmetic3A_1713 = arith.shrsi %get3A_1704, %shift_right_arithmetic3A_1712 : vector<16xi32>
        %and3A_1714 = arith.constant 7 : i32
        %and3A_1715 = vector.broadcast %and3A_1714 : i32 to vector<16xi32>
        %and3A_1716 = arith.andi %get3A_1704, %and3A_1715 : vector<16xi32>
        %shift_right_arithmetic3A_1717 = arith.constant 7 : i32
        %shift_right_arithmetic3A_1718 = vector.broadcast %shift_right_arithmetic3A_1717 : i32 to vector<16xi32>
        %shift_right_arithmetic3A_1719 = arith.shrsi %add3A_1657, %shift_right_arithmetic3A_1718 : vector<16xi32>
        %and3A_1720 = arith.constant 127 : i32
        %and3A_1721 = vector.broadcast %and3A_1720 : i32 to vector<16xi32>
        %and3A_1722 = arith.andi %add3A_1657, %and3A_1721 : vector<16xi32>
        %gather3A_1723 = arith.constant 1 : i32
        %gather3A_1724 = arith.constant 0 : i32
        %gather3A_1725 = arith.constant 0 : i32
        %gather3A_1726 = arith.constant 0 : i32
        %gather3A_1727 = arith.constant 0 : i32
        %gather3A_1728 = tpu.memref_slice %arg7[%gather3A_1723, %gather3A_1724, %gather3A_1725, %gather3A_1726, %gather3A_1727] : memref<2x2x8x8x128xf32, #tpu.memory_space<vmem>> -> memref<1x2x8x8x128xf32, #tpu.memory_space<vmem>>
        %gather3A_1729 = tpu.memref_squeeze %gather3A_1728 : memref<1x2x8x8x128xf32, #tpu.memory_space<vmem>> -> memref<2x8x8x128xf32, #tpu.memory_space<vmem>>
        %gather3A_1730 = tpu.vector_load_idx %gather3A_1729[%shift_right_arithmetic3A_1713, %shift_right_arithmetic3A_1719, %and3A_1716, %and3A_1722] : memref<2x8x8x128xf32, #tpu.memory_space<vmem>>[vector<16xi32>, vector<16xi32>, vector<16xi32>, vector<16xi32>], vector<16xf32>,
        %gather3A_1731 = arith.constant 1 : i32
        %gather3A_1732 = arith.constant 0 : i32
        %gather3A_1733 = arith.constant 0 : i32
        %gather3A_1734 = arith.constant 0 : i32
        %gather3A_1735 = arith.constant 0 : i32
        %gather3A_1736 = tpu.memref_slice %arg8[%gather3A_1731, %gather3A_1732, %gather3A_1733, %gather3A_1734, %gather3A_1735] : memref<2x2x8x8x128xf32, #tpu.memory_space<vmem>> -> memref<1x2x8x8x128xf32, #tpu.memory_space<vmem>>
        %gather3A_1737 = tpu.memref_squeeze %gather3A_1736 : memref<1x2x8x8x128xf32, #tpu.memory_space<vmem>> -> memref<2x8x8x128xf32, #tpu.memory_space<vmem>>
        %gather3A_1738 = tpu.vector_load_idx %gather3A_1737[%shift_right_arithmetic3A_1713, %shift_right_arithmetic3A_1719, %and3A_1716, %and3A_1722] : memref<2x8x8x128xf32, #tpu.memory_space<vmem>>[vector<16xi32>, vector<16xi32>, vector<16xi32>, vector<16xi32>], vector<16xf32>,
        %mul3A_1739 = arith.mulf %gather3A_1738, %get3A_1710 : vector<16xf32>
        %add3A_1740 = arith.addf %gather3A_1730, %mul3A_1739 : vector<16xf32>
        %mul3A_1741 = arith.constant 16 : i32
        %mul3A_1742 = arith.muli %scan3A_1652, %mul3A_1741 : i32
        %swap3A_1743 = arith.constant 1 : i32
        %swap3A_1744 = arith.index_cast %swap3A_1743 : i32 to index
        %swap3A_1745 = arith.index_cast %mul3A_1742 : i32 to index
        %swap3A_1746 = tpu.vector_load %arg11[%swap3A_1744, %swap3A_1745] {strides = array<i32>} : memref<2x1024xf32, #tpu.memory_space<vmem>>, vector<16xf32>,
        tpu.vector_store %arg11[%swap3A_1744, %swap3A_1745], %add3A_1740 {strides = array<i32>} : memref<2x1024xf32, #tpu.memory_space<vmem>>, vector<16xf32>,
        %scan3A_1747 = arith.constant 5 : i32
        %scan3A_1748 = arith.addi %scan3A_1273, %scan3A_1747 : i32
        %iota3A_1749 = tpu.iota {dimensions = array<i32: 0>} : vector<16xi32>
        %mul3A_1750 = arith.constant 16 : i32
        %mul3A_1751 = arith.muli %scan3A_1748, %mul3A_1750 : i32
        %add3A_1752 = vector.broadcast %mul3A_1751 : i32 to vector<16xi32>
        %add3A_1753 = arith.addi %iota3A_1749, %add3A_1752 : vector<16xi32>
        %jit3A_1754 = arith.constant 8 : i32
        %div3A_1755 = arith.divsi %scan3A_1748, %jit3A_1754 : i32
        %sign3A_1756 = arith.constant 0 : i32
        %sign3A_1757 = arith.cmpi sgt, %scan3A_1748, %sign3A_1756 : i32
        %sign3A_1758 = arith.extui %sign3A_1757 : i1 to i32
        %sign3A_1759 = arith.constant 0 : i32
        %sign3A_1760 = arith.cmpi slt, %scan3A_1748, %sign3A_1759 : i32
        %sign3A_1761 = arith.extui %sign3A_1760 : i1 to i32
        %sign3A_1762 = arith.subi %sign3A_1758, %sign3A_1761 : i32
        %sign3A_1763 = arith.constant 0 : i32
        %sign3A_1764 = arith.cmpi sgt, %jit3A_1754, %sign3A_1763 : i32
        %sign3A_1765 = arith.extui %sign3A_1764 : i1 to i32
        %sign3A_1766 = arith.constant 0 : i32
        %sign3A_1767 = arith.cmpi slt, %jit3A_1754, %sign3A_1766 : i32
        %sign3A_1768 = arith.extui %sign3A_1767 : i1 to i32
        %sign3A_1769 = arith.subi %sign3A_1765, %sign3A_1768 : i32
        %ne3A_1770 = arith.cmpi ne, %sign3A_1762, %sign3A_1769 : i32
        %rem3A_1771 = arith.remsi %scan3A_1748, %jit3A_1754 : i32
        %ne3A_1772 = arith.constant 0 : i32
        %ne3A_1773 = arith.cmpi ne, %rem3A_1771, %ne3A_1772 : i32
        %and3A_1774 = arith.andi %ne3A_1770, %ne3A_1773 : i1
        %sub3A_1775 = arith.constant 1 : i32
        %sub3A_1776 = arith.subi %div3A_1755, %sub3A_1775 : i32
        %select_n3A_1777 = arith.select %and3A_1774, %sub3A_1776, %div3A_1755 : i32
        %jit3A_1778 = arith.constant 8 : i32
        %eq3A_1779 = arith.constant 0 : i32
        %eq3A_1780 = arith.cmpi eq, %jit3A_1778, %eq3A_1779 : i32
        %jit3A_1781 = arith.constant 1 : i32
        %select_n3A_1782 = arith.select %eq3A_1780, %jit3A_1781, %jit3A_1778 : i32
        %rem3A_1783 = arith.remsi %scan3A_1748, %select_n3A_1782 : i32
        %ne3A_1784 = arith.constant 0 : i32
        %ne3A_1785 = arith.cmpi ne, %rem3A_1783, %ne3A_1784 : i32
        %lt3A_1786 = arith.constant 0 : i32
        %lt3A_1787 = arith.cmpi slt, %rem3A_1783, %lt3A_1786 : i32
        %lt3A_1788 = arith.constant 0 : i32
        %lt3A_1789 = arith.cmpi slt, %select_n3A_1782, %lt3A_1788 : i32
        %ne3A_1790 = arith.xori %lt3A_1787, %lt3A_1789 : i1
        %and3A_1791 = arith.andi %ne3A_1790, %ne3A_1785 : i1
        %add3A_1792 = arith.addi %rem3A_1783, %select_n3A_1782 : i32
        %select_n3A_1793 = arith.select %and3A_1791, %add3A_1792, %rem3A_1783 : i32
        %mul3A_1794 = arith.constant 16 : i32
        %mul3A_1795 = arith.muli %select_n3A_1793, %mul3A_1794 : i32
        %get3A_1796 = arith.constant 1 : i32
        %get3A_1797 = arith.index_cast %get3A_1796 : i32 to index
        %get3A_1798 = arith.index_cast %select_n3A_1777 : i32 to index
        %get3A_1799 = arith.index_cast %mul3A_1795 : i32 to index
        %get3A_1800 = tpu.vector_load %arg9[%get3A_1797, %get3A_1798, %get3A_1799] {strides = array<i32>} : memref<2x8x128xi32, #tpu.memory_space<vmem>>, vector<16xi32>,
        %mul3A_1801 = arith.constant 16 : i32
        %mul3A_1802 = arith.muli %scan3A_1748, %mul3A_1801 : i32
        %get3A_1803 = arith.constant 1 : i32
        %get3A_1804 = arith.index_cast %get3A_1803 : i32 to index
        %get3A_1805 = arith.index_cast %mul3A_1802 : i32 to index
        %get3A_1806 = tpu.vector_load %arg10[%get3A_1804, %get3A_1805] {strides = array<i32>} : memref<2x1024xf32, #tpu.memory_space<vmem>>, vector<16xf32>,
        %shift_right_arithmetic3A_1807 = arith.constant 3 : i32
        %shift_right_arithmetic3A_1808 = vector.broadcast %shift_right_arithmetic3A_1807 : i32 to vector<16xi32>
        %shift_right_arithmetic3A_1809 = arith.shrsi %get3A_1800, %shift_right_arithmetic3A_1808 : vector<16xi32>
        %and3A_1810 = arith.constant 7 : i32
        %and3A_1811 = vector.broadcast %and3A_1810 : i32 to vector<16xi32>
        %and3A_1812 = arith.andi %get3A_1800, %and3A_1811 : vector<16xi32>
        %shift_right_arithmetic3A_1813 = arith.constant 7 : i32
        %shift_right_arithmetic3A_1814 = vector.broadcast %shift_right_arithmetic3A_1813 : i32 to vector<16xi32>
        %shift_right_arithmetic3A_1815 = arith.shrsi %add3A_1753, %shift_right_arithmetic3A_1814 : vector<16xi32>
        %and3A_1816 = arith.constant 127 : i32
        %and3A_1817 = vector.broadcast %and3A_1816 : i32 to vector<16xi32>
        %and3A_1818 = arith.andi %add3A_1753, %and3A_1817 : vector<16xi32>
        %gather3A_1819 = arith.constant 1 : i32
        %gather3A_1820 = arith.constant 0 : i32
        %gather3A_1821 = arith.constant 0 : i32
        %gather3A_1822 = arith.constant 0 : i32
        %gather3A_1823 = arith.constant 0 : i32
        %gather3A_1824 = tpu.memref_slice %arg7[%gather3A_1819, %gather3A_1820, %gather3A_1821, %gather3A_1822, %gather3A_1823] : memref<2x2x8x8x128xf32, #tpu.memory_space<vmem>> -> memref<1x2x8x8x128xf32, #tpu.memory_space<vmem>>
        %gather3A_1825 = tpu.memref_squeeze %gather3A_1824 : memref<1x2x8x8x128xf32, #tpu.memory_space<vmem>> -> memref<2x8x8x128xf32, #tpu.memory_space<vmem>>
        %gather3A_1826 = tpu.vector_load_idx %gather3A_1825[%shift_right_arithmetic3A_1809, %shift_right_arithmetic3A_1815, %and3A_1812, %and3A_1818] : memref<2x8x8x128xf32, #tpu.memory_space<vmem>>[vector<16xi32>, vector<16xi32>, vector<16xi32>, vector<16xi32>], vector<16xf32>,
        %gather3A_1827 = arith.constant 1 : i32
        %gather3A_1828 = arith.constant 0 : i32
        %gather3A_1829 = arith.constant 0 : i32
        %gather3A_1830 = arith.constant 0 : i32
        %gather3A_1831 = arith.constant 0 : i32
        %gather3A_1832 = tpu.memref_slice %arg8[%gather3A_1827, %gather3A_1828, %gather3A_1829, %gather3A_1830, %gather3A_1831] : memref<2x2x8x8x128xf32, #tpu.memory_space<vmem>> -> memref<1x2x8x8x128xf32, #tpu.memory_space<vmem>>
        %gather3A_1833 = tpu.memref_squeeze %gather3A_1832 : memref<1x2x8x8x128xf32, #tpu.memory_space<vmem>> -> memref<2x8x8x128xf32, #tpu.memory_space<vmem>>
        %gather3A_1834 = tpu.vector_load_idx %gather3A_1833[%shift_right_arithmetic3A_1809, %shift_right_arithmetic3A_1815, %and3A_1812, %and3A_1818] : memref<2x8x8x128xf32, #tpu.memory_space<vmem>>[vector<16xi32>, vector<16xi32>, vector<16xi32>, vector<16xi32>], vector<16xf32>,
        %mul3A_1835 = arith.mulf %gather3A_1834, %get3A_1806 : vector<16xf32>
        %add3A_1836 = arith.addf %gather3A_1826, %mul3A_1835 : vector<16xf32>
        %mul3A_1837 = arith.constant 16 : i32
        %mul3A_1838 = arith.muli %scan3A_1748, %mul3A_1837 : i32
        %swap3A_1839 = arith.constant 1 : i32
        %swap3A_1840 = arith.index_cast %swap3A_1839 : i32 to index
        %swap3A_1841 = arith.index_cast %mul3A_1838 : i32 to index
        %swap3A_1842 = tpu.vector_load %arg11[%swap3A_1840, %swap3A_1841] {strides = array<i32>} : memref<2x1024xf32, #tpu.memory_space<vmem>>, vector<16xf32>,
        tpu.vector_store %arg11[%swap3A_1840, %swap3A_1841], %add3A_1836 {strides = array<i32>} : memref<2x1024xf32, #tpu.memory_space<vmem>>, vector<16xf32>,
        %scan3A_1843 = arith.constant 6 : i32
        %scan3A_1844 = arith.addi %scan3A_1273, %scan3A_1843 : i32
        %iota3A_1845 = tpu.iota {dimensions = array<i32: 0>} : vector<16xi32>
        %mul3A_1846 = arith.constant 16 : i32
        %mul3A_1847 = arith.muli %scan3A_1844, %mul3A_1846 : i32
        %add3A_1848 = vector.broadcast %mul3A_1847 : i32 to vector<16xi32>
        %add3A_1849 = arith.addi %iota3A_1845, %add3A_1848 : vector<16xi32>
        %jit3A_1850 = arith.constant 8 : i32
        %div3A_1851 = arith.divsi %scan3A_1844, %jit3A_1850 : i32
        %sign3A_1852 = arith.constant 0 : i32
        %sign3A_1853 = arith.cmpi sgt, %scan3A_1844, %sign3A_1852 : i32
        %sign3A_1854 = arith.extui %sign3A_1853 : i1 to i32
        %sign3A_1855 = arith.constant 0 : i32
        %sign3A_1856 = arith.cmpi slt, %scan3A_1844, %sign3A_1855 : i32
        %sign3A_1857 = arith.extui %sign3A_1856 : i1 to i32
        %sign3A_1858 = arith.subi %sign3A_1854, %sign3A_1857 : i32
        %sign3A_1859 = arith.constant 0 : i32
        %sign3A_1860 = arith.cmpi sgt, %jit3A_1850, %sign3A_1859 : i32
        %sign3A_1861 = arith.extui %sign3A_1860 : i1 to i32
        %sign3A_1862 = arith.constant 0 : i32
        %sign3A_1863 = arith.cmpi slt, %jit3A_1850, %sign3A_1862 : i32
        %sign3A_1864 = arith.extui %sign3A_1863 : i1 to i32
        %sign3A_1865 = arith.subi %sign3A_1861, %sign3A_1864 : i32
        %ne3A_1866 = arith.cmpi ne, %sign3A_1858, %sign3A_1865 : i32
        %rem3A_1867 = arith.remsi %scan3A_1844, %jit3A_1850 : i32
        %ne3A_1868 = arith.constant 0 : i32
        %ne3A_1869 = arith.cmpi ne, %rem3A_1867, %ne3A_1868 : i32
        %and3A_1870 = arith.andi %ne3A_1866, %ne3A_1869 : i1
        %sub3A_1871 = arith.constant 1 : i32
        %sub3A_1872 = arith.subi %div3A_1851, %sub3A_1871 : i32
        %select_n3A_1873 = arith.select %and3A_1870, %sub3A_1872, %div3A_1851 : i32
        %jit3A_1874 = arith.constant 8 : i32
        %eq3A_1875 = arith.constant 0 : i32
        %eq3A_1876 = arith.cmpi eq, %jit3A_1874, %eq3A_1875 : i32
        %jit3A_1877 = arith.constant 1 : i32
        %select_n3A_1878 = arith.select %eq3A_1876, %jit3A_1877, %jit3A_1874 : i32
        %rem3A_1879 = arith.remsi %scan3A_1844, %select_n3A_1878 : i32
        %ne3A_1880 = arith.constant 0 : i32
        %ne3A_1881 = arith.cmpi ne, %rem3A_1879, %ne3A_1880 : i32
        %lt3A_1882 = arith.constant 0 : i32
        %lt3A_1883 = arith.cmpi slt, %rem3A_1879, %lt3A_1882 : i32
        %lt3A_1884 = arith.constant 0 : i32
        %lt3A_1885 = arith.cmpi slt, %select_n3A_1878, %lt3A_1884 : i32
        %ne3A_1886 = arith.xori %lt3A_1883, %lt3A_1885 : i1
        %and3A_1887 = arith.andi %ne3A_1886, %ne3A_1881 : i1
        %add3A_1888 = arith.addi %rem3A_1879, %select_n3A_1878 : i32
        %select_n3A_1889 = arith.select %and3A_1887, %add3A_1888, %rem3A_1879 : i32
        %mul3A_1890 = arith.constant 16 : i32
        %mul3A_1891 = arith.muli %select_n3A_1889, %mul3A_1890 : i32
        %get3A_1892 = arith.constant 1 : i32
        %get3A_1893 = arith.index_cast %get3A_1892 : i32 to index
        %get3A_1894 = arith.index_cast %select_n3A_1873 : i32 to index
        %get3A_1895 = arith.index_cast %mul3A_1891 : i32 to index
        %get3A_1896 = tpu.vector_load %arg9[%get3A_1893, %get3A_1894, %get3A_1895] {strides = array<i32>} : memref<2x8x128xi32, #tpu.memory_space<vmem>>, vector<16xi32>,
        %mul3A_1897 = arith.constant 16 : i32
        %mul3A_1898 = arith.muli %scan3A_1844, %mul3A_1897 : i32
        %get3A_1899 = arith.constant 1 : i32
        %get3A_1900 = arith.index_cast %get3A_1899 : i32 to index
        %get3A_1901 = arith.index_cast %mul3A_1898 : i32 to index
        %get3A_1902 = tpu.vector_load %arg10[%get3A_1900, %get3A_1901] {strides = array<i32>} : memref<2x1024xf32, #tpu.memory_space<vmem>>, vector<16xf32>,
        %shift_right_arithmetic3A_1903 = arith.constant 3 : i32
        %shift_right_arithmetic3A_1904 = vector.broadcast %shift_right_arithmetic3A_1903 : i32 to vector<16xi32>
        %shift_right_arithmetic3A_1905 = arith.shrsi %get3A_1896, %shift_right_arithmetic3A_1904 : vector<16xi32>
        %and3A_1906 = arith.constant 7 : i32
        %and3A_1907 = vector.broadcast %and3A_1906 : i32 to vector<16xi32>
        %and3A_1908 = arith.andi %get3A_1896, %and3A_1907 : vector<16xi32>
        %shift_right_arithmetic3A_1909 = arith.constant 7 : i32
        %shift_right_arithmetic3A_1910 = vector.broadcast %shift_right_arithmetic3A_1909 : i32 to vector<16xi32>
        %shift_right_arithmetic3A_1911 = arith.shrsi %add3A_1849, %shift_right_arithmetic3A_1910 : vector<16xi32>
        %and3A_1912 = arith.constant 127 : i32
        %and3A_1913 = vector.broadcast %and3A_1912 : i32 to vector<16xi32>
        %and3A_1914 = arith.andi %add3A_1849, %and3A_1913 : vector<16xi32>
        %gather3A_1915 = arith.constant 1 : i32
        %gather3A_1916 = arith.constant 0 : i32
        %gather3A_1917 = arith.constant 0 : i32
        %gather3A_1918 = arith.constant 0 : i32
        %gather3A_1919 = arith.constant 0 : i32
        %gather3A_1920 = tpu.memref_slice %arg7[%gather3A_1915, %gather3A_1916, %gather3A_1917, %gather3A_1918, %gather3A_1919] : memref<2x2x8x8x128xf32, #tpu.memory_space<vmem>> -> memref<1x2x8x8x128xf32, #tpu.memory_space<vmem>>
        %gather3A_1921 = tpu.memref_squeeze %gather3A_1920 : memref<1x2x8x8x128xf32, #tpu.memory_space<vmem>> -> memref<2x8x8x128xf32, #tpu.memory_space<vmem>>
        %gather3A_1922 = tpu.vector_load_idx %gather3A_1921[%shift_right_arithmetic3A_1905, %shift_right_arithmetic3A_1911, %and3A_1908, %and3A_1914] : memref<2x8x8x128xf32, #tpu.memory_space<vmem>>[vector<16xi32>, vector<16xi32>, vector<16xi32>, vector<16xi32>], vector<16xf32>,
        %gather3A_1923 = arith.constant 1 : i32
        %gather3A_1924 = arith.constant 0 : i32
        %gather3A_1925 = arith.constant 0 : i32
        %gather3A_1926 = arith.constant 0 : i32
        %gather3A_1927 = arith.constant 0 : i32
        %gather3A_1928 = tpu.memref_slice %arg8[%gather3A_1923, %gather3A_1924, %gather3A_1925, %gather3A_1926, %gather3A_1927] : memref<2x2x8x8x128xf32, #tpu.memory_space<vmem>> -> memref<1x2x8x8x128xf32, #tpu.memory_space<vmem>>
        %gather3A_1929 = tpu.memref_squeeze %gather3A_1928 : memref<1x2x8x8x128xf32, #tpu.memory_space<vmem>> -> memref<2x8x8x128xf32, #tpu.memory_space<vmem>>
        %gather3A_1930 = tpu.vector_load_idx %gather3A_1929[%shift_right_arithmetic3A_1905, %shift_right_arithmetic3A_1911, %and3A_1908, %and3A_1914] : memref<2x8x8x128xf32, #tpu.memory_space<vmem>>[vector<16xi32>, vector<16xi32>, vector<16xi32>, vector<16xi32>], vector<16xf32>,
        %mul3A_1931 = arith.mulf %gather3A_1930, %get3A_1902 : vector<16xf32>
        %add3A_1932 = arith.addf %gather3A_1922, %mul3A_1931 : vector<16xf32>
        %mul3A_1933 = arith.constant 16 : i32
        %mul3A_1934 = arith.muli %scan3A_1844, %mul3A_1933 : i32
        %swap3A_1935 = arith.constant 1 : i32
        %swap3A_1936 = arith.index_cast %swap3A_1935 : i32 to index
        %swap3A_1937 = arith.index_cast %mul3A_1934 : i32 to index
        %swap3A_1938 = tpu.vector_load %arg11[%swap3A_1936, %swap3A_1937] {strides = array<i32>} : memref<2x1024xf32, #tpu.memory_space<vmem>>, vector<16xf32>,
        tpu.vector_store %arg11[%swap3A_1936, %swap3A_1937], %add3A_1932 {strides = array<i32>} : memref<2x1024xf32, #tpu.memory_space<vmem>>, vector<16xf32>,
        %scan3A_1939 = arith.constant 7 : i32
        %scan3A_1940 = arith.addi %scan3A_1273, %scan3A_1939 : i32
        %iota3A_1941 = tpu.iota {dimensions = array<i32: 0>} : vector<16xi32>
        %mul3A_1942 = arith.constant 16 : i32
        %mul3A_1943 = arith.muli %scan3A_1940, %mul3A_1942 : i32
        %add3A_1944 = vector.broadcast %mul3A_1943 : i32 to vector<16xi32>
        %add3A_1945 = arith.addi %iota3A_1941, %add3A_1944 : vector<16xi32>
        %jit3A_1946 = arith.constant 8 : i32
        %div3A_1947 = arith.divsi %scan3A_1940, %jit3A_1946 : i32
        %sign3A_1948 = arith.constant 0 : i32
        %sign3A_1949 = arith.cmpi sgt, %scan3A_1940, %sign3A_1948 : i32
        %sign3A_1950 = arith.extui %sign3A_1949 : i1 to i32
        %sign3A_1951 = arith.constant 0 : i32
        %sign3A_1952 = arith.cmpi slt, %scan3A_1940, %sign3A_1951 : i32
        %sign3A_1953 = arith.extui %sign3A_1952 : i1 to i32
        %sign3A_1954 = arith.subi %sign3A_1950, %sign3A_1953 : i32
        %sign3A_1955 = arith.constant 0 : i32
        %sign3A_1956 = arith.cmpi sgt, %jit3A_1946, %sign3A_1955 : i32
        %sign3A_1957 = arith.extui %sign3A_1956 : i1 to i32
        %sign3A_1958 = arith.constant 0 : i32
        %sign3A_1959 = arith.cmpi slt, %jit3A_1946, %sign3A_1958 : i32
        %sign3A_1960 = arith.extui %sign3A_1959 : i1 to i32
        %sign3A_1961 = arith.subi %sign3A_1957, %sign3A_1960 : i32
        %ne3A_1962 = arith.cmpi ne, %sign3A_1954, %sign3A_1961 : i32
        %rem3A_1963 = arith.remsi %scan3A_1940, %jit3A_1946 : i32
        %ne3A_1964 = arith.constant 0 : i32
        %ne3A_1965 = arith.cmpi ne, %rem3A_1963, %ne3A_1964 : i32
        %and3A_1966 = arith.andi %ne3A_1962, %ne3A_1965 : i1
        %sub3A_1967 = arith.constant 1 : i32
        %sub3A_1968 = arith.subi %div3A_1947, %sub3A_1967 : i32
        %select_n3A_1969 = arith.select %and3A_1966, %sub3A_1968, %div3A_1947 : i32
        %jit3A_1970 = arith.constant 8 : i32
        %eq3A_1971 = arith.constant 0 : i32
        %eq3A_1972 = arith.cmpi eq, %jit3A_1970, %eq3A_1971 : i32
        %jit3A_1973 = arith.constant 1 : i32
        %select_n3A_1974 = arith.select %eq3A_1972, %jit3A_1973, %jit3A_1970 : i32
        %rem3A_1975 = arith.remsi %scan3A_1940, %select_n3A_1974 : i32
        %ne3A_1976 = arith.constant 0 : i32
        %ne3A_1977 = arith.cmpi ne, %rem3A_1975, %ne3A_1976 : i32
        %lt3A_1978 = arith.constant 0 : i32
        %lt3A_1979 = arith.cmpi slt, %rem3A_1975, %lt3A_1978 : i32
        %lt3A_1980 = arith.constant 0 : i32
        %lt3A_1981 = arith.cmpi slt, %select_n3A_1974, %lt3A_1980 : i32
        %ne3A_1982 = arith.xori %lt3A_1979, %lt3A_1981 : i1
        %and3A_1983 = arith.andi %ne3A_1982, %ne3A_1977 : i1
        %add3A_1984 = arith.addi %rem3A_1975, %select_n3A_1974 : i32
        %select_n3A_1985 = arith.select %and3A_1983, %add3A_1984, %rem3A_1975 : i32
        %mul3A_1986 = arith.constant 16 : i32
        %mul3A_1987 = arith.muli %select_n3A_1985, %mul3A_1986 : i32
        %get3A_1988 = arith.constant 1 : i32
        %get3A_1989 = arith.index_cast %get3A_1988 : i32 to index
        %get3A_1990 = arith.index_cast %select_n3A_1969 : i32 to index
        %get3A_1991 = arith.index_cast %mul3A_1987 : i32 to index
        %get3A_1992 = tpu.vector_load %arg9[%get3A_1989, %get3A_1990, %get3A_1991] {strides = array<i32>} : memref<2x8x128xi32, #tpu.memory_space<vmem>>, vector<16xi32>,
        %mul3A_1993 = arith.constant 16 : i32
        %mul3A_1994 = arith.muli %scan3A_1940, %mul3A_1993 : i32
        %get3A_1995 = arith.constant 1 : i32
        %get3A_1996 = arith.index_cast %get3A_1995 : i32 to index
        %get3A_1997 = arith.index_cast %mul3A_1994 : i32 to index
        %get3A_1998 = tpu.vector_load %arg10[%get3A_1996, %get3A_1997] {strides = array<i32>} : memref<2x1024xf32, #tpu.memory_space<vmem>>, vector<16xf32>,
        %shift_right_arithmetic3A_1999 = arith.constant 3 : i32
        %shift_right_arithmetic3A_2000 = vector.broadcast %shift_right_arithmetic3A_1999 : i32 to vector<16xi32>
        %shift_right_arithmetic3A_2001 = arith.shrsi %get3A_1992, %shift_right_arithmetic3A_2000 : vector<16xi32>
        %and3A_2002 = arith.constant 7 : i32
        %and3A_2003 = vector.broadcast %and3A_2002 : i32 to vector<16xi32>
        %and3A_2004 = arith.andi %get3A_1992, %and3A_2003 : vector<16xi32>
        %shift_right_arithmetic3A_2005 = arith.constant 7 : i32
        %shift_right_arithmetic3A_2006 = vector.broadcast %shift_right_arithmetic3A_2005 : i32 to vector<16xi32>
        %shift_right_arithmetic3A_2007 = arith.shrsi %add3A_1945, %shift_right_arithmetic3A_2006 : vector<16xi32>
        %and3A_2008 = arith.constant 127 : i32
        %and3A_2009 = vector.broadcast %and3A_2008 : i32 to vector<16xi32>
        %and3A_2010 = arith.andi %add3A_1945, %and3A_2009 : vector<16xi32>
        %gather3A_2011 = arith.constant 1 : i32
        %gather3A_2012 = arith.constant 0 : i32
        %gather3A_2013 = arith.constant 0 : i32
        %gather3A_2014 = arith.constant 0 : i32
        %gather3A_2015 = arith.constant 0 : i32
        %gather3A_2016 = tpu.memref_slice %arg7[%gather3A_2011, %gather3A_2012, %gather3A_2013, %gather3A_2014, %gather3A_2015] : memref<2x2x8x8x128xf32, #tpu.memory_space<vmem>> -> memref<1x2x8x8x128xf32, #tpu.memory_space<vmem>>
        %gather3A_2017 = tpu.memref_squeeze %gather3A_2016 : memref<1x2x8x8x128xf32, #tpu.memory_space<vmem>> -> memref<2x8x8x128xf32, #tpu.memory_space<vmem>>
        %gather3A_2018 = tpu.vector_load_idx %gather3A_2017[%shift_right_arithmetic3A_2001, %shift_right_arithmetic3A_2007, %and3A_2004, %and3A_2010] : memref<2x8x8x128xf32, #tpu.memory_space<vmem>>[vector<16xi32>, vector<16xi32>, vector<16xi32>, vector<16xi32>], vector<16xf32>,
        %gather3A_2019 = arith.constant 1 : i32
        %gather3A_2020 = arith.constant 0 : i32
        %gather3A_2021 = arith.constant 0 : i32
        %gather3A_2022 = arith.constant 0 : i32
        %gather3A_2023 = arith.constant 0 : i32
        %gather3A_2024 = tpu.memref_slice %arg8[%gather3A_2019, %gather3A_2020, %gather3A_2021, %gather3A_2022, %gather3A_2023] : memref<2x2x8x8x128xf32, #tpu.memory_space<vmem>> -> memref<1x2x8x8x128xf32, #tpu.memory_space<vmem>>
        %gather3A_2025 = tpu.memref_squeeze %gather3A_2024 : memref<1x2x8x8x128xf32, #tpu.memory_space<vmem>> -> memref<2x8x8x128xf32, #tpu.memory_space<vmem>>
        %gather3A_2026 = tpu.vector_load_idx %gather3A_2025[%shift_right_arithmetic3A_2001, %shift_right_arithmetic3A_2007, %and3A_2004, %and3A_2010] : memref<2x8x8x128xf32, #tpu.memory_space<vmem>>[vector<16xi32>, vector<16xi32>, vector<16xi32>, vector<16xi32>], vector<16xf32>,
        %mul3A_2027 = arith.mulf %gather3A_2026, %get3A_1998 : vector<16xf32>
        %add3A_2028 = arith.addf %gather3A_2018, %mul3A_2027 : vector<16xf32>
        %mul3A_2029 = arith.constant 16 : i32
        %mul3A_2030 = arith.muli %scan3A_1940, %mul3A_2029 : i32
        %swap3A_2031 = arith.constant 1 : i32
        %swap3A_2032 = arith.index_cast %swap3A_2031 : i32 to index
        %swap3A_2033 = arith.index_cast %mul3A_2030 : i32 to index
        %swap3A_2034 = tpu.vector_load %arg11[%swap3A_2032, %swap3A_2033] {strides = array<i32>} : memref<2x1024xf32, #tpu.memory_space<vmem>>, vector<16xf32>,
        tpu.vector_store %arg11[%swap3A_2032, %swap3A_2033], %add3A_2028 {strides = array<i32>} : memref<2x1024xf32, #tpu.memory_space<vmem>>, vector<16xf32>,
      }
      %scan3A_1259 = arith.constant 64 : i32
      %mul3A_1260 = arith.constant 1024 : i32
      %mul3A_1261 = arith.muli %add3A_863, %mul3A_1260 : i32
      %sub3A_1262 = arith.constant 360448 : i32
      %sub3A_1263 = arith.subi %mul3A_1261, %sub3A_1262 : i32
      %dma_start3A_1264 = arith.constant 1 : i32
      %dma_start3A_1265 = arith.constant 0 : i32
      %dma_start3A_1266 = tpu.memref_slice %arg11[%dma_start3A_1264, %dma_start3A_1265] : memref<2x1024xf32, #tpu.memory_space<vmem>> -> memref<1x1024xf32, #tpu.memory_space<vmem>>
      %dma_start3A_1267 = tpu.memref_squeeze %dma_start3A_1266 : memref<1x1024xf32, #tpu.memory_space<vmem>> -> memref<1024xf32, #tpu.memory_space<vmem>>
      %dma_start3A_1268 = tpu.memref_slice %arg6[%sub3A_1263] : memref<688128xf32, #tpu.memory_space<hbm>> -> memref<1024xf32, #tpu.memory_space<hbm>>
      %dma_start3A_1269 = tpu.memref_slice %arg6[%sub3A_1263] : memref<688128xf32, #tpu.memory_space<hbm>> -> memref<1024xf32, #tpu.memory_space<hbm>>
      %dma_start3A_1270 = arith.constant 0 : i32
      %dma_start3A_1271 = tpu.memref_slice %arg11[%dma_start3A_1264, %dma_start3A_1270] : memref<2x1024xf32, #tpu.memory_space<vmem>> -> memref<1x1024xf32, #tpu.memory_space<vmem>>
      %dma_start3A_1272 = tpu.memref_squeeze %dma_start3A_1271 : memref<1x1024xf32, #tpu.memory_space<vmem>> -> memref<1024xf32, #tpu.memory_space<vmem>>
      tpu.enqueue_dma source(%dma_start3A_1272 : memref<1024xf32, #tpu.memory_space<vmem>>) target(%dma_start3A_1269 : memref<1024xf32, #tpu.memory_space<hbm>>) target_semaphore(%arg15 : memref<!tpu.dma_semaphore, #tpu.memory_space<semaphore_mem>>)
    }
    %scan3A_188 = arith.constant 10 : i32
    %add3A_189 = arith.constant 20 : i32
    %add3A_190 = arith.addi %add3A_4, %add3A_189 : i32
    %jit3A_191 = arith.constant 8 : i32
    %div3A_192 = arith.divsi %add3A_190, %jit3A_191 : i32
    %sign3A_193 = arith.constant 0 : i32
    %sign3A_194 = arith.cmpi sgt, %add3A_190, %sign3A_193 : i32
    %sign3A_195 = arith.extui %sign3A_194 : i1 to i32
    %sign3A_196 = arith.constant 0 : i32
    %sign3A_197 = arith.cmpi slt, %add3A_190, %sign3A_196 : i32
    %sign3A_198 = arith.extui %sign3A_197 : i1 to i32
    %sign3A_199 = arith.subi %sign3A_195, %sign3A_198 : i32
    %sign3A_200 = arith.constant 0 : i32
    %sign3A_201 = arith.cmpi sgt, %jit3A_191, %sign3A_200 : i32
    %sign3A_202 = arith.extui %sign3A_201 : i1 to i32
    %sign3A_203 = arith.constant 0 : i32
    %sign3A_204 = arith.cmpi slt, %jit3A_191, %sign3A_203 : i32
    %sign3A_205 = arith.extui %sign3A_204 : i1 to i32
    %sign3A_206 = arith.subi %sign3A_202, %sign3A_205 : i32
    %ne3A_207 = arith.cmpi ne, %sign3A_199, %sign3A_206 : i32
    %rem3A_208 = arith.remsi %add3A_190, %jit3A_191 : i32
    %ne3A_209 = arith.constant 0 : i32
    %ne3A_210 = arith.cmpi ne, %rem3A_208, %ne3A_209 : i32
    %and3A_211 = arith.andi %ne3A_207, %ne3A_210 : i1
    %sub3A_212 = arith.constant 1 : i32
    %sub3A_213 = arith.subi %div3A_192, %sub3A_212 : i32
    %select_n3A_214 = arith.select %and3A_211, %sub3A_213, %div3A_192 : i32
    %jit3A_215 = arith.constant 8 : i32
    %eq3A_216 = arith.constant 0 : i32
    %eq3A_217 = arith.cmpi eq, %jit3A_215, %eq3A_216 : i32
    %jit3A_218 = arith.constant 1 : i32
    %select_n3A_219 = arith.select %eq3A_217, %jit3A_218, %jit3A_215 : i32
    %rem3A_220 = arith.remsi %add3A_190, %select_n3A_219 : i32
    %ne3A_221 = arith.constant 0 : i32
    %ne3A_222 = arith.cmpi ne, %rem3A_220, %ne3A_221 : i32
    %lt3A_223 = arith.constant 0 : i32
    %lt3A_224 = arith.cmpi slt, %rem3A_220, %lt3A_223 : i32
    %lt3A_225 = arith.constant 0 : i32
    %lt3A_226 = arith.cmpi slt, %select_n3A_219, %lt3A_225 : i32
    %ne3A_227 = arith.xori %lt3A_224, %lt3A_226 : i1
    %and3A_228 = arith.andi %ne3A_227, %ne3A_222 : i1
    %add3A_229 = arith.addi %rem3A_220, %select_n3A_219 : i32
    %select_n3A_230 = arith.select %and3A_228, %add3A_229, %rem3A_220 : i32
    %mul3A_231 = arith.constant 8 : i32
    %mul3A_232 = arith.muli %select_n3A_230, %mul3A_231 : i32
    %mul3A_233 = arith.constant 128 : i32
    %mul3A_234 = arith.muli %select_n3A_214, %mul3A_233 : i32
    %add3A_235 = arith.addi %mul3A_234, %mul3A_232 : i32
    %jit3A_236 = arith.constant 8 : i32
    %div3A_237 = arith.divsi %select_n3A_214, %jit3A_236 : i32
    %sign3A_238 = arith.constant 0 : i32
    %sign3A_239 = arith.cmpi sgt, %select_n3A_214, %sign3A_238 : i32
    %sign3A_240 = arith.extui %sign3A_239 : i1 to i32
    %sign3A_241 = arith.constant 0 : i32
    %sign3A_242 = arith.cmpi slt, %select_n3A_214, %sign3A_241 : i32
    %sign3A_243 = arith.extui %sign3A_242 : i1 to i32
    %sign3A_244 = arith.subi %sign3A_240, %sign3A_243 : i32
    %sign3A_245 = arith.constant 0 : i32
    %sign3A_246 = arith.cmpi sgt, %jit3A_236, %sign3A_245 : i32
    %sign3A_247 = arith.extui %sign3A_246 : i1 to i32
    %sign3A_248 = arith.constant 0 : i32
    %sign3A_249 = arith.cmpi slt, %jit3A_236, %sign3A_248 : i32
    %sign3A_250 = arith.extui %sign3A_249 : i1 to i32
    %sign3A_251 = arith.subi %sign3A_247, %sign3A_250 : i32
    %ne3A_252 = arith.cmpi ne, %sign3A_244, %sign3A_251 : i32
    %rem3A_253 = arith.remsi %select_n3A_214, %jit3A_236 : i32
    %ne3A_254 = arith.constant 0 : i32
    %ne3A_255 = arith.cmpi ne, %rem3A_253, %ne3A_254 : i32
    %and3A_256 = arith.andi %ne3A_252, %ne3A_255 : i1
    %sub3A_257 = arith.constant 1 : i32
    %sub3A_258 = arith.subi %div3A_237, %sub3A_257 : i32
    %select_n3A_259 = arith.select %and3A_256, %sub3A_258, %div3A_237 : i32
    %mul3A_260 = arith.constant 64 : i32
    %mul3A_261 = arith.muli %select_n3A_259, %mul3A_260 : i32
    %add3A_262 = arith.addi %mul3A_261, %mul3A_232 : i32
    %jit3A_263 = arith.constant 8 : i32
    %eq3A_264 = arith.constant 0 : i32
    %eq3A_265 = arith.cmpi eq, %jit3A_263, %eq3A_264 : i32
    %jit3A_266 = arith.constant 1 : i32
    %select_n3A_267 = arith.select %eq3A_265, %jit3A_266, %jit3A_263 : i32
    %rem3A_268 = arith.remsi %select_n3A_214, %select_n3A_267 : i32
    %ne3A_269 = arith.constant 0 : i32
    %ne3A_270 = arith.cmpi ne, %rem3A_268, %ne3A_269 : i32
    %lt3A_271 = arith.constant 0 : i32
    %lt3A_272 = arith.cmpi slt, %rem3A_268, %lt3A_271 : i32
    %lt3A_273 = arith.constant 0 : i32
    %lt3A_274 = arith.cmpi slt, %select_n3A_267, %lt3A_273 : i32
    %ne3A_275 = arith.xori %lt3A_272, %lt3A_274 : i1
    %and3A_276 = arith.andi %ne3A_275, %ne3A_270 : i1
    %add3A_277 = arith.addi %rem3A_268, %select_n3A_267 : i32
    %select_n3A_278 = arith.select %and3A_276, %add3A_277, %rem3A_268 : i32
    %add3A_279 = arith.constant 64 : i32
    %add3A_280 = arith.addi %add3A_235, %add3A_279 : i32
    %add3A_281 = arith.constant 64 : i32
    %add3A_282 = arith.addi %add3A_235, %add3A_281 : i32
    %mul3A_283 = arith.constant 1024 : i32
    %mul3A_284 = arith.muli %add3A_190, %mul3A_283 : i32
    %dma_wait3A = arith.constant 0 : i32
    %dma_wait3A_285 = arith.constant 0 : i32
    %dma_wait3A_286 = arith.constant 0 : i32
    %dma_wait3A_287 = arith.constant 0 : i32
    %dma_wait3A_288 = arith.constant 0 : i32
    %dma_wait3A_289 = tpu.memref_slice %arg7[%dma_wait3A, %dma_wait3A_285, %dma_wait3A_286, %dma_wait3A_287, %dma_wait3A_288] : memref<2x2x8x8x128xf32, #tpu.memory_space<vmem>> -> memref<1x1x8x8x128xf32, #tpu.memory_space<vmem>>
    %dma_wait3A_290 = tpu.memref_squeeze %dma_wait3A_289 : memref<1x1x8x8x128xf32, #tpu.memory_space<vmem>> -> memref<8x8x128xf32, #tpu.memory_space<vmem>>
    %dma_wait3A_291 = arith.constant 0 : i32
    %dma_wait3A_292 = arith.constant 0 : i32
    %dma_wait3A_293 = tpu.memref_slice %arg2[%add3A_235, %dma_wait3A_291, %dma_wait3A_292] : memref<16384x8x128xf32, #tpu.memory_space<hbm>> -> memref<8x8x128xf32, #tpu.memory_space<hbm>>
    %dma_wait3A_294 = arith.constant 0 : i32
    %dma_wait3A_295 = arith.constant 0 : i32
    %dma_wait3A_296 = arith.constant 0 : i32
    %dma_wait3A_297 = tpu.memref_slice %arg7[%dma_wait3A, %dma_wait3A_285, %dma_wait3A_294, %dma_wait3A_295, %dma_wait3A_296] : memref<2x2x8x8x128xf32, #tpu.memory_space<vmem>> -> memref<1x1x8x8x128xf32, #tpu.memory_space<vmem>>
    %dma_wait3A_298 = tpu.memref_squeeze %dma_wait3A_297 : memref<1x1x8x8x128xf32, #tpu.memory_space<vmem>> -> memref<8x8x128xf32, #tpu.memory_space<vmem>>
    %dma_wait3A_299 = arith.constant 0 : i32
    %dma_wait3A_300 = arith.constant 0 : i32
    %dma_wait3A_301 = tpu.memref_slice %arg2[%add3A_235, %dma_wait3A_299, %dma_wait3A_300] : memref<16384x8x128xf32, #tpu.memory_space<hbm>> -> memref<8x8x128xf32, #tpu.memory_space<hbm>>
    tpu.wait_dma2 semaphore(%arg12 : memref<!tpu.dma_semaphore, #tpu.memory_space<semaphore_mem>>) src(%dma_wait3A_301 : memref<8x8x128xf32, #tpu.memory_space<hbm>>) dst(%dma_wait3A_298 : memref<8x8x128xf32, #tpu.memory_space<vmem>>)
    %dma_wait3A_302 = arith.constant 0 : i32
    %dma_wait3A_303 = arith.constant 1 : i32
    %dma_wait3A_304 = arith.constant 0 : i32
    %dma_wait3A_305 = arith.constant 0 : i32
    %dma_wait3A_306 = arith.constant 0 : i32
    %dma_wait3A_307 = tpu.memref_slice %arg7[%dma_wait3A_302, %dma_wait3A_303, %dma_wait3A_304, %dma_wait3A_305, %dma_wait3A_306] : memref<2x2x8x8x128xf32, #tpu.memory_space<vmem>> -> memref<1x1x8x8x128xf32, #tpu.memory_space<vmem>>
    %dma_wait3A_308 = tpu.memref_squeeze %dma_wait3A_307 : memref<1x1x8x8x128xf32, #tpu.memory_space<vmem>> -> memref<8x8x128xf32, #tpu.memory_space<vmem>>
    %dma_wait3A_309 = arith.constant 0 : i32
    %dma_wait3A_310 = arith.constant 0 : i32
    %dma_wait3A_311 = tpu.memref_slice %arg2[%add3A_280, %dma_wait3A_309, %dma_wait3A_310] : memref<16384x8x128xf32, #tpu.memory_space<hbm>> -> memref<8x8x128xf32, #tpu.memory_space<hbm>>
    %dma_wait3A_312 = arith.constant 0 : i32
    %dma_wait3A_313 = arith.constant 0 : i32
    %dma_wait3A_314 = arith.constant 0 : i32
    %dma_wait3A_315 = tpu.memref_slice %arg7[%dma_wait3A_302, %dma_wait3A_303, %dma_wait3A_312, %dma_wait3A_313, %dma_wait3A_314] : memref<2x2x8x8x128xf32, #tpu.memory_space<vmem>> -> memref<1x1x8x8x128xf32, #tpu.memory_space<vmem>>
    %dma_wait3A_316 = tpu.memref_squeeze %dma_wait3A_315 : memref<1x1x8x8x128xf32, #tpu.memory_space<vmem>> -> memref<8x8x128xf32, #tpu.memory_space<vmem>>
    %dma_wait3A_317 = arith.constant 0 : i32
    %dma_wait3A_318 = arith.constant 0 : i32
    %dma_wait3A_319 = tpu.memref_slice %arg2[%add3A_280, %dma_wait3A_317, %dma_wait3A_318] : memref<16384x8x128xf32, #tpu.memory_space<hbm>> -> memref<8x8x128xf32, #tpu.memory_space<hbm>>
    tpu.wait_dma2 semaphore(%arg12 : memref<!tpu.dma_semaphore, #tpu.memory_space<semaphore_mem>>) src(%dma_wait3A_319 : memref<8x8x128xf32, #tpu.memory_space<hbm>>) dst(%dma_wait3A_316 : memref<8x8x128xf32, #tpu.memory_space<vmem>>)
    %dma_wait3A_320 = arith.constant 0 : i32
    %dma_wait3A_321 = arith.constant 0 : i32
    %dma_wait3A_322 = arith.constant 0 : i32
    %dma_wait3A_323 = arith.constant 0 : i32
    %dma_wait3A_324 = arith.constant 0 : i32
    %dma_wait3A_325 = tpu.memref_slice %arg8[%dma_wait3A_320, %dma_wait3A_321, %dma_wait3A_322, %dma_wait3A_323, %dma_wait3A_324] : memref<2x2x8x8x128xf32, #tpu.memory_space<vmem>> -> memref<1x1x8x8x128xf32, #tpu.memory_space<vmem>>
    %dma_wait3A_326 = tpu.memref_squeeze %dma_wait3A_325 : memref<1x1x8x8x128xf32, #tpu.memory_space<vmem>> -> memref<8x8x128xf32, #tpu.memory_space<vmem>>
    %dma_wait3A_327 = arith.constant 0 : i32
    %dma_wait3A_328 = arith.constant 0 : i32
    %dma_wait3A_329 = tpu.memref_slice %arg3[%add3A_235, %dma_wait3A_327, %dma_wait3A_328] : memref<16384x8x128xf32, #tpu.memory_space<hbm>> -> memref<8x8x128xf32, #tpu.memory_space<hbm>>
    %dma_wait3A_330 = arith.constant 0 : i32
    %dma_wait3A_331 = arith.constant 0 : i32
    %dma_wait3A_332 = arith.constant 0 : i32
    %dma_wait3A_333 = tpu.memref_slice %arg8[%dma_wait3A_320, %dma_wait3A_321, %dma_wait3A_330, %dma_wait3A_331, %dma_wait3A_332] : memref<2x2x8x8x128xf32, #tpu.memory_space<vmem>> -> memref<1x1x8x8x128xf32, #tpu.memory_space<vmem>>
    %dma_wait3A_334 = tpu.memref_squeeze %dma_wait3A_333 : memref<1x1x8x8x128xf32, #tpu.memory_space<vmem>> -> memref<8x8x128xf32, #tpu.memory_space<vmem>>
    %dma_wait3A_335 = arith.constant 0 : i32
    %dma_wait3A_336 = arith.constant 0 : i32
    %dma_wait3A_337 = tpu.memref_slice %arg3[%add3A_235, %dma_wait3A_335, %dma_wait3A_336] : memref<16384x8x128xf32, #tpu.memory_space<hbm>> -> memref<8x8x128xf32, #tpu.memory_space<hbm>>
    tpu.wait_dma2 semaphore(%arg12 : memref<!tpu.dma_semaphore, #tpu.memory_space<semaphore_mem>>) src(%dma_wait3A_337 : memref<8x8x128xf32, #tpu.memory_space<hbm>>) dst(%dma_wait3A_334 : memref<8x8x128xf32, #tpu.memory_space<vmem>>)
    %dma_wait3A_338 = arith.constant 0 : i32
    %dma_wait3A_339 = arith.constant 1 : i32
    %dma_wait3A_340 = arith.constant 0 : i32
    %dma_wait3A_341 = arith.constant 0 : i32
    %dma_wait3A_342 = arith.constant 0 : i32
    %dma_wait3A_343 = tpu.memref_slice %arg8[%dma_wait3A_338, %dma_wait3A_339, %dma_wait3A_340, %dma_wait3A_341, %dma_wait3A_342] : memref<2x2x8x8x128xf32, #tpu.memory_space<vmem>> -> memref<1x1x8x8x128xf32, #tpu.memory_space<vmem>>
    %dma_wait3A_344 = tpu.memref_squeeze %dma_wait3A_343 : memref<1x1x8x8x128xf32, #tpu.memory_space<vmem>> -> memref<8x8x128xf32, #tpu.memory_space<vmem>>
    %dma_wait3A_345 = arith.constant 0 : i32
    %dma_wait3A_346 = arith.constant 0 : i32
    %dma_wait3A_347 = tpu.memref_slice %arg3[%add3A_282, %dma_wait3A_345, %dma_wait3A_346] : memref<16384x8x128xf32, #tpu.memory_space<hbm>> -> memref<8x8x128xf32, #tpu.memory_space<hbm>>
    %dma_wait3A_348 = arith.constant 0 : i32
    %dma_wait3A_349 = arith.constant 0 : i32
    %dma_wait3A_350 = arith.constant 0 : i32
    %dma_wait3A_351 = tpu.memref_slice %arg8[%dma_wait3A_338, %dma_wait3A_339, %dma_wait3A_348, %dma_wait3A_349, %dma_wait3A_350] : memref<2x2x8x8x128xf32, #tpu.memory_space<vmem>> -> memref<1x1x8x8x128xf32, #tpu.memory_space<vmem>>
    %dma_wait3A_352 = tpu.memref_squeeze %dma_wait3A_351 : memref<1x1x8x8x128xf32, #tpu.memory_space<vmem>> -> memref<8x8x128xf32, #tpu.memory_space<vmem>>
    %dma_wait3A_353 = arith.constant 0 : i32
    %dma_wait3A_354 = arith.constant 0 : i32
    %dma_wait3A_355 = tpu.memref_slice %arg3[%add3A_282, %dma_wait3A_353, %dma_wait3A_354] : memref<16384x8x128xf32, #tpu.memory_space<hbm>> -> memref<8x8x128xf32, #tpu.memory_space<hbm>>
    tpu.wait_dma2 semaphore(%arg12 : memref<!tpu.dma_semaphore, #tpu.memory_space<semaphore_mem>>) src(%dma_wait3A_355 : memref<8x8x128xf32, #tpu.memory_space<hbm>>) dst(%dma_wait3A_352 : memref<8x8x128xf32, #tpu.memory_space<vmem>>)
    %dma_wait3A_356 = arith.constant 0 : i32
    %dma_wait3A_357 = arith.constant 0 : i32
    %dma_wait3A_358 = arith.constant 0 : i32
    %dma_wait3A_359 = tpu.memref_slice %arg9[%dma_wait3A_356, %dma_wait3A_357, %dma_wait3A_358] : memref<2x8x128xi32, #tpu.memory_space<vmem>> -> memref<1x8x128xi32, #tpu.memory_space<vmem>>
    %dma_wait3A_360 = tpu.memref_squeeze %dma_wait3A_359 : memref<1x8x128xi32, #tpu.memory_space<vmem>> -> memref<8x128xi32, #tpu.memory_space<vmem>>
    %dma_wait3A_361 = arith.constant 0 : i32
    %dma_wait3A_362 = tpu.memref_slice %arg4[%add3A_262, %select_n3A_278, %dma_wait3A_361] : memref<1024x8x128xi32, #tpu.memory_space<hbm>> -> memref<8x1x128xi32, #tpu.memory_space<hbm>>
    %dma_wait3A_363 = tpu.memref_squeeze %dma_wait3A_362 : memref<8x1x128xi32, #tpu.memory_space<hbm>> -> memref<8x128xi32, #tpu.memory_space<hbm>>
    %dma_wait3A_364 = arith.constant 0 : i32
    %dma_wait3A_365 = arith.constant 0 : i32
    %dma_wait3A_366 = tpu.memref_slice %arg9[%dma_wait3A_356, %dma_wait3A_364, %dma_wait3A_365] : memref<2x8x128xi32, #tpu.memory_space<vmem>> -> memref<1x8x128xi32, #tpu.memory_space<vmem>>
    %dma_wait3A_367 = tpu.memref_squeeze %dma_wait3A_366 : memref<1x8x128xi32, #tpu.memory_space<vmem>> -> memref<8x128xi32, #tpu.memory_space<vmem>>
    %dma_wait3A_368 = arith.constant 0 : i32
    %dma_wait3A_369 = tpu.memref_slice %arg4[%add3A_262, %select_n3A_278, %dma_wait3A_368] : memref<1024x8x128xi32, #tpu.memory_space<hbm>> -> memref<8x1x128xi32, #tpu.memory_space<hbm>>
    %dma_wait3A_370 = tpu.memref_squeeze %dma_wait3A_369 : memref<8x1x128xi32, #tpu.memory_space<hbm>> -> memref<8x128xi32, #tpu.memory_space<hbm>>
    tpu.wait_dma2 semaphore(%arg12 : memref<!tpu.dma_semaphore, #tpu.memory_space<semaphore_mem>>) src(%dma_wait3A_370 : memref<8x128xi32, #tpu.memory_space<hbm>>) dst(%dma_wait3A_367 : memref<8x128xi32, #tpu.memory_space<vmem>>)
    %dma_wait3A_371 = arith.constant 0 : i32
    %dma_wait3A_372 = arith.constant 0 : i32
    %dma_wait3A_373 = tpu.memref_slice %arg10[%dma_wait3A_371, %dma_wait3A_372] : memref<2x1024xf32, #tpu.memory_space<vmem>> -> memref<1x1024xf32, #tpu.memory_space<vmem>>
    %dma_wait3A_374 = tpu.memref_squeeze %dma_wait3A_373 : memref<1x1024xf32, #tpu.memory_space<vmem>> -> memref<1024xf32, #tpu.memory_space<vmem>>
    %dma_wait3A_375 = tpu.memref_slice %arg5[%mul3A_284] : memref<1048576xf32, #tpu.memory_space<hbm>> -> memref<1024xf32, #tpu.memory_space<hbm>>
    %dma_wait3A_376 = arith.constant 0 : i32
    %dma_wait3A_377 = tpu.memref_slice %arg10[%dma_wait3A_371, %dma_wait3A_376] : memref<2x1024xf32, #tpu.memory_space<vmem>> -> memref<1x1024xf32, #tpu.memory_space<vmem>>
    %dma_wait3A_378 = tpu.memref_squeeze %dma_wait3A_377 : memref<1x1024xf32, #tpu.memory_space<vmem>> -> memref<1024xf32, #tpu.memory_space<vmem>>
    %dma_wait3A_379 = tpu.memref_slice %arg5[%mul3A_284] : memref<1048576xf32, #tpu.memory_space<hbm>> -> memref<1024xf32, #tpu.memory_space<hbm>>
    tpu.wait_dma2 semaphore(%arg12 : memref<!tpu.dma_semaphore, #tpu.memory_space<semaphore_mem>>) src(%dma_wait3A_379 : memref<1024xf32, #tpu.memory_space<hbm>>) dst(%dma_wait3A_378 : memref<1024xf32, #tpu.memory_space<vmem>>)
    %add3A_380 = arith.constant 20 : i32
    %add3A_381 = arith.addi %add3A_4, %add3A_380 : i32
    %sub3A_382 = arith.constant 2 : i32
    %sub3A_383 = arith.subi %add3A_381, %sub3A_382 : i32
    %mul3A_384 = arith.constant 1024 : i32
    %mul3A_385 = arith.muli %sub3A_383, %mul3A_384 : i32
    %sub3A_386 = arith.constant 360448 : i32
    %sub3A_387 = arith.subi %mul3A_385, %sub3A_386 : i32
    %dma_wait3A_388 = arith.constant 0 : i32
    %dma_wait3A_389 = arith.constant 0 : i32
    %dma_wait3A_390 = tpu.memref_slice %arg11[%dma_wait3A_388, %dma_wait3A_389] : memref<2x1024xf32, #tpu.memory_space<vmem>> -> memref<1x1024xf32, #tpu.memory_space<vmem>>
    %dma_wait3A_391 = tpu.memref_squeeze %dma_wait3A_390 : memref<1x1024xf32, #tpu.memory_space<vmem>> -> memref<1024xf32, #tpu.memory_space<vmem>>
    %dma_wait3A_392 = tpu.memref_slice %arg6[%sub3A_387] : memref<688128xf32, #tpu.memory_space<hbm>> -> memref<1024xf32, #tpu.memory_space<hbm>>
    %dma_wait3A_393 = tpu.memref_slice %arg6[%sub3A_387] : memref<688128xf32, #tpu.memory_space<hbm>> -> memref<1024xf32, #tpu.memory_space<hbm>>
    %dma_wait3A_394 = arith.constant 0 : i32
    %dma_wait3A_395 = tpu.memref_slice %arg11[%dma_wait3A_388, %dma_wait3A_394] : memref<2x1024xf32, #tpu.memory_space<vmem>> -> memref<1x1024xf32, #tpu.memory_space<vmem>>
    %dma_wait3A_396 = tpu.memref_squeeze %dma_wait3A_395 : memref<1x1024xf32, #tpu.memory_space<vmem>> -> memref<1024xf32, #tpu.memory_space<vmem>>
    tpu.wait_dma2 semaphore(%arg14 : memref<!tpu.dma_semaphore, #tpu.memory_space<semaphore_mem>>) src(%dma_wait3A_396 : memref<1024xf32, #tpu.memory_space<vmem>>) dst(%dma_wait3A_393 : memref<1024xf32, #tpu.memory_space<hbm>>)
    %scan3A_397 = arith.constant 0 : i32
    %scan3A_398 = arith.constant 0 : i32
    %scan3A_399 = arith.constant 64 : i32
    %scan3A_400 = arith.addi %scan3A_398, %scan3A_399 : i32
    %scan3A_401 = arith.constant 8 : i32
    scf.for %scan3A_450 = %scan3A_398 to %scan3A_400 step %scan3A_401  : i32 {
      %iota3A = tpu.iota {dimensions = array<i32: 0>} : vector<16xi32>
      %mul3A_451 = arith.constant 16 : i32
      %mul3A_452 = arith.muli %scan3A_450, %mul3A_451 : i32
      %add3A_453 = vector.broadcast %mul3A_452 : i32 to vector<16xi32>
      %add3A_454 = arith.addi %iota3A, %add3A_453 : vector<16xi32>
      %jit3A_455 = arith.constant 8 : i32
      %div3A_456 = arith.divsi %scan3A_450, %jit3A_455 : i32
      %sign3A_457 = arith.constant 0 : i32
      %sign3A_458 = arith.cmpi sgt, %scan3A_450, %sign3A_457 : i32
      %sign3A_459 = arith.extui %sign3A_458 : i1 to i32
      %sign3A_460 = arith.constant 0 : i32
      %sign3A_461 = arith.cmpi slt, %scan3A_450, %sign3A_460 : i32
      %sign3A_462 = arith.extui %sign3A_461 : i1 to i32
      %sign3A_463 = arith.subi %sign3A_459, %sign3A_462 : i32
      %sign3A_464 = arith.constant 0 : i32
      %sign3A_465 = arith.cmpi sgt, %jit3A_455, %sign3A_464 : i32
      %sign3A_466 = arith.extui %sign3A_465 : i1 to i32
      %sign3A_467 = arith.constant 0 : i32
      %sign3A_468 = arith.cmpi slt, %jit3A_455, %sign3A_467 : i32
      %sign3A_469 = arith.extui %sign3A_468 : i1 to i32
      %sign3A_470 = arith.subi %sign3A_466, %sign3A_469 : i32
      %ne3A_471 = arith.cmpi ne, %sign3A_463, %sign3A_470 : i32
      %rem3A_472 = arith.remsi %scan3A_450, %jit3A_455 : i32
      %ne3A_473 = arith.constant 0 : i32
      %ne3A_474 = arith.cmpi ne, %rem3A_472, %ne3A_473 : i32
      %and3A_475 = arith.andi %ne3A_471, %ne3A_474 : i1
      %sub3A_476 = arith.constant 1 : i32
      %sub3A_477 = arith.subi %div3A_456, %sub3A_476 : i32
      %select_n3A_478 = arith.select %and3A_475, %sub3A_477, %div3A_456 : i32
      %jit3A_479 = arith.constant 8 : i32
      %eq3A_480 = arith.constant 0 : i32
      %eq3A_481 = arith.cmpi eq, %jit3A_479, %eq3A_480 : i32
      %jit3A_482 = arith.constant 1 : i32
      %select_n3A_483 = arith.select %eq3A_481, %jit3A_482, %jit3A_479 : i32
      %rem3A_484 = arith.remsi %scan3A_450, %select_n3A_483 : i32
      %ne3A_485 = arith.constant 0 : i32
      %ne3A_486 = arith.cmpi ne, %rem3A_484, %ne3A_485 : i32
      %lt3A_487 = arith.constant 0 : i32
      %lt3A_488 = arith.cmpi slt, %rem3A_484, %lt3A_487 : i32
      %lt3A_489 = arith.constant 0 : i32
      %lt3A_490 = arith.cmpi slt, %select_n3A_483, %lt3A_489 : i32
      %ne3A_491 = arith.xori %lt3A_488, %lt3A_490 : i1
      %and3A_492 = arith.andi %ne3A_491, %ne3A_486 : i1
      %add3A_493 = arith.addi %rem3A_484, %select_n3A_483 : i32
      %select_n3A_494 = arith.select %and3A_492, %add3A_493, %rem3A_484 : i32
      %mul3A_495 = arith.constant 16 : i32
      %mul3A_496 = arith.muli %select_n3A_494, %mul3A_495 : i32
      %get3A = arith.constant 0 : i32
      %get3A_497 = arith.index_cast %get3A : i32 to index
      %get3A_498 = arith.index_cast %select_n3A_478 : i32 to index
      %get3A_499 = arith.index_cast %mul3A_496 : i32 to index
      %get3A_500 = tpu.vector_load %arg9[%get3A_497, %get3A_498, %get3A_499] {strides = array<i32>} : memref<2x8x128xi32, #tpu.memory_space<vmem>>, vector<16xi32>,
      %mul3A_501 = arith.constant 16 : i32
      %mul3A_502 = arith.muli %scan3A_450, %mul3A_501 : i32
      %get3A_503 = arith.constant 0 : i32
      %get3A_504 = arith.index_cast %get3A_503 : i32 to index
      %get3A_505 = arith.index_cast %mul3A_502 : i32 to index
      %get3A_506 = tpu.vector_load %arg10[%get3A_504, %get3A_505] {strides = array<i32>} : memref<2x1024xf32, #tpu.memory_space<vmem>>, vector<16xf32>,
      %shift_right_arithmetic3A = arith.constant 3 : i32
      %shift_right_arithmetic3A_507 = vector.broadcast %shift_right_arithmetic3A : i32 to vector<16xi32>
      %shift_right_arithmetic3A_508 = arith.shrsi %get3A_500, %shift_right_arithmetic3A_507 : vector<16xi32>
      %and3A_509 = arith.constant 7 : i32
      %and3A_510 = vector.broadcast %and3A_509 : i32 to vector<16xi32>
      %and3A_511 = arith.andi %get3A_500, %and3A_510 : vector<16xi32>
      %shift_right_arithmetic3A_512 = arith.constant 7 : i32
      %shift_right_arithmetic3A_513 = vector.broadcast %shift_right_arithmetic3A_512 : i32 to vector<16xi32>
      %shift_right_arithmetic3A_514 = arith.shrsi %add3A_454, %shift_right_arithmetic3A_513 : vector<16xi32>
      %and3A_515 = arith.constant 127 : i32
      %and3A_516 = vector.broadcast %and3A_515 : i32 to vector<16xi32>
      %and3A_517 = arith.andi %add3A_454, %and3A_516 : vector<16xi32>
      %gather3A = arith.constant 0 : i32
      %gather3A_518 = arith.constant 0 : i32
      %gather3A_519 = arith.constant 0 : i32
      %gather3A_520 = arith.constant 0 : i32
      %gather3A_521 = arith.constant 0 : i32
      %gather3A_522 = tpu.memref_slice %arg7[%gather3A, %gather3A_518, %gather3A_519, %gather3A_520, %gather3A_521] : memref<2x2x8x8x128xf32, #tpu.memory_space<vmem>> -> memref<1x2x8x8x128xf32, #tpu.memory_space<vmem>>
      %gather3A_523 = tpu.memref_squeeze %gather3A_522 : memref<1x2x8x8x128xf32, #tpu.memory_space<vmem>> -> memref<2x8x8x128xf32, #tpu.memory_space<vmem>>
      %gather3A_524 = tpu.vector_load_idx %gather3A_523[%shift_right_arithmetic3A_508, %shift_right_arithmetic3A_514, %and3A_511, %and3A_517] : memref<2x8x8x128xf32, #tpu.memory_space<vmem>>[vector<16xi32>, vector<16xi32>, vector<16xi32>, vector<16xi32>], vector<16xf32>,
      %gather3A_525 = arith.constant 0 : i32
      %gather3A_526 = arith.constant 0 : i32
      %gather3A_527 = arith.constant 0 : i32
      %gather3A_528 = arith.constant 0 : i32
      %gather3A_529 = arith.constant 0 : i32
      %gather3A_530 = tpu.memref_slice %arg8[%gather3A_525, %gather3A_526, %gather3A_527, %gather3A_528, %gather3A_529] : memref<2x2x8x8x128xf32, #tpu.memory_space<vmem>> -> memref<1x2x8x8x128xf32, #tpu.memory_space<vmem>>
      %gather3A_531 = tpu.memref_squeeze %gather3A_530 : memref<1x2x8x8x128xf32, #tpu.memory_space<vmem>> -> memref<2x8x8x128xf32, #tpu.memory_space<vmem>>
      %gather3A_532 = tpu.vector_load_idx %gather3A_531[%shift_right_arithmetic3A_508, %shift_right_arithmetic3A_514, %and3A_511, %and3A_517] : memref<2x8x8x128xf32, #tpu.memory_space<vmem>>[vector<16xi32>, vector<16xi32>, vector<16xi32>, vector<16xi32>], vector<16xf32>,
      %mul3A_533 = arith.mulf %gather3A_532, %get3A_506 : vector<16xf32>
      %add3A_534 = arith.addf %gather3A_524, %mul3A_533 : vector<16xf32>
      %mul3A_535 = arith.constant 16 : i32
      %mul3A_536 = arith.muli %scan3A_450, %mul3A_535 : i32
      %swap3A = arith.constant 0 : i32
      %swap3A_537 = arith.index_cast %swap3A : i32 to index
      %swap3A_538 = arith.index_cast %mul3A_536 : i32 to index
      %swap3A_539 = tpu.vector_load %arg11[%swap3A_537, %swap3A_538] {strides = array<i32>} : memref<2x1024xf32, #tpu.memory_space<vmem>>, vector<16xf32>,
      tpu.vector_store %arg11[%swap3A_537, %swap3A_538], %add3A_534 {strides = array<i32>} : memref<2x1024xf32, #tpu.memory_space<vmem>>, vector<16xf32>,
      %scan3A_540 = arith.constant 1 : i32
      %scan3A_541 = arith.addi %scan3A_450, %scan3A_540 : i32
      %iota3A_542 = tpu.iota {dimensions = array<i32: 0>} : vector<16xi32>
      %mul3A_543 = arith.constant 16 : i32
      %mul3A_544 = arith.muli %scan3A_541, %mul3A_543 : i32
      %add3A_545 = vector.broadcast %mul3A_544 : i32 to vector<16xi32>
      %add3A_546 = arith.addi %iota3A_542, %add3A_545 : vector<16xi32>
      %jit3A_547 = arith.constant 8 : i32
      %div3A_548 = arith.divsi %scan3A_541, %jit3A_547 : i32
      %sign3A_549 = arith.constant 0 : i32
      %sign3A_550 = arith.cmpi sgt, %scan3A_541, %sign3A_549 : i32
      %sign3A_551 = arith.extui %sign3A_550 : i1 to i32
      %sign3A_552 = arith.constant 0 : i32
      %sign3A_553 = arith.cmpi slt, %scan3A_541, %sign3A_552 : i32
      %sign3A_554 = arith.extui %sign3A_553 : i1 to i32
      %sign3A_555 = arith.subi %sign3A_551, %sign3A_554 : i32
      %sign3A_556 = arith.constant 0 : i32
      %sign3A_557 = arith.cmpi sgt, %jit3A_547, %sign3A_556 : i32
      %sign3A_558 = arith.extui %sign3A_557 : i1 to i32
      %sign3A_559 = arith.constant 0 : i32
      %sign3A_560 = arith.cmpi slt, %jit3A_547, %sign3A_559 : i32
      %sign3A_561 = arith.extui %sign3A_560 : i1 to i32
      %sign3A_562 = arith.subi %sign3A_558, %sign3A_561 : i32
      %ne3A_563 = arith.cmpi ne, %sign3A_555, %sign3A_562 : i32
      %rem3A_564 = arith.remsi %scan3A_541, %jit3A_547 : i32
      %ne3A_565 = arith.constant 0 : i32
      %ne3A_566 = arith.cmpi ne, %rem3A_564, %ne3A_565 : i32
      %and3A_567 = arith.andi %ne3A_563, %ne3A_566 : i1
      %sub3A_568 = arith.constant 1 : i32
      %sub3A_569 = arith.subi %div3A_548, %sub3A_568 : i32
      %select_n3A_570 = arith.select %and3A_567, %sub3A_569, %div3A_548 : i32
      %jit3A_571 = arith.constant 8 : i32
      %eq3A_572 = arith.constant 0 : i32
      %eq3A_573 = arith.cmpi eq, %jit3A_571, %eq3A_572 : i32
      %jit3A_574 = arith.constant 1 : i32
      %select_n3A_575 = arith.select %eq3A_573, %jit3A_574, %jit3A_571 : i32
      %rem3A_576 = arith.remsi %scan3A_541, %select_n3A_575 : i32
      %ne3A_577 = arith.constant 0 : i32
      %ne3A_578 = arith.cmpi ne, %rem3A_576, %ne3A_577 : i32
      %lt3A_579 = arith.constant 0 : i32
      %lt3A_580 = arith.cmpi slt, %rem3A_576, %lt3A_579 : i32
      %lt3A_581 = arith.constant 0 : i32
      %lt3A_582 = arith.cmpi slt, %select_n3A_575, %lt3A_581 : i32
      %ne3A_583 = arith.xori %lt3A_580, %lt3A_582 : i1
      %and3A_584 = arith.andi %ne3A_583, %ne3A_578 : i1
      %add3A_585 = arith.addi %rem3A_576, %select_n3A_575 : i32
      %select_n3A_586 = arith.select %and3A_584, %add3A_585, %rem3A_576 : i32
      %mul3A_587 = arith.constant 16 : i32
      %mul3A_588 = arith.muli %select_n3A_586, %mul3A_587 : i32
      %get3A_589 = arith.constant 0 : i32
      %get3A_590 = arith.index_cast %get3A_589 : i32 to index
      %get3A_591 = arith.index_cast %select_n3A_570 : i32 to index
      %get3A_592 = arith.index_cast %mul3A_588 : i32 to index
      %get3A_593 = tpu.vector_load %arg9[%get3A_590, %get3A_591, %get3A_592] {strides = array<i32>} : memref<2x8x128xi32, #tpu.memory_space<vmem>>, vector<16xi32>,
      %mul3A_594 = arith.constant 16 : i32
      %mul3A_595 = arith.muli %scan3A_541, %mul3A_594 : i32
      %get3A_596 = arith.constant 0 : i32
      %get3A_597 = arith.index_cast %get3A_596 : i32 to index
      %get3A_598 = arith.index_cast %mul3A_595 : i32 to index
      %get3A_599 = tpu.vector_load %arg10[%get3A_597, %get3A_598] {strides = array<i32>} : memref<2x1024xf32, #tpu.memory_space<vmem>>, vector<16xf32>,
      %shift_right_arithmetic3A_600 = arith.constant 3 : i32
      %shift_right_arithmetic3A_601 = vector.broadcast %shift_right_arithmetic3A_600 : i32 to vector<16xi32>
      %shift_right_arithmetic3A_602 = arith.shrsi %get3A_593, %shift_right_arithmetic3A_601 : vector<16xi32>
      %and3A_603 = arith.constant 7 : i32
      %and3A_604 = vector.broadcast %and3A_603 : i32 to vector<16xi32>
      %and3A_605 = arith.andi %get3A_593, %and3A_604 : vector<16xi32>
      %shift_right_arithmetic3A_606 = arith.constant 7 : i32
      %shift_right_arithmetic3A_607 = vector.broadcast %shift_right_arithmetic3A_606 : i32 to vector<16xi32>
      %shift_right_arithmetic3A_608 = arith.shrsi %add3A_546, %shift_right_arithmetic3A_607 : vector<16xi32>
      %and3A_609 = arith.constant 127 : i32
      %and3A_610 = vector.broadcast %and3A_609 : i32 to vector<16xi32>
      %and3A_611 = arith.andi %add3A_546, %and3A_610 : vector<16xi32>
      %gather3A_612 = arith.constant 0 : i32
      %gather3A_613 = arith.constant 0 : i32
      %gather3A_614 = arith.constant 0 : i32
      %gather3A_615 = arith.constant 0 : i32
      %gather3A_616 = arith.constant 0 : i32
      %gather3A_617 = tpu.memref_slice %arg7[%gather3A_612, %gather3A_613, %gather3A_614, %gather3A_615, %gather3A_616] : memref<2x2x8x8x128xf32, #tpu.memory_space<vmem>> -> memref<1x2x8x8x128xf32, #tpu.memory_space<vmem>>
      %gather3A_618 = tpu.memref_squeeze %gather3A_617 : memref<1x2x8x8x128xf32, #tpu.memory_space<vmem>> -> memref<2x8x8x128xf32, #tpu.memory_space<vmem>>
      %gather3A_619 = tpu.vector_load_idx %gather3A_618[%shift_right_arithmetic3A_602, %shift_right_arithmetic3A_608, %and3A_605, %and3A_611] : memref<2x8x8x128xf32, #tpu.memory_space<vmem>>[vector<16xi32>, vector<16xi32>, vector<16xi32>, vector<16xi32>], vector<16xf32>,
      %gather3A_620 = arith.constant 0 : i32
      %gather3A_621 = arith.constant 0 : i32
      %gather3A_622 = arith.constant 0 : i32
      %gather3A_623 = arith.constant 0 : i32
      %gather3A_624 = arith.constant 0 : i32
      %gather3A_625 = tpu.memref_slice %arg8[%gather3A_620, %gather3A_621, %gather3A_622, %gather3A_623, %gather3A_624] : memref<2x2x8x8x128xf32, #tpu.memory_space<vmem>> -> memref<1x2x8x8x128xf32, #tpu.memory_space<vmem>>
      %gather3A_626 = tpu.memref_squeeze %gather3A_625 : memref<1x2x8x8x128xf32, #tpu.memory_space<vmem>> -> memref<2x8x8x128xf32, #tpu.memory_space<vmem>>
      %gather3A_627 = tpu.vector_load_idx %gather3A_626[%shift_right_arithmetic3A_602, %shift_right_arithmetic3A_608, %and3A_605, %and3A_611] : memref<2x8x8x128xf32, #tpu.memory_space<vmem>>[vector<16xi32>, vector<16xi32>, vector<16xi32>, vector<16xi32>], vector<16xf32>,
      %mul3A_628 = arith.mulf %gather3A_627, %get3A_599 : vector<16xf32>
      %add3A_629 = arith.addf %gather3A_619, %mul3A_628 : vector<16xf32>
      %mul3A_630 = arith.constant 16 : i32
      %mul3A_631 = arith.muli %scan3A_541, %mul3A_630 : i32
      %swap3A_632 = arith.constant 0 : i32
      %swap3A_633 = arith.index_cast %swap3A_632 : i32 to index
      %swap3A_634 = arith.index_cast %mul3A_631 : i32 to index
      %swap3A_635 = tpu.vector_load %arg11[%swap3A_633, %swap3A_634] {strides = array<i32>} : memref<2x1024xf32, #tpu.memory_space<vmem>>, vector<16xf32>,
      tpu.vector_store %arg11[%swap3A_633, %swap3A_634], %add3A_629 {strides = array<i32>} : memref<2x1024xf32, #tpu.memory_space<vmem>>, vector<16xf32>,
      %scan3A_636 = arith.constant 2 : i32
      %scan3A_637 = arith.addi %scan3A_450, %scan3A_636 : i32
      %iota3A_638 = tpu.iota {dimensions = array<i32: 0>} : vector<16xi32>
      %mul3A_639 = arith.constant 16 : i32
      %mul3A_640 = arith.muli %scan3A_637, %mul3A_639 : i32
      %add3A_641 = vector.broadcast %mul3A_640 : i32 to vector<16xi32>
      %add3A_642 = arith.addi %iota3A_638, %add3A_641 : vector<16xi32>
      %jit3A_643 = arith.constant 8 : i32
      %div3A_644 = arith.divsi %scan3A_637, %jit3A_643 : i32
      %sign3A_645 = arith.constant 0 : i32
      %sign3A_646 = arith.cmpi sgt, %scan3A_637, %sign3A_645 : i32
      %sign3A_647 = arith.extui %sign3A_646 : i1 to i32
      %sign3A_648 = arith.constant 0 : i32
      %sign3A_649 = arith.cmpi slt, %scan3A_637, %sign3A_648 : i32
      %sign3A_650 = arith.extui %sign3A_649 : i1 to i32
      %sign3A_651 = arith.subi %sign3A_647, %sign3A_650 : i32
      %sign3A_652 = arith.constant 0 : i32
      %sign3A_653 = arith.cmpi sgt, %jit3A_643, %sign3A_652 : i32
      %sign3A_654 = arith.extui %sign3A_653 : i1 to i32
      %sign3A_655 = arith.constant 0 : i32
      %sign3A_656 = arith.cmpi slt, %jit3A_643, %sign3A_655 : i32
      %sign3A_657 = arith.extui %sign3A_656 : i1 to i32
      %sign3A_658 = arith.subi %sign3A_654, %sign3A_657 : i32
      %ne3A_659 = arith.cmpi ne, %sign3A_651, %sign3A_658 : i32
      %rem3A_660 = arith.remsi %scan3A_637, %jit3A_643 : i32
      %ne3A_661 = arith.constant 0 : i32
      %ne3A_662 = arith.cmpi ne, %rem3A_660, %ne3A_661 : i32
      %and3A_663 = arith.andi %ne3A_659, %ne3A_662 : i1
      %sub3A_664 = arith.constant 1 : i32
      %sub3A_665 = arith.subi %div3A_644, %sub3A_664 : i32
      %select_n3A_666 = arith.select %and3A_663, %sub3A_665, %div3A_644 : i32
      %jit3A_667 = arith.constant 8 : i32
      %eq3A_668 = arith.constant 0 : i32
      %eq3A_669 = arith.cmpi eq, %jit3A_667, %eq3A_668 : i32
      %jit3A_670 = arith.constant 1 : i32
      %select_n3A_671 = arith.select %eq3A_669, %jit3A_670, %jit3A_667 : i32
      %rem3A_672 = arith.remsi %scan3A_637, %select_n3A_671 : i32
      %ne3A_673 = arith.constant 0 : i32
      %ne3A_674 = arith.cmpi ne, %rem3A_672, %ne3A_673 : i32
      %lt3A_675 = arith.constant 0 : i32
      %lt3A_676 = arith.cmpi slt, %rem3A_672, %lt3A_675 : i32
      %lt3A_677 = arith.constant 0 : i32
      %lt3A_678 = arith.cmpi slt, %select_n3A_671, %lt3A_677 : i32
      %ne3A_679 = arith.xori %lt3A_676, %lt3A_678 : i1
      %and3A_680 = arith.andi %ne3A_679, %ne3A_674 : i1
      %add3A_681 = arith.addi %rem3A_672, %select_n3A_671 : i32
      %select_n3A_682 = arith.select %and3A_680, %add3A_681, %rem3A_672 : i32
      %mul3A_683 = arith.constant 16 : i32
      %mul3A_684 = arith.muli %select_n3A_682, %mul3A_683 : i32
      %get3A_685 = arith.constant 0 : i32
      %get3A_686 = arith.index_cast %get3A_685 : i32 to index
      %get3A_687 = arith.index_cast %select_n3A_666 : i32 to index
      %get3A_688 = arith.index_cast %mul3A_684 : i32 to index
      %get3A_689 = tpu.vector_load %arg9[%get3A_686, %get3A_687, %get3A_688] {strides = array<i32>} : memref<2x8x128xi32, #tpu.memory_space<vmem>>, vector<16xi32>,
      %mul3A_690 = arith.constant 16 : i32
      %mul3A_691 = arith.muli %scan3A_637, %mul3A_690 : i32
      %get3A_692 = arith.constant 0 : i32
      %get3A_693 = arith.index_cast %get3A_692 : i32 to index
      %get3A_694 = arith.index_cast %mul3A_691 : i32 to index
      %get3A_695 = tpu.vector_load %arg10[%get3A_693, %get3A_694] {strides = array<i32>} : memref<2x1024xf32, #tpu.memory_space<vmem>>, vector<16xf32>,
      %shift_right_arithmetic3A_696 = arith.constant 3 : i32
      %shift_right_arithmetic3A_697 = vector.broadcast %shift_right_arithmetic3A_696 : i32 to vector<16xi32>
      %shift_right_arithmetic3A_698 = arith.shrsi %get3A_689, %shift_right_arithmetic3A_697 : vector<16xi32>
      %and3A_699 = arith.constant 7 : i32
      %and3A_700 = vector.broadcast %and3A_699 : i32 to vector<16xi32>
      %and3A_701 = arith.andi %get3A_689, %and3A_700 : vector<16xi32>
      %shift_right_arithmetic3A_702 = arith.constant 7 : i32
      %shift_right_arithmetic3A_703 = vector.broadcast %shift_right_arithmetic3A_702 : i32 to vector<16xi32>
      %shift_right_arithmetic3A_704 = arith.shrsi %add3A_642, %shift_right_arithmetic3A_703 : vector<16xi32>
      %and3A_705 = arith.constant 127 : i32
      %and3A_706 = vector.broadcast %and3A_705 : i32 to vector<16xi32>
      %and3A_707 = arith.andi %add3A_642, %and3A_706 : vector<16xi32>
      %gather3A_708 = arith.constant 0 : i32
      %gather3A_709 = arith.constant 0 : i32
      %gather3A_710 = arith.constant 0 : i32
      %gather3A_711 = arith.constant 0 : i32
      %gather3A_712 = arith.constant 0 : i32
      %gather3A_713 = tpu.memref_slice %arg7[%gather3A_708, %gather3A_709, %gather3A_710, %gather3A_711, %gather3A_712] : memref<2x2x8x8x128xf32, #tpu.memory_space<vmem>> -> memref<1x2x8x8x128xf32, #tpu.memory_space<vmem>>
      %gather3A_714 = tpu.memref_squeeze %gather3A_713 : memref<1x2x8x8x128xf32, #tpu.memory_space<vmem>> -> memref<2x8x8x128xf32, #tpu.memory_space<vmem>>
      %gather3A_715 = tpu.vector_load_idx %gather3A_714[%shift_right_arithmetic3A_698, %shift_right_arithmetic3A_704, %and3A_701, %and3A_707] : memref<2x8x8x128xf32, #tpu.memory_space<vmem>>[vector<16xi32>, vector<16xi32>, vector<16xi32>, vector<16xi32>], vector<16xf32>,
      %gather3A_716 = arith.constant 0 : i32
      %gather3A_717 = arith.constant 0 : i32
      %gather3A_718 = arith.constant 0 : i32
      %gather3A_719 = arith.constant 0 : i32
      %gather3A_720 = arith.constant 0 : i32
      %gather3A_721 = tpu.memref_slice %arg8[%gather3A_716, %gather3A_717, %gather3A_718, %gather3A_719, %gather3A_720] : memref<2x2x8x8x128xf32, #tpu.memory_space<vmem>> -> memref<1x2x8x8x128xf32, #tpu.memory_space<vmem>>
      %gather3A_722 = tpu.memref_squeeze %gather3A_721 : memref<1x2x8x8x128xf32, #tpu.memory_space<vmem>> -> memref<2x8x8x128xf32, #tpu.memory_space<vmem>>
      %gather3A_723 = tpu.vector_load_idx %gather3A_722[%shift_right_arithmetic3A_698, %shift_right_arithmetic3A_704, %and3A_701, %and3A_707] : memref<2x8x8x128xf32, #tpu.memory_space<vmem>>[vector<16xi32>, vector<16xi32>, vector<16xi32>, vector<16xi32>], vector<16xf32>,
      %mul3A_724 = arith.mulf %gather3A_723, %get3A_695 : vector<16xf32>
      %add3A_725 = arith.addf %gather3A_715, %mul3A_724 : vector<16xf32>
      %mul3A_726 = arith.constant 16 : i32
      %mul3A_727 = arith.muli %scan3A_637, %mul3A_726 : i32
      %swap3A_728 = arith.constant 0 : i32
      %swap3A_729 = arith.index_cast %swap3A_728 : i32 to index
      %swap3A_730 = arith.index_cast %mul3A_727 : i32 to index
      %swap3A_731 = tpu.vector_load %arg11[%swap3A_729, %swap3A_730] {strides = array<i32>} : memref<2x1024xf32, #tpu.memory_space<vmem>>, vector<16xf32>,
      tpu.vector_store %arg11[%swap3A_729, %swap3A_730], %add3A_725 {strides = array<i32>} : memref<2x1024xf32, #tpu.memory_space<vmem>>, vector<16xf32>,
      %scan3A_732 = arith.constant 3 : i32
      %scan3A_733 = arith.addi %scan3A_450, %scan3A_732 : i32
      %iota3A_734 = tpu.iota {dimensions = array<i32: 0>} : vector<16xi32>
      %mul3A_735 = arith.constant 16 : i32
      %mul3A_736 = arith.muli %scan3A_733, %mul3A_735 : i32
      %add3A_737 = vector.broadcast %mul3A_736 : i32 to vector<16xi32>
      %add3A_738 = arith.addi %iota3A_734, %add3A_737 : vector<16xi32>
      %jit3A_739 = arith.constant 8 : i32
      %div3A_740 = arith.divsi %scan3A_733, %jit3A_739 : i32
      %sign3A_741 = arith.constant 0 : i32
      %sign3A_742 = arith.cmpi sgt, %scan3A_733, %sign3A_741 : i32
      %sign3A_743 = arith.extui %sign3A_742 : i1 to i32
      %sign3A_744 = arith.constant 0 : i32
      %sign3A_745 = arith.cmpi slt, %scan3A_733, %sign3A_744 : i32
      %sign3A_746 = arith.extui %sign3A_745 : i1 to i32
      %sign3A_747 = arith.subi %sign3A_743, %sign3A_746 : i32
      %sign3A_748 = arith.constant 0 : i32
      %sign3A_749 = arith.cmpi sgt, %jit3A_739, %sign3A_748 : i32
      %sign3A_750 = arith.extui %sign3A_749 : i1 to i32
      %sign3A_751 = arith.constant 0 : i32
      %sign3A_752 = arith.cmpi slt, %jit3A_739, %sign3A_751 : i32
      %sign3A_753 = arith.extui %sign3A_752 : i1 to i32
      %sign3A_754 = arith.subi %sign3A_750, %sign3A_753 : i32
      %ne3A_755 = arith.cmpi ne, %sign3A_747, %sign3A_754 : i32
      %rem3A_756 = arith.remsi %scan3A_733, %jit3A_739 : i32
      %ne3A_757 = arith.constant 0 : i32
      %ne3A_758 = arith.cmpi ne, %rem3A_756, %ne3A_757 : i32
      %and3A_759 = arith.andi %ne3A_755, %ne3A_758 : i1
      %sub3A_760 = arith.constant 1 : i32
      %sub3A_761 = arith.subi %div3A_740, %sub3A_760 : i32
      %select_n3A_762 = arith.select %and3A_759, %sub3A_761, %div3A_740 : i32
      %jit3A_763 = arith.constant 8 : i32
      %eq3A_764 = arith.constant 0 : i32
      %eq3A_765 = arith.cmpi eq, %jit3A_763, %eq3A_764 : i32
      %jit3A_766 = arith.constant 1 : i32
      %select_n3A_767 = arith.select %eq3A_765, %jit3A_766, %jit3A_763 : i32
      %rem3A_768 = arith.remsi %scan3A_733, %select_n3A_767 : i32
      %ne3A_769 = arith.constant 0 : i32
      %ne3A_770 = arith.cmpi ne, %rem3A_768, %ne3A_769 : i32
      %lt3A_771 = arith.constant 0 : i32
      %lt3A_772 = arith.cmpi slt, %rem3A_768, %lt3A_771 : i32
      %lt3A_773 = arith.constant 0 : i32
      %lt3A_774 = arith.cmpi slt, %select_n3A_767, %lt3A_773 : i32
      %ne3A_775 = arith.xori %lt3A_772, %lt3A_774 : i1
      %and3A_776 = arith.andi %ne3A_775, %ne3A_770 : i1
      %add3A_777 = arith.addi %rem3A_768, %select_n3A_767 : i32
      %select_n3A_778 = arith.select %and3A_776, %add3A_777, %rem3A_768 : i32
      %mul3A_779 = arith.constant 16 : i32
      %mul3A_780 = arith.muli %select_n3A_778, %mul3A_779 : i32
      %get3A_781 = arith.constant 0 : i32
      %get3A_782 = arith.index_cast %get3A_781 : i32 to index
      %get3A_783 = arith.index_cast %select_n3A_762 : i32 to index
      %get3A_784 = arith.index_cast %mul3A_780 : i32 to index
      %get3A_785 = tpu.vector_load %arg9[%get3A_782, %get3A_783, %get3A_784] {strides = array<i32>} : memref<2x8x128xi32, #tpu.memory_space<vmem>>, vector<16xi32>,
      %mul3A_786 = arith.constant 16 : i32
      %mul3A_787 = arith.muli %scan3A_733, %mul3A_786 : i32
      %get3A_788 = arith.constant 0 : i32
      %get3A_789 = arith.index_cast %get3A_788 : i32 to index
      %get3A_790 = arith.index_cast %mul3A_787 : i32 to index
      %get3A_791 = tpu.vector_load %arg10[%get3A_789, %get3A_790] {strides = array<i32>} : memref<2x1024xf32, #tpu.memory_space<vmem>>, vector<16xf32>,
      %shift_right_arithmetic3A_792 = arith.constant 3 : i32
      %shift_right_arithmetic3A_793 = vector.broadcast %shift_right_arithmetic3A_792 : i32 to vector<16xi32>
      %shift_right_arithmetic3A_794 = arith.shrsi %get3A_785, %shift_right_arithmetic3A_793 : vector<16xi32>
      %and3A_795 = arith.constant 7 : i32
      %and3A_796 = vector.broadcast %and3A_795 : i32 to vector<16xi32>
      %and3A_797 = arith.andi %get3A_785, %and3A_796 : vector<16xi32>
      %shift_right_arithmetic3A_798 = arith.constant 7 : i32
      %shift_right_arithmetic3A_799 = vector.broadcast %shift_right_arithmetic3A_798 : i32 to vector<16xi32>
      %shift_right_arithmetic3A_800 = arith.shrsi %add3A_738, %shift_right_arithmetic3A_799 : vector<16xi32>
      %and3A_801 = arith.constant 127 : i32
      %and3A_802 = vector.broadcast %and3A_801 : i32 to vector<16xi32>
      %and3A_803 = arith.andi %add3A_738, %and3A_802 : vector<16xi32>
      %gather3A_804 = arith.constant 0 : i32
      %gather3A_805 = arith.constant 0 : i32
      %gather3A_806 = arith.constant 0 : i32
      %gather3A_807 = arith.constant 0 : i32
      %gather3A_808 = arith.constant 0 : i32
      %gather3A_809 = tpu.memref_slice %arg7[%gather3A_804, %gather3A_805, %gather3A_806, %gather3A_807, %gather3A_808] : memref<2x2x8x8x128xf32, #tpu.memory_space<vmem>> -> memref<1x2x8x8x128xf32, #tpu.memory_space<vmem>>
      %gather3A_810 = tpu.memref_squeeze %gather3A_809 : memref<1x2x8x8x128xf32, #tpu.memory_space<vmem>> -> memref<2x8x8x128xf32, #tpu.memory_space<vmem>>
      %gather3A_811 = tpu.vector_load_idx %gather3A_810[%shift_right_arithmetic3A_794, %shift_right_arithmetic3A_800, %and3A_797, %and3A_803] : memref<2x8x8x128xf32, #tpu.memory_space<vmem>>[vector<16xi32>, vector<16xi32>, vector<16xi32>, vector<16xi32>], vector<16xf32>,
      %gather3A_812 = arith.constant 0 : i32
      %gather3A_813 = arith.constant 0 : i32
      %gather3A_814 = arith.constant 0 : i32
      %gather3A_815 = arith.constant 0 : i32
      %gather3A_816 = arith.constant 0 : i32
      %gather3A_817 = tpu.memref_slice %arg8[%gather3A_812, %gather3A_813, %gather3A_814, %gather3A_815, %gather3A_816] : memref<2x2x8x8x128xf32, #tpu.memory_space<vmem>> -> memref<1x2x8x8x128xf32, #tpu.memory_space<vmem>>
      %gather3A_818 = tpu.memref_squeeze %gather3A_817 : memref<1x2x8x8x128xf32, #tpu.memory_space<vmem>> -> memref<2x8x8x128xf32, #tpu.memory_space<vmem>>
      %gather3A_819 = tpu.vector_load_idx %gather3A_818[%shift_right_arithmetic3A_794, %shift_right_arithmetic3A_800, %and3A_797, %and3A_803] : memref<2x8x8x128xf32, #tpu.memory_space<vmem>>[vector<16xi32>, vector<16xi32>, vector<16xi32>, vector<16xi32>], vector<16xf32>,
      %mul3A_820 = arith.mulf %gather3A_819, %get3A_791 : vector<16xf32>
      %add3A_821 = arith.addf %gather3A_811, %mul3A_820 : vector<16xf32>
      %mul3A_822 = arith.constant 16 : i32
      %mul3A_823 = arith.muli %scan3A_733, %mul3A_822 : i32
      %swap3A_824 = arith.constant 0 : i32
      %swap3A_825 = arith.index_cast %swap3A_824 : i32 to index
      %swap3A_826 = arith.index_cast %mul3A_823 : i32 to index
      %swap3A_827 = tpu.vector_load %arg11[%swap3A_825, %swap3A_826] {strides = array<i32>} : memref<2x1024xf32, #tpu.memory_space<vmem>>, vector<16xf32>,
      tpu.vector_store %arg11[%swap3A_825, %swap3A_826], %add3A_821 {strides = array<i32>} : memref<2x1024xf32, #tpu.memory_space<vmem>>, vector<16xf32>,
      %scan3A_828 = arith.constant 4 : i32
      %scan3A_829 = arith.addi %scan3A_450, %scan3A_828 : i32
      %iota3A_830 = tpu.iota {dimensions = array<i32: 0>} : vector<16xi32>
      %mul3A_831 = arith.constant 16 : i32
      %mul3A_832 = arith.muli %scan3A_829, %mul3A_831 : i32
      %add3A_833 = vector.broadcast %mul3A_832 : i32 to vector<16xi32>
      %add3A_834 = arith.addi %iota3A_830, %add3A_833 : vector<16xi32>
      %jit3A_835 = arith.constant 8 : i32
      %div3A_836 = arith.divsi %scan3A_829, %jit3A_835 : i32
      %sign3A_837 = arith.constant 0 : i32
      %sign3A_838 = arith.cmpi sgt, %scan3A_829, %sign3A_837 : i32
      %sign3A_839 = arith.extui %sign3A_838 : i1 to i32
      %sign3A_840 = arith.constant 0 : i32
      %sign3A_841 = arith.cmpi slt, %scan3A_829, %sign3A_840 : i32
      %sign3A_842 = arith.extui %sign3A_841 : i1 to i32
      %sign3A_843 = arith.subi %sign3A_839, %sign3A_842 : i32
      %sign3A_844 = arith.constant 0 : i32
      %sign3A_845 = arith.cmpi sgt, %jit3A_835, %sign3A_844 : i32
      %sign3A_846 = arith.extui %sign3A_845 : i1 to i32
      %sign3A_847 = arith.constant 0 : i32
      %sign3A_848 = arith.cmpi slt, %jit3A_835, %sign3A_847 : i32
      %sign3A_849 = arith.extui %sign3A_848 : i1 to i32
      %sign3A_850 = arith.subi %sign3A_846, %sign3A_849 : i32
      %ne3A_851 = arith.cmpi ne, %sign3A_843, %sign3A_850 : i32
      %rem3A_852 = arith.remsi %scan3A_829, %jit3A_835 : i32
      %ne3A_853 = arith.constant 0 : i32
      %ne3A_854 = arith.cmpi ne, %rem3A_852, %ne3A_853 : i32
      %and3A_855 = arith.andi %ne3A_851, %ne3A_854 : i1
      %sub3A_856 = arith.constant 1 : i32
      %sub3A_857 = arith.subi %div3A_836, %sub3A_856 : i32
      %select_n3A_858 = arith.select %and3A_855, %sub3A_857, %div3A_836 : i32
      %jit3A_859 = arith.constant 8 : i32
      %eq3A_860 = arith.constant 0 : i32
      %eq3A_861 = arith.cmpi eq, %jit3A_859, %eq3A_860 : i32
      %jit3A_862 = arith.constant 1 : i32
      %select_n3A_863 = arith.select %eq3A_861, %jit3A_862, %jit3A_859 : i32
      %rem3A_864 = arith.remsi %scan3A_829, %select_n3A_863 : i32
      %ne3A_865 = arith.constant 0 : i32
      %ne3A_866 = arith.cmpi ne, %rem3A_864, %ne3A_865 : i32
      %lt3A_867 = arith.constant 0 : i32
      %lt3A_868 = arith.cmpi slt, %rem3A_864, %lt3A_867 : i32
      %lt3A_869 = arith.constant 0 : i32
      %lt3A_870 = arith.cmpi slt, %select_n3A_863, %lt3A_869 : i32
      %ne3A_871 = arith.xori %lt3A_868, %lt3A_870 : i1
      %and3A_872 = arith.andi %ne3A_871, %ne3A_866 : i1
      %add3A_873 = arith.addi %rem3A_864, %select_n3A_863 : i32
      %select_n3A_874 = arith.select %and3A_872, %add3A_873, %rem3A_864 : i32
      %mul3A_875 = arith.constant 16 : i32
      %mul3A_876 = arith.muli %select_n3A_874, %mul3A_875 : i32
      %get3A_877 = arith.constant 0 : i32
      %get3A_878 = arith.index_cast %get3A_877 : i32 to index
      %get3A_879 = arith.index_cast %select_n3A_858 : i32 to index
      %get3A_880 = arith.index_cast %mul3A_876 : i32 to index
      %get3A_881 = tpu.vector_load %arg9[%get3A_878, %get3A_879, %get3A_880] {strides = array<i32>} : memref<2x8x128xi32, #tpu.memory_space<vmem>>, vector<16xi32>,
      %mul3A_882 = arith.constant 16 : i32
      %mul3A_883 = arith.muli %scan3A_829, %mul3A_882 : i32
      %get3A_884 = arith.constant 0 : i32
      %get3A_885 = arith.index_cast %get3A_884 : i32 to index
      %get3A_886 = arith.index_cast %mul3A_883 : i32 to index
      %get3A_887 = tpu.vector_load %arg10[%get3A_885, %get3A_886] {strides = array<i32>} : memref<2x1024xf32, #tpu.memory_space<vmem>>, vector<16xf32>,
      %shift_right_arithmetic3A_888 = arith.constant 3 : i32
      %shift_right_arithmetic3A_889 = vector.broadcast %shift_right_arithmetic3A_888 : i32 to vector<16xi32>
      %shift_right_arithmetic3A_890 = arith.shrsi %get3A_881, %shift_right_arithmetic3A_889 : vector<16xi32>
      %and3A_891 = arith.constant 7 : i32
      %and3A_892 = vector.broadcast %and3A_891 : i32 to vector<16xi32>
      %and3A_893 = arith.andi %get3A_881, %and3A_892 : vector<16xi32>
      %shift_right_arithmetic3A_894 = arith.constant 7 : i32
      %shift_right_arithmetic3A_895 = vector.broadcast %shift_right_arithmetic3A_894 : i32 to vector<16xi32>
      %shift_right_arithmetic3A_896 = arith.shrsi %add3A_834, %shift_right_arithmetic3A_895 : vector<16xi32>
      %and3A_897 = arith.constant 127 : i32
      %and3A_898 = vector.broadcast %and3A_897 : i32 to vector<16xi32>
      %and3A_899 = arith.andi %add3A_834, %and3A_898 : vector<16xi32>
      %gather3A_900 = arith.constant 0 : i32
      %gather3A_901 = arith.constant 0 : i32
      %gather3A_902 = arith.constant 0 : i32
      %gather3A_903 = arith.constant 0 : i32
      %gather3A_904 = arith.constant 0 : i32
      %gather3A_905 = tpu.memref_slice %arg7[%gather3A_900, %gather3A_901, %gather3A_902, %gather3A_903, %gather3A_904] : memref<2x2x8x8x128xf32, #tpu.memory_space<vmem>> -> memref<1x2x8x8x128xf32, #tpu.memory_space<vmem>>
      %gather3A_906 = tpu.memref_squeeze %gather3A_905 : memref<1x2x8x8x128xf32, #tpu.memory_space<vmem>> -> memref<2x8x8x128xf32, #tpu.memory_space<vmem>>
      %gather3A_907 = tpu.vector_load_idx %gather3A_906[%shift_right_arithmetic3A_890, %shift_right_arithmetic3A_896, %and3A_893, %and3A_899] : memref<2x8x8x128xf32, #tpu.memory_space<vmem>>[vector<16xi32>, vector<16xi32>, vector<16xi32>, vector<16xi32>], vector<16xf32>,
      %gather3A_908 = arith.constant 0 : i32
      %gather3A_909 = arith.constant 0 : i32
      %gather3A_910 = arith.constant 0 : i32
      %gather3A_911 = arith.constant 0 : i32
      %gather3A_912 = arith.constant 0 : i32
      %gather3A_913 = tpu.memref_slice %arg8[%gather3A_908, %gather3A_909, %gather3A_910, %gather3A_911, %gather3A_912] : memref<2x2x8x8x128xf32, #tpu.memory_space<vmem>> -> memref<1x2x8x8x128xf32, #tpu.memory_space<vmem>>
      %gather3A_914 = tpu.memref_squeeze %gather3A_913 : memref<1x2x8x8x128xf32, #tpu.memory_space<vmem>> -> memref<2x8x8x128xf32, #tpu.memory_space<vmem>>
      %gather3A_915 = tpu.vector_load_idx %gather3A_914[%shift_right_arithmetic3A_890, %shift_right_arithmetic3A_896, %and3A_893, %and3A_899] : memref<2x8x8x128xf32, #tpu.memory_space<vmem>>[vector<16xi32>, vector<16xi32>, vector<16xi32>, vector<16xi32>], vector<16xf32>,
      %mul3A_916 = arith.mulf %gather3A_915, %get3A_887 : vector<16xf32>
      %add3A_917 = arith.addf %gather3A_907, %mul3A_916 : vector<16xf32>
      %mul3A_918 = arith.constant 16 : i32
      %mul3A_919 = arith.muli %scan3A_829, %mul3A_918 : i32
      %swap3A_920 = arith.constant 0 : i32
      %swap3A_921 = arith.index_cast %swap3A_920 : i32 to index
      %swap3A_922 = arith.index_cast %mul3A_919 : i32 to index
      %swap3A_923 = tpu.vector_load %arg11[%swap3A_921, %swap3A_922] {strides = array<i32>} : memref<2x1024xf32, #tpu.memory_space<vmem>>, vector<16xf32>,
      tpu.vector_store %arg11[%swap3A_921, %swap3A_922], %add3A_917 {strides = array<i32>} : memref<2x1024xf32, #tpu.memory_space<vmem>>, vector<16xf32>,
      %scan3A_924 = arith.constant 5 : i32
      %scan3A_925 = arith.addi %scan3A_450, %scan3A_924 : i32
      %iota3A_926 = tpu.iota {dimensions = array<i32: 0>} : vector<16xi32>
      %mul3A_927 = arith.constant 16 : i32
      %mul3A_928 = arith.muli %scan3A_925, %mul3A_927 : i32
      %add3A_929 = vector.broadcast %mul3A_928 : i32 to vector<16xi32>
      %add3A_930 = arith.addi %iota3A_926, %add3A_929 : vector<16xi32>
      %jit3A_931 = arith.constant 8 : i32
      %div3A_932 = arith.divsi %scan3A_925, %jit3A_931 : i32
      %sign3A_933 = arith.constant 0 : i32
      %sign3A_934 = arith.cmpi sgt, %scan3A_925, %sign3A_933 : i32
      %sign3A_935 = arith.extui %sign3A_934 : i1 to i32
      %sign3A_936 = arith.constant 0 : i32
      %sign3A_937 = arith.cmpi slt, %scan3A_925, %sign3A_936 : i32
      %sign3A_938 = arith.extui %sign3A_937 : i1 to i32
      %sign3A_939 = arith.subi %sign3A_935, %sign3A_938 : i32
      %sign3A_940 = arith.constant 0 : i32
      %sign3A_941 = arith.cmpi sgt, %jit3A_931, %sign3A_940 : i32
      %sign3A_942 = arith.extui %sign3A_941 : i1 to i32
      %sign3A_943 = arith.constant 0 : i32
      %sign3A_944 = arith.cmpi slt, %jit3A_931, %sign3A_943 : i32
      %sign3A_945 = arith.extui %sign3A_944 : i1 to i32
      %sign3A_946 = arith.subi %sign3A_942, %sign3A_945 : i32
      %ne3A_947 = arith.cmpi ne, %sign3A_939, %sign3A_946 : i32
      %rem3A_948 = arith.remsi %scan3A_925, %jit3A_931 : i32
      %ne3A_949 = arith.constant 0 : i32
      %ne3A_950 = arith.cmpi ne, %rem3A_948, %ne3A_949 : i32
      %and3A_951 = arith.andi %ne3A_947, %ne3A_950 : i1
      %sub3A_952 = arith.constant 1 : i32
      %sub3A_953 = arith.subi %div3A_932, %sub3A_952 : i32
      %select_n3A_954 = arith.select %and3A_951, %sub3A_953, %div3A_932 : i32
      %jit3A_955 = arith.constant 8 : i32
      %eq3A_956 = arith.constant 0 : i32
      %eq3A_957 = arith.cmpi eq, %jit3A_955, %eq3A_956 : i32
      %jit3A_958 = arith.constant 1 : i32
      %select_n3A_959 = arith.select %eq3A_957, %jit3A_958, %jit3A_955 : i32
      %rem3A_960 = arith.remsi %scan3A_925, %select_n3A_959 : i32
      %ne3A_961 = arith.constant 0 : i32
      %ne3A_962 = arith.cmpi ne, %rem3A_960, %ne3A_961 : i32
      %lt3A_963 = arith.constant 0 : i32
      %lt3A_964 = arith.cmpi slt, %rem3A_960, %lt3A_963 : i32
      %lt3A_965 = arith.constant 0 : i32
      %lt3A_966 = arith.cmpi slt, %select_n3A_959, %lt3A_965 : i32
      %ne3A_967 = arith.xori %lt3A_964, %lt3A_966 : i1
      %and3A_968 = arith.andi %ne3A_967, %ne3A_962 : i1
      %add3A_969 = arith.addi %rem3A_960, %select_n3A_959 : i32
      %select_n3A_970 = arith.select %and3A_968, %add3A_969, %rem3A_960 : i32
      %mul3A_971 = arith.constant 16 : i32
      %mul3A_972 = arith.muli %select_n3A_970, %mul3A_971 : i32
      %get3A_973 = arith.constant 0 : i32
      %get3A_974 = arith.index_cast %get3A_973 : i32 to index
      %get3A_975 = arith.index_cast %select_n3A_954 : i32 to index
      %get3A_976 = arith.index_cast %mul3A_972 : i32 to index
      %get3A_977 = tpu.vector_load %arg9[%get3A_974, %get3A_975, %get3A_976] {strides = array<i32>} : memref<2x8x128xi32, #tpu.memory_space<vmem>>, vector<16xi32>,
      %mul3A_978 = arith.constant 16 : i32
      %mul3A_979 = arith.muli %scan3A_925, %mul3A_978 : i32
      %get3A_980 = arith.constant 0 : i32
      %get3A_981 = arith.index_cast %get3A_980 : i32 to index
      %get3A_982 = arith.index_cast %mul3A_979 : i32 to index
      %get3A_983 = tpu.vector_load %arg10[%get3A_981, %get3A_982] {strides = array<i32>} : memref<2x1024xf32, #tpu.memory_space<vmem>>, vector<16xf32>,
      %shift_right_arithmetic3A_984 = arith.constant 3 : i32
      %shift_right_arithmetic3A_985 = vector.broadcast %shift_right_arithmetic3A_984 : i32 to vector<16xi32>
      %shift_right_arithmetic3A_986 = arith.shrsi %get3A_977, %shift_right_arithmetic3A_985 : vector<16xi32>
      %and3A_987 = arith.constant 7 : i32
      %and3A_988 = vector.broadcast %and3A_987 : i32 to vector<16xi32>
      %and3A_989 = arith.andi %get3A_977, %and3A_988 : vector<16xi32>
      %shift_right_arithmetic3A_990 = arith.constant 7 : i32
      %shift_right_arithmetic3A_991 = vector.broadcast %shift_right_arithmetic3A_990 : i32 to vector<16xi32>
      %shift_right_arithmetic3A_992 = arith.shrsi %add3A_930, %shift_right_arithmetic3A_991 : vector<16xi32>
      %and3A_993 = arith.constant 127 : i32
      %and3A_994 = vector.broadcast %and3A_993 : i32 to vector<16xi32>
      %and3A_995 = arith.andi %add3A_930, %and3A_994 : vector<16xi32>
      %gather3A_996 = arith.constant 0 : i32
      %gather3A_997 = arith.constant 0 : i32
      %gather3A_998 = arith.constant 0 : i32
      %gather3A_999 = arith.constant 0 : i32
      %gather3A_1000 = arith.constant 0 : i32
      %gather3A_1001 = tpu.memref_slice %arg7[%gather3A_996, %gather3A_997, %gather3A_998, %gather3A_999, %gather3A_1000] : memref<2x2x8x8x128xf32, #tpu.memory_space<vmem>> -> memref<1x2x8x8x128xf32, #tpu.memory_space<vmem>>
      %gather3A_1002 = tpu.memref_squeeze %gather3A_1001 : memref<1x2x8x8x128xf32, #tpu.memory_space<vmem>> -> memref<2x8x8x128xf32, #tpu.memory_space<vmem>>
      %gather3A_1003 = tpu.vector_load_idx %gather3A_1002[%shift_right_arithmetic3A_986, %shift_right_arithmetic3A_992, %and3A_989, %and3A_995] : memref<2x8x8x128xf32, #tpu.memory_space<vmem>>[vector<16xi32>, vector<16xi32>, vector<16xi32>, vector<16xi32>], vector<16xf32>,
      %gather3A_1004 = arith.constant 0 : i32
      %gather3A_1005 = arith.constant 0 : i32
      %gather3A_1006 = arith.constant 0 : i32
      %gather3A_1007 = arith.constant 0 : i32
      %gather3A_1008 = arith.constant 0 : i32
      %gather3A_1009 = tpu.memref_slice %arg8[%gather3A_1004, %gather3A_1005, %gather3A_1006, %gather3A_1007, %gather3A_1008] : memref<2x2x8x8x128xf32, #tpu.memory_space<vmem>> -> memref<1x2x8x8x128xf32, #tpu.memory_space<vmem>>
      %gather3A_1010 = tpu.memref_squeeze %gather3A_1009 : memref<1x2x8x8x128xf32, #tpu.memory_space<vmem>> -> memref<2x8x8x128xf32, #tpu.memory_space<vmem>>
      %gather3A_1011 = tpu.vector_load_idx %gather3A_1010[%shift_right_arithmetic3A_986, %shift_right_arithmetic3A_992, %and3A_989, %and3A_995] : memref<2x8x8x128xf32, #tpu.memory_space<vmem>>[vector<16xi32>, vector<16xi32>, vector<16xi32>, vector<16xi32>], vector<16xf32>,
      %mul3A_1012 = arith.mulf %gather3A_1011, %get3A_983 : vector<16xf32>
      %add3A_1013 = arith.addf %gather3A_1003, %mul3A_1012 : vector<16xf32>
      %mul3A_1014 = arith.constant 16 : i32
      %mul3A_1015 = arith.muli %scan3A_925, %mul3A_1014 : i32
      %swap3A_1016 = arith.constant 0 : i32
      %swap3A_1017 = arith.index_cast %swap3A_1016 : i32 to index
      %swap3A_1018 = arith.index_cast %mul3A_1015 : i32 to index
      %swap3A_1019 = tpu.vector_load %arg11[%swap3A_1017, %swap3A_1018] {strides = array<i32>} : memref<2x1024xf32, #tpu.memory_space<vmem>>, vector<16xf32>,
      tpu.vector_store %arg11[%swap3A_1017, %swap3A_1018], %add3A_1013 {strides = array<i32>} : memref<2x1024xf32, #tpu.memory_space<vmem>>, vector<16xf32>,
      %scan3A_1020 = arith.constant 6 : i32
      %scan3A_1021 = arith.addi %scan3A_450, %scan3A_1020 : i32
      %iota3A_1022 = tpu.iota {dimensions = array<i32: 0>} : vector<16xi32>
      %mul3A_1023 = arith.constant 16 : i32
      %mul3A_1024 = arith.muli %scan3A_1021, %mul3A_1023 : i32
      %add3A_1025 = vector.broadcast %mul3A_1024 : i32 to vector<16xi32>
      %add3A_1026 = arith.addi %iota3A_1022, %add3A_1025 : vector<16xi32>
      %jit3A_1027 = arith.constant 8 : i32
      %div3A_1028 = arith.divsi %scan3A_1021, %jit3A_1027 : i32
      %sign3A_1029 = arith.constant 0 : i32
      %sign3A_1030 = arith.cmpi sgt, %scan3A_1021, %sign3A_1029 : i32
      %sign3A_1031 = arith.extui %sign3A_1030 : i1 to i32
      %sign3A_1032 = arith.constant 0 : i32
      %sign3A_1033 = arith.cmpi slt, %scan3A_1021, %sign3A_1032 : i32
      %sign3A_1034 = arith.extui %sign3A_1033 : i1 to i32
      %sign3A_1035 = arith.subi %sign3A_1031, %sign3A_1034 : i32
      %sign3A_1036 = arith.constant 0 : i32
      %sign3A_1037 = arith.cmpi sgt, %jit3A_1027, %sign3A_1036 : i32
      %sign3A_1038 = arith.extui %sign3A_1037 : i1 to i32
      %sign3A_1039 = arith.constant 0 : i32
      %sign3A_1040 = arith.cmpi slt, %jit3A_1027, %sign3A_1039 : i32
      %sign3A_1041 = arith.extui %sign3A_1040 : i1 to i32
      %sign3A_1042 = arith.subi %sign3A_1038, %sign3A_1041 : i32
      %ne3A_1043 = arith.cmpi ne, %sign3A_1035, %sign3A_1042 : i32
      %rem3A_1044 = arith.remsi %scan3A_1021, %jit3A_1027 : i32
      %ne3A_1045 = arith.constant 0 : i32
      %ne3A_1046 = arith.cmpi ne, %rem3A_1044, %ne3A_1045 : i32
      %and3A_1047 = arith.andi %ne3A_1043, %ne3A_1046 : i1
      %sub3A_1048 = arith.constant 1 : i32
      %sub3A_1049 = arith.subi %div3A_1028, %sub3A_1048 : i32
      %select_n3A_1050 = arith.select %and3A_1047, %sub3A_1049, %div3A_1028 : i32
      %jit3A_1051 = arith.constant 8 : i32
      %eq3A_1052 = arith.constant 0 : i32
      %eq3A_1053 = arith.cmpi eq, %jit3A_1051, %eq3A_1052 : i32
      %jit3A_1054 = arith.constant 1 : i32
      %select_n3A_1055 = arith.select %eq3A_1053, %jit3A_1054, %jit3A_1051 : i32
      %rem3A_1056 = arith.remsi %scan3A_1021, %select_n3A_1055 : i32
      %ne3A_1057 = arith.constant 0 : i32
      %ne3A_1058 = arith.cmpi ne, %rem3A_1056, %ne3A_1057 : i32
      %lt3A_1059 = arith.constant 0 : i32
      %lt3A_1060 = arith.cmpi slt, %rem3A_1056, %lt3A_1059 : i32
      %lt3A_1061 = arith.constant 0 : i32
      %lt3A_1062 = arith.cmpi slt, %select_n3A_1055, %lt3A_1061 : i32
      %ne3A_1063 = arith.xori %lt3A_1060, %lt3A_1062 : i1
      %and3A_1064 = arith.andi %ne3A_1063, %ne3A_1058 : i1
      %add3A_1065 = arith.addi %rem3A_1056, %select_n3A_1055 : i32
      %select_n3A_1066 = arith.select %and3A_1064, %add3A_1065, %rem3A_1056 : i32
      %mul3A_1067 = arith.constant 16 : i32
      %mul3A_1068 = arith.muli %select_n3A_1066, %mul3A_1067 : i32
      %get3A_1069 = arith.constant 0 : i32
      %get3A_1070 = arith.index_cast %get3A_1069 : i32 to index
      %get3A_1071 = arith.index_cast %select_n3A_1050 : i32 to index
      %get3A_1072 = arith.index_cast %mul3A_1068 : i32 to index
      %get3A_1073 = tpu.vector_load %arg9[%get3A_1070, %get3A_1071, %get3A_1072] {strides = array<i32>} : memref<2x8x128xi32, #tpu.memory_space<vmem>>, vector<16xi32>,
      %mul3A_1074 = arith.constant 16 : i32
      %mul3A_1075 = arith.muli %scan3A_1021, %mul3A_1074 : i32
      %get3A_1076 = arith.constant 0 : i32
      %get3A_1077 = arith.index_cast %get3A_1076 : i32 to index
      %get3A_1078 = arith.index_cast %mul3A_1075 : i32 to index
      %get3A_1079 = tpu.vector_load %arg10[%get3A_1077, %get3A_1078] {strides = array<i32>} : memref<2x1024xf32, #tpu.memory_space<vmem>>, vector<16xf32>,
      %shift_right_arithmetic3A_1080 = arith.constant 3 : i32
      %shift_right_arithmetic3A_1081 = vector.broadcast %shift_right_arithmetic3A_1080 : i32 to vector<16xi32>
      %shift_right_arithmetic3A_1082 = arith.shrsi %get3A_1073, %shift_right_arithmetic3A_1081 : vector<16xi32>
      %and3A_1083 = arith.constant 7 : i32
      %and3A_1084 = vector.broadcast %and3A_1083 : i32 to vector<16xi32>
      %and3A_1085 = arith.andi %get3A_1073, %and3A_1084 : vector<16xi32>
      %shift_right_arithmetic3A_1086 = arith.constant 7 : i32
      %shift_right_arithmetic3A_1087 = vector.broadcast %shift_right_arithmetic3A_1086 : i32 to vector<16xi32>
      %shift_right_arithmetic3A_1088 = arith.shrsi %add3A_1026, %shift_right_arithmetic3A_1087 : vector<16xi32>
      %and3A_1089 = arith.constant 127 : i32
      %and3A_1090 = vector.broadcast %and3A_1089 : i32 to vector<16xi32>
      %and3A_1091 = arith.andi %add3A_1026, %and3A_1090 : vector<16xi32>
      %gather3A_1092 = arith.constant 0 : i32
      %gather3A_1093 = arith.constant 0 : i32
      %gather3A_1094 = arith.constant 0 : i32
      %gather3A_1095 = arith.constant 0 : i32
      %gather3A_1096 = arith.constant 0 : i32
      %gather3A_1097 = tpu.memref_slice %arg7[%gather3A_1092, %gather3A_1093, %gather3A_1094, %gather3A_1095, %gather3A_1096] : memref<2x2x8x8x128xf32, #tpu.memory_space<vmem>> -> memref<1x2x8x8x128xf32, #tpu.memory_space<vmem>>
      %gather3A_1098 = tpu.memref_squeeze %gather3A_1097 : memref<1x2x8x8x128xf32, #tpu.memory_space<vmem>> -> memref<2x8x8x128xf32, #tpu.memory_space<vmem>>
      %gather3A_1099 = tpu.vector_load_idx %gather3A_1098[%shift_right_arithmetic3A_1082, %shift_right_arithmetic3A_1088, %and3A_1085, %and3A_1091] : memref<2x8x8x128xf32, #tpu.memory_space<vmem>>[vector<16xi32>, vector<16xi32>, vector<16xi32>, vector<16xi32>], vector<16xf32>,
      %gather3A_1100 = arith.constant 0 : i32
      %gather3A_1101 = arith.constant 0 : i32
      %gather3A_1102 = arith.constant 0 : i32
      %gather3A_1103 = arith.constant 0 : i32
      %gather3A_1104 = arith.constant 0 : i32
      %gather3A_1105 = tpu.memref_slice %arg8[%gather3A_1100, %gather3A_1101, %gather3A_1102, %gather3A_1103, %gather3A_1104] : memref<2x2x8x8x128xf32, #tpu.memory_space<vmem>> -> memref<1x2x8x8x128xf32, #tpu.memory_space<vmem>>
      %gather3A_1106 = tpu.memref_squeeze %gather3A_1105 : memref<1x2x8x8x128xf32, #tpu.memory_space<vmem>> -> memref<2x8x8x128xf32, #tpu.memory_space<vmem>>
      %gather3A_1107 = tpu.vector_load_idx %gather3A_1106[%shift_right_arithmetic3A_1082, %shift_right_arithmetic3A_1088, %and3A_1085, %and3A_1091] : memref<2x8x8x128xf32, #tpu.memory_space<vmem>>[vector<16xi32>, vector<16xi32>, vector<16xi32>, vector<16xi32>], vector<16xf32>,
      %mul3A_1108 = arith.mulf %gather3A_1107, %get3A_1079 : vector<16xf32>
      %add3A_1109 = arith.addf %gather3A_1099, %mul3A_1108 : vector<16xf32>
      %mul3A_1110 = arith.constant 16 : i32
      %mul3A_1111 = arith.muli %scan3A_1021, %mul3A_1110 : i32
      %swap3A_1112 = arith.constant 0 : i32
      %swap3A_1113 = arith.index_cast %swap3A_1112 : i32 to index
      %swap3A_1114 = arith.index_cast %mul3A_1111 : i32 to index
      %swap3A_1115 = tpu.vector_load %arg11[%swap3A_1113, %swap3A_1114] {strides = array<i32>} : memref<2x1024xf32, #tpu.memory_space<vmem>>, vector<16xf32>,
      tpu.vector_store %arg11[%swap3A_1113, %swap3A_1114], %add3A_1109 {strides = array<i32>} : memref<2x1024xf32, #tpu.memory_space<vmem>>, vector<16xf32>,
      %scan3A_1116 = arith.constant 7 : i32
      %scan3A_1117 = arith.addi %scan3A_450, %scan3A_1116 : i32
      %iota3A_1118 = tpu.iota {dimensions = array<i32: 0>} : vector<16xi32>
      %mul3A_1119 = arith.constant 16 : i32
      %mul3A_1120 = arith.muli %scan3A_1117, %mul3A_1119 : i32
      %add3A_1121 = vector.broadcast %mul3A_1120 : i32 to vector<16xi32>
      %add3A_1122 = arith.addi %iota3A_1118, %add3A_1121 : vector<16xi32>
      %jit3A_1123 = arith.constant 8 : i32
      %div3A_1124 = arith.divsi %scan3A_1117, %jit3A_1123 : i32
      %sign3A_1125 = arith.constant 0 : i32
      %sign3A_1126 = arith.cmpi sgt, %scan3A_1117, %sign3A_1125 : i32
      %sign3A_1127 = arith.extui %sign3A_1126 : i1 to i32
      %sign3A_1128 = arith.constant 0 : i32
      %sign3A_1129 = arith.cmpi slt, %scan3A_1117, %sign3A_1128 : i32
      %sign3A_1130 = arith.extui %sign3A_1129 : i1 to i32
      %sign3A_1131 = arith.subi %sign3A_1127, %sign3A_1130 : i32
      %sign3A_1132 = arith.constant 0 : i32
      %sign3A_1133 = arith.cmpi sgt, %jit3A_1123, %sign3A_1132 : i32
      %sign3A_1134 = arith.extui %sign3A_1133 : i1 to i32
      %sign3A_1135 = arith.constant 0 : i32
      %sign3A_1136 = arith.cmpi slt, %jit3A_1123, %sign3A_1135 : i32
      %sign3A_1137 = arith.extui %sign3A_1136 : i1 to i32
      %sign3A_1138 = arith.subi %sign3A_1134, %sign3A_1137 : i32
      %ne3A_1139 = arith.cmpi ne, %sign3A_1131, %sign3A_1138 : i32
      %rem3A_1140 = arith.remsi %scan3A_1117, %jit3A_1123 : i32
      %ne3A_1141 = arith.constant 0 : i32
      %ne3A_1142 = arith.cmpi ne, %rem3A_1140, %ne3A_1141 : i32
      %and3A_1143 = arith.andi %ne3A_1139, %ne3A_1142 : i1
      %sub3A_1144 = arith.constant 1 : i32
      %sub3A_1145 = arith.subi %div3A_1124, %sub3A_1144 : i32
      %select_n3A_1146 = arith.select %and3A_1143, %sub3A_1145, %div3A_1124 : i32
      %jit3A_1147 = arith.constant 8 : i32
      %eq3A_1148 = arith.constant 0 : i32
      %eq3A_1149 = arith.cmpi eq, %jit3A_1147, %eq3A_1148 : i32
      %jit3A_1150 = arith.constant 1 : i32
      %select_n3A_1151 = arith.select %eq3A_1149, %jit3A_1150, %jit3A_1147 : i32
      %rem3A_1152 = arith.remsi %scan3A_1117, %select_n3A_1151 : i32
      %ne3A_1153 = arith.constant 0 : i32
      %ne3A_1154 = arith.cmpi ne, %rem3A_1152, %ne3A_1153 : i32
      %lt3A_1155 = arith.constant 0 : i32
      %lt3A_1156 = arith.cmpi slt, %rem3A_1152, %lt3A_1155 : i32
      %lt3A_1157 = arith.constant 0 : i32
      %lt3A_1158 = arith.cmpi slt, %select_n3A_1151, %lt3A_1157 : i32
      %ne3A_1159 = arith.xori %lt3A_1156, %lt3A_1158 : i1
      %and3A_1160 = arith.andi %ne3A_1159, %ne3A_1154 : i1
      %add3A_1161 = arith.addi %rem3A_1152, %select_n3A_1151 : i32
      %select_n3A_1162 = arith.select %and3A_1160, %add3A_1161, %rem3A_1152 : i32
      %mul3A_1163 = arith.constant 16 : i32
      %mul3A_1164 = arith.muli %select_n3A_1162, %mul3A_1163 : i32
      %get3A_1165 = arith.constant 0 : i32
      %get3A_1166 = arith.index_cast %get3A_1165 : i32 to index
      %get3A_1167 = arith.index_cast %select_n3A_1146 : i32 to index
      %get3A_1168 = arith.index_cast %mul3A_1164 : i32 to index
      %get3A_1169 = tpu.vector_load %arg9[%get3A_1166, %get3A_1167, %get3A_1168] {strides = array<i32>} : memref<2x8x128xi32, #tpu.memory_space<vmem>>, vector<16xi32>,
      %mul3A_1170 = arith.constant 16 : i32
      %mul3A_1171 = arith.muli %scan3A_1117, %mul3A_1170 : i32
      %get3A_1172 = arith.constant 0 : i32
      %get3A_1173 = arith.index_cast %get3A_1172 : i32 to index
      %get3A_1174 = arith.index_cast %mul3A_1171 : i32 to index
      %get3A_1175 = tpu.vector_load %arg10[%get3A_1173, %get3A_1174] {strides = array<i32>} : memref<2x1024xf32, #tpu.memory_space<vmem>>, vector<16xf32>,
      %shift_right_arithmetic3A_1176 = arith.constant 3 : i32
      %shift_right_arithmetic3A_1177 = vector.broadcast %shift_right_arithmetic3A_1176 : i32 to vector<16xi32>
      %shift_right_arithmetic3A_1178 = arith.shrsi %get3A_1169, %shift_right_arithmetic3A_1177 : vector<16xi32>
      %and3A_1179 = arith.constant 7 : i32
      %and3A_1180 = vector.broadcast %and3A_1179 : i32 to vector<16xi32>
      %and3A_1181 = arith.andi %get3A_1169, %and3A_1180 : vector<16xi32>
      %shift_right_arithmetic3A_1182 = arith.constant 7 : i32
      %shift_right_arithmetic3A_1183 = vector.broadcast %shift_right_arithmetic3A_1182 : i32 to vector<16xi32>
      %shift_right_arithmetic3A_1184 = arith.shrsi %add3A_1122, %shift_right_arithmetic3A_1183 : vector<16xi32>
      %and3A_1185 = arith.constant 127 : i32
      %and3A_1186 = vector.broadcast %and3A_1185 : i32 to vector<16xi32>
      %and3A_1187 = arith.andi %add3A_1122, %and3A_1186 : vector<16xi32>
      %gather3A_1188 = arith.constant 0 : i32
      %gather3A_1189 = arith.constant 0 : i32
      %gather3A_1190 = arith.constant 0 : i32
      %gather3A_1191 = arith.constant 0 : i32
      %gather3A_1192 = arith.constant 0 : i32
      %gather3A_1193 = tpu.memref_slice %arg7[%gather3A_1188, %gather3A_1189, %gather3A_1190, %gather3A_1191, %gather3A_1192] : memref<2x2x8x8x128xf32, #tpu.memory_space<vmem>> -> memref<1x2x8x8x128xf32, #tpu.memory_space<vmem>>
      %gather3A_1194 = tpu.memref_squeeze %gather3A_1193 : memref<1x2x8x8x128xf32, #tpu.memory_space<vmem>> -> memref<2x8x8x128xf32, #tpu.memory_space<vmem>>
      %gather3A_1195 = tpu.vector_load_idx %gather3A_1194[%shift_right_arithmetic3A_1178, %shift_right_arithmetic3A_1184, %and3A_1181, %and3A_1187] : memref<2x8x8x128xf32, #tpu.memory_space<vmem>>[vector<16xi32>, vector<16xi32>, vector<16xi32>, vector<16xi32>], vector<16xf32>,
      %gather3A_1196 = arith.constant 0 : i32
      %gather3A_1197 = arith.constant 0 : i32
      %gather3A_1198 = arith.constant 0 : i32
      %gather3A_1199 = arith.constant 0 : i32
      %gather3A_1200 = arith.constant 0 : i32
      %gather3A_1201 = tpu.memref_slice %arg8[%gather3A_1196, %gather3A_1197, %gather3A_1198, %gather3A_1199, %gather3A_1200] : memref<2x2x8x8x128xf32, #tpu.memory_space<vmem>> -> memref<1x2x8x8x128xf32, #tpu.memory_space<vmem>>
      %gather3A_1202 = tpu.memref_squeeze %gather3A_1201 : memref<1x2x8x8x128xf32, #tpu.memory_space<vmem>> -> memref<2x8x8x128xf32, #tpu.memory_space<vmem>>
      %gather3A_1203 = tpu.vector_load_idx %gather3A_1202[%shift_right_arithmetic3A_1178, %shift_right_arithmetic3A_1184, %and3A_1181, %and3A_1187] : memref<2x8x8x128xf32, #tpu.memory_space<vmem>>[vector<16xi32>, vector<16xi32>, vector<16xi32>, vector<16xi32>], vector<16xf32>,
      %mul3A_1204 = arith.mulf %gather3A_1203, %get3A_1175 : vector<16xf32>
      %add3A_1205 = arith.addf %gather3A_1195, %mul3A_1204 : vector<16xf32>
      %mul3A_1206 = arith.constant 16 : i32
      %mul3A_1207 = arith.muli %scan3A_1117, %mul3A_1206 : i32
      %swap3A_1208 = arith.constant 0 : i32
      %swap3A_1209 = arith.index_cast %swap3A_1208 : i32 to index
      %swap3A_1210 = arith.index_cast %mul3A_1207 : i32 to index
      %swap3A_1211 = tpu.vector_load %arg11[%swap3A_1209, %swap3A_1210] {strides = array<i32>} : memref<2x1024xf32, #tpu.memory_space<vmem>>, vector<16xf32>,
      tpu.vector_store %arg11[%swap3A_1209, %swap3A_1210], %add3A_1205 {strides = array<i32>} : memref<2x1024xf32, #tpu.memory_space<vmem>>, vector<16xf32>,
    }
    %scan3A_402 = arith.constant 64 : i32
    %add3A_403 = arith.constant 20 : i32
    %add3A_404 = arith.addi %add3A_4, %add3A_403 : i32
    %mul3A_405 = arith.constant 1024 : i32
    %mul3A_406 = arith.muli %add3A_404, %mul3A_405 : i32
    %sub3A_407 = arith.constant 360448 : i32
    %sub3A_408 = arith.subi %mul3A_406, %sub3A_407 : i32
    %dma_start3A_409 = arith.constant 0 : i32
    %dma_start3A_410 = arith.constant 0 : i32
    %dma_start3A_411 = tpu.memref_slice %arg11[%dma_start3A_409, %dma_start3A_410] : memref<2x1024xf32, #tpu.memory_space<vmem>> -> memref<1x1024xf32, #tpu.memory_space<vmem>>
    %dma_start3A_412 = tpu.memref_squeeze %dma_start3A_411 : memref<1x1024xf32, #tpu.memory_space<vmem>> -> memref<1024xf32, #tpu.memory_space<vmem>>
    %dma_start3A_413 = tpu.memref_slice %arg6[%sub3A_408] : memref<688128xf32, #tpu.memory_space<hbm>> -> memref<1024xf32, #tpu.memory_space<hbm>>
    %dma_start3A_414 = tpu.memref_slice %arg6[%sub3A_408] : memref<688128xf32, #tpu.memory_space<hbm>> -> memref<1024xf32, #tpu.memory_space<hbm>>
    %dma_start3A_415 = arith.constant 0 : i32
    %dma_start3A_416 = tpu.memref_slice %arg11[%dma_start3A_409, %dma_start3A_415] : memref<2x1024xf32, #tpu.memory_space<vmem>> -> memref<1x1024xf32, #tpu.memory_space<vmem>>
    %dma_start3A_417 = tpu.memref_squeeze %dma_start3A_416 : memref<1x1024xf32, #tpu.memory_space<vmem>> -> memref<1024xf32, #tpu.memory_space<vmem>>
    tpu.enqueue_dma source(%dma_start3A_417 : memref<1024xf32, #tpu.memory_space<vmem>>) target(%dma_start3A_414 : memref<1024xf32, #tpu.memory_space<hbm>>) target_semaphore(%arg14 : memref<!tpu.dma_semaphore, #tpu.memory_space<semaphore_mem>>)
    %add3A_418 = arith.constant 20 : i32
    %add3A_419 = arith.addi %add3A_4, %add3A_418 : i32
    %sub3A_420 = arith.constant 1 : i32
    %sub3A_421 = arith.subi %add3A_419, %sub3A_420 : i32
    %mul3A_422 = arith.constant 1024 : i32
    %mul3A_423 = arith.muli %sub3A_421, %mul3A_422 : i32
    %sub3A_424 = arith.constant 360448 : i32
    %sub3A_425 = arith.subi %mul3A_423, %sub3A_424 : i32
    %dma_wait3A_426 = arith.constant 1 : i32
    %dma_wait3A_427 = arith.constant 0 : i32
    %dma_wait3A_428 = tpu.memref_slice %arg11[%dma_wait3A_426, %dma_wait3A_427] : memref<2x1024xf32, #tpu.memory_space<vmem>> -> memref<1x1024xf32, #tpu.memory_space<vmem>>
    %dma_wait3A_429 = tpu.memref_squeeze %dma_wait3A_428 : memref<1x1024xf32, #tpu.memory_space<vmem>> -> memref<1024xf32, #tpu.memory_space<vmem>>
    %dma_wait3A_430 = tpu.memref_slice %arg6[%sub3A_425] : memref<688128xf32, #tpu.memory_space<hbm>> -> memref<1024xf32, #tpu.memory_space<hbm>>
    %dma_wait3A_431 = tpu.memref_slice %arg6[%sub3A_425] : memref<688128xf32, #tpu.memory_space<hbm>> -> memref<1024xf32, #tpu.memory_space<hbm>>
    %dma_wait3A_432 = arith.constant 0 : i32
    %dma_wait3A_433 = tpu.memref_slice %arg11[%dma_wait3A_426, %dma_wait3A_432] : memref<2x1024xf32, #tpu.memory_space<vmem>> -> memref<1x1024xf32, #tpu.memory_space<vmem>>
    %dma_wait3A_434 = tpu.memref_squeeze %dma_wait3A_433 : memref<1x1024xf32, #tpu.memory_space<vmem>> -> memref<1024xf32, #tpu.memory_space<vmem>>
    tpu.wait_dma2 semaphore(%arg15 : memref<!tpu.dma_semaphore, #tpu.memory_space<semaphore_mem>>) src(%dma_wait3A_434 : memref<1024xf32, #tpu.memory_space<vmem>>) dst(%dma_wait3A_431 : memref<1024xf32, #tpu.memory_space<hbm>>)
    %add3A_435 = arith.constant 20 : i32
    %add3A_436 = arith.addi %add3A_4, %add3A_435 : i32
    %mul3A_437 = arith.constant 1024 : i32
    %mul3A_438 = arith.muli %add3A_436, %mul3A_437 : i32
    %sub3A_439 = arith.constant 360448 : i32
    %sub3A_440 = arith.subi %mul3A_438, %sub3A_439 : i32
    %dma_wait3A_441 = arith.constant 0 : i32
    %dma_wait3A_442 = arith.constant 0 : i32
    %dma_wait3A_443 = tpu.memref_slice %arg11[%dma_wait3A_441, %dma_wait3A_442] : memref<2x1024xf32, #tpu.memory_space<vmem>> -> memref<1x1024xf32, #tpu.memory_space<vmem>>
    %dma_wait3A_444 = tpu.memref_squeeze %dma_wait3A_443 : memref<1x1024xf32, #tpu.memory_space<vmem>> -> memref<1024xf32, #tpu.memory_space<vmem>>
    %dma_wait3A_445 = tpu.memref_slice %arg6[%sub3A_440] : memref<688128xf32, #tpu.memory_space<hbm>> -> memref<1024xf32, #tpu.memory_space<hbm>>
    %dma_wait3A_446 = tpu.memref_slice %arg6[%sub3A_440] : memref<688128xf32, #tpu.memory_space<hbm>> -> memref<1024xf32, #tpu.memory_space<hbm>>
    %dma_wait3A_447 = arith.constant 0 : i32
    %dma_wait3A_448 = tpu.memref_slice %arg11[%dma_wait3A_441, %dma_wait3A_447] : memref<2x1024xf32, #tpu.memory_space<vmem>> -> memref<1x1024xf32, #tpu.memory_space<vmem>>
    %dma_wait3A_449 = tpu.memref_squeeze %dma_wait3A_448 : memref<1x1024xf32, #tpu.memory_space<vmem>> -> memref<1024xf32, #tpu.memory_space<vmem>>
    tpu.wait_dma2 semaphore(%arg14 : memref<!tpu.dma_semaphore, #tpu.memory_space<semaphore_mem>>) src(%dma_wait3A_449 : memref<1024xf32, #tpu.memory_space<vmem>>) dst(%dma_wait3A_446 : memref<1024xf32, #tpu.memory_space<hbm>>)
    return
  }
}

module attributes {stable_mosaic.version = 14 : i64} {
  func.func @_tc_body(%arg0: i32, %arg1: memref<1x16x8192xf32, #tpu.memory_space<vmem>>, %arg2: memref<1x16x8192xf32, #tpu.memory_space<vmem>>, %arg3: memref<64x8x128xi32, #tpu.memory_space<vmem>>, %arg4: memref<8192xf32, #tpu.memory_space<vmem>>, %arg5: memref<8192xf32, #tpu.memory_space<vmem>>) attributes {dimension_semantics = [#tpu.dimension_semantics<arbitrary>], iteration_bounds = array<i64: 44>, scalar_prefetch = 0 : i64, scratch_operands = 0 : i64, tpu.core_type = #tpu.core_type<tc>, window_params = [{transform_indices = @transform_0, window_bounds = array<i64: 1, 16, 8192>}, {transform_indices = @transform_1, window_bounds = array<i64: 1, 16, 8192>}, {transform_indices = @transform_2, window_bounds = array<i64: 64, 8, 128>}, {transform_indices = @transform_3, window_bounds = array<i64: 8192>}, {transform_indices = @transform_4, window_bounds = array<i64: 8192>}]} {
    %iota3A = tpu.iota {dimensions = array<i32: 0>} : vector<16x128xi32>
    %jit3A = arith.constant 8 : i32
    %eq3A = arith.constant 0 : i32
    %eq3A_0 = arith.cmpi eq, %jit3A, %eq3A : i32
    %jit3A_1 = arith.constant 1 : i32
    %select_n3A = arith.select %eq3A_0, %jit3A_1, %jit3A : i32
    %rem3A = arith.remsi %arg0, %select_n3A : i32
    %ne3A = arith.constant 0 : i32
    %ne3A_2 = arith.cmpi ne, %rem3A, %ne3A : i32
    %lt3A = arith.constant 0 : i32
    %lt3A_3 = arith.cmpi slt, %rem3A, %lt3A : i32
    %lt3A_4 = arith.constant 0 : i32
    %lt3A_5 = arith.cmpi slt, %select_n3A, %lt3A_4 : i32
    %ne3A_6 = arith.xori %lt3A_3, %lt3A_5 : i1
    %and3A = arith.andi %ne3A_6, %ne3A_2 : i1
    %add3A = arith.addi %rem3A, %select_n3A : i32
    %select_n3A_7 = arith.select %and3A, %add3A, %rem3A : i32
    %get3A = arith.constant 0 : index
    %get3A_8 = arith.index_cast %select_n3A_7 : i32 to index
    %get3A_9 = arith.constant 0 : index
    %get3A_10 = vector.load %arg3[%get3A, %get3A_8, %get3A_9] : memref<64x8x128xi32, #tpu.memory_space<vmem>>, vector<1x1x128xi32>
    %get3A_11 = vector.shape_cast %get3A_10 : vector<1x1x128xi32> to vector<128xi32>
    %broadcast_in_dim3A = vector.shape_cast %get3A_11 : vector<128xi32> to vector<1x128xi32>
    %eq3A_12 = vector.broadcast %broadcast_in_dim3A : vector<1x128xi32> to vector<16x128xi32>
    %eq3A_13 = arith.cmpi eq, %iota3A, %eq3A_12 : vector<16x128xi32>
    %get3A_14 = arith.constant 0 : index
    %get3A_15 = arith.constant 0 : index
    %get3A_16 = arith.constant 0 : index
    %get3A_17 = vector.load %arg1[%get3A_14, %get3A_15, %get3A_16] : memref<1x16x8192xf32, #tpu.memory_space<vmem>>, vector<1x16x128xf32>
    %get3A_18 = vector.shape_cast %get3A_17 : vector<1x16x128xf32> to vector<16x128xf32>
    %jit3A_19 = arith.constant 0.000000e+00 : f32
    %broadcast_in_dim3A_20 = vector.broadcast %jit3A_19 : f32 to vector<16x128xf32>
    %select_n3A_21 = arith.select %eq3A_13, %get3A_18, %broadcast_in_dim3A_20 : vector<16x128xi1>, vector<16x128xf32>
    %reduce_sum3A = arith.constant dense<0.000000e+00> : vector<128xf32>
    %reduce_sum3A_22 = vector.multi_reduction <add>, %select_n3A_21, %reduce_sum3A [0] : vector<16x128xf32> to vector<128xf32>
    %get3A_23 = arith.constant 0 : index
    %get3A_24 = arith.constant 0 : index
    %get3A_25 = arith.constant 0 : index
    %get3A_26 = vector.load %arg2[%get3A_23, %get3A_24, %get3A_25] : memref<1x16x8192xf32, #tpu.memory_space<vmem>>, vector<1x16x128xf32>
    %get3A_27 = vector.shape_cast %get3A_26 : vector<1x16x128xf32> to vector<16x128xf32>
    %jit3A_28 = arith.constant 0.000000e+00 : f32
    %broadcast_in_dim3A_29 = vector.broadcast %jit3A_28 : f32 to vector<16x128xf32>
    %select_n3A_30 = arith.select %eq3A_13, %get3A_27, %broadcast_in_dim3A_29 : vector<16x128xi1>, vector<16x128xf32>
    %reduce_sum3A_31 = arith.constant dense<0.000000e+00> : vector<128xf32>
    %reduce_sum3A_32 = vector.multi_reduction <add>, %select_n3A_30, %reduce_sum3A_31 [0] : vector<16x128xf32> to vector<128xf32>
    %get3A_33 = arith.constant 0 : index
    %get3A_34 = vector.load %arg4[%get3A_33] : memref<8192xf32, #tpu.memory_space<vmem>>, vector<128xf32>
    %mul3A = arith.mulf %reduce_sum3A_32, %get3A_34 : vector<128xf32>
    %add3A_35 = arith.addf %reduce_sum3A_22, %mul3A : vector<128xf32>
    %swap3A = arith.constant 0 : index
    %swap3A_36 = vector.load %arg5[%swap3A] : memref<8192xf32, #tpu.memory_space<vmem>>, vector<128xf32>
    tpu.vector_store %arg5[%swap3A], %add3A_35 {strides = array<i32>} : memref<8192xf32, #tpu.memory_space<vmem>>, vector<128xf32>,
    %get3A_37 = arith.constant 1 : index
    %get3A_38 = arith.index_cast %select_n3A_7 : i32 to index
    %get3A_39 = arith.constant 0 : index
    %get3A_40 = vector.load %arg3[%get3A_37, %get3A_38, %get3A_39] : memref<64x8x128xi32, #tpu.memory_space<vmem>>, vector<1x1x128xi32>
    %get3A_41 = vector.shape_cast %get3A_40 : vector<1x1x128xi32> to vector<128xi32>
    %broadcast_in_dim3A_42 = vector.shape_cast %get3A_41 : vector<128xi32> to vector<1x128xi32>
    %eq3A_43 = vector.broadcast %broadcast_in_dim3A_42 : vector<1x128xi32> to vector<16x128xi32>
    %eq3A_44 = arith.cmpi eq, %iota3A, %eq3A_43 : vector<16x128xi32>
    %get3A_45 = arith.constant 0 : index
    %get3A_46 = arith.constant 0 : index
    %get3A_47 = arith.constant 128 : index
    %get3A_48 = vector.load %arg1[%get3A_45, %get3A_46, %get3A_47] : memref<1x16x8192xf32, #tpu.memory_space<vmem>>, vector<1x16x128xf32>
    %get3A_49 = vector.shape_cast %get3A_48 : vector<1x16x128xf32> to vector<16x128xf32>
    %jit3A_50 = arith.constant 0.000000e+00 : f32
    %broadcast_in_dim3A_51 = vector.broadcast %jit3A_50 : f32 to vector<16x128xf32>
    %select_n3A_52 = arith.select %eq3A_44, %get3A_49, %broadcast_in_dim3A_51 : vector<16x128xi1>, vector<16x128xf32>
    %reduce_sum3A_53 = arith.constant dense<0.000000e+00> : vector<128xf32>
    %reduce_sum3A_54 = vector.multi_reduction <add>, %select_n3A_52, %reduce_sum3A_53 [0] : vector<16x128xf32> to vector<128xf32>
    %get3A_55 = arith.constant 0 : index
    %get3A_56 = arith.constant 0 : index
    %get3A_57 = arith.constant 128 : index
    %get3A_58 = vector.load %arg2[%get3A_55, %get3A_56, %get3A_57] : memref<1x16x8192xf32, #tpu.memory_space<vmem>>, vector<1x16x128xf32>
    %get3A_59 = vector.shape_cast %get3A_58 : vector<1x16x128xf32> to vector<16x128xf32>
    %jit3A_60 = arith.constant 0.000000e+00 : f32
    %broadcast_in_dim3A_61 = vector.broadcast %jit3A_60 : f32 to vector<16x128xf32>
    %select_n3A_62 = arith.select %eq3A_44, %get3A_59, %broadcast_in_dim3A_61 : vector<16x128xi1>, vector<16x128xf32>
    %reduce_sum3A_63 = arith.constant dense<0.000000e+00> : vector<128xf32>
    %reduce_sum3A_64 = vector.multi_reduction <add>, %select_n3A_62, %reduce_sum3A_63 [0] : vector<16x128xf32> to vector<128xf32>
    %get3A_65 = arith.constant 128 : index
    %get3A_66 = vector.load %arg4[%get3A_65] : memref<8192xf32, #tpu.memory_space<vmem>>, vector<128xf32>
    %mul3A_67 = arith.mulf %reduce_sum3A_64, %get3A_66 : vector<128xf32>
    %add3A_68 = arith.addf %reduce_sum3A_54, %mul3A_67 : vector<128xf32>
    %swap3A_69 = arith.constant 128 : index
    %swap3A_70 = vector.load %arg5[%swap3A_69] : memref<8192xf32, #tpu.memory_space<vmem>>, vector<128xf32>
    tpu.vector_store %arg5[%swap3A_69], %add3A_68 {strides = array<i32>} : memref<8192xf32, #tpu.memory_space<vmem>>, vector<128xf32>,
    %get3A_71 = arith.constant 2 : index
    %get3A_72 = arith.index_cast %select_n3A_7 : i32 to index
    %get3A_73 = arith.constant 0 : index
    %get3A_74 = vector.load %arg3[%get3A_71, %get3A_72, %get3A_73] : memref<64x8x128xi32, #tpu.memory_space<vmem>>, vector<1x1x128xi32>
    %get3A_75 = vector.shape_cast %get3A_74 : vector<1x1x128xi32> to vector<128xi32>
    %broadcast_in_dim3A_76 = vector.shape_cast %get3A_75 : vector<128xi32> to vector<1x128xi32>
    %eq3A_77 = vector.broadcast %broadcast_in_dim3A_76 : vector<1x128xi32> to vector<16x128xi32>
    %eq3A_78 = arith.cmpi eq, %iota3A, %eq3A_77 : vector<16x128xi32>
    %get3A_79 = arith.constant 0 : index
    %get3A_80 = arith.constant 0 : index
    %get3A_81 = arith.constant 256 : index
    %get3A_82 = vector.load %arg1[%get3A_79, %get3A_80, %get3A_81] : memref<1x16x8192xf32, #tpu.memory_space<vmem>>, vector<1x16x128xf32>
    %get3A_83 = vector.shape_cast %get3A_82 : vector<1x16x128xf32> to vector<16x128xf32>
    %jit3A_84 = arith.constant 0.000000e+00 : f32
    %broadcast_in_dim3A_85 = vector.broadcast %jit3A_84 : f32 to vector<16x128xf32>
    %select_n3A_86 = arith.select %eq3A_78, %get3A_83, %broadcast_in_dim3A_85 : vector<16x128xi1>, vector<16x128xf32>
    %reduce_sum3A_87 = arith.constant dense<0.000000e+00> : vector<128xf32>
    %reduce_sum3A_88 = vector.multi_reduction <add>, %select_n3A_86, %reduce_sum3A_87 [0] : vector<16x128xf32> to vector<128xf32>
    %get3A_89 = arith.constant 0 : index
    %get3A_90 = arith.constant 0 : index
    %get3A_91 = arith.constant 256 : index
    %get3A_92 = vector.load %arg2[%get3A_89, %get3A_90, %get3A_91] : memref<1x16x8192xf32, #tpu.memory_space<vmem>>, vector<1x16x128xf32>
    %get3A_93 = vector.shape_cast %get3A_92 : vector<1x16x128xf32> to vector<16x128xf32>
    %jit3A_94 = arith.constant 0.000000e+00 : f32
    %broadcast_in_dim3A_95 = vector.broadcast %jit3A_94 : f32 to vector<16x128xf32>
    %select_n3A_96 = arith.select %eq3A_78, %get3A_93, %broadcast_in_dim3A_95 : vector<16x128xi1>, vector<16x128xf32>
    %reduce_sum3A_97 = arith.constant dense<0.000000e+00> : vector<128xf32>
    %reduce_sum3A_98 = vector.multi_reduction <add>, %select_n3A_96, %reduce_sum3A_97 [0] : vector<16x128xf32> to vector<128xf32>
    %get3A_99 = arith.constant 256 : index
    %get3A_100 = vector.load %arg4[%get3A_99] : memref<8192xf32, #tpu.memory_space<vmem>>, vector<128xf32>
    %mul3A_101 = arith.mulf %reduce_sum3A_98, %get3A_100 : vector<128xf32>
    %add3A_102 = arith.addf %reduce_sum3A_88, %mul3A_101 : vector<128xf32>
    %swap3A_103 = arith.constant 256 : index
    %swap3A_104 = vector.load %arg5[%swap3A_103] : memref<8192xf32, #tpu.memory_space<vmem>>, vector<128xf32>
    tpu.vector_store %arg5[%swap3A_103], %add3A_102 {strides = array<i32>} : memref<8192xf32, #tpu.memory_space<vmem>>, vector<128xf32>,
    %get3A_105 = arith.constant 3 : index
    %get3A_106 = arith.index_cast %select_n3A_7 : i32 to index
    %get3A_107 = arith.constant 0 : index
    %get3A_108 = vector.load %arg3[%get3A_105, %get3A_106, %get3A_107] : memref<64x8x128xi32, #tpu.memory_space<vmem>>, vector<1x1x128xi32>
    %get3A_109 = vector.shape_cast %get3A_108 : vector<1x1x128xi32> to vector<128xi32>
    %broadcast_in_dim3A_110 = vector.shape_cast %get3A_109 : vector<128xi32> to vector<1x128xi32>
    %eq3A_111 = vector.broadcast %broadcast_in_dim3A_110 : vector<1x128xi32> to vector<16x128xi32>
    %eq3A_112 = arith.cmpi eq, %iota3A, %eq3A_111 : vector<16x128xi32>
    %get3A_113 = arith.constant 0 : index
    %get3A_114 = arith.constant 0 : index
    %get3A_115 = arith.constant 384 : index
    %get3A_116 = vector.load %arg1[%get3A_113, %get3A_114, %get3A_115] : memref<1x16x8192xf32, #tpu.memory_space<vmem>>, vector<1x16x128xf32>
    %get3A_117 = vector.shape_cast %get3A_116 : vector<1x16x128xf32> to vector<16x128xf32>
    %jit3A_118 = arith.constant 0.000000e+00 : f32
    %broadcast_in_dim3A_119 = vector.broadcast %jit3A_118 : f32 to vector<16x128xf32>
    %select_n3A_120 = arith.select %eq3A_112, %get3A_117, %broadcast_in_dim3A_119 : vector<16x128xi1>, vector<16x128xf32>
    %reduce_sum3A_121 = arith.constant dense<0.000000e+00> : vector<128xf32>
    %reduce_sum3A_122 = vector.multi_reduction <add>, %select_n3A_120, %reduce_sum3A_121 [0] : vector<16x128xf32> to vector<128xf32>
    %get3A_123 = arith.constant 0 : index
    %get3A_124 = arith.constant 0 : index
    %get3A_125 = arith.constant 384 : index
    %get3A_126 = vector.load %arg2[%get3A_123, %get3A_124, %get3A_125] : memref<1x16x8192xf32, #tpu.memory_space<vmem>>, vector<1x16x128xf32>
    %get3A_127 = vector.shape_cast %get3A_126 : vector<1x16x128xf32> to vector<16x128xf32>
    %jit3A_128 = arith.constant 0.000000e+00 : f32
    %broadcast_in_dim3A_129 = vector.broadcast %jit3A_128 : f32 to vector<16x128xf32>
    %select_n3A_130 = arith.select %eq3A_112, %get3A_127, %broadcast_in_dim3A_129 : vector<16x128xi1>, vector<16x128xf32>
    %reduce_sum3A_131 = arith.constant dense<0.000000e+00> : vector<128xf32>
    %reduce_sum3A_132 = vector.multi_reduction <add>, %select_n3A_130, %reduce_sum3A_131 [0] : vector<16x128xf32> to vector<128xf32>
    %get3A_133 = arith.constant 384 : index
    %get3A_134 = vector.load %arg4[%get3A_133] : memref<8192xf32, #tpu.memory_space<vmem>>, vector<128xf32>
    %mul3A_135 = arith.mulf %reduce_sum3A_132, %get3A_134 : vector<128xf32>
    %add3A_136 = arith.addf %reduce_sum3A_122, %mul3A_135 : vector<128xf32>
    %swap3A_137 = arith.constant 384 : index
    %swap3A_138 = vector.load %arg5[%swap3A_137] : memref<8192xf32, #tpu.memory_space<vmem>>, vector<128xf32>
    tpu.vector_store %arg5[%swap3A_137], %add3A_136 {strides = array<i32>} : memref<8192xf32, #tpu.memory_space<vmem>>, vector<128xf32>,
    %get3A_139 = arith.constant 4 : index
    %get3A_140 = arith.index_cast %select_n3A_7 : i32 to index
    %get3A_141 = arith.constant 0 : index
    %get3A_142 = vector.load %arg3[%get3A_139, %get3A_140, %get3A_141] : memref<64x8x128xi32, #tpu.memory_space<vmem>>, vector<1x1x128xi32>
    %get3A_143 = vector.shape_cast %get3A_142 : vector<1x1x128xi32> to vector<128xi32>
    %broadcast_in_dim3A_144 = vector.shape_cast %get3A_143 : vector<128xi32> to vector<1x128xi32>
    %eq3A_145 = vector.broadcast %broadcast_in_dim3A_144 : vector<1x128xi32> to vector<16x128xi32>
    %eq3A_146 = arith.cmpi eq, %iota3A, %eq3A_145 : vector<16x128xi32>
    %get3A_147 = arith.constant 0 : index
    %get3A_148 = arith.constant 0 : index
    %get3A_149 = arith.constant 512 : index
    %get3A_150 = vector.load %arg1[%get3A_147, %get3A_148, %get3A_149] : memref<1x16x8192xf32, #tpu.memory_space<vmem>>, vector<1x16x128xf32>
    %get3A_151 = vector.shape_cast %get3A_150 : vector<1x16x128xf32> to vector<16x128xf32>
    %jit3A_152 = arith.constant 0.000000e+00 : f32
    %broadcast_in_dim3A_153 = vector.broadcast %jit3A_152 : f32 to vector<16x128xf32>
    %select_n3A_154 = arith.select %eq3A_146, %get3A_151, %broadcast_in_dim3A_153 : vector<16x128xi1>, vector<16x128xf32>
    %reduce_sum3A_155 = arith.constant dense<0.000000e+00> : vector<128xf32>
    %reduce_sum3A_156 = vector.multi_reduction <add>, %select_n3A_154, %reduce_sum3A_155 [0] : vector<16x128xf32> to vector<128xf32>
    %get3A_157 = arith.constant 0 : index
    %get3A_158 = arith.constant 0 : index
    %get3A_159 = arith.constant 512 : index
    %get3A_160 = vector.load %arg2[%get3A_157, %get3A_158, %get3A_159] : memref<1x16x8192xf32, #tpu.memory_space<vmem>>, vector<1x16x128xf32>
    %get3A_161 = vector.shape_cast %get3A_160 : vector<1x16x128xf32> to vector<16x128xf32>
    %jit3A_162 = arith.constant 0.000000e+00 : f32
    %broadcast_in_dim3A_163 = vector.broadcast %jit3A_162 : f32 to vector<16x128xf32>
    %select_n3A_164 = arith.select %eq3A_146, %get3A_161, %broadcast_in_dim3A_163 : vector<16x128xi1>, vector<16x128xf32>
    %reduce_sum3A_165 = arith.constant dense<0.000000e+00> : vector<128xf32>
    %reduce_sum3A_166 = vector.multi_reduction <add>, %select_n3A_164, %reduce_sum3A_165 [0] : vector<16x128xf32> to vector<128xf32>
    %get3A_167 = arith.constant 512 : index
    %get3A_168 = vector.load %arg4[%get3A_167] : memref<8192xf32, #tpu.memory_space<vmem>>, vector<128xf32>
    %mul3A_169 = arith.mulf %reduce_sum3A_166, %get3A_168 : vector<128xf32>
    %add3A_170 = arith.addf %reduce_sum3A_156, %mul3A_169 : vector<128xf32>
    %swap3A_171 = arith.constant 512 : index
    %swap3A_172 = vector.load %arg5[%swap3A_171] : memref<8192xf32, #tpu.memory_space<vmem>>, vector<128xf32>
    tpu.vector_store %arg5[%swap3A_171], %add3A_170 {strides = array<i32>} : memref<8192xf32, #tpu.memory_space<vmem>>, vector<128xf32>,
    %get3A_173 = arith.constant 5 : index
    %get3A_174 = arith.index_cast %select_n3A_7 : i32 to index
    %get3A_175 = arith.constant 0 : index
    %get3A_176 = vector.load %arg3[%get3A_173, %get3A_174, %get3A_175] : memref<64x8x128xi32, #tpu.memory_space<vmem>>, vector<1x1x128xi32>
    %get3A_177 = vector.shape_cast %get3A_176 : vector<1x1x128xi32> to vector<128xi32>
    %broadcast_in_dim3A_178 = vector.shape_cast %get3A_177 : vector<128xi32> to vector<1x128xi32>
    %eq3A_179 = vector.broadcast %broadcast_in_dim3A_178 : vector<1x128xi32> to vector<16x128xi32>
    %eq3A_180 = arith.cmpi eq, %iota3A, %eq3A_179 : vector<16x128xi32>
    %get3A_181 = arith.constant 0 : index
    %get3A_182 = arith.constant 0 : index
    %get3A_183 = arith.constant 640 : index
    %get3A_184 = vector.load %arg1[%get3A_181, %get3A_182, %get3A_183] : memref<1x16x8192xf32, #tpu.memory_space<vmem>>, vector<1x16x128xf32>
    %get3A_185 = vector.shape_cast %get3A_184 : vector<1x16x128xf32> to vector<16x128xf32>
    %jit3A_186 = arith.constant 0.000000e+00 : f32
    %broadcast_in_dim3A_187 = vector.broadcast %jit3A_186 : f32 to vector<16x128xf32>
    %select_n3A_188 = arith.select %eq3A_180, %get3A_185, %broadcast_in_dim3A_187 : vector<16x128xi1>, vector<16x128xf32>
    %reduce_sum3A_189 = arith.constant dense<0.000000e+00> : vector<128xf32>
    %reduce_sum3A_190 = vector.multi_reduction <add>, %select_n3A_188, %reduce_sum3A_189 [0] : vector<16x128xf32> to vector<128xf32>
    %get3A_191 = arith.constant 0 : index
    %get3A_192 = arith.constant 0 : index
    %get3A_193 = arith.constant 640 : index
    %get3A_194 = vector.load %arg2[%get3A_191, %get3A_192, %get3A_193] : memref<1x16x8192xf32, #tpu.memory_space<vmem>>, vector<1x16x128xf32>
    %get3A_195 = vector.shape_cast %get3A_194 : vector<1x16x128xf32> to vector<16x128xf32>
    %jit3A_196 = arith.constant 0.000000e+00 : f32
    %broadcast_in_dim3A_197 = vector.broadcast %jit3A_196 : f32 to vector<16x128xf32>
    %select_n3A_198 = arith.select %eq3A_180, %get3A_195, %broadcast_in_dim3A_197 : vector<16x128xi1>, vector<16x128xf32>
    %reduce_sum3A_199 = arith.constant dense<0.000000e+00> : vector<128xf32>
    %reduce_sum3A_200 = vector.multi_reduction <add>, %select_n3A_198, %reduce_sum3A_199 [0] : vector<16x128xf32> to vector<128xf32>
    %get3A_201 = arith.constant 640 : index
    %get3A_202 = vector.load %arg4[%get3A_201] : memref<8192xf32, #tpu.memory_space<vmem>>, vector<128xf32>
    %mul3A_203 = arith.mulf %reduce_sum3A_200, %get3A_202 : vector<128xf32>
    %add3A_204 = arith.addf %reduce_sum3A_190, %mul3A_203 : vector<128xf32>
    %swap3A_205 = arith.constant 640 : index
    %swap3A_206 = vector.load %arg5[%swap3A_205] : memref<8192xf32, #tpu.memory_space<vmem>>, vector<128xf32>
    tpu.vector_store %arg5[%swap3A_205], %add3A_204 {strides = array<i32>} : memref<8192xf32, #tpu.memory_space<vmem>>, vector<128xf32>,
    %get3A_207 = arith.constant 6 : index
    %get3A_208 = arith.index_cast %select_n3A_7 : i32 to index
    %get3A_209 = arith.constant 0 : index
    %get3A_210 = vector.load %arg3[%get3A_207, %get3A_208, %get3A_209] : memref<64x8x128xi32, #tpu.memory_space<vmem>>, vector<1x1x128xi32>
    %get3A_211 = vector.shape_cast %get3A_210 : vector<1x1x128xi32> to vector<128xi32>
    %broadcast_in_dim3A_212 = vector.shape_cast %get3A_211 : vector<128xi32> to vector<1x128xi32>
    %eq3A_213 = vector.broadcast %broadcast_in_dim3A_212 : vector<1x128xi32> to vector<16x128xi32>
    %eq3A_214 = arith.cmpi eq, %iota3A, %eq3A_213 : vector<16x128xi32>
    %get3A_215 = arith.constant 0 : index
    %get3A_216 = arith.constant 0 : index
    %get3A_217 = arith.constant 768 : index
    %get3A_218 = vector.load %arg1[%get3A_215, %get3A_216, %get3A_217] : memref<1x16x8192xf32, #tpu.memory_space<vmem>>, vector<1x16x128xf32>
    %get3A_219 = vector.shape_cast %get3A_218 : vector<1x16x128xf32> to vector<16x128xf32>
    %jit3A_220 = arith.constant 0.000000e+00 : f32
    %broadcast_in_dim3A_221 = vector.broadcast %jit3A_220 : f32 to vector<16x128xf32>
    %select_n3A_222 = arith.select %eq3A_214, %get3A_219, %broadcast_in_dim3A_221 : vector<16x128xi1>, vector<16x128xf32>
    %reduce_sum3A_223 = arith.constant dense<0.000000e+00> : vector<128xf32>
    %reduce_sum3A_224 = vector.multi_reduction <add>, %select_n3A_222, %reduce_sum3A_223 [0] : vector<16x128xf32> to vector<128xf32>
    %get3A_225 = arith.constant 0 : index
    %get3A_226 = arith.constant 0 : index
    %get3A_227 = arith.constant 768 : index
    %get3A_228 = vector.load %arg2[%get3A_225, %get3A_226, %get3A_227] : memref<1x16x8192xf32, #tpu.memory_space<vmem>>, vector<1x16x128xf32>
    %get3A_229 = vector.shape_cast %get3A_228 : vector<1x16x128xf32> to vector<16x128xf32>
    %jit3A_230 = arith.constant 0.000000e+00 : f32
    %broadcast_in_dim3A_231 = vector.broadcast %jit3A_230 : f32 to vector<16x128xf32>
    %select_n3A_232 = arith.select %eq3A_214, %get3A_229, %broadcast_in_dim3A_231 : vector<16x128xi1>, vector<16x128xf32>
    %reduce_sum3A_233 = arith.constant dense<0.000000e+00> : vector<128xf32>
    %reduce_sum3A_234 = vector.multi_reduction <add>, %select_n3A_232, %reduce_sum3A_233 [0] : vector<16x128xf32> to vector<128xf32>
    %get3A_235 = arith.constant 768 : index
    %get3A_236 = vector.load %arg4[%get3A_235] : memref<8192xf32, #tpu.memory_space<vmem>>, vector<128xf32>
    %mul3A_237 = arith.mulf %reduce_sum3A_234, %get3A_236 : vector<128xf32>
    %add3A_238 = arith.addf %reduce_sum3A_224, %mul3A_237 : vector<128xf32>
    %swap3A_239 = arith.constant 768 : index
    %swap3A_240 = vector.load %arg5[%swap3A_239] : memref<8192xf32, #tpu.memory_space<vmem>>, vector<128xf32>
    tpu.vector_store %arg5[%swap3A_239], %add3A_238 {strides = array<i32>} : memref<8192xf32, #tpu.memory_space<vmem>>, vector<128xf32>,
    %get3A_241 = arith.constant 7 : index
    %get3A_242 = arith.index_cast %select_n3A_7 : i32 to index
    %get3A_243 = arith.constant 0 : index
    %get3A_244 = vector.load %arg3[%get3A_241, %get3A_242, %get3A_243] : memref<64x8x128xi32, #tpu.memory_space<vmem>>, vector<1x1x128xi32>
    %get3A_245 = vector.shape_cast %get3A_244 : vector<1x1x128xi32> to vector<128xi32>
    %broadcast_in_dim3A_246 = vector.shape_cast %get3A_245 : vector<128xi32> to vector<1x128xi32>
    %eq3A_247 = vector.broadcast %broadcast_in_dim3A_246 : vector<1x128xi32> to vector<16x128xi32>
    %eq3A_248 = arith.cmpi eq, %iota3A, %eq3A_247 : vector<16x128xi32>
    %get3A_249 = arith.constant 0 : index
    %get3A_250 = arith.constant 0 : index
    %get3A_251 = arith.constant 896 : index
    %get3A_252 = vector.load %arg1[%get3A_249, %get3A_250, %get3A_251] : memref<1x16x8192xf32, #tpu.memory_space<vmem>>, vector<1x16x128xf32>
    %get3A_253 = vector.shape_cast %get3A_252 : vector<1x16x128xf32> to vector<16x128xf32>
    %jit3A_254 = arith.constant 0.000000e+00 : f32
    %broadcast_in_dim3A_255 = vector.broadcast %jit3A_254 : f32 to vector<16x128xf32>
    %select_n3A_256 = arith.select %eq3A_248, %get3A_253, %broadcast_in_dim3A_255 : vector<16x128xi1>, vector<16x128xf32>
    %reduce_sum3A_257 = arith.constant dense<0.000000e+00> : vector<128xf32>
    %reduce_sum3A_258 = vector.multi_reduction <add>, %select_n3A_256, %reduce_sum3A_257 [0] : vector<16x128xf32> to vector<128xf32>
    %get3A_259 = arith.constant 0 : index
    %get3A_260 = arith.constant 0 : index
    %get3A_261 = arith.constant 896 : index
    %get3A_262 = vector.load %arg2[%get3A_259, %get3A_260, %get3A_261] : memref<1x16x8192xf32, #tpu.memory_space<vmem>>, vector<1x16x128xf32>
    %get3A_263 = vector.shape_cast %get3A_262 : vector<1x16x128xf32> to vector<16x128xf32>
    %jit3A_264 = arith.constant 0.000000e+00 : f32
    %broadcast_in_dim3A_265 = vector.broadcast %jit3A_264 : f32 to vector<16x128xf32>
    %select_n3A_266 = arith.select %eq3A_248, %get3A_263, %broadcast_in_dim3A_265 : vector<16x128xi1>, vector<16x128xf32>
    %reduce_sum3A_267 = arith.constant dense<0.000000e+00> : vector<128xf32>
    %reduce_sum3A_268 = vector.multi_reduction <add>, %select_n3A_266, %reduce_sum3A_267 [0] : vector<16x128xf32> to vector<128xf32>
    %get3A_269 = arith.constant 896 : index
    %get3A_270 = vector.load %arg4[%get3A_269] : memref<8192xf32, #tpu.memory_space<vmem>>, vector<128xf32>
    %mul3A_271 = arith.mulf %reduce_sum3A_268, %get3A_270 : vector<128xf32>
    %add3A_272 = arith.addf %reduce_sum3A_258, %mul3A_271 : vector<128xf32>
    %swap3A_273 = arith.constant 896 : index
    %swap3A_274 = vector.load %arg5[%swap3A_273] : memref<8192xf32, #tpu.memory_space<vmem>>, vector<128xf32>
    tpu.vector_store %arg5[%swap3A_273], %add3A_272 {strides = array<i32>} : memref<8192xf32, #tpu.memory_space<vmem>>, vector<128xf32>,
    %get3A_275 = arith.constant 8 : index
    %get3A_276 = arith.index_cast %select_n3A_7 : i32 to index
    %get3A_277 = arith.constant 0 : index
    %get3A_278 = vector.load %arg3[%get3A_275, %get3A_276, %get3A_277] : memref<64x8x128xi32, #tpu.memory_space<vmem>>, vector<1x1x128xi32>
    %get3A_279 = vector.shape_cast %get3A_278 : vector<1x1x128xi32> to vector<128xi32>
    %broadcast_in_dim3A_280 = vector.shape_cast %get3A_279 : vector<128xi32> to vector<1x128xi32>
    %eq3A_281 = vector.broadcast %broadcast_in_dim3A_280 : vector<1x128xi32> to vector<16x128xi32>
    %eq3A_282 = arith.cmpi eq, %iota3A, %eq3A_281 : vector<16x128xi32>
    %get3A_283 = arith.constant 0 : index
    %get3A_284 = arith.constant 0 : index
    %get3A_285 = arith.constant 1024 : index
    %get3A_286 = vector.load %arg1[%get3A_283, %get3A_284, %get3A_285] : memref<1x16x8192xf32, #tpu.memory_space<vmem>>, vector<1x16x128xf32>
    %get3A_287 = vector.shape_cast %get3A_286 : vector<1x16x128xf32> to vector<16x128xf32>
    %jit3A_288 = arith.constant 0.000000e+00 : f32
    %broadcast_in_dim3A_289 = vector.broadcast %jit3A_288 : f32 to vector<16x128xf32>
    %select_n3A_290 = arith.select %eq3A_282, %get3A_287, %broadcast_in_dim3A_289 : vector<16x128xi1>, vector<16x128xf32>
    %reduce_sum3A_291 = arith.constant dense<0.000000e+00> : vector<128xf32>
    %reduce_sum3A_292 = vector.multi_reduction <add>, %select_n3A_290, %reduce_sum3A_291 [0] : vector<16x128xf32> to vector<128xf32>
    %get3A_293 = arith.constant 0 : index
    %get3A_294 = arith.constant 0 : index
    %get3A_295 = arith.constant 1024 : index
    %get3A_296 = vector.load %arg2[%get3A_293, %get3A_294, %get3A_295] : memref<1x16x8192xf32, #tpu.memory_space<vmem>>, vector<1x16x128xf32>
    %get3A_297 = vector.shape_cast %get3A_296 : vector<1x16x128xf32> to vector<16x128xf32>
    %jit3A_298 = arith.constant 0.000000e+00 : f32
    %broadcast_in_dim3A_299 = vector.broadcast %jit3A_298 : f32 to vector<16x128xf32>
    %select_n3A_300 = arith.select %eq3A_282, %get3A_297, %broadcast_in_dim3A_299 : vector<16x128xi1>, vector<16x128xf32>
    %reduce_sum3A_301 = arith.constant dense<0.000000e+00> : vector<128xf32>
    %reduce_sum3A_302 = vector.multi_reduction <add>, %select_n3A_300, %reduce_sum3A_301 [0] : vector<16x128xf32> to vector<128xf32>
    %get3A_303 = arith.constant 1024 : index
    %get3A_304 = vector.load %arg4[%get3A_303] : memref<8192xf32, #tpu.memory_space<vmem>>, vector<128xf32>
    %mul3A_305 = arith.mulf %reduce_sum3A_302, %get3A_304 : vector<128xf32>
    %add3A_306 = arith.addf %reduce_sum3A_292, %mul3A_305 : vector<128xf32>
    %swap3A_307 = arith.constant 1024 : index
    %swap3A_308 = vector.load %arg5[%swap3A_307] : memref<8192xf32, #tpu.memory_space<vmem>>, vector<128xf32>
    tpu.vector_store %arg5[%swap3A_307], %add3A_306 {strides = array<i32>} : memref<8192xf32, #tpu.memory_space<vmem>>, vector<128xf32>,
    %get3A_309 = arith.constant 9 : index
    %get3A_310 = arith.index_cast %select_n3A_7 : i32 to index
    %get3A_311 = arith.constant 0 : index
    %get3A_312 = vector.load %arg3[%get3A_309, %get3A_310, %get3A_311] : memref<64x8x128xi32, #tpu.memory_space<vmem>>, vector<1x1x128xi32>
    %get3A_313 = vector.shape_cast %get3A_312 : vector<1x1x128xi32> to vector<128xi32>
    %broadcast_in_dim3A_314 = vector.shape_cast %get3A_313 : vector<128xi32> to vector<1x128xi32>
    %eq3A_315 = vector.broadcast %broadcast_in_dim3A_314 : vector<1x128xi32> to vector<16x128xi32>
    %eq3A_316 = arith.cmpi eq, %iota3A, %eq3A_315 : vector<16x128xi32>
    %get3A_317 = arith.constant 0 : index
    %get3A_318 = arith.constant 0 : index
    %get3A_319 = arith.constant 1152 : index
    %get3A_320 = vector.load %arg1[%get3A_317, %get3A_318, %get3A_319] : memref<1x16x8192xf32, #tpu.memory_space<vmem>>, vector<1x16x128xf32>
    %get3A_321 = vector.shape_cast %get3A_320 : vector<1x16x128xf32> to vector<16x128xf32>
    %jit3A_322 = arith.constant 0.000000e+00 : f32
    %broadcast_in_dim3A_323 = vector.broadcast %jit3A_322 : f32 to vector<16x128xf32>
    %select_n3A_324 = arith.select %eq3A_316, %get3A_321, %broadcast_in_dim3A_323 : vector<16x128xi1>, vector<16x128xf32>
    %reduce_sum3A_325 = arith.constant dense<0.000000e+00> : vector<128xf32>
    %reduce_sum3A_326 = vector.multi_reduction <add>, %select_n3A_324, %reduce_sum3A_325 [0] : vector<16x128xf32> to vector<128xf32>
    %get3A_327 = arith.constant 0 : index
    %get3A_328 = arith.constant 0 : index
    %get3A_329 = arith.constant 1152 : index
    %get3A_330 = vector.load %arg2[%get3A_327, %get3A_328, %get3A_329] : memref<1x16x8192xf32, #tpu.memory_space<vmem>>, vector<1x16x128xf32>
    %get3A_331 = vector.shape_cast %get3A_330 : vector<1x16x128xf32> to vector<16x128xf32>
    %jit3A_332 = arith.constant 0.000000e+00 : f32
    %broadcast_in_dim3A_333 = vector.broadcast %jit3A_332 : f32 to vector<16x128xf32>
    %select_n3A_334 = arith.select %eq3A_316, %get3A_331, %broadcast_in_dim3A_333 : vector<16x128xi1>, vector<16x128xf32>
    %reduce_sum3A_335 = arith.constant dense<0.000000e+00> : vector<128xf32>
    %reduce_sum3A_336 = vector.multi_reduction <add>, %select_n3A_334, %reduce_sum3A_335 [0] : vector<16x128xf32> to vector<128xf32>
    %get3A_337 = arith.constant 1152 : index
    %get3A_338 = vector.load %arg4[%get3A_337] : memref<8192xf32, #tpu.memory_space<vmem>>, vector<128xf32>
    %mul3A_339 = arith.mulf %reduce_sum3A_336, %get3A_338 : vector<128xf32>
    %add3A_340 = arith.addf %reduce_sum3A_326, %mul3A_339 : vector<128xf32>
    %swap3A_341 = arith.constant 1152 : index
    %swap3A_342 = vector.load %arg5[%swap3A_341] : memref<8192xf32, #tpu.memory_space<vmem>>, vector<128xf32>
    tpu.vector_store %arg5[%swap3A_341], %add3A_340 {strides = array<i32>} : memref<8192xf32, #tpu.memory_space<vmem>>, vector<128xf32>,
    %get3A_343 = arith.constant 10 : index
    %get3A_344 = arith.index_cast %select_n3A_7 : i32 to index
    %get3A_345 = arith.constant 0 : index
    %get3A_346 = vector.load %arg3[%get3A_343, %get3A_344, %get3A_345] : memref<64x8x128xi32, #tpu.memory_space<vmem>>, vector<1x1x128xi32>
    %get3A_347 = vector.shape_cast %get3A_346 : vector<1x1x128xi32> to vector<128xi32>
    %broadcast_in_dim3A_348 = vector.shape_cast %get3A_347 : vector<128xi32> to vector<1x128xi32>
    %eq3A_349 = vector.broadcast %broadcast_in_dim3A_348 : vector<1x128xi32> to vector<16x128xi32>
    %eq3A_350 = arith.cmpi eq, %iota3A, %eq3A_349 : vector<16x128xi32>
    %get3A_351 = arith.constant 0 : index
    %get3A_352 = arith.constant 0 : index
    %get3A_353 = arith.constant 1280 : index
    %get3A_354 = vector.load %arg1[%get3A_351, %get3A_352, %get3A_353] : memref<1x16x8192xf32, #tpu.memory_space<vmem>>, vector<1x16x128xf32>
    %get3A_355 = vector.shape_cast %get3A_354 : vector<1x16x128xf32> to vector<16x128xf32>
    %jit3A_356 = arith.constant 0.000000e+00 : f32
    %broadcast_in_dim3A_357 = vector.broadcast %jit3A_356 : f32 to vector<16x128xf32>
    %select_n3A_358 = arith.select %eq3A_350, %get3A_355, %broadcast_in_dim3A_357 : vector<16x128xi1>, vector<16x128xf32>
    %reduce_sum3A_359 = arith.constant dense<0.000000e+00> : vector<128xf32>
    %reduce_sum3A_360 = vector.multi_reduction <add>, %select_n3A_358, %reduce_sum3A_359 [0] : vector<16x128xf32> to vector<128xf32>
    %get3A_361 = arith.constant 0 : index
    %get3A_362 = arith.constant 0 : index
    %get3A_363 = arith.constant 1280 : index
    %get3A_364 = vector.load %arg2[%get3A_361, %get3A_362, %get3A_363] : memref<1x16x8192xf32, #tpu.memory_space<vmem>>, vector<1x16x128xf32>
    %get3A_365 = vector.shape_cast %get3A_364 : vector<1x16x128xf32> to vector<16x128xf32>
    %jit3A_366 = arith.constant 0.000000e+00 : f32
    %broadcast_in_dim3A_367 = vector.broadcast %jit3A_366 : f32 to vector<16x128xf32>
    %select_n3A_368 = arith.select %eq3A_350, %get3A_365, %broadcast_in_dim3A_367 : vector<16x128xi1>, vector<16x128xf32>
    %reduce_sum3A_369 = arith.constant dense<0.000000e+00> : vector<128xf32>
    %reduce_sum3A_370 = vector.multi_reduction <add>, %select_n3A_368, %reduce_sum3A_369 [0] : vector<16x128xf32> to vector<128xf32>
    %get3A_371 = arith.constant 1280 : index
    %get3A_372 = vector.load %arg4[%get3A_371] : memref<8192xf32, #tpu.memory_space<vmem>>, vector<128xf32>
    %mul3A_373 = arith.mulf %reduce_sum3A_370, %get3A_372 : vector<128xf32>
    %add3A_374 = arith.addf %reduce_sum3A_360, %mul3A_373 : vector<128xf32>
    %swap3A_375 = arith.constant 1280 : index
    %swap3A_376 = vector.load %arg5[%swap3A_375] : memref<8192xf32, #tpu.memory_space<vmem>>, vector<128xf32>
    tpu.vector_store %arg5[%swap3A_375], %add3A_374 {strides = array<i32>} : memref<8192xf32, #tpu.memory_space<vmem>>, vector<128xf32>,
    %get3A_377 = arith.constant 11 : index
    %get3A_378 = arith.index_cast %select_n3A_7 : i32 to index
    %get3A_379 = arith.constant 0 : index
    %get3A_380 = vector.load %arg3[%get3A_377, %get3A_378, %get3A_379] : memref<64x8x128xi32, #tpu.memory_space<vmem>>, vector<1x1x128xi32>
    %get3A_381 = vector.shape_cast %get3A_380 : vector<1x1x128xi32> to vector<128xi32>
    %broadcast_in_dim3A_382 = vector.shape_cast %get3A_381 : vector<128xi32> to vector<1x128xi32>
    %eq3A_383 = vector.broadcast %broadcast_in_dim3A_382 : vector<1x128xi32> to vector<16x128xi32>
    %eq3A_384 = arith.cmpi eq, %iota3A, %eq3A_383 : vector<16x128xi32>
    %get3A_385 = arith.constant 0 : index
    %get3A_386 = arith.constant 0 : index
    %get3A_387 = arith.constant 1408 : index
    %get3A_388 = vector.load %arg1[%get3A_385, %get3A_386, %get3A_387] : memref<1x16x8192xf32, #tpu.memory_space<vmem>>, vector<1x16x128xf32>
    %get3A_389 = vector.shape_cast %get3A_388 : vector<1x16x128xf32> to vector<16x128xf32>
    %jit3A_390 = arith.constant 0.000000e+00 : f32
    %broadcast_in_dim3A_391 = vector.broadcast %jit3A_390 : f32 to vector<16x128xf32>
    %select_n3A_392 = arith.select %eq3A_384, %get3A_389, %broadcast_in_dim3A_391 : vector<16x128xi1>, vector<16x128xf32>
    %reduce_sum3A_393 = arith.constant dense<0.000000e+00> : vector<128xf32>
    %reduce_sum3A_394 = vector.multi_reduction <add>, %select_n3A_392, %reduce_sum3A_393 [0] : vector<16x128xf32> to vector<128xf32>
    %get3A_395 = arith.constant 0 : index
    %get3A_396 = arith.constant 0 : index
    %get3A_397 = arith.constant 1408 : index
    %get3A_398 = vector.load %arg2[%get3A_395, %get3A_396, %get3A_397] : memref<1x16x8192xf32, #tpu.memory_space<vmem>>, vector<1x16x128xf32>
    %get3A_399 = vector.shape_cast %get3A_398 : vector<1x16x128xf32> to vector<16x128xf32>
    %jit3A_400 = arith.constant 0.000000e+00 : f32
    %broadcast_in_dim3A_401 = vector.broadcast %jit3A_400 : f32 to vector<16x128xf32>
    %select_n3A_402 = arith.select %eq3A_384, %get3A_399, %broadcast_in_dim3A_401 : vector<16x128xi1>, vector<16x128xf32>
    %reduce_sum3A_403 = arith.constant dense<0.000000e+00> : vector<128xf32>
    %reduce_sum3A_404 = vector.multi_reduction <add>, %select_n3A_402, %reduce_sum3A_403 [0] : vector<16x128xf32> to vector<128xf32>
    %get3A_405 = arith.constant 1408 : index
    %get3A_406 = vector.load %arg4[%get3A_405] : memref<8192xf32, #tpu.memory_space<vmem>>, vector<128xf32>
    %mul3A_407 = arith.mulf %reduce_sum3A_404, %get3A_406 : vector<128xf32>
    %add3A_408 = arith.addf %reduce_sum3A_394, %mul3A_407 : vector<128xf32>
    %swap3A_409 = arith.constant 1408 : index
    %swap3A_410 = vector.load %arg5[%swap3A_409] : memref<8192xf32, #tpu.memory_space<vmem>>, vector<128xf32>
    tpu.vector_store %arg5[%swap3A_409], %add3A_408 {strides = array<i32>} : memref<8192xf32, #tpu.memory_space<vmem>>, vector<128xf32>,
    %get3A_411 = arith.constant 12 : index
    %get3A_412 = arith.index_cast %select_n3A_7 : i32 to index
    %get3A_413 = arith.constant 0 : index
    %get3A_414 = vector.load %arg3[%get3A_411, %get3A_412, %get3A_413] : memref<64x8x128xi32, #tpu.memory_space<vmem>>, vector<1x1x128xi32>
    %get3A_415 = vector.shape_cast %get3A_414 : vector<1x1x128xi32> to vector<128xi32>
    %broadcast_in_dim3A_416 = vector.shape_cast %get3A_415 : vector<128xi32> to vector<1x128xi32>
    %eq3A_417 = vector.broadcast %broadcast_in_dim3A_416 : vector<1x128xi32> to vector<16x128xi32>
    %eq3A_418 = arith.cmpi eq, %iota3A, %eq3A_417 : vector<16x128xi32>
    %get3A_419 = arith.constant 0 : index
    %get3A_420 = arith.constant 0 : index
    %get3A_421 = arith.constant 1536 : index
    %get3A_422 = vector.load %arg1[%get3A_419, %get3A_420, %get3A_421] : memref<1x16x8192xf32, #tpu.memory_space<vmem>>, vector<1x16x128xf32>
    %get3A_423 = vector.shape_cast %get3A_422 : vector<1x16x128xf32> to vector<16x128xf32>
    %jit3A_424 = arith.constant 0.000000e+00 : f32
    %broadcast_in_dim3A_425 = vector.broadcast %jit3A_424 : f32 to vector<16x128xf32>
    %select_n3A_426 = arith.select %eq3A_418, %get3A_423, %broadcast_in_dim3A_425 : vector<16x128xi1>, vector<16x128xf32>
    %reduce_sum3A_427 = arith.constant dense<0.000000e+00> : vector<128xf32>
    %reduce_sum3A_428 = vector.multi_reduction <add>, %select_n3A_426, %reduce_sum3A_427 [0] : vector<16x128xf32> to vector<128xf32>
    %get3A_429 = arith.constant 0 : index
    %get3A_430 = arith.constant 0 : index
    %get3A_431 = arith.constant 1536 : index
    %get3A_432 = vector.load %arg2[%get3A_429, %get3A_430, %get3A_431] : memref<1x16x8192xf32, #tpu.memory_space<vmem>>, vector<1x16x128xf32>
    %get3A_433 = vector.shape_cast %get3A_432 : vector<1x16x128xf32> to vector<16x128xf32>
    %jit3A_434 = arith.constant 0.000000e+00 : f32
    %broadcast_in_dim3A_435 = vector.broadcast %jit3A_434 : f32 to vector<16x128xf32>
    %select_n3A_436 = arith.select %eq3A_418, %get3A_433, %broadcast_in_dim3A_435 : vector<16x128xi1>, vector<16x128xf32>
    %reduce_sum3A_437 = arith.constant dense<0.000000e+00> : vector<128xf32>
    %reduce_sum3A_438 = vector.multi_reduction <add>, %select_n3A_436, %reduce_sum3A_437 [0] : vector<16x128xf32> to vector<128xf32>
    %get3A_439 = arith.constant 1536 : index
    %get3A_440 = vector.load %arg4[%get3A_439] : memref<8192xf32, #tpu.memory_space<vmem>>, vector<128xf32>
    %mul3A_441 = arith.mulf %reduce_sum3A_438, %get3A_440 : vector<128xf32>
    %add3A_442 = arith.addf %reduce_sum3A_428, %mul3A_441 : vector<128xf32>
    %swap3A_443 = arith.constant 1536 : index
    %swap3A_444 = vector.load %arg5[%swap3A_443] : memref<8192xf32, #tpu.memory_space<vmem>>, vector<128xf32>
    tpu.vector_store %arg5[%swap3A_443], %add3A_442 {strides = array<i32>} : memref<8192xf32, #tpu.memory_space<vmem>>, vector<128xf32>,
    %get3A_445 = arith.constant 13 : index
    %get3A_446 = arith.index_cast %select_n3A_7 : i32 to index
    %get3A_447 = arith.constant 0 : index
    %get3A_448 = vector.load %arg3[%get3A_445, %get3A_446, %get3A_447] : memref<64x8x128xi32, #tpu.memory_space<vmem>>, vector<1x1x128xi32>
    %get3A_449 = vector.shape_cast %get3A_448 : vector<1x1x128xi32> to vector<128xi32>
    %broadcast_in_dim3A_450 = vector.shape_cast %get3A_449 : vector<128xi32> to vector<1x128xi32>
    %eq3A_451 = vector.broadcast %broadcast_in_dim3A_450 : vector<1x128xi32> to vector<16x128xi32>
    %eq3A_452 = arith.cmpi eq, %iota3A, %eq3A_451 : vector<16x128xi32>
    %get3A_453 = arith.constant 0 : index
    %get3A_454 = arith.constant 0 : index
    %get3A_455 = arith.constant 1664 : index
    %get3A_456 = vector.load %arg1[%get3A_453, %get3A_454, %get3A_455] : memref<1x16x8192xf32, #tpu.memory_space<vmem>>, vector<1x16x128xf32>
    %get3A_457 = vector.shape_cast %get3A_456 : vector<1x16x128xf32> to vector<16x128xf32>
    %jit3A_458 = arith.constant 0.000000e+00 : f32
    %broadcast_in_dim3A_459 = vector.broadcast %jit3A_458 : f32 to vector<16x128xf32>
    %select_n3A_460 = arith.select %eq3A_452, %get3A_457, %broadcast_in_dim3A_459 : vector<16x128xi1>, vector<16x128xf32>
    %reduce_sum3A_461 = arith.constant dense<0.000000e+00> : vector<128xf32>
    %reduce_sum3A_462 = vector.multi_reduction <add>, %select_n3A_460, %reduce_sum3A_461 [0] : vector<16x128xf32> to vector<128xf32>
    %get3A_463 = arith.constant 0 : index
    %get3A_464 = arith.constant 0 : index
    %get3A_465 = arith.constant 1664 : index
    %get3A_466 = vector.load %arg2[%get3A_463, %get3A_464, %get3A_465] : memref<1x16x8192xf32, #tpu.memory_space<vmem>>, vector<1x16x128xf32>
    %get3A_467 = vector.shape_cast %get3A_466 : vector<1x16x128xf32> to vector<16x128xf32>
    %jit3A_468 = arith.constant 0.000000e+00 : f32
    %broadcast_in_dim3A_469 = vector.broadcast %jit3A_468 : f32 to vector<16x128xf32>
    %select_n3A_470 = arith.select %eq3A_452, %get3A_467, %broadcast_in_dim3A_469 : vector<16x128xi1>, vector<16x128xf32>
    %reduce_sum3A_471 = arith.constant dense<0.000000e+00> : vector<128xf32>
    %reduce_sum3A_472 = vector.multi_reduction <add>, %select_n3A_470, %reduce_sum3A_471 [0] : vector<16x128xf32> to vector<128xf32>
    %get3A_473 = arith.constant 1664 : index
    %get3A_474 = vector.load %arg4[%get3A_473] : memref<8192xf32, #tpu.memory_space<vmem>>, vector<128xf32>
    %mul3A_475 = arith.mulf %reduce_sum3A_472, %get3A_474 : vector<128xf32>
    %add3A_476 = arith.addf %reduce_sum3A_462, %mul3A_475 : vector<128xf32>
    %swap3A_477 = arith.constant 1664 : index
    %swap3A_478 = vector.load %arg5[%swap3A_477] : memref<8192xf32, #tpu.memory_space<vmem>>, vector<128xf32>
    tpu.vector_store %arg5[%swap3A_477], %add3A_476 {strides = array<i32>} : memref<8192xf32, #tpu.memory_space<vmem>>, vector<128xf32>,
    %get3A_479 = arith.constant 14 : index
    %get3A_480 = arith.index_cast %select_n3A_7 : i32 to index
    %get3A_481 = arith.constant 0 : index
    %get3A_482 = vector.load %arg3[%get3A_479, %get3A_480, %get3A_481] : memref<64x8x128xi32, #tpu.memory_space<vmem>>, vector<1x1x128xi32>
    %get3A_483 = vector.shape_cast %get3A_482 : vector<1x1x128xi32> to vector<128xi32>
    %broadcast_in_dim3A_484 = vector.shape_cast %get3A_483 : vector<128xi32> to vector<1x128xi32>
    %eq3A_485 = vector.broadcast %broadcast_in_dim3A_484 : vector<1x128xi32> to vector<16x128xi32>
    %eq3A_486 = arith.cmpi eq, %iota3A, %eq3A_485 : vector<16x128xi32>
    %get3A_487 = arith.constant 0 : index
    %get3A_488 = arith.constant 0 : index
    %get3A_489 = arith.constant 1792 : index
    %get3A_490 = vector.load %arg1[%get3A_487, %get3A_488, %get3A_489] : memref<1x16x8192xf32, #tpu.memory_space<vmem>>, vector<1x16x128xf32>
    %get3A_491 = vector.shape_cast %get3A_490 : vector<1x16x128xf32> to vector<16x128xf32>
    %jit3A_492 = arith.constant 0.000000e+00 : f32
    %broadcast_in_dim3A_493 = vector.broadcast %jit3A_492 : f32 to vector<16x128xf32>
    %select_n3A_494 = arith.select %eq3A_486, %get3A_491, %broadcast_in_dim3A_493 : vector<16x128xi1>, vector<16x128xf32>
    %reduce_sum3A_495 = arith.constant dense<0.000000e+00> : vector<128xf32>
    %reduce_sum3A_496 = vector.multi_reduction <add>, %select_n3A_494, %reduce_sum3A_495 [0] : vector<16x128xf32> to vector<128xf32>
    %get3A_497 = arith.constant 0 : index
    %get3A_498 = arith.constant 0 : index
    %get3A_499 = arith.constant 1792 : index
    %get3A_500 = vector.load %arg2[%get3A_497, %get3A_498, %get3A_499] : memref<1x16x8192xf32, #tpu.memory_space<vmem>>, vector<1x16x128xf32>
    %get3A_501 = vector.shape_cast %get3A_500 : vector<1x16x128xf32> to vector<16x128xf32>
    %jit3A_502 = arith.constant 0.000000e+00 : f32
    %broadcast_in_dim3A_503 = vector.broadcast %jit3A_502 : f32 to vector<16x128xf32>
    %select_n3A_504 = arith.select %eq3A_486, %get3A_501, %broadcast_in_dim3A_503 : vector<16x128xi1>, vector<16x128xf32>
    %reduce_sum3A_505 = arith.constant dense<0.000000e+00> : vector<128xf32>
    %reduce_sum3A_506 = vector.multi_reduction <add>, %select_n3A_504, %reduce_sum3A_505 [0] : vector<16x128xf32> to vector<128xf32>
    %get3A_507 = arith.constant 1792 : index
    %get3A_508 = vector.load %arg4[%get3A_507] : memref<8192xf32, #tpu.memory_space<vmem>>, vector<128xf32>
    %mul3A_509 = arith.mulf %reduce_sum3A_506, %get3A_508 : vector<128xf32>
    %add3A_510 = arith.addf %reduce_sum3A_496, %mul3A_509 : vector<128xf32>
    %swap3A_511 = arith.constant 1792 : index
    %swap3A_512 = vector.load %arg5[%swap3A_511] : memref<8192xf32, #tpu.memory_space<vmem>>, vector<128xf32>
    tpu.vector_store %arg5[%swap3A_511], %add3A_510 {strides = array<i32>} : memref<8192xf32, #tpu.memory_space<vmem>>, vector<128xf32>,
    %get3A_513 = arith.constant 15 : index
    %get3A_514 = arith.index_cast %select_n3A_7 : i32 to index
    %get3A_515 = arith.constant 0 : index
    %get3A_516 = vector.load %arg3[%get3A_513, %get3A_514, %get3A_515] : memref<64x8x128xi32, #tpu.memory_space<vmem>>, vector<1x1x128xi32>
    %get3A_517 = vector.shape_cast %get3A_516 : vector<1x1x128xi32> to vector<128xi32>
    %broadcast_in_dim3A_518 = vector.shape_cast %get3A_517 : vector<128xi32> to vector<1x128xi32>
    %eq3A_519 = vector.broadcast %broadcast_in_dim3A_518 : vector<1x128xi32> to vector<16x128xi32>
    %eq3A_520 = arith.cmpi eq, %iota3A, %eq3A_519 : vector<16x128xi32>
    %get3A_521 = arith.constant 0 : index
    %get3A_522 = arith.constant 0 : index
    %get3A_523 = arith.constant 1920 : index
    %get3A_524 = vector.load %arg1[%get3A_521, %get3A_522, %get3A_523] : memref<1x16x8192xf32, #tpu.memory_space<vmem>>, vector<1x16x128xf32>
    %get3A_525 = vector.shape_cast %get3A_524 : vector<1x16x128xf32> to vector<16x128xf32>
    %jit3A_526 = arith.constant 0.000000e+00 : f32
    %broadcast_in_dim3A_527 = vector.broadcast %jit3A_526 : f32 to vector<16x128xf32>
    %select_n3A_528 = arith.select %eq3A_520, %get3A_525, %broadcast_in_dim3A_527 : vector<16x128xi1>, vector<16x128xf32>
    %reduce_sum3A_529 = arith.constant dense<0.000000e+00> : vector<128xf32>
    %reduce_sum3A_530 = vector.multi_reduction <add>, %select_n3A_528, %reduce_sum3A_529 [0] : vector<16x128xf32> to vector<128xf32>
    %get3A_531 = arith.constant 0 : index
    %get3A_532 = arith.constant 0 : index
    %get3A_533 = arith.constant 1920 : index
    %get3A_534 = vector.load %arg2[%get3A_531, %get3A_532, %get3A_533] : memref<1x16x8192xf32, #tpu.memory_space<vmem>>, vector<1x16x128xf32>
    %get3A_535 = vector.shape_cast %get3A_534 : vector<1x16x128xf32> to vector<16x128xf32>
    %jit3A_536 = arith.constant 0.000000e+00 : f32
    %broadcast_in_dim3A_537 = vector.broadcast %jit3A_536 : f32 to vector<16x128xf32>
    %select_n3A_538 = arith.select %eq3A_520, %get3A_535, %broadcast_in_dim3A_537 : vector<16x128xi1>, vector<16x128xf32>
    %reduce_sum3A_539 = arith.constant dense<0.000000e+00> : vector<128xf32>
    %reduce_sum3A_540 = vector.multi_reduction <add>, %select_n3A_538, %reduce_sum3A_539 [0] : vector<16x128xf32> to vector<128xf32>
    %get3A_541 = arith.constant 1920 : index
    %get3A_542 = vector.load %arg4[%get3A_541] : memref<8192xf32, #tpu.memory_space<vmem>>, vector<128xf32>
    %mul3A_543 = arith.mulf %reduce_sum3A_540, %get3A_542 : vector<128xf32>
    %add3A_544 = arith.addf %reduce_sum3A_530, %mul3A_543 : vector<128xf32>
    %swap3A_545 = arith.constant 1920 : index
    %swap3A_546 = vector.load %arg5[%swap3A_545] : memref<8192xf32, #tpu.memory_space<vmem>>, vector<128xf32>
    tpu.vector_store %arg5[%swap3A_545], %add3A_544 {strides = array<i32>} : memref<8192xf32, #tpu.memory_space<vmem>>, vector<128xf32>,
    %get3A_547 = arith.constant 16 : index
    %get3A_548 = arith.index_cast %select_n3A_7 : i32 to index
    %get3A_549 = arith.constant 0 : index
    %get3A_550 = vector.load %arg3[%get3A_547, %get3A_548, %get3A_549] : memref<64x8x128xi32, #tpu.memory_space<vmem>>, vector<1x1x128xi32>
    %get3A_551 = vector.shape_cast %get3A_550 : vector<1x1x128xi32> to vector<128xi32>
    %broadcast_in_dim3A_552 = vector.shape_cast %get3A_551 : vector<128xi32> to vector<1x128xi32>
    %eq3A_553 = vector.broadcast %broadcast_in_dim3A_552 : vector<1x128xi32> to vector<16x128xi32>
    %eq3A_554 = arith.cmpi eq, %iota3A, %eq3A_553 : vector<16x128xi32>
    %get3A_555 = arith.constant 0 : index
    %get3A_556 = arith.constant 0 : index
    %get3A_557 = arith.constant 2048 : index
    %get3A_558 = vector.load %arg1[%get3A_555, %get3A_556, %get3A_557] : memref<1x16x8192xf32, #tpu.memory_space<vmem>>, vector<1x16x128xf32>
    %get3A_559 = vector.shape_cast %get3A_558 : vector<1x16x128xf32> to vector<16x128xf32>
    %jit3A_560 = arith.constant 0.000000e+00 : f32
    %broadcast_in_dim3A_561 = vector.broadcast %jit3A_560 : f32 to vector<16x128xf32>
    %select_n3A_562 = arith.select %eq3A_554, %get3A_559, %broadcast_in_dim3A_561 : vector<16x128xi1>, vector<16x128xf32>
    %reduce_sum3A_563 = arith.constant dense<0.000000e+00> : vector<128xf32>
    %reduce_sum3A_564 = vector.multi_reduction <add>, %select_n3A_562, %reduce_sum3A_563 [0] : vector<16x128xf32> to vector<128xf32>
    %get3A_565 = arith.constant 0 : index
    %get3A_566 = arith.constant 0 : index
    %get3A_567 = arith.constant 2048 : index
    %get3A_568 = vector.load %arg2[%get3A_565, %get3A_566, %get3A_567] : memref<1x16x8192xf32, #tpu.memory_space<vmem>>, vector<1x16x128xf32>
    %get3A_569 = vector.shape_cast %get3A_568 : vector<1x16x128xf32> to vector<16x128xf32>
    %jit3A_570 = arith.constant 0.000000e+00 : f32
    %broadcast_in_dim3A_571 = vector.broadcast %jit3A_570 : f32 to vector<16x128xf32>
    %select_n3A_572 = arith.select %eq3A_554, %get3A_569, %broadcast_in_dim3A_571 : vector<16x128xi1>, vector<16x128xf32>
    %reduce_sum3A_573 = arith.constant dense<0.000000e+00> : vector<128xf32>
    %reduce_sum3A_574 = vector.multi_reduction <add>, %select_n3A_572, %reduce_sum3A_573 [0] : vector<16x128xf32> to vector<128xf32>
    %get3A_575 = arith.constant 2048 : index
    %get3A_576 = vector.load %arg4[%get3A_575] : memref<8192xf32, #tpu.memory_space<vmem>>, vector<128xf32>
    %mul3A_577 = arith.mulf %reduce_sum3A_574, %get3A_576 : vector<128xf32>
    %add3A_578 = arith.addf %reduce_sum3A_564, %mul3A_577 : vector<128xf32>
    %swap3A_579 = arith.constant 2048 : index
    %swap3A_580 = vector.load %arg5[%swap3A_579] : memref<8192xf32, #tpu.memory_space<vmem>>, vector<128xf32>
    tpu.vector_store %arg5[%swap3A_579], %add3A_578 {strides = array<i32>} : memref<8192xf32, #tpu.memory_space<vmem>>, vector<128xf32>,
    %get3A_581 = arith.constant 17 : index
    %get3A_582 = arith.index_cast %select_n3A_7 : i32 to index
    %get3A_583 = arith.constant 0 : index
    %get3A_584 = vector.load %arg3[%get3A_581, %get3A_582, %get3A_583] : memref<64x8x128xi32, #tpu.memory_space<vmem>>, vector<1x1x128xi32>
    %get3A_585 = vector.shape_cast %get3A_584 : vector<1x1x128xi32> to vector<128xi32>
    %broadcast_in_dim3A_586 = vector.shape_cast %get3A_585 : vector<128xi32> to vector<1x128xi32>
    %eq3A_587 = vector.broadcast %broadcast_in_dim3A_586 : vector<1x128xi32> to vector<16x128xi32>
    %eq3A_588 = arith.cmpi eq, %iota3A, %eq3A_587 : vector<16x128xi32>
    %get3A_589 = arith.constant 0 : index
    %get3A_590 = arith.constant 0 : index
    %get3A_591 = arith.constant 2176 : index
    %get3A_592 = vector.load %arg1[%get3A_589, %get3A_590, %get3A_591] : memref<1x16x8192xf32, #tpu.memory_space<vmem>>, vector<1x16x128xf32>
    %get3A_593 = vector.shape_cast %get3A_592 : vector<1x16x128xf32> to vector<16x128xf32>
    %jit3A_594 = arith.constant 0.000000e+00 : f32
    %broadcast_in_dim3A_595 = vector.broadcast %jit3A_594 : f32 to vector<16x128xf32>
    %select_n3A_596 = arith.select %eq3A_588, %get3A_593, %broadcast_in_dim3A_595 : vector<16x128xi1>, vector<16x128xf32>
    %reduce_sum3A_597 = arith.constant dense<0.000000e+00> : vector<128xf32>
    %reduce_sum3A_598 = vector.multi_reduction <add>, %select_n3A_596, %reduce_sum3A_597 [0] : vector<16x128xf32> to vector<128xf32>
    %get3A_599 = arith.constant 0 : index
    %get3A_600 = arith.constant 0 : index
    %get3A_601 = arith.constant 2176 : index
    %get3A_602 = vector.load %arg2[%get3A_599, %get3A_600, %get3A_601] : memref<1x16x8192xf32, #tpu.memory_space<vmem>>, vector<1x16x128xf32>
    %get3A_603 = vector.shape_cast %get3A_602 : vector<1x16x128xf32> to vector<16x128xf32>
    %jit3A_604 = arith.constant 0.000000e+00 : f32
    %broadcast_in_dim3A_605 = vector.broadcast %jit3A_604 : f32 to vector<16x128xf32>
    %select_n3A_606 = arith.select %eq3A_588, %get3A_603, %broadcast_in_dim3A_605 : vector<16x128xi1>, vector<16x128xf32>
    %reduce_sum3A_607 = arith.constant dense<0.000000e+00> : vector<128xf32>
    %reduce_sum3A_608 = vector.multi_reduction <add>, %select_n3A_606, %reduce_sum3A_607 [0] : vector<16x128xf32> to vector<128xf32>
    %get3A_609 = arith.constant 2176 : index
    %get3A_610 = vector.load %arg4[%get3A_609] : memref<8192xf32, #tpu.memory_space<vmem>>, vector<128xf32>
    %mul3A_611 = arith.mulf %reduce_sum3A_608, %get3A_610 : vector<128xf32>
    %add3A_612 = arith.addf %reduce_sum3A_598, %mul3A_611 : vector<128xf32>
    %swap3A_613 = arith.constant 2176 : index
    %swap3A_614 = vector.load %arg5[%swap3A_613] : memref<8192xf32, #tpu.memory_space<vmem>>, vector<128xf32>
    tpu.vector_store %arg5[%swap3A_613], %add3A_612 {strides = array<i32>} : memref<8192xf32, #tpu.memory_space<vmem>>, vector<128xf32>,
    %get3A_615 = arith.constant 18 : index
    %get3A_616 = arith.index_cast %select_n3A_7 : i32 to index
    %get3A_617 = arith.constant 0 : index
    %get3A_618 = vector.load %arg3[%get3A_615, %get3A_616, %get3A_617] : memref<64x8x128xi32, #tpu.memory_space<vmem>>, vector<1x1x128xi32>
    %get3A_619 = vector.shape_cast %get3A_618 : vector<1x1x128xi32> to vector<128xi32>
    %broadcast_in_dim3A_620 = vector.shape_cast %get3A_619 : vector<128xi32> to vector<1x128xi32>
    %eq3A_621 = vector.broadcast %broadcast_in_dim3A_620 : vector<1x128xi32> to vector<16x128xi32>
    %eq3A_622 = arith.cmpi eq, %iota3A, %eq3A_621 : vector<16x128xi32>
    %get3A_623 = arith.constant 0 : index
    %get3A_624 = arith.constant 0 : index
    %get3A_625 = arith.constant 2304 : index
    %get3A_626 = vector.load %arg1[%get3A_623, %get3A_624, %get3A_625] : memref<1x16x8192xf32, #tpu.memory_space<vmem>>, vector<1x16x128xf32>
    %get3A_627 = vector.shape_cast %get3A_626 : vector<1x16x128xf32> to vector<16x128xf32>
    %jit3A_628 = arith.constant 0.000000e+00 : f32
    %broadcast_in_dim3A_629 = vector.broadcast %jit3A_628 : f32 to vector<16x128xf32>
    %select_n3A_630 = arith.select %eq3A_622, %get3A_627, %broadcast_in_dim3A_629 : vector<16x128xi1>, vector<16x128xf32>
    %reduce_sum3A_631 = arith.constant dense<0.000000e+00> : vector<128xf32>
    %reduce_sum3A_632 = vector.multi_reduction <add>, %select_n3A_630, %reduce_sum3A_631 [0] : vector<16x128xf32> to vector<128xf32>
    %get3A_633 = arith.constant 0 : index
    %get3A_634 = arith.constant 0 : index
    %get3A_635 = arith.constant 2304 : index
    %get3A_636 = vector.load %arg2[%get3A_633, %get3A_634, %get3A_635] : memref<1x16x8192xf32, #tpu.memory_space<vmem>>, vector<1x16x128xf32>
    %get3A_637 = vector.shape_cast %get3A_636 : vector<1x16x128xf32> to vector<16x128xf32>
    %jit3A_638 = arith.constant 0.000000e+00 : f32
    %broadcast_in_dim3A_639 = vector.broadcast %jit3A_638 : f32 to vector<16x128xf32>
    %select_n3A_640 = arith.select %eq3A_622, %get3A_637, %broadcast_in_dim3A_639 : vector<16x128xi1>, vector<16x128xf32>
    %reduce_sum3A_641 = arith.constant dense<0.000000e+00> : vector<128xf32>
    %reduce_sum3A_642 = vector.multi_reduction <add>, %select_n3A_640, %reduce_sum3A_641 [0] : vector<16x128xf32> to vector<128xf32>
    %get3A_643 = arith.constant 2304 : index
    %get3A_644 = vector.load %arg4[%get3A_643] : memref<8192xf32, #tpu.memory_space<vmem>>, vector<128xf32>
    %mul3A_645 = arith.mulf %reduce_sum3A_642, %get3A_644 : vector<128xf32>
    %add3A_646 = arith.addf %reduce_sum3A_632, %mul3A_645 : vector<128xf32>
    %swap3A_647 = arith.constant 2304 : index
    %swap3A_648 = vector.load %arg5[%swap3A_647] : memref<8192xf32, #tpu.memory_space<vmem>>, vector<128xf32>
    tpu.vector_store %arg5[%swap3A_647], %add3A_646 {strides = array<i32>} : memref<8192xf32, #tpu.memory_space<vmem>>, vector<128xf32>,
    %get3A_649 = arith.constant 19 : index
    %get3A_650 = arith.index_cast %select_n3A_7 : i32 to index
    %get3A_651 = arith.constant 0 : index
    %get3A_652 = vector.load %arg3[%get3A_649, %get3A_650, %get3A_651] : memref<64x8x128xi32, #tpu.memory_space<vmem>>, vector<1x1x128xi32>
    %get3A_653 = vector.shape_cast %get3A_652 : vector<1x1x128xi32> to vector<128xi32>
    %broadcast_in_dim3A_654 = vector.shape_cast %get3A_653 : vector<128xi32> to vector<1x128xi32>
    %eq3A_655 = vector.broadcast %broadcast_in_dim3A_654 : vector<1x128xi32> to vector<16x128xi32>
    %eq3A_656 = arith.cmpi eq, %iota3A, %eq3A_655 : vector<16x128xi32>
    %get3A_657 = arith.constant 0 : index
    %get3A_658 = arith.constant 0 : index
    %get3A_659 = arith.constant 2432 : index
    %get3A_660 = vector.load %arg1[%get3A_657, %get3A_658, %get3A_659] : memref<1x16x8192xf32, #tpu.memory_space<vmem>>, vector<1x16x128xf32>
    %get3A_661 = vector.shape_cast %get3A_660 : vector<1x16x128xf32> to vector<16x128xf32>
    %jit3A_662 = arith.constant 0.000000e+00 : f32
    %broadcast_in_dim3A_663 = vector.broadcast %jit3A_662 : f32 to vector<16x128xf32>
    %select_n3A_664 = arith.select %eq3A_656, %get3A_661, %broadcast_in_dim3A_663 : vector<16x128xi1>, vector<16x128xf32>
    %reduce_sum3A_665 = arith.constant dense<0.000000e+00> : vector<128xf32>
    %reduce_sum3A_666 = vector.multi_reduction <add>, %select_n3A_664, %reduce_sum3A_665 [0] : vector<16x128xf32> to vector<128xf32>
    %get3A_667 = arith.constant 0 : index
    %get3A_668 = arith.constant 0 : index
    %get3A_669 = arith.constant 2432 : index
    %get3A_670 = vector.load %arg2[%get3A_667, %get3A_668, %get3A_669] : memref<1x16x8192xf32, #tpu.memory_space<vmem>>, vector<1x16x128xf32>
    %get3A_671 = vector.shape_cast %get3A_670 : vector<1x16x128xf32> to vector<16x128xf32>
    %jit3A_672 = arith.constant 0.000000e+00 : f32
    %broadcast_in_dim3A_673 = vector.broadcast %jit3A_672 : f32 to vector<16x128xf32>
    %select_n3A_674 = arith.select %eq3A_656, %get3A_671, %broadcast_in_dim3A_673 : vector<16x128xi1>, vector<16x128xf32>
    %reduce_sum3A_675 = arith.constant dense<0.000000e+00> : vector<128xf32>
    %reduce_sum3A_676 = vector.multi_reduction <add>, %select_n3A_674, %reduce_sum3A_675 [0] : vector<16x128xf32> to vector<128xf32>
    %get3A_677 = arith.constant 2432 : index
    %get3A_678 = vector.load %arg4[%get3A_677] : memref<8192xf32, #tpu.memory_space<vmem>>, vector<128xf32>
    %mul3A_679 = arith.mulf %reduce_sum3A_676, %get3A_678 : vector<128xf32>
    %add3A_680 = arith.addf %reduce_sum3A_666, %mul3A_679 : vector<128xf32>
    %swap3A_681 = arith.constant 2432 : index
    %swap3A_682 = vector.load %arg5[%swap3A_681] : memref<8192xf32, #tpu.memory_space<vmem>>, vector<128xf32>
    tpu.vector_store %arg5[%swap3A_681], %add3A_680 {strides = array<i32>} : memref<8192xf32, #tpu.memory_space<vmem>>, vector<128xf32>,
    %get3A_683 = arith.constant 20 : index
    %get3A_684 = arith.index_cast %select_n3A_7 : i32 to index
    %get3A_685 = arith.constant 0 : index
    %get3A_686 = vector.load %arg3[%get3A_683, %get3A_684, %get3A_685] : memref<64x8x128xi32, #tpu.memory_space<vmem>>, vector<1x1x128xi32>
    %get3A_687 = vector.shape_cast %get3A_686 : vector<1x1x128xi32> to vector<128xi32>
    %broadcast_in_dim3A_688 = vector.shape_cast %get3A_687 : vector<128xi32> to vector<1x128xi32>
    %eq3A_689 = vector.broadcast %broadcast_in_dim3A_688 : vector<1x128xi32> to vector<16x128xi32>
    %eq3A_690 = arith.cmpi eq, %iota3A, %eq3A_689 : vector<16x128xi32>
    %get3A_691 = arith.constant 0 : index
    %get3A_692 = arith.constant 0 : index
    %get3A_693 = arith.constant 2560 : index
    %get3A_694 = vector.load %arg1[%get3A_691, %get3A_692, %get3A_693] : memref<1x16x8192xf32, #tpu.memory_space<vmem>>, vector<1x16x128xf32>
    %get3A_695 = vector.shape_cast %get3A_694 : vector<1x16x128xf32> to vector<16x128xf32>
    %jit3A_696 = arith.constant 0.000000e+00 : f32
    %broadcast_in_dim3A_697 = vector.broadcast %jit3A_696 : f32 to vector<16x128xf32>
    %select_n3A_698 = arith.select %eq3A_690, %get3A_695, %broadcast_in_dim3A_697 : vector<16x128xi1>, vector<16x128xf32>
    %reduce_sum3A_699 = arith.constant dense<0.000000e+00> : vector<128xf32>
    %reduce_sum3A_700 = vector.multi_reduction <add>, %select_n3A_698, %reduce_sum3A_699 [0] : vector<16x128xf32> to vector<128xf32>
    %get3A_701 = arith.constant 0 : index
    %get3A_702 = arith.constant 0 : index
    %get3A_703 = arith.constant 2560 : index
    %get3A_704 = vector.load %arg2[%get3A_701, %get3A_702, %get3A_703] : memref<1x16x8192xf32, #tpu.memory_space<vmem>>, vector<1x16x128xf32>
    %get3A_705 = vector.shape_cast %get3A_704 : vector<1x16x128xf32> to vector<16x128xf32>
    %jit3A_706 = arith.constant 0.000000e+00 : f32
    %broadcast_in_dim3A_707 = vector.broadcast %jit3A_706 : f32 to vector<16x128xf32>
    %select_n3A_708 = arith.select %eq3A_690, %get3A_705, %broadcast_in_dim3A_707 : vector<16x128xi1>, vector<16x128xf32>
    %reduce_sum3A_709 = arith.constant dense<0.000000e+00> : vector<128xf32>
    %reduce_sum3A_710 = vector.multi_reduction <add>, %select_n3A_708, %reduce_sum3A_709 [0] : vector<16x128xf32> to vector<128xf32>
    %get3A_711 = arith.constant 2560 : index
    %get3A_712 = vector.load %arg4[%get3A_711] : memref<8192xf32, #tpu.memory_space<vmem>>, vector<128xf32>
    %mul3A_713 = arith.mulf %reduce_sum3A_710, %get3A_712 : vector<128xf32>
    %add3A_714 = arith.addf %reduce_sum3A_700, %mul3A_713 : vector<128xf32>
    %swap3A_715 = arith.constant 2560 : index
    %swap3A_716 = vector.load %arg5[%swap3A_715] : memref<8192xf32, #tpu.memory_space<vmem>>, vector<128xf32>
    tpu.vector_store %arg5[%swap3A_715], %add3A_714 {strides = array<i32>} : memref<8192xf32, #tpu.memory_space<vmem>>, vector<128xf32>,
    %get3A_717 = arith.constant 21 : index
    %get3A_718 = arith.index_cast %select_n3A_7 : i32 to index
    %get3A_719 = arith.constant 0 : index
    %get3A_720 = vector.load %arg3[%get3A_717, %get3A_718, %get3A_719] : memref<64x8x128xi32, #tpu.memory_space<vmem>>, vector<1x1x128xi32>
    %get3A_721 = vector.shape_cast %get3A_720 : vector<1x1x128xi32> to vector<128xi32>
    %broadcast_in_dim3A_722 = vector.shape_cast %get3A_721 : vector<128xi32> to vector<1x128xi32>
    %eq3A_723 = vector.broadcast %broadcast_in_dim3A_722 : vector<1x128xi32> to vector<16x128xi32>
    %eq3A_724 = arith.cmpi eq, %iota3A, %eq3A_723 : vector<16x128xi32>
    %get3A_725 = arith.constant 0 : index
    %get3A_726 = arith.constant 0 : index
    %get3A_727 = arith.constant 2688 : index
    %get3A_728 = vector.load %arg1[%get3A_725, %get3A_726, %get3A_727] : memref<1x16x8192xf32, #tpu.memory_space<vmem>>, vector<1x16x128xf32>
    %get3A_729 = vector.shape_cast %get3A_728 : vector<1x16x128xf32> to vector<16x128xf32>
    %jit3A_730 = arith.constant 0.000000e+00 : f32
    %broadcast_in_dim3A_731 = vector.broadcast %jit3A_730 : f32 to vector<16x128xf32>
    %select_n3A_732 = arith.select %eq3A_724, %get3A_729, %broadcast_in_dim3A_731 : vector<16x128xi1>, vector<16x128xf32>
    %reduce_sum3A_733 = arith.constant dense<0.000000e+00> : vector<128xf32>
    %reduce_sum3A_734 = vector.multi_reduction <add>, %select_n3A_732, %reduce_sum3A_733 [0] : vector<16x128xf32> to vector<128xf32>
    %get3A_735 = arith.constant 0 : index
    %get3A_736 = arith.constant 0 : index
    %get3A_737 = arith.constant 2688 : index
    %get3A_738 = vector.load %arg2[%get3A_735, %get3A_736, %get3A_737] : memref<1x16x8192xf32, #tpu.memory_space<vmem>>, vector<1x16x128xf32>
    %get3A_739 = vector.shape_cast %get3A_738 : vector<1x16x128xf32> to vector<16x128xf32>
    %jit3A_740 = arith.constant 0.000000e+00 : f32
    %broadcast_in_dim3A_741 = vector.broadcast %jit3A_740 : f32 to vector<16x128xf32>
    %select_n3A_742 = arith.select %eq3A_724, %get3A_739, %broadcast_in_dim3A_741 : vector<16x128xi1>, vector<16x128xf32>
    %reduce_sum3A_743 = arith.constant dense<0.000000e+00> : vector<128xf32>
    %reduce_sum3A_744 = vector.multi_reduction <add>, %select_n3A_742, %reduce_sum3A_743 [0] : vector<16x128xf32> to vector<128xf32>
    %get3A_745 = arith.constant 2688 : index
    %get3A_746 = vector.load %arg4[%get3A_745] : memref<8192xf32, #tpu.memory_space<vmem>>, vector<128xf32>
    %mul3A_747 = arith.mulf %reduce_sum3A_744, %get3A_746 : vector<128xf32>
    %add3A_748 = arith.addf %reduce_sum3A_734, %mul3A_747 : vector<128xf32>
    %swap3A_749 = arith.constant 2688 : index
    %swap3A_750 = vector.load %arg5[%swap3A_749] : memref<8192xf32, #tpu.memory_space<vmem>>, vector<128xf32>
    tpu.vector_store %arg5[%swap3A_749], %add3A_748 {strides = array<i32>} : memref<8192xf32, #tpu.memory_space<vmem>>, vector<128xf32>,
    %get3A_751 = arith.constant 22 : index
    %get3A_752 = arith.index_cast %select_n3A_7 : i32 to index
    %get3A_753 = arith.constant 0 : index
    %get3A_754 = vector.load %arg3[%get3A_751, %get3A_752, %get3A_753] : memref<64x8x128xi32, #tpu.memory_space<vmem>>, vector<1x1x128xi32>
    %get3A_755 = vector.shape_cast %get3A_754 : vector<1x1x128xi32> to vector<128xi32>
    %broadcast_in_dim3A_756 = vector.shape_cast %get3A_755 : vector<128xi32> to vector<1x128xi32>
    %eq3A_757 = vector.broadcast %broadcast_in_dim3A_756 : vector<1x128xi32> to vector<16x128xi32>
    %eq3A_758 = arith.cmpi eq, %iota3A, %eq3A_757 : vector<16x128xi32>
    %get3A_759 = arith.constant 0 : index
    %get3A_760 = arith.constant 0 : index
    %get3A_761 = arith.constant 2816 : index
    %get3A_762 = vector.load %arg1[%get3A_759, %get3A_760, %get3A_761] : memref<1x16x8192xf32, #tpu.memory_space<vmem>>, vector<1x16x128xf32>
    %get3A_763 = vector.shape_cast %get3A_762 : vector<1x16x128xf32> to vector<16x128xf32>
    %jit3A_764 = arith.constant 0.000000e+00 : f32
    %broadcast_in_dim3A_765 = vector.broadcast %jit3A_764 : f32 to vector<16x128xf32>
    %select_n3A_766 = arith.select %eq3A_758, %get3A_763, %broadcast_in_dim3A_765 : vector<16x128xi1>, vector<16x128xf32>
    %reduce_sum3A_767 = arith.constant dense<0.000000e+00> : vector<128xf32>
    %reduce_sum3A_768 = vector.multi_reduction <add>, %select_n3A_766, %reduce_sum3A_767 [0] : vector<16x128xf32> to vector<128xf32>
    %get3A_769 = arith.constant 0 : index
    %get3A_770 = arith.constant 0 : index
    %get3A_771 = arith.constant 2816 : index
    %get3A_772 = vector.load %arg2[%get3A_769, %get3A_770, %get3A_771] : memref<1x16x8192xf32, #tpu.memory_space<vmem>>, vector<1x16x128xf32>
    %get3A_773 = vector.shape_cast %get3A_772 : vector<1x16x128xf32> to vector<16x128xf32>
    %jit3A_774 = arith.constant 0.000000e+00 : f32
    %broadcast_in_dim3A_775 = vector.broadcast %jit3A_774 : f32 to vector<16x128xf32>
    %select_n3A_776 = arith.select %eq3A_758, %get3A_773, %broadcast_in_dim3A_775 : vector<16x128xi1>, vector<16x128xf32>
    %reduce_sum3A_777 = arith.constant dense<0.000000e+00> : vector<128xf32>
    %reduce_sum3A_778 = vector.multi_reduction <add>, %select_n3A_776, %reduce_sum3A_777 [0] : vector<16x128xf32> to vector<128xf32>
    %get3A_779 = arith.constant 2816 : index
    %get3A_780 = vector.load %arg4[%get3A_779] : memref<8192xf32, #tpu.memory_space<vmem>>, vector<128xf32>
    %mul3A_781 = arith.mulf %reduce_sum3A_778, %get3A_780 : vector<128xf32>
    %add3A_782 = arith.addf %reduce_sum3A_768, %mul3A_781 : vector<128xf32>
    %swap3A_783 = arith.constant 2816 : index
    %swap3A_784 = vector.load %arg5[%swap3A_783] : memref<8192xf32, #tpu.memory_space<vmem>>, vector<128xf32>
    tpu.vector_store %arg5[%swap3A_783], %add3A_782 {strides = array<i32>} : memref<8192xf32, #tpu.memory_space<vmem>>, vector<128xf32>,
    %get3A_785 = arith.constant 23 : index
    %get3A_786 = arith.index_cast %select_n3A_7 : i32 to index
    %get3A_787 = arith.constant 0 : index
    %get3A_788 = vector.load %arg3[%get3A_785, %get3A_786, %get3A_787] : memref<64x8x128xi32, #tpu.memory_space<vmem>>, vector<1x1x128xi32>
    %get3A_789 = vector.shape_cast %get3A_788 : vector<1x1x128xi32> to vector<128xi32>
    %broadcast_in_dim3A_790 = vector.shape_cast %get3A_789 : vector<128xi32> to vector<1x128xi32>
    %eq3A_791 = vector.broadcast %broadcast_in_dim3A_790 : vector<1x128xi32> to vector<16x128xi32>
    %eq3A_792 = arith.cmpi eq, %iota3A, %eq3A_791 : vector<16x128xi32>
    %get3A_793 = arith.constant 0 : index
    %get3A_794 = arith.constant 0 : index
    %get3A_795 = arith.constant 2944 : index
    %get3A_796 = vector.load %arg1[%get3A_793, %get3A_794, %get3A_795] : memref<1x16x8192xf32, #tpu.memory_space<vmem>>, vector<1x16x128xf32>
    %get3A_797 = vector.shape_cast %get3A_796 : vector<1x16x128xf32> to vector<16x128xf32>
    %jit3A_798 = arith.constant 0.000000e+00 : f32
    %broadcast_in_dim3A_799 = vector.broadcast %jit3A_798 : f32 to vector<16x128xf32>
    %select_n3A_800 = arith.select %eq3A_792, %get3A_797, %broadcast_in_dim3A_799 : vector<16x128xi1>, vector<16x128xf32>
    %reduce_sum3A_801 = arith.constant dense<0.000000e+00> : vector<128xf32>
    %reduce_sum3A_802 = vector.multi_reduction <add>, %select_n3A_800, %reduce_sum3A_801 [0] : vector<16x128xf32> to vector<128xf32>
    %get3A_803 = arith.constant 0 : index
    %get3A_804 = arith.constant 0 : index
    %get3A_805 = arith.constant 2944 : index
    %get3A_806 = vector.load %arg2[%get3A_803, %get3A_804, %get3A_805] : memref<1x16x8192xf32, #tpu.memory_space<vmem>>, vector<1x16x128xf32>
    %get3A_807 = vector.shape_cast %get3A_806 : vector<1x16x128xf32> to vector<16x128xf32>
    %jit3A_808 = arith.constant 0.000000e+00 : f32
    %broadcast_in_dim3A_809 = vector.broadcast %jit3A_808 : f32 to vector<16x128xf32>
    %select_n3A_810 = arith.select %eq3A_792, %get3A_807, %broadcast_in_dim3A_809 : vector<16x128xi1>, vector<16x128xf32>
    %reduce_sum3A_811 = arith.constant dense<0.000000e+00> : vector<128xf32>
    %reduce_sum3A_812 = vector.multi_reduction <add>, %select_n3A_810, %reduce_sum3A_811 [0] : vector<16x128xf32> to vector<128xf32>
    %get3A_813 = arith.constant 2944 : index
    %get3A_814 = vector.load %arg4[%get3A_813] : memref<8192xf32, #tpu.memory_space<vmem>>, vector<128xf32>
    %mul3A_815 = arith.mulf %reduce_sum3A_812, %get3A_814 : vector<128xf32>
    %add3A_816 = arith.addf %reduce_sum3A_802, %mul3A_815 : vector<128xf32>
    %swap3A_817 = arith.constant 2944 : index
    %swap3A_818 = vector.load %arg5[%swap3A_817] : memref<8192xf32, #tpu.memory_space<vmem>>, vector<128xf32>
    tpu.vector_store %arg5[%swap3A_817], %add3A_816 {strides = array<i32>} : memref<8192xf32, #tpu.memory_space<vmem>>, vector<128xf32>,
    %get3A_819 = arith.constant 24 : index
    %get3A_820 = arith.index_cast %select_n3A_7 : i32 to index
    %get3A_821 = arith.constant 0 : index
    %get3A_822 = vector.load %arg3[%get3A_819, %get3A_820, %get3A_821] : memref<64x8x128xi32, #tpu.memory_space<vmem>>, vector<1x1x128xi32>
    %get3A_823 = vector.shape_cast %get3A_822 : vector<1x1x128xi32> to vector<128xi32>
    %broadcast_in_dim3A_824 = vector.shape_cast %get3A_823 : vector<128xi32> to vector<1x128xi32>
    %eq3A_825 = vector.broadcast %broadcast_in_dim3A_824 : vector<1x128xi32> to vector<16x128xi32>
    %eq3A_826 = arith.cmpi eq, %iota3A, %eq3A_825 : vector<16x128xi32>
    %get3A_827 = arith.constant 0 : index
    %get3A_828 = arith.constant 0 : index
    %get3A_829 = arith.constant 3072 : index
    %get3A_830 = vector.load %arg1[%get3A_827, %get3A_828, %get3A_829] : memref<1x16x8192xf32, #tpu.memory_space<vmem>>, vector<1x16x128xf32>
    %get3A_831 = vector.shape_cast %get3A_830 : vector<1x16x128xf32> to vector<16x128xf32>
    %jit3A_832 = arith.constant 0.000000e+00 : f32
    %broadcast_in_dim3A_833 = vector.broadcast %jit3A_832 : f32 to vector<16x128xf32>
    %select_n3A_834 = arith.select %eq3A_826, %get3A_831, %broadcast_in_dim3A_833 : vector<16x128xi1>, vector<16x128xf32>
    %reduce_sum3A_835 = arith.constant dense<0.000000e+00> : vector<128xf32>
    %reduce_sum3A_836 = vector.multi_reduction <add>, %select_n3A_834, %reduce_sum3A_835 [0] : vector<16x128xf32> to vector<128xf32>
    %get3A_837 = arith.constant 0 : index
    %get3A_838 = arith.constant 0 : index
    %get3A_839 = arith.constant 3072 : index
    %get3A_840 = vector.load %arg2[%get3A_837, %get3A_838, %get3A_839] : memref<1x16x8192xf32, #tpu.memory_space<vmem>>, vector<1x16x128xf32>
    %get3A_841 = vector.shape_cast %get3A_840 : vector<1x16x128xf32> to vector<16x128xf32>
    %jit3A_842 = arith.constant 0.000000e+00 : f32
    %broadcast_in_dim3A_843 = vector.broadcast %jit3A_842 : f32 to vector<16x128xf32>
    %select_n3A_844 = arith.select %eq3A_826, %get3A_841, %broadcast_in_dim3A_843 : vector<16x128xi1>, vector<16x128xf32>
    %reduce_sum3A_845 = arith.constant dense<0.000000e+00> : vector<128xf32>
    %reduce_sum3A_846 = vector.multi_reduction <add>, %select_n3A_844, %reduce_sum3A_845 [0] : vector<16x128xf32> to vector<128xf32>
    %get3A_847 = arith.constant 3072 : index
    %get3A_848 = vector.load %arg4[%get3A_847] : memref<8192xf32, #tpu.memory_space<vmem>>, vector<128xf32>
    %mul3A_849 = arith.mulf %reduce_sum3A_846, %get3A_848 : vector<128xf32>
    %add3A_850 = arith.addf %reduce_sum3A_836, %mul3A_849 : vector<128xf32>
    %swap3A_851 = arith.constant 3072 : index
    %swap3A_852 = vector.load %arg5[%swap3A_851] : memref<8192xf32, #tpu.memory_space<vmem>>, vector<128xf32>
    tpu.vector_store %arg5[%swap3A_851], %add3A_850 {strides = array<i32>} : memref<8192xf32, #tpu.memory_space<vmem>>, vector<128xf32>,
    %get3A_853 = arith.constant 25 : index
    %get3A_854 = arith.index_cast %select_n3A_7 : i32 to index
    %get3A_855 = arith.constant 0 : index
    %get3A_856 = vector.load %arg3[%get3A_853, %get3A_854, %get3A_855] : memref<64x8x128xi32, #tpu.memory_space<vmem>>, vector<1x1x128xi32>
    %get3A_857 = vector.shape_cast %get3A_856 : vector<1x1x128xi32> to vector<128xi32>
    %broadcast_in_dim3A_858 = vector.shape_cast %get3A_857 : vector<128xi32> to vector<1x128xi32>
    %eq3A_859 = vector.broadcast %broadcast_in_dim3A_858 : vector<1x128xi32> to vector<16x128xi32>
    %eq3A_860 = arith.cmpi eq, %iota3A, %eq3A_859 : vector<16x128xi32>
    %get3A_861 = arith.constant 0 : index
    %get3A_862 = arith.constant 0 : index
    %get3A_863 = arith.constant 3200 : index
    %get3A_864 = vector.load %arg1[%get3A_861, %get3A_862, %get3A_863] : memref<1x16x8192xf32, #tpu.memory_space<vmem>>, vector<1x16x128xf32>
    %get3A_865 = vector.shape_cast %get3A_864 : vector<1x16x128xf32> to vector<16x128xf32>
    %jit3A_866 = arith.constant 0.000000e+00 : f32
    %broadcast_in_dim3A_867 = vector.broadcast %jit3A_866 : f32 to vector<16x128xf32>
    %select_n3A_868 = arith.select %eq3A_860, %get3A_865, %broadcast_in_dim3A_867 : vector<16x128xi1>, vector<16x128xf32>
    %reduce_sum3A_869 = arith.constant dense<0.000000e+00> : vector<128xf32>
    %reduce_sum3A_870 = vector.multi_reduction <add>, %select_n3A_868, %reduce_sum3A_869 [0] : vector<16x128xf32> to vector<128xf32>
    %get3A_871 = arith.constant 0 : index
    %get3A_872 = arith.constant 0 : index
    %get3A_873 = arith.constant 3200 : index
    %get3A_874 = vector.load %arg2[%get3A_871, %get3A_872, %get3A_873] : memref<1x16x8192xf32, #tpu.memory_space<vmem>>, vector<1x16x128xf32>
    %get3A_875 = vector.shape_cast %get3A_874 : vector<1x16x128xf32> to vector<16x128xf32>
    %jit3A_876 = arith.constant 0.000000e+00 : f32
    %broadcast_in_dim3A_877 = vector.broadcast %jit3A_876 : f32 to vector<16x128xf32>
    %select_n3A_878 = arith.select %eq3A_860, %get3A_875, %broadcast_in_dim3A_877 : vector<16x128xi1>, vector<16x128xf32>
    %reduce_sum3A_879 = arith.constant dense<0.000000e+00> : vector<128xf32>
    %reduce_sum3A_880 = vector.multi_reduction <add>, %select_n3A_878, %reduce_sum3A_879 [0] : vector<16x128xf32> to vector<128xf32>
    %get3A_881 = arith.constant 3200 : index
    %get3A_882 = vector.load %arg4[%get3A_881] : memref<8192xf32, #tpu.memory_space<vmem>>, vector<128xf32>
    %mul3A_883 = arith.mulf %reduce_sum3A_880, %get3A_882 : vector<128xf32>
    %add3A_884 = arith.addf %reduce_sum3A_870, %mul3A_883 : vector<128xf32>
    %swap3A_885 = arith.constant 3200 : index
    %swap3A_886 = vector.load %arg5[%swap3A_885] : memref<8192xf32, #tpu.memory_space<vmem>>, vector<128xf32>
    tpu.vector_store %arg5[%swap3A_885], %add3A_884 {strides = array<i32>} : memref<8192xf32, #tpu.memory_space<vmem>>, vector<128xf32>,
    %get3A_887 = arith.constant 26 : index
    %get3A_888 = arith.index_cast %select_n3A_7 : i32 to index
    %get3A_889 = arith.constant 0 : index
    %get3A_890 = vector.load %arg3[%get3A_887, %get3A_888, %get3A_889] : memref<64x8x128xi32, #tpu.memory_space<vmem>>, vector<1x1x128xi32>
    %get3A_891 = vector.shape_cast %get3A_890 : vector<1x1x128xi32> to vector<128xi32>
    %broadcast_in_dim3A_892 = vector.shape_cast %get3A_891 : vector<128xi32> to vector<1x128xi32>
    %eq3A_893 = vector.broadcast %broadcast_in_dim3A_892 : vector<1x128xi32> to vector<16x128xi32>
    %eq3A_894 = arith.cmpi eq, %iota3A, %eq3A_893 : vector<16x128xi32>
    %get3A_895 = arith.constant 0 : index
    %get3A_896 = arith.constant 0 : index
    %get3A_897 = arith.constant 3328 : index
    %get3A_898 = vector.load %arg1[%get3A_895, %get3A_896, %get3A_897] : memref<1x16x8192xf32, #tpu.memory_space<vmem>>, vector<1x16x128xf32>
    %get3A_899 = vector.shape_cast %get3A_898 : vector<1x16x128xf32> to vector<16x128xf32>
    %jit3A_900 = arith.constant 0.000000e+00 : f32
    %broadcast_in_dim3A_901 = vector.broadcast %jit3A_900 : f32 to vector<16x128xf32>
    %select_n3A_902 = arith.select %eq3A_894, %get3A_899, %broadcast_in_dim3A_901 : vector<16x128xi1>, vector<16x128xf32>
    %reduce_sum3A_903 = arith.constant dense<0.000000e+00> : vector<128xf32>
    %reduce_sum3A_904 = vector.multi_reduction <add>, %select_n3A_902, %reduce_sum3A_903 [0] : vector<16x128xf32> to vector<128xf32>
    %get3A_905 = arith.constant 0 : index
    %get3A_906 = arith.constant 0 : index
    %get3A_907 = arith.constant 3328 : index
    %get3A_908 = vector.load %arg2[%get3A_905, %get3A_906, %get3A_907] : memref<1x16x8192xf32, #tpu.memory_space<vmem>>, vector<1x16x128xf32>
    %get3A_909 = vector.shape_cast %get3A_908 : vector<1x16x128xf32> to vector<16x128xf32>
    %jit3A_910 = arith.constant 0.000000e+00 : f32
    %broadcast_in_dim3A_911 = vector.broadcast %jit3A_910 : f32 to vector<16x128xf32>
    %select_n3A_912 = arith.select %eq3A_894, %get3A_909, %broadcast_in_dim3A_911 : vector<16x128xi1>, vector<16x128xf32>
    %reduce_sum3A_913 = arith.constant dense<0.000000e+00> : vector<128xf32>
    %reduce_sum3A_914 = vector.multi_reduction <add>, %select_n3A_912, %reduce_sum3A_913 [0] : vector<16x128xf32> to vector<128xf32>
    %get3A_915 = arith.constant 3328 : index
    %get3A_916 = vector.load %arg4[%get3A_915] : memref<8192xf32, #tpu.memory_space<vmem>>, vector<128xf32>
    %mul3A_917 = arith.mulf %reduce_sum3A_914, %get3A_916 : vector<128xf32>
    %add3A_918 = arith.addf %reduce_sum3A_904, %mul3A_917 : vector<128xf32>
    %swap3A_919 = arith.constant 3328 : index
    %swap3A_920 = vector.load %arg5[%swap3A_919] : memref<8192xf32, #tpu.memory_space<vmem>>, vector<128xf32>
    tpu.vector_store %arg5[%swap3A_919], %add3A_918 {strides = array<i32>} : memref<8192xf32, #tpu.memory_space<vmem>>, vector<128xf32>,
    %get3A_921 = arith.constant 27 : index
    %get3A_922 = arith.index_cast %select_n3A_7 : i32 to index
    %get3A_923 = arith.constant 0 : index
    %get3A_924 = vector.load %arg3[%get3A_921, %get3A_922, %get3A_923] : memref<64x8x128xi32, #tpu.memory_space<vmem>>, vector<1x1x128xi32>
    %get3A_925 = vector.shape_cast %get3A_924 : vector<1x1x128xi32> to vector<128xi32>
    %broadcast_in_dim3A_926 = vector.shape_cast %get3A_925 : vector<128xi32> to vector<1x128xi32>
    %eq3A_927 = vector.broadcast %broadcast_in_dim3A_926 : vector<1x128xi32> to vector<16x128xi32>
    %eq3A_928 = arith.cmpi eq, %iota3A, %eq3A_927 : vector<16x128xi32>
    %get3A_929 = arith.constant 0 : index
    %get3A_930 = arith.constant 0 : index
    %get3A_931 = arith.constant 3456 : index
    %get3A_932 = vector.load %arg1[%get3A_929, %get3A_930, %get3A_931] : memref<1x16x8192xf32, #tpu.memory_space<vmem>>, vector<1x16x128xf32>
    %get3A_933 = vector.shape_cast %get3A_932 : vector<1x16x128xf32> to vector<16x128xf32>
    %jit3A_934 = arith.constant 0.000000e+00 : f32
    %broadcast_in_dim3A_935 = vector.broadcast %jit3A_934 : f32 to vector<16x128xf32>
    %select_n3A_936 = arith.select %eq3A_928, %get3A_933, %broadcast_in_dim3A_935 : vector<16x128xi1>, vector<16x128xf32>
    %reduce_sum3A_937 = arith.constant dense<0.000000e+00> : vector<128xf32>
    %reduce_sum3A_938 = vector.multi_reduction <add>, %select_n3A_936, %reduce_sum3A_937 [0] : vector<16x128xf32> to vector<128xf32>
    %get3A_939 = arith.constant 0 : index
    %get3A_940 = arith.constant 0 : index
    %get3A_941 = arith.constant 3456 : index
    %get3A_942 = vector.load %arg2[%get3A_939, %get3A_940, %get3A_941] : memref<1x16x8192xf32, #tpu.memory_space<vmem>>, vector<1x16x128xf32>
    %get3A_943 = vector.shape_cast %get3A_942 : vector<1x16x128xf32> to vector<16x128xf32>
    %jit3A_944 = arith.constant 0.000000e+00 : f32
    %broadcast_in_dim3A_945 = vector.broadcast %jit3A_944 : f32 to vector<16x128xf32>
    %select_n3A_946 = arith.select %eq3A_928, %get3A_943, %broadcast_in_dim3A_945 : vector<16x128xi1>, vector<16x128xf32>
    %reduce_sum3A_947 = arith.constant dense<0.000000e+00> : vector<128xf32>
    %reduce_sum3A_948 = vector.multi_reduction <add>, %select_n3A_946, %reduce_sum3A_947 [0] : vector<16x128xf32> to vector<128xf32>
    %get3A_949 = arith.constant 3456 : index
    %get3A_950 = vector.load %arg4[%get3A_949] : memref<8192xf32, #tpu.memory_space<vmem>>, vector<128xf32>
    %mul3A_951 = arith.mulf %reduce_sum3A_948, %get3A_950 : vector<128xf32>
    %add3A_952 = arith.addf %reduce_sum3A_938, %mul3A_951 : vector<128xf32>
    %swap3A_953 = arith.constant 3456 : index
    %swap3A_954 = vector.load %arg5[%swap3A_953] : memref<8192xf32, #tpu.memory_space<vmem>>, vector<128xf32>
    tpu.vector_store %arg5[%swap3A_953], %add3A_952 {strides = array<i32>} : memref<8192xf32, #tpu.memory_space<vmem>>, vector<128xf32>,
    %get3A_955 = arith.constant 28 : index
    %get3A_956 = arith.index_cast %select_n3A_7 : i32 to index
    %get3A_957 = arith.constant 0 : index
    %get3A_958 = vector.load %arg3[%get3A_955, %get3A_956, %get3A_957] : memref<64x8x128xi32, #tpu.memory_space<vmem>>, vector<1x1x128xi32>
    %get3A_959 = vector.shape_cast %get3A_958 : vector<1x1x128xi32> to vector<128xi32>
    %broadcast_in_dim3A_960 = vector.shape_cast %get3A_959 : vector<128xi32> to vector<1x128xi32>
    %eq3A_961 = vector.broadcast %broadcast_in_dim3A_960 : vector<1x128xi32> to vector<16x128xi32>
    %eq3A_962 = arith.cmpi eq, %iota3A, %eq3A_961 : vector<16x128xi32>
    %get3A_963 = arith.constant 0 : index
    %get3A_964 = arith.constant 0 : index
    %get3A_965 = arith.constant 3584 : index
    %get3A_966 = vector.load %arg1[%get3A_963, %get3A_964, %get3A_965] : memref<1x16x8192xf32, #tpu.memory_space<vmem>>, vector<1x16x128xf32>
    %get3A_967 = vector.shape_cast %get3A_966 : vector<1x16x128xf32> to vector<16x128xf32>
    %jit3A_968 = arith.constant 0.000000e+00 : f32
    %broadcast_in_dim3A_969 = vector.broadcast %jit3A_968 : f32 to vector<16x128xf32>
    %select_n3A_970 = arith.select %eq3A_962, %get3A_967, %broadcast_in_dim3A_969 : vector<16x128xi1>, vector<16x128xf32>
    %reduce_sum3A_971 = arith.constant dense<0.000000e+00> : vector<128xf32>
    %reduce_sum3A_972 = vector.multi_reduction <add>, %select_n3A_970, %reduce_sum3A_971 [0] : vector<16x128xf32> to vector<128xf32>
    %get3A_973 = arith.constant 0 : index
    %get3A_974 = arith.constant 0 : index
    %get3A_975 = arith.constant 3584 : index
    %get3A_976 = vector.load %arg2[%get3A_973, %get3A_974, %get3A_975] : memref<1x16x8192xf32, #tpu.memory_space<vmem>>, vector<1x16x128xf32>
    %get3A_977 = vector.shape_cast %get3A_976 : vector<1x16x128xf32> to vector<16x128xf32>
    %jit3A_978 = arith.constant 0.000000e+00 : f32
    %broadcast_in_dim3A_979 = vector.broadcast %jit3A_978 : f32 to vector<16x128xf32>
    %select_n3A_980 = arith.select %eq3A_962, %get3A_977, %broadcast_in_dim3A_979 : vector<16x128xi1>, vector<16x128xf32>
    %reduce_sum3A_981 = arith.constant dense<0.000000e+00> : vector<128xf32>
    %reduce_sum3A_982 = vector.multi_reduction <add>, %select_n3A_980, %reduce_sum3A_981 [0] : vector<16x128xf32> to vector<128xf32>
    %get3A_983 = arith.constant 3584 : index
    %get3A_984 = vector.load %arg4[%get3A_983] : memref<8192xf32, #tpu.memory_space<vmem>>, vector<128xf32>
    %mul3A_985 = arith.mulf %reduce_sum3A_982, %get3A_984 : vector<128xf32>
    %add3A_986 = arith.addf %reduce_sum3A_972, %mul3A_985 : vector<128xf32>
    %swap3A_987 = arith.constant 3584 : index
    %swap3A_988 = vector.load %arg5[%swap3A_987] : memref<8192xf32, #tpu.memory_space<vmem>>, vector<128xf32>
    tpu.vector_store %arg5[%swap3A_987], %add3A_986 {strides = array<i32>} : memref<8192xf32, #tpu.memory_space<vmem>>, vector<128xf32>,
    %get3A_989 = arith.constant 29 : index
    %get3A_990 = arith.index_cast %select_n3A_7 : i32 to index
    %get3A_991 = arith.constant 0 : index
    %get3A_992 = vector.load %arg3[%get3A_989, %get3A_990, %get3A_991] : memref<64x8x128xi32, #tpu.memory_space<vmem>>, vector<1x1x128xi32>
    %get3A_993 = vector.shape_cast %get3A_992 : vector<1x1x128xi32> to vector<128xi32>
    %broadcast_in_dim3A_994 = vector.shape_cast %get3A_993 : vector<128xi32> to vector<1x128xi32>
    %eq3A_995 = vector.broadcast %broadcast_in_dim3A_994 : vector<1x128xi32> to vector<16x128xi32>
    %eq3A_996 = arith.cmpi eq, %iota3A, %eq3A_995 : vector<16x128xi32>
    %get3A_997 = arith.constant 0 : index
    %get3A_998 = arith.constant 0 : index
    %get3A_999 = arith.constant 3712 : index
    %get3A_1000 = vector.load %arg1[%get3A_997, %get3A_998, %get3A_999] : memref<1x16x8192xf32, #tpu.memory_space<vmem>>, vector<1x16x128xf32>
    %get3A_1001 = vector.shape_cast %get3A_1000 : vector<1x16x128xf32> to vector<16x128xf32>
    %jit3A_1002 = arith.constant 0.000000e+00 : f32
    %broadcast_in_dim3A_1003 = vector.broadcast %jit3A_1002 : f32 to vector<16x128xf32>
    %select_n3A_1004 = arith.select %eq3A_996, %get3A_1001, %broadcast_in_dim3A_1003 : vector<16x128xi1>, vector<16x128xf32>
    %reduce_sum3A_1005 = arith.constant dense<0.000000e+00> : vector<128xf32>
    %reduce_sum3A_1006 = vector.multi_reduction <add>, %select_n3A_1004, %reduce_sum3A_1005 [0] : vector<16x128xf32> to vector<128xf32>
    %get3A_1007 = arith.constant 0 : index
    %get3A_1008 = arith.constant 0 : index
    %get3A_1009 = arith.constant 3712 : index
    %get3A_1010 = vector.load %arg2[%get3A_1007, %get3A_1008, %get3A_1009] : memref<1x16x8192xf32, #tpu.memory_space<vmem>>, vector<1x16x128xf32>
    %get3A_1011 = vector.shape_cast %get3A_1010 : vector<1x16x128xf32> to vector<16x128xf32>
    %jit3A_1012 = arith.constant 0.000000e+00 : f32
    %broadcast_in_dim3A_1013 = vector.broadcast %jit3A_1012 : f32 to vector<16x128xf32>
    %select_n3A_1014 = arith.select %eq3A_996, %get3A_1011, %broadcast_in_dim3A_1013 : vector<16x128xi1>, vector<16x128xf32>
    %reduce_sum3A_1015 = arith.constant dense<0.000000e+00> : vector<128xf32>
    %reduce_sum3A_1016 = vector.multi_reduction <add>, %select_n3A_1014, %reduce_sum3A_1015 [0] : vector<16x128xf32> to vector<128xf32>
    %get3A_1017 = arith.constant 3712 : index
    %get3A_1018 = vector.load %arg4[%get3A_1017] : memref<8192xf32, #tpu.memory_space<vmem>>, vector<128xf32>
    %mul3A_1019 = arith.mulf %reduce_sum3A_1016, %get3A_1018 : vector<128xf32>
    %add3A_1020 = arith.addf %reduce_sum3A_1006, %mul3A_1019 : vector<128xf32>
    %swap3A_1021 = arith.constant 3712 : index
    %swap3A_1022 = vector.load %arg5[%swap3A_1021] : memref<8192xf32, #tpu.memory_space<vmem>>, vector<128xf32>
    tpu.vector_store %arg5[%swap3A_1021], %add3A_1020 {strides = array<i32>} : memref<8192xf32, #tpu.memory_space<vmem>>, vector<128xf32>,
    %get3A_1023 = arith.constant 30 : index
    %get3A_1024 = arith.index_cast %select_n3A_7 : i32 to index
    %get3A_1025 = arith.constant 0 : index
    %get3A_1026 = vector.load %arg3[%get3A_1023, %get3A_1024, %get3A_1025] : memref<64x8x128xi32, #tpu.memory_space<vmem>>, vector<1x1x128xi32>
    %get3A_1027 = vector.shape_cast %get3A_1026 : vector<1x1x128xi32> to vector<128xi32>
    %broadcast_in_dim3A_1028 = vector.shape_cast %get3A_1027 : vector<128xi32> to vector<1x128xi32>
    %eq3A_1029 = vector.broadcast %broadcast_in_dim3A_1028 : vector<1x128xi32> to vector<16x128xi32>
    %eq3A_1030 = arith.cmpi eq, %iota3A, %eq3A_1029 : vector<16x128xi32>
    %get3A_1031 = arith.constant 0 : index
    %get3A_1032 = arith.constant 0 : index
    %get3A_1033 = arith.constant 3840 : index
    %get3A_1034 = vector.load %arg1[%get3A_1031, %get3A_1032, %get3A_1033] : memref<1x16x8192xf32, #tpu.memory_space<vmem>>, vector<1x16x128xf32>
    %get3A_1035 = vector.shape_cast %get3A_1034 : vector<1x16x128xf32> to vector<16x128xf32>
    %jit3A_1036 = arith.constant 0.000000e+00 : f32
    %broadcast_in_dim3A_1037 = vector.broadcast %jit3A_1036 : f32 to vector<16x128xf32>
    %select_n3A_1038 = arith.select %eq3A_1030, %get3A_1035, %broadcast_in_dim3A_1037 : vector<16x128xi1>, vector<16x128xf32>
    %reduce_sum3A_1039 = arith.constant dense<0.000000e+00> : vector<128xf32>
    %reduce_sum3A_1040 = vector.multi_reduction <add>, %select_n3A_1038, %reduce_sum3A_1039 [0] : vector<16x128xf32> to vector<128xf32>
    %get3A_1041 = arith.constant 0 : index
    %get3A_1042 = arith.constant 0 : index
    %get3A_1043 = arith.constant 3840 : index
    %get3A_1044 = vector.load %arg2[%get3A_1041, %get3A_1042, %get3A_1043] : memref<1x16x8192xf32, #tpu.memory_space<vmem>>, vector<1x16x128xf32>
    %get3A_1045 = vector.shape_cast %get3A_1044 : vector<1x16x128xf32> to vector<16x128xf32>
    %jit3A_1046 = arith.constant 0.000000e+00 : f32
    %broadcast_in_dim3A_1047 = vector.broadcast %jit3A_1046 : f32 to vector<16x128xf32>
    %select_n3A_1048 = arith.select %eq3A_1030, %get3A_1045, %broadcast_in_dim3A_1047 : vector<16x128xi1>, vector<16x128xf32>
    %reduce_sum3A_1049 = arith.constant dense<0.000000e+00> : vector<128xf32>
    %reduce_sum3A_1050 = vector.multi_reduction <add>, %select_n3A_1048, %reduce_sum3A_1049 [0] : vector<16x128xf32> to vector<128xf32>
    %get3A_1051 = arith.constant 3840 : index
    %get3A_1052 = vector.load %arg4[%get3A_1051] : memref<8192xf32, #tpu.memory_space<vmem>>, vector<128xf32>
    %mul3A_1053 = arith.mulf %reduce_sum3A_1050, %get3A_1052 : vector<128xf32>
    %add3A_1054 = arith.addf %reduce_sum3A_1040, %mul3A_1053 : vector<128xf32>
    %swap3A_1055 = arith.constant 3840 : index
    %swap3A_1056 = vector.load %arg5[%swap3A_1055] : memref<8192xf32, #tpu.memory_space<vmem>>, vector<128xf32>
    tpu.vector_store %arg5[%swap3A_1055], %add3A_1054 {strides = array<i32>} : memref<8192xf32, #tpu.memory_space<vmem>>, vector<128xf32>,
    %get3A_1057 = arith.constant 31 : index
    %get3A_1058 = arith.index_cast %select_n3A_7 : i32 to index
    %get3A_1059 = arith.constant 0 : index
    %get3A_1060 = vector.load %arg3[%get3A_1057, %get3A_1058, %get3A_1059] : memref<64x8x128xi32, #tpu.memory_space<vmem>>, vector<1x1x128xi32>
    %get3A_1061 = vector.shape_cast %get3A_1060 : vector<1x1x128xi32> to vector<128xi32>
    %broadcast_in_dim3A_1062 = vector.shape_cast %get3A_1061 : vector<128xi32> to vector<1x128xi32>
    %eq3A_1063 = vector.broadcast %broadcast_in_dim3A_1062 : vector<1x128xi32> to vector<16x128xi32>
    %eq3A_1064 = arith.cmpi eq, %iota3A, %eq3A_1063 : vector<16x128xi32>
    %get3A_1065 = arith.constant 0 : index
    %get3A_1066 = arith.constant 0 : index
    %get3A_1067 = arith.constant 3968 : index
    %get3A_1068 = vector.load %arg1[%get3A_1065, %get3A_1066, %get3A_1067] : memref<1x16x8192xf32, #tpu.memory_space<vmem>>, vector<1x16x128xf32>
    %get3A_1069 = vector.shape_cast %get3A_1068 : vector<1x16x128xf32> to vector<16x128xf32>
    %jit3A_1070 = arith.constant 0.000000e+00 : f32
    %broadcast_in_dim3A_1071 = vector.broadcast %jit3A_1070 : f32 to vector<16x128xf32>
    %select_n3A_1072 = arith.select %eq3A_1064, %get3A_1069, %broadcast_in_dim3A_1071 : vector<16x128xi1>, vector<16x128xf32>
    %reduce_sum3A_1073 = arith.constant dense<0.000000e+00> : vector<128xf32>
    %reduce_sum3A_1074 = vector.multi_reduction <add>, %select_n3A_1072, %reduce_sum3A_1073 [0] : vector<16x128xf32> to vector<128xf32>
    %get3A_1075 = arith.constant 0 : index
    %get3A_1076 = arith.constant 0 : index
    %get3A_1077 = arith.constant 3968 : index
    %get3A_1078 = vector.load %arg2[%get3A_1075, %get3A_1076, %get3A_1077] : memref<1x16x8192xf32, #tpu.memory_space<vmem>>, vector<1x16x128xf32>
    %get3A_1079 = vector.shape_cast %get3A_1078 : vector<1x16x128xf32> to vector<16x128xf32>
    %jit3A_1080 = arith.constant 0.000000e+00 : f32
    %broadcast_in_dim3A_1081 = vector.broadcast %jit3A_1080 : f32 to vector<16x128xf32>
    %select_n3A_1082 = arith.select %eq3A_1064, %get3A_1079, %broadcast_in_dim3A_1081 : vector<16x128xi1>, vector<16x128xf32>
    %reduce_sum3A_1083 = arith.constant dense<0.000000e+00> : vector<128xf32>
    %reduce_sum3A_1084 = vector.multi_reduction <add>, %select_n3A_1082, %reduce_sum3A_1083 [0] : vector<16x128xf32> to vector<128xf32>
    %get3A_1085 = arith.constant 3968 : index
    %get3A_1086 = vector.load %arg4[%get3A_1085] : memref<8192xf32, #tpu.memory_space<vmem>>, vector<128xf32>
    %mul3A_1087 = arith.mulf %reduce_sum3A_1084, %get3A_1086 : vector<128xf32>
    %add3A_1088 = arith.addf %reduce_sum3A_1074, %mul3A_1087 : vector<128xf32>
    %swap3A_1089 = arith.constant 3968 : index
    %swap3A_1090 = vector.load %arg5[%swap3A_1089] : memref<8192xf32, #tpu.memory_space<vmem>>, vector<128xf32>
    tpu.vector_store %arg5[%swap3A_1089], %add3A_1088 {strides = array<i32>} : memref<8192xf32, #tpu.memory_space<vmem>>, vector<128xf32>,
    %get3A_1091 = arith.constant 32 : index
    %get3A_1092 = arith.index_cast %select_n3A_7 : i32 to index
    %get3A_1093 = arith.constant 0 : index
    %get3A_1094 = vector.load %arg3[%get3A_1091, %get3A_1092, %get3A_1093] : memref<64x8x128xi32, #tpu.memory_space<vmem>>, vector<1x1x128xi32>
    %get3A_1095 = vector.shape_cast %get3A_1094 : vector<1x1x128xi32> to vector<128xi32>
    %broadcast_in_dim3A_1096 = vector.shape_cast %get3A_1095 : vector<128xi32> to vector<1x128xi32>
    %eq3A_1097 = vector.broadcast %broadcast_in_dim3A_1096 : vector<1x128xi32> to vector<16x128xi32>
    %eq3A_1098 = arith.cmpi eq, %iota3A, %eq3A_1097 : vector<16x128xi32>
    %get3A_1099 = arith.constant 0 : index
    %get3A_1100 = arith.constant 0 : index
    %get3A_1101 = arith.constant 4096 : index
    %get3A_1102 = vector.load %arg1[%get3A_1099, %get3A_1100, %get3A_1101] : memref<1x16x8192xf32, #tpu.memory_space<vmem>>, vector<1x16x128xf32>
    %get3A_1103 = vector.shape_cast %get3A_1102 : vector<1x16x128xf32> to vector<16x128xf32>
    %jit3A_1104 = arith.constant 0.000000e+00 : f32
    %broadcast_in_dim3A_1105 = vector.broadcast %jit3A_1104 : f32 to vector<16x128xf32>
    %select_n3A_1106 = arith.select %eq3A_1098, %get3A_1103, %broadcast_in_dim3A_1105 : vector<16x128xi1>, vector<16x128xf32>
    %reduce_sum3A_1107 = arith.constant dense<0.000000e+00> : vector<128xf32>
    %reduce_sum3A_1108 = vector.multi_reduction <add>, %select_n3A_1106, %reduce_sum3A_1107 [0] : vector<16x128xf32> to vector<128xf32>
    %get3A_1109 = arith.constant 0 : index
    %get3A_1110 = arith.constant 0 : index
    %get3A_1111 = arith.constant 4096 : index
    %get3A_1112 = vector.load %arg2[%get3A_1109, %get3A_1110, %get3A_1111] : memref<1x16x8192xf32, #tpu.memory_space<vmem>>, vector<1x16x128xf32>
    %get3A_1113 = vector.shape_cast %get3A_1112 : vector<1x16x128xf32> to vector<16x128xf32>
    %jit3A_1114 = arith.constant 0.000000e+00 : f32
    %broadcast_in_dim3A_1115 = vector.broadcast %jit3A_1114 : f32 to vector<16x128xf32>
    %select_n3A_1116 = arith.select %eq3A_1098, %get3A_1113, %broadcast_in_dim3A_1115 : vector<16x128xi1>, vector<16x128xf32>
    %reduce_sum3A_1117 = arith.constant dense<0.000000e+00> : vector<128xf32>
    %reduce_sum3A_1118 = vector.multi_reduction <add>, %select_n3A_1116, %reduce_sum3A_1117 [0] : vector<16x128xf32> to vector<128xf32>
    %get3A_1119 = arith.constant 4096 : index
    %get3A_1120 = vector.load %arg4[%get3A_1119] : memref<8192xf32, #tpu.memory_space<vmem>>, vector<128xf32>
    %mul3A_1121 = arith.mulf %reduce_sum3A_1118, %get3A_1120 : vector<128xf32>
    %add3A_1122 = arith.addf %reduce_sum3A_1108, %mul3A_1121 : vector<128xf32>
    %swap3A_1123 = arith.constant 4096 : index
    %swap3A_1124 = vector.load %arg5[%swap3A_1123] : memref<8192xf32, #tpu.memory_space<vmem>>, vector<128xf32>
    tpu.vector_store %arg5[%swap3A_1123], %add3A_1122 {strides = array<i32>} : memref<8192xf32, #tpu.memory_space<vmem>>, vector<128xf32>,
    %get3A_1125 = arith.constant 33 : index
    %get3A_1126 = arith.index_cast %select_n3A_7 : i32 to index
    %get3A_1127 = arith.constant 0 : index
    %get3A_1128 = vector.load %arg3[%get3A_1125, %get3A_1126, %get3A_1127] : memref<64x8x128xi32, #tpu.memory_space<vmem>>, vector<1x1x128xi32>
    %get3A_1129 = vector.shape_cast %get3A_1128 : vector<1x1x128xi32> to vector<128xi32>
    %broadcast_in_dim3A_1130 = vector.shape_cast %get3A_1129 : vector<128xi32> to vector<1x128xi32>
    %eq3A_1131 = vector.broadcast %broadcast_in_dim3A_1130 : vector<1x128xi32> to vector<16x128xi32>
    %eq3A_1132 = arith.cmpi eq, %iota3A, %eq3A_1131 : vector<16x128xi32>
    %get3A_1133 = arith.constant 0 : index
    %get3A_1134 = arith.constant 0 : index
    %get3A_1135 = arith.constant 4224 : index
    %get3A_1136 = vector.load %arg1[%get3A_1133, %get3A_1134, %get3A_1135] : memref<1x16x8192xf32, #tpu.memory_space<vmem>>, vector<1x16x128xf32>
    %get3A_1137 = vector.shape_cast %get3A_1136 : vector<1x16x128xf32> to vector<16x128xf32>
    %jit3A_1138 = arith.constant 0.000000e+00 : f32
    %broadcast_in_dim3A_1139 = vector.broadcast %jit3A_1138 : f32 to vector<16x128xf32>
    %select_n3A_1140 = arith.select %eq3A_1132, %get3A_1137, %broadcast_in_dim3A_1139 : vector<16x128xi1>, vector<16x128xf32>
    %reduce_sum3A_1141 = arith.constant dense<0.000000e+00> : vector<128xf32>
    %reduce_sum3A_1142 = vector.multi_reduction <add>, %select_n3A_1140, %reduce_sum3A_1141 [0] : vector<16x128xf32> to vector<128xf32>
    %get3A_1143 = arith.constant 0 : index
    %get3A_1144 = arith.constant 0 : index
    %get3A_1145 = arith.constant 4224 : index
    %get3A_1146 = vector.load %arg2[%get3A_1143, %get3A_1144, %get3A_1145] : memref<1x16x8192xf32, #tpu.memory_space<vmem>>, vector<1x16x128xf32>
    %get3A_1147 = vector.shape_cast %get3A_1146 : vector<1x16x128xf32> to vector<16x128xf32>
    %jit3A_1148 = arith.constant 0.000000e+00 : f32
    %broadcast_in_dim3A_1149 = vector.broadcast %jit3A_1148 : f32 to vector<16x128xf32>
    %select_n3A_1150 = arith.select %eq3A_1132, %get3A_1147, %broadcast_in_dim3A_1149 : vector<16x128xi1>, vector<16x128xf32>
    %reduce_sum3A_1151 = arith.constant dense<0.000000e+00> : vector<128xf32>
    %reduce_sum3A_1152 = vector.multi_reduction <add>, %select_n3A_1150, %reduce_sum3A_1151 [0] : vector<16x128xf32> to vector<128xf32>
    %get3A_1153 = arith.constant 4224 : index
    %get3A_1154 = vector.load %arg4[%get3A_1153] : memref<8192xf32, #tpu.memory_space<vmem>>, vector<128xf32>
    %mul3A_1155 = arith.mulf %reduce_sum3A_1152, %get3A_1154 : vector<128xf32>
    %add3A_1156 = arith.addf %reduce_sum3A_1142, %mul3A_1155 : vector<128xf32>
    %swap3A_1157 = arith.constant 4224 : index
    %swap3A_1158 = vector.load %arg5[%swap3A_1157] : memref<8192xf32, #tpu.memory_space<vmem>>, vector<128xf32>
    tpu.vector_store %arg5[%swap3A_1157], %add3A_1156 {strides = array<i32>} : memref<8192xf32, #tpu.memory_space<vmem>>, vector<128xf32>,
    %get3A_1159 = arith.constant 34 : index
    %get3A_1160 = arith.index_cast %select_n3A_7 : i32 to index
    %get3A_1161 = arith.constant 0 : index
    %get3A_1162 = vector.load %arg3[%get3A_1159, %get3A_1160, %get3A_1161] : memref<64x8x128xi32, #tpu.memory_space<vmem>>, vector<1x1x128xi32>
    %get3A_1163 = vector.shape_cast %get3A_1162 : vector<1x1x128xi32> to vector<128xi32>
    %broadcast_in_dim3A_1164 = vector.shape_cast %get3A_1163 : vector<128xi32> to vector<1x128xi32>
    %eq3A_1165 = vector.broadcast %broadcast_in_dim3A_1164 : vector<1x128xi32> to vector<16x128xi32>
    %eq3A_1166 = arith.cmpi eq, %iota3A, %eq3A_1165 : vector<16x128xi32>
    %get3A_1167 = arith.constant 0 : index
    %get3A_1168 = arith.constant 0 : index
    %get3A_1169 = arith.constant 4352 : index
    %get3A_1170 = vector.load %arg1[%get3A_1167, %get3A_1168, %get3A_1169] : memref<1x16x8192xf32, #tpu.memory_space<vmem>>, vector<1x16x128xf32>
    %get3A_1171 = vector.shape_cast %get3A_1170 : vector<1x16x128xf32> to vector<16x128xf32>
    %jit3A_1172 = arith.constant 0.000000e+00 : f32
    %broadcast_in_dim3A_1173 = vector.broadcast %jit3A_1172 : f32 to vector<16x128xf32>
    %select_n3A_1174 = arith.select %eq3A_1166, %get3A_1171, %broadcast_in_dim3A_1173 : vector<16x128xi1>, vector<16x128xf32>
    %reduce_sum3A_1175 = arith.constant dense<0.000000e+00> : vector<128xf32>
    %reduce_sum3A_1176 = vector.multi_reduction <add>, %select_n3A_1174, %reduce_sum3A_1175 [0] : vector<16x128xf32> to vector<128xf32>
    %get3A_1177 = arith.constant 0 : index
    %get3A_1178 = arith.constant 0 : index
    %get3A_1179 = arith.constant 4352 : index
    %get3A_1180 = vector.load %arg2[%get3A_1177, %get3A_1178, %get3A_1179] : memref<1x16x8192xf32, #tpu.memory_space<vmem>>, vector<1x16x128xf32>
    %get3A_1181 = vector.shape_cast %get3A_1180 : vector<1x16x128xf32> to vector<16x128xf32>
    %jit3A_1182 = arith.constant 0.000000e+00 : f32
    %broadcast_in_dim3A_1183 = vector.broadcast %jit3A_1182 : f32 to vector<16x128xf32>
    %select_n3A_1184 = arith.select %eq3A_1166, %get3A_1181, %broadcast_in_dim3A_1183 : vector<16x128xi1>, vector<16x128xf32>
    %reduce_sum3A_1185 = arith.constant dense<0.000000e+00> : vector<128xf32>
    %reduce_sum3A_1186 = vector.multi_reduction <add>, %select_n3A_1184, %reduce_sum3A_1185 [0] : vector<16x128xf32> to vector<128xf32>
    %get3A_1187 = arith.constant 4352 : index
    %get3A_1188 = vector.load %arg4[%get3A_1187] : memref<8192xf32, #tpu.memory_space<vmem>>, vector<128xf32>
    %mul3A_1189 = arith.mulf %reduce_sum3A_1186, %get3A_1188 : vector<128xf32>
    %add3A_1190 = arith.addf %reduce_sum3A_1176, %mul3A_1189 : vector<128xf32>
    %swap3A_1191 = arith.constant 4352 : index
    %swap3A_1192 = vector.load %arg5[%swap3A_1191] : memref<8192xf32, #tpu.memory_space<vmem>>, vector<128xf32>
    tpu.vector_store %arg5[%swap3A_1191], %add3A_1190 {strides = array<i32>} : memref<8192xf32, #tpu.memory_space<vmem>>, vector<128xf32>,
    %get3A_1193 = arith.constant 35 : index
    %get3A_1194 = arith.index_cast %select_n3A_7 : i32 to index
    %get3A_1195 = arith.constant 0 : index
    %get3A_1196 = vector.load %arg3[%get3A_1193, %get3A_1194, %get3A_1195] : memref<64x8x128xi32, #tpu.memory_space<vmem>>, vector<1x1x128xi32>
    %get3A_1197 = vector.shape_cast %get3A_1196 : vector<1x1x128xi32> to vector<128xi32>
    %broadcast_in_dim3A_1198 = vector.shape_cast %get3A_1197 : vector<128xi32> to vector<1x128xi32>
    %eq3A_1199 = vector.broadcast %broadcast_in_dim3A_1198 : vector<1x128xi32> to vector<16x128xi32>
    %eq3A_1200 = arith.cmpi eq, %iota3A, %eq3A_1199 : vector<16x128xi32>
    %get3A_1201 = arith.constant 0 : index
    %get3A_1202 = arith.constant 0 : index
    %get3A_1203 = arith.constant 4480 : index
    %get3A_1204 = vector.load %arg1[%get3A_1201, %get3A_1202, %get3A_1203] : memref<1x16x8192xf32, #tpu.memory_space<vmem>>, vector<1x16x128xf32>
    %get3A_1205 = vector.shape_cast %get3A_1204 : vector<1x16x128xf32> to vector<16x128xf32>
    %jit3A_1206 = arith.constant 0.000000e+00 : f32
    %broadcast_in_dim3A_1207 = vector.broadcast %jit3A_1206 : f32 to vector<16x128xf32>
    %select_n3A_1208 = arith.select %eq3A_1200, %get3A_1205, %broadcast_in_dim3A_1207 : vector<16x128xi1>, vector<16x128xf32>
    %reduce_sum3A_1209 = arith.constant dense<0.000000e+00> : vector<128xf32>
    %reduce_sum3A_1210 = vector.multi_reduction <add>, %select_n3A_1208, %reduce_sum3A_1209 [0] : vector<16x128xf32> to vector<128xf32>
    %get3A_1211 = arith.constant 0 : index
    %get3A_1212 = arith.constant 0 : index
    %get3A_1213 = arith.constant 4480 : index
    %get3A_1214 = vector.load %arg2[%get3A_1211, %get3A_1212, %get3A_1213] : memref<1x16x8192xf32, #tpu.memory_space<vmem>>, vector<1x16x128xf32>
    %get3A_1215 = vector.shape_cast %get3A_1214 : vector<1x16x128xf32> to vector<16x128xf32>
    %jit3A_1216 = arith.constant 0.000000e+00 : f32
    %broadcast_in_dim3A_1217 = vector.broadcast %jit3A_1216 : f32 to vector<16x128xf32>
    %select_n3A_1218 = arith.select %eq3A_1200, %get3A_1215, %broadcast_in_dim3A_1217 : vector<16x128xi1>, vector<16x128xf32>
    %reduce_sum3A_1219 = arith.constant dense<0.000000e+00> : vector<128xf32>
    %reduce_sum3A_1220 = vector.multi_reduction <add>, %select_n3A_1218, %reduce_sum3A_1219 [0] : vector<16x128xf32> to vector<128xf32>
    %get3A_1221 = arith.constant 4480 : index
    %get3A_1222 = vector.load %arg4[%get3A_1221] : memref<8192xf32, #tpu.memory_space<vmem>>, vector<128xf32>
    %mul3A_1223 = arith.mulf %reduce_sum3A_1220, %get3A_1222 : vector<128xf32>
    %add3A_1224 = arith.addf %reduce_sum3A_1210, %mul3A_1223 : vector<128xf32>
    %swap3A_1225 = arith.constant 4480 : index
    %swap3A_1226 = vector.load %arg5[%swap3A_1225] : memref<8192xf32, #tpu.memory_space<vmem>>, vector<128xf32>
    tpu.vector_store %arg5[%swap3A_1225], %add3A_1224 {strides = array<i32>} : memref<8192xf32, #tpu.memory_space<vmem>>, vector<128xf32>,
    %get3A_1227 = arith.constant 36 : index
    %get3A_1228 = arith.index_cast %select_n3A_7 : i32 to index
    %get3A_1229 = arith.constant 0 : index
    %get3A_1230 = vector.load %arg3[%get3A_1227, %get3A_1228, %get3A_1229] : memref<64x8x128xi32, #tpu.memory_space<vmem>>, vector<1x1x128xi32>
    %get3A_1231 = vector.shape_cast %get3A_1230 : vector<1x1x128xi32> to vector<128xi32>
    %broadcast_in_dim3A_1232 = vector.shape_cast %get3A_1231 : vector<128xi32> to vector<1x128xi32>
    %eq3A_1233 = vector.broadcast %broadcast_in_dim3A_1232 : vector<1x128xi32> to vector<16x128xi32>
    %eq3A_1234 = arith.cmpi eq, %iota3A, %eq3A_1233 : vector<16x128xi32>
    %get3A_1235 = arith.constant 0 : index
    %get3A_1236 = arith.constant 0 : index
    %get3A_1237 = arith.constant 4608 : index
    %get3A_1238 = vector.load %arg1[%get3A_1235, %get3A_1236, %get3A_1237] : memref<1x16x8192xf32, #tpu.memory_space<vmem>>, vector<1x16x128xf32>
    %get3A_1239 = vector.shape_cast %get3A_1238 : vector<1x16x128xf32> to vector<16x128xf32>
    %jit3A_1240 = arith.constant 0.000000e+00 : f32
    %broadcast_in_dim3A_1241 = vector.broadcast %jit3A_1240 : f32 to vector<16x128xf32>
    %select_n3A_1242 = arith.select %eq3A_1234, %get3A_1239, %broadcast_in_dim3A_1241 : vector<16x128xi1>, vector<16x128xf32>
    %reduce_sum3A_1243 = arith.constant dense<0.000000e+00> : vector<128xf32>
    %reduce_sum3A_1244 = vector.multi_reduction <add>, %select_n3A_1242, %reduce_sum3A_1243 [0] : vector<16x128xf32> to vector<128xf32>
    %get3A_1245 = arith.constant 0 : index
    %get3A_1246 = arith.constant 0 : index
    %get3A_1247 = arith.constant 4608 : index
    %get3A_1248 = vector.load %arg2[%get3A_1245, %get3A_1246, %get3A_1247] : memref<1x16x8192xf32, #tpu.memory_space<vmem>>, vector<1x16x128xf32>
    %get3A_1249 = vector.shape_cast %get3A_1248 : vector<1x16x128xf32> to vector<16x128xf32>
    %jit3A_1250 = arith.constant 0.000000e+00 : f32
    %broadcast_in_dim3A_1251 = vector.broadcast %jit3A_1250 : f32 to vector<16x128xf32>
    %select_n3A_1252 = arith.select %eq3A_1234, %get3A_1249, %broadcast_in_dim3A_1251 : vector<16x128xi1>, vector<16x128xf32>
    %reduce_sum3A_1253 = arith.constant dense<0.000000e+00> : vector<128xf32>
    %reduce_sum3A_1254 = vector.multi_reduction <add>, %select_n3A_1252, %reduce_sum3A_1253 [0] : vector<16x128xf32> to vector<128xf32>
    %get3A_1255 = arith.constant 4608 : index
    %get3A_1256 = vector.load %arg4[%get3A_1255] : memref<8192xf32, #tpu.memory_space<vmem>>, vector<128xf32>
    %mul3A_1257 = arith.mulf %reduce_sum3A_1254, %get3A_1256 : vector<128xf32>
    %add3A_1258 = arith.addf %reduce_sum3A_1244, %mul3A_1257 : vector<128xf32>
    %swap3A_1259 = arith.constant 4608 : index
    %swap3A_1260 = vector.load %arg5[%swap3A_1259] : memref<8192xf32, #tpu.memory_space<vmem>>, vector<128xf32>
    tpu.vector_store %arg5[%swap3A_1259], %add3A_1258 {strides = array<i32>} : memref<8192xf32, #tpu.memory_space<vmem>>, vector<128xf32>,
    %get3A_1261 = arith.constant 37 : index
    %get3A_1262 = arith.index_cast %select_n3A_7 : i32 to index
    %get3A_1263 = arith.constant 0 : index
    %get3A_1264 = vector.load %arg3[%get3A_1261, %get3A_1262, %get3A_1263] : memref<64x8x128xi32, #tpu.memory_space<vmem>>, vector<1x1x128xi32>
    %get3A_1265 = vector.shape_cast %get3A_1264 : vector<1x1x128xi32> to vector<128xi32>
    %broadcast_in_dim3A_1266 = vector.shape_cast %get3A_1265 : vector<128xi32> to vector<1x128xi32>
    %eq3A_1267 = vector.broadcast %broadcast_in_dim3A_1266 : vector<1x128xi32> to vector<16x128xi32>
    %eq3A_1268 = arith.cmpi eq, %iota3A, %eq3A_1267 : vector<16x128xi32>
    %get3A_1269 = arith.constant 0 : index
    %get3A_1270 = arith.constant 0 : index
    %get3A_1271 = arith.constant 4736 : index
    %get3A_1272 = vector.load %arg1[%get3A_1269, %get3A_1270, %get3A_1271] : memref<1x16x8192xf32, #tpu.memory_space<vmem>>, vector<1x16x128xf32>
    %get3A_1273 = vector.shape_cast %get3A_1272 : vector<1x16x128xf32> to vector<16x128xf32>
    %jit3A_1274 = arith.constant 0.000000e+00 : f32
    %broadcast_in_dim3A_1275 = vector.broadcast %jit3A_1274 : f32 to vector<16x128xf32>
    %select_n3A_1276 = arith.select %eq3A_1268, %get3A_1273, %broadcast_in_dim3A_1275 : vector<16x128xi1>, vector<16x128xf32>
    %reduce_sum3A_1277 = arith.constant dense<0.000000e+00> : vector<128xf32>
    %reduce_sum3A_1278 = vector.multi_reduction <add>, %select_n3A_1276, %reduce_sum3A_1277 [0] : vector<16x128xf32> to vector<128xf32>
    %get3A_1279 = arith.constant 0 : index
    %get3A_1280 = arith.constant 0 : index
    %get3A_1281 = arith.constant 4736 : index
    %get3A_1282 = vector.load %arg2[%get3A_1279, %get3A_1280, %get3A_1281] : memref<1x16x8192xf32, #tpu.memory_space<vmem>>, vector<1x16x128xf32>
    %get3A_1283 = vector.shape_cast %get3A_1282 : vector<1x16x128xf32> to vector<16x128xf32>
    %jit3A_1284 = arith.constant 0.000000e+00 : f32
    %broadcast_in_dim3A_1285 = vector.broadcast %jit3A_1284 : f32 to vector<16x128xf32>
    %select_n3A_1286 = arith.select %eq3A_1268, %get3A_1283, %broadcast_in_dim3A_1285 : vector<16x128xi1>, vector<16x128xf32>
    %reduce_sum3A_1287 = arith.constant dense<0.000000e+00> : vector<128xf32>
    %reduce_sum3A_1288 = vector.multi_reduction <add>, %select_n3A_1286, %reduce_sum3A_1287 [0] : vector<16x128xf32> to vector<128xf32>
    %get3A_1289 = arith.constant 4736 : index
    %get3A_1290 = vector.load %arg4[%get3A_1289] : memref<8192xf32, #tpu.memory_space<vmem>>, vector<128xf32>
    %mul3A_1291 = arith.mulf %reduce_sum3A_1288, %get3A_1290 : vector<128xf32>
    %add3A_1292 = arith.addf %reduce_sum3A_1278, %mul3A_1291 : vector<128xf32>
    %swap3A_1293 = arith.constant 4736 : index
    %swap3A_1294 = vector.load %arg5[%swap3A_1293] : memref<8192xf32, #tpu.memory_space<vmem>>, vector<128xf32>
    tpu.vector_store %arg5[%swap3A_1293], %add3A_1292 {strides = array<i32>} : memref<8192xf32, #tpu.memory_space<vmem>>, vector<128xf32>,
    %get3A_1295 = arith.constant 38 : index
    %get3A_1296 = arith.index_cast %select_n3A_7 : i32 to index
    %get3A_1297 = arith.constant 0 : index
    %get3A_1298 = vector.load %arg3[%get3A_1295, %get3A_1296, %get3A_1297] : memref<64x8x128xi32, #tpu.memory_space<vmem>>, vector<1x1x128xi32>
    %get3A_1299 = vector.shape_cast %get3A_1298 : vector<1x1x128xi32> to vector<128xi32>
    %broadcast_in_dim3A_1300 = vector.shape_cast %get3A_1299 : vector<128xi32> to vector<1x128xi32>
    %eq3A_1301 = vector.broadcast %broadcast_in_dim3A_1300 : vector<1x128xi32> to vector<16x128xi32>
    %eq3A_1302 = arith.cmpi eq, %iota3A, %eq3A_1301 : vector<16x128xi32>
    %get3A_1303 = arith.constant 0 : index
    %get3A_1304 = arith.constant 0 : index
    %get3A_1305 = arith.constant 4864 : index
    %get3A_1306 = vector.load %arg1[%get3A_1303, %get3A_1304, %get3A_1305] : memref<1x16x8192xf32, #tpu.memory_space<vmem>>, vector<1x16x128xf32>
    %get3A_1307 = vector.shape_cast %get3A_1306 : vector<1x16x128xf32> to vector<16x128xf32>
    %jit3A_1308 = arith.constant 0.000000e+00 : f32
    %broadcast_in_dim3A_1309 = vector.broadcast %jit3A_1308 : f32 to vector<16x128xf32>
    %select_n3A_1310 = arith.select %eq3A_1302, %get3A_1307, %broadcast_in_dim3A_1309 : vector<16x128xi1>, vector<16x128xf32>
    %reduce_sum3A_1311 = arith.constant dense<0.000000e+00> : vector<128xf32>
    %reduce_sum3A_1312 = vector.multi_reduction <add>, %select_n3A_1310, %reduce_sum3A_1311 [0] : vector<16x128xf32> to vector<128xf32>
    %get3A_1313 = arith.constant 0 : index
    %get3A_1314 = arith.constant 0 : index
    %get3A_1315 = arith.constant 4864 : index
    %get3A_1316 = vector.load %arg2[%get3A_1313, %get3A_1314, %get3A_1315] : memref<1x16x8192xf32, #tpu.memory_space<vmem>>, vector<1x16x128xf32>
    %get3A_1317 = vector.shape_cast %get3A_1316 : vector<1x16x128xf32> to vector<16x128xf32>
    %jit3A_1318 = arith.constant 0.000000e+00 : f32
    %broadcast_in_dim3A_1319 = vector.broadcast %jit3A_1318 : f32 to vector<16x128xf32>
    %select_n3A_1320 = arith.select %eq3A_1302, %get3A_1317, %broadcast_in_dim3A_1319 : vector<16x128xi1>, vector<16x128xf32>
    %reduce_sum3A_1321 = arith.constant dense<0.000000e+00> : vector<128xf32>
    %reduce_sum3A_1322 = vector.multi_reduction <add>, %select_n3A_1320, %reduce_sum3A_1321 [0] : vector<16x128xf32> to vector<128xf32>
    %get3A_1323 = arith.constant 4864 : index
    %get3A_1324 = vector.load %arg4[%get3A_1323] : memref<8192xf32, #tpu.memory_space<vmem>>, vector<128xf32>
    %mul3A_1325 = arith.mulf %reduce_sum3A_1322, %get3A_1324 : vector<128xf32>
    %add3A_1326 = arith.addf %reduce_sum3A_1312, %mul3A_1325 : vector<128xf32>
    %swap3A_1327 = arith.constant 4864 : index
    %swap3A_1328 = vector.load %arg5[%swap3A_1327] : memref<8192xf32, #tpu.memory_space<vmem>>, vector<128xf32>
    tpu.vector_store %arg5[%swap3A_1327], %add3A_1326 {strides = array<i32>} : memref<8192xf32, #tpu.memory_space<vmem>>, vector<128xf32>,
    %get3A_1329 = arith.constant 39 : index
    %get3A_1330 = arith.index_cast %select_n3A_7 : i32 to index
    %get3A_1331 = arith.constant 0 : index
    %get3A_1332 = vector.load %arg3[%get3A_1329, %get3A_1330, %get3A_1331] : memref<64x8x128xi32, #tpu.memory_space<vmem>>, vector<1x1x128xi32>
    %get3A_1333 = vector.shape_cast %get3A_1332 : vector<1x1x128xi32> to vector<128xi32>
    %broadcast_in_dim3A_1334 = vector.shape_cast %get3A_1333 : vector<128xi32> to vector<1x128xi32>
    %eq3A_1335 = vector.broadcast %broadcast_in_dim3A_1334 : vector<1x128xi32> to vector<16x128xi32>
    %eq3A_1336 = arith.cmpi eq, %iota3A, %eq3A_1335 : vector<16x128xi32>
    %get3A_1337 = arith.constant 0 : index
    %get3A_1338 = arith.constant 0 : index
    %get3A_1339 = arith.constant 4992 : index
    %get3A_1340 = vector.load %arg1[%get3A_1337, %get3A_1338, %get3A_1339] : memref<1x16x8192xf32, #tpu.memory_space<vmem>>, vector<1x16x128xf32>
    %get3A_1341 = vector.shape_cast %get3A_1340 : vector<1x16x128xf32> to vector<16x128xf32>
    %jit3A_1342 = arith.constant 0.000000e+00 : f32
    %broadcast_in_dim3A_1343 = vector.broadcast %jit3A_1342 : f32 to vector<16x128xf32>
    %select_n3A_1344 = arith.select %eq3A_1336, %get3A_1341, %broadcast_in_dim3A_1343 : vector<16x128xi1>, vector<16x128xf32>
    %reduce_sum3A_1345 = arith.constant dense<0.000000e+00> : vector<128xf32>
    %reduce_sum3A_1346 = vector.multi_reduction <add>, %select_n3A_1344, %reduce_sum3A_1345 [0] : vector<16x128xf32> to vector<128xf32>
    %get3A_1347 = arith.constant 0 : index
    %get3A_1348 = arith.constant 0 : index
    %get3A_1349 = arith.constant 4992 : index
    %get3A_1350 = vector.load %arg2[%get3A_1347, %get3A_1348, %get3A_1349] : memref<1x16x8192xf32, #tpu.memory_space<vmem>>, vector<1x16x128xf32>
    %get3A_1351 = vector.shape_cast %get3A_1350 : vector<1x16x128xf32> to vector<16x128xf32>
    %jit3A_1352 = arith.constant 0.000000e+00 : f32
    %broadcast_in_dim3A_1353 = vector.broadcast %jit3A_1352 : f32 to vector<16x128xf32>
    %select_n3A_1354 = arith.select %eq3A_1336, %get3A_1351, %broadcast_in_dim3A_1353 : vector<16x128xi1>, vector<16x128xf32>
    %reduce_sum3A_1355 = arith.constant dense<0.000000e+00> : vector<128xf32>
    %reduce_sum3A_1356 = vector.multi_reduction <add>, %select_n3A_1354, %reduce_sum3A_1355 [0] : vector<16x128xf32> to vector<128xf32>
    %get3A_1357 = arith.constant 4992 : index
    %get3A_1358 = vector.load %arg4[%get3A_1357] : memref<8192xf32, #tpu.memory_space<vmem>>, vector<128xf32>
    %mul3A_1359 = arith.mulf %reduce_sum3A_1356, %get3A_1358 : vector<128xf32>
    %add3A_1360 = arith.addf %reduce_sum3A_1346, %mul3A_1359 : vector<128xf32>
    %swap3A_1361 = arith.constant 4992 : index
    %swap3A_1362 = vector.load %arg5[%swap3A_1361] : memref<8192xf32, #tpu.memory_space<vmem>>, vector<128xf32>
    tpu.vector_store %arg5[%swap3A_1361], %add3A_1360 {strides = array<i32>} : memref<8192xf32, #tpu.memory_space<vmem>>, vector<128xf32>,
    %get3A_1363 = arith.constant 40 : index
    %get3A_1364 = arith.index_cast %select_n3A_7 : i32 to index
    %get3A_1365 = arith.constant 0 : index
    %get3A_1366 = vector.load %arg3[%get3A_1363, %get3A_1364, %get3A_1365] : memref<64x8x128xi32, #tpu.memory_space<vmem>>, vector<1x1x128xi32>
    %get3A_1367 = vector.shape_cast %get3A_1366 : vector<1x1x128xi32> to vector<128xi32>
    %broadcast_in_dim3A_1368 = vector.shape_cast %get3A_1367 : vector<128xi32> to vector<1x128xi32>
    %eq3A_1369 = vector.broadcast %broadcast_in_dim3A_1368 : vector<1x128xi32> to vector<16x128xi32>
    %eq3A_1370 = arith.cmpi eq, %iota3A, %eq3A_1369 : vector<16x128xi32>
    %get3A_1371 = arith.constant 0 : index
    %get3A_1372 = arith.constant 0 : index
    %get3A_1373 = arith.constant 5120 : index
    %get3A_1374 = vector.load %arg1[%get3A_1371, %get3A_1372, %get3A_1373] : memref<1x16x8192xf32, #tpu.memory_space<vmem>>, vector<1x16x128xf32>
    %get3A_1375 = vector.shape_cast %get3A_1374 : vector<1x16x128xf32> to vector<16x128xf32>
    %jit3A_1376 = arith.constant 0.000000e+00 : f32
    %broadcast_in_dim3A_1377 = vector.broadcast %jit3A_1376 : f32 to vector<16x128xf32>
    %select_n3A_1378 = arith.select %eq3A_1370, %get3A_1375, %broadcast_in_dim3A_1377 : vector<16x128xi1>, vector<16x128xf32>
    %reduce_sum3A_1379 = arith.constant dense<0.000000e+00> : vector<128xf32>
    %reduce_sum3A_1380 = vector.multi_reduction <add>, %select_n3A_1378, %reduce_sum3A_1379 [0] : vector<16x128xf32> to vector<128xf32>
    %get3A_1381 = arith.constant 0 : index
    %get3A_1382 = arith.constant 0 : index
    %get3A_1383 = arith.constant 5120 : index
    %get3A_1384 = vector.load %arg2[%get3A_1381, %get3A_1382, %get3A_1383] : memref<1x16x8192xf32, #tpu.memory_space<vmem>>, vector<1x16x128xf32>
    %get3A_1385 = vector.shape_cast %get3A_1384 : vector<1x16x128xf32> to vector<16x128xf32>
    %jit3A_1386 = arith.constant 0.000000e+00 : f32
    %broadcast_in_dim3A_1387 = vector.broadcast %jit3A_1386 : f32 to vector<16x128xf32>
    %select_n3A_1388 = arith.select %eq3A_1370, %get3A_1385, %broadcast_in_dim3A_1387 : vector<16x128xi1>, vector<16x128xf32>
    %reduce_sum3A_1389 = arith.constant dense<0.000000e+00> : vector<128xf32>
    %reduce_sum3A_1390 = vector.multi_reduction <add>, %select_n3A_1388, %reduce_sum3A_1389 [0] : vector<16x128xf32> to vector<128xf32>
    %get3A_1391 = arith.constant 5120 : index
    %get3A_1392 = vector.load %arg4[%get3A_1391] : memref<8192xf32, #tpu.memory_space<vmem>>, vector<128xf32>
    %mul3A_1393 = arith.mulf %reduce_sum3A_1390, %get3A_1392 : vector<128xf32>
    %add3A_1394 = arith.addf %reduce_sum3A_1380, %mul3A_1393 : vector<128xf32>
    %swap3A_1395 = arith.constant 5120 : index
    %swap3A_1396 = vector.load %arg5[%swap3A_1395] : memref<8192xf32, #tpu.memory_space<vmem>>, vector<128xf32>
    tpu.vector_store %arg5[%swap3A_1395], %add3A_1394 {strides = array<i32>} : memref<8192xf32, #tpu.memory_space<vmem>>, vector<128xf32>,
    %get3A_1397 = arith.constant 41 : index
    %get3A_1398 = arith.index_cast %select_n3A_7 : i32 to index
    %get3A_1399 = arith.constant 0 : index
    %get3A_1400 = vector.load %arg3[%get3A_1397, %get3A_1398, %get3A_1399] : memref<64x8x128xi32, #tpu.memory_space<vmem>>, vector<1x1x128xi32>
    %get3A_1401 = vector.shape_cast %get3A_1400 : vector<1x1x128xi32> to vector<128xi32>
    %broadcast_in_dim3A_1402 = vector.shape_cast %get3A_1401 : vector<128xi32> to vector<1x128xi32>
    %eq3A_1403 = vector.broadcast %broadcast_in_dim3A_1402 : vector<1x128xi32> to vector<16x128xi32>
    %eq3A_1404 = arith.cmpi eq, %iota3A, %eq3A_1403 : vector<16x128xi32>
    %get3A_1405 = arith.constant 0 : index
    %get3A_1406 = arith.constant 0 : index
    %get3A_1407 = arith.constant 5248 : index
    %get3A_1408 = vector.load %arg1[%get3A_1405, %get3A_1406, %get3A_1407] : memref<1x16x8192xf32, #tpu.memory_space<vmem>>, vector<1x16x128xf32>
    %get3A_1409 = vector.shape_cast %get3A_1408 : vector<1x16x128xf32> to vector<16x128xf32>
    %jit3A_1410 = arith.constant 0.000000e+00 : f32
    %broadcast_in_dim3A_1411 = vector.broadcast %jit3A_1410 : f32 to vector<16x128xf32>
    %select_n3A_1412 = arith.select %eq3A_1404, %get3A_1409, %broadcast_in_dim3A_1411 : vector<16x128xi1>, vector<16x128xf32>
    %reduce_sum3A_1413 = arith.constant dense<0.000000e+00> : vector<128xf32>
    %reduce_sum3A_1414 = vector.multi_reduction <add>, %select_n3A_1412, %reduce_sum3A_1413 [0] : vector<16x128xf32> to vector<128xf32>
    %get3A_1415 = arith.constant 0 : index
    %get3A_1416 = arith.constant 0 : index
    %get3A_1417 = arith.constant 5248 : index
    %get3A_1418 = vector.load %arg2[%get3A_1415, %get3A_1416, %get3A_1417] : memref<1x16x8192xf32, #tpu.memory_space<vmem>>, vector<1x16x128xf32>
    %get3A_1419 = vector.shape_cast %get3A_1418 : vector<1x16x128xf32> to vector<16x128xf32>
    %jit3A_1420 = arith.constant 0.000000e+00 : f32
    %broadcast_in_dim3A_1421 = vector.broadcast %jit3A_1420 : f32 to vector<16x128xf32>
    %select_n3A_1422 = arith.select %eq3A_1404, %get3A_1419, %broadcast_in_dim3A_1421 : vector<16x128xi1>, vector<16x128xf32>
    %reduce_sum3A_1423 = arith.constant dense<0.000000e+00> : vector<128xf32>
    %reduce_sum3A_1424 = vector.multi_reduction <add>, %select_n3A_1422, %reduce_sum3A_1423 [0] : vector<16x128xf32> to vector<128xf32>
    %get3A_1425 = arith.constant 5248 : index
    %get3A_1426 = vector.load %arg4[%get3A_1425] : memref<8192xf32, #tpu.memory_space<vmem>>, vector<128xf32>
    %mul3A_1427 = arith.mulf %reduce_sum3A_1424, %get3A_1426 : vector<128xf32>
    %add3A_1428 = arith.addf %reduce_sum3A_1414, %mul3A_1427 : vector<128xf32>
    %swap3A_1429 = arith.constant 5248 : index
    %swap3A_1430 = vector.load %arg5[%swap3A_1429] : memref<8192xf32, #tpu.memory_space<vmem>>, vector<128xf32>
    tpu.vector_store %arg5[%swap3A_1429], %add3A_1428 {strides = array<i32>} : memref<8192xf32, #tpu.memory_space<vmem>>, vector<128xf32>,
    %get3A_1431 = arith.constant 42 : index
    %get3A_1432 = arith.index_cast %select_n3A_7 : i32 to index
    %get3A_1433 = arith.constant 0 : index
    %get3A_1434 = vector.load %arg3[%get3A_1431, %get3A_1432, %get3A_1433] : memref<64x8x128xi32, #tpu.memory_space<vmem>>, vector<1x1x128xi32>
    %get3A_1435 = vector.shape_cast %get3A_1434 : vector<1x1x128xi32> to vector<128xi32>
    %broadcast_in_dim3A_1436 = vector.shape_cast %get3A_1435 : vector<128xi32> to vector<1x128xi32>
    %eq3A_1437 = vector.broadcast %broadcast_in_dim3A_1436 : vector<1x128xi32> to vector<16x128xi32>
    %eq3A_1438 = arith.cmpi eq, %iota3A, %eq3A_1437 : vector<16x128xi32>
    %get3A_1439 = arith.constant 0 : index
    %get3A_1440 = arith.constant 0 : index
    %get3A_1441 = arith.constant 5376 : index
    %get3A_1442 = vector.load %arg1[%get3A_1439, %get3A_1440, %get3A_1441] : memref<1x16x8192xf32, #tpu.memory_space<vmem>>, vector<1x16x128xf32>
    %get3A_1443 = vector.shape_cast %get3A_1442 : vector<1x16x128xf32> to vector<16x128xf32>
    %jit3A_1444 = arith.constant 0.000000e+00 : f32
    %broadcast_in_dim3A_1445 = vector.broadcast %jit3A_1444 : f32 to vector<16x128xf32>
    %select_n3A_1446 = arith.select %eq3A_1438, %get3A_1443, %broadcast_in_dim3A_1445 : vector<16x128xi1>, vector<16x128xf32>
    %reduce_sum3A_1447 = arith.constant dense<0.000000e+00> : vector<128xf32>
    %reduce_sum3A_1448 = vector.multi_reduction <add>, %select_n3A_1446, %reduce_sum3A_1447 [0] : vector<16x128xf32> to vector<128xf32>
    %get3A_1449 = arith.constant 0 : index
    %get3A_1450 = arith.constant 0 : index
    %get3A_1451 = arith.constant 5376 : index
    %get3A_1452 = vector.load %arg2[%get3A_1449, %get3A_1450, %get3A_1451] : memref<1x16x8192xf32, #tpu.memory_space<vmem>>, vector<1x16x128xf32>
    %get3A_1453 = vector.shape_cast %get3A_1452 : vector<1x16x128xf32> to vector<16x128xf32>
    %jit3A_1454 = arith.constant 0.000000e+00 : f32
    %broadcast_in_dim3A_1455 = vector.broadcast %jit3A_1454 : f32 to vector<16x128xf32>
    %select_n3A_1456 = arith.select %eq3A_1438, %get3A_1453, %broadcast_in_dim3A_1455 : vector<16x128xi1>, vector<16x128xf32>
    %reduce_sum3A_1457 = arith.constant dense<0.000000e+00> : vector<128xf32>
    %reduce_sum3A_1458 = vector.multi_reduction <add>, %select_n3A_1456, %reduce_sum3A_1457 [0] : vector<16x128xf32> to vector<128xf32>
    %get3A_1459 = arith.constant 5376 : index
    %get3A_1460 = vector.load %arg4[%get3A_1459] : memref<8192xf32, #tpu.memory_space<vmem>>, vector<128xf32>
    %mul3A_1461 = arith.mulf %reduce_sum3A_1458, %get3A_1460 : vector<128xf32>
    %add3A_1462 = arith.addf %reduce_sum3A_1448, %mul3A_1461 : vector<128xf32>
    %swap3A_1463 = arith.constant 5376 : index
    %swap3A_1464 = vector.load %arg5[%swap3A_1463] : memref<8192xf32, #tpu.memory_space<vmem>>, vector<128xf32>
    tpu.vector_store %arg5[%swap3A_1463], %add3A_1462 {strides = array<i32>} : memref<8192xf32, #tpu.memory_space<vmem>>, vector<128xf32>,
    %get3A_1465 = arith.constant 43 : index
    %get3A_1466 = arith.index_cast %select_n3A_7 : i32 to index
    %get3A_1467 = arith.constant 0 : index
    %get3A_1468 = vector.load %arg3[%get3A_1465, %get3A_1466, %get3A_1467] : memref<64x8x128xi32, #tpu.memory_space<vmem>>, vector<1x1x128xi32>
    %get3A_1469 = vector.shape_cast %get3A_1468 : vector<1x1x128xi32> to vector<128xi32>
    %broadcast_in_dim3A_1470 = vector.shape_cast %get3A_1469 : vector<128xi32> to vector<1x128xi32>
    %eq3A_1471 = vector.broadcast %broadcast_in_dim3A_1470 : vector<1x128xi32> to vector<16x128xi32>
    %eq3A_1472 = arith.cmpi eq, %iota3A, %eq3A_1471 : vector<16x128xi32>
    %get3A_1473 = arith.constant 0 : index
    %get3A_1474 = arith.constant 0 : index
    %get3A_1475 = arith.constant 5504 : index
    %get3A_1476 = vector.load %arg1[%get3A_1473, %get3A_1474, %get3A_1475] : memref<1x16x8192xf32, #tpu.memory_space<vmem>>, vector<1x16x128xf32>
    %get3A_1477 = vector.shape_cast %get3A_1476 : vector<1x16x128xf32> to vector<16x128xf32>
    %jit3A_1478 = arith.constant 0.000000e+00 : f32
    %broadcast_in_dim3A_1479 = vector.broadcast %jit3A_1478 : f32 to vector<16x128xf32>
    %select_n3A_1480 = arith.select %eq3A_1472, %get3A_1477, %broadcast_in_dim3A_1479 : vector<16x128xi1>, vector<16x128xf32>
    %reduce_sum3A_1481 = arith.constant dense<0.000000e+00> : vector<128xf32>
    %reduce_sum3A_1482 = vector.multi_reduction <add>, %select_n3A_1480, %reduce_sum3A_1481 [0] : vector<16x128xf32> to vector<128xf32>
    %get3A_1483 = arith.constant 0 : index
    %get3A_1484 = arith.constant 0 : index
    %get3A_1485 = arith.constant 5504 : index
    %get3A_1486 = vector.load %arg2[%get3A_1483, %get3A_1484, %get3A_1485] : memref<1x16x8192xf32, #tpu.memory_space<vmem>>, vector<1x16x128xf32>
    %get3A_1487 = vector.shape_cast %get3A_1486 : vector<1x16x128xf32> to vector<16x128xf32>
    %jit3A_1488 = arith.constant 0.000000e+00 : f32
    %broadcast_in_dim3A_1489 = vector.broadcast %jit3A_1488 : f32 to vector<16x128xf32>
    %select_n3A_1490 = arith.select %eq3A_1472, %get3A_1487, %broadcast_in_dim3A_1489 : vector<16x128xi1>, vector<16x128xf32>
    %reduce_sum3A_1491 = arith.constant dense<0.000000e+00> : vector<128xf32>
    %reduce_sum3A_1492 = vector.multi_reduction <add>, %select_n3A_1490, %reduce_sum3A_1491 [0] : vector<16x128xf32> to vector<128xf32>
    %get3A_1493 = arith.constant 5504 : index
    %get3A_1494 = vector.load %arg4[%get3A_1493] : memref<8192xf32, #tpu.memory_space<vmem>>, vector<128xf32>
    %mul3A_1495 = arith.mulf %reduce_sum3A_1492, %get3A_1494 : vector<128xf32>
    %add3A_1496 = arith.addf %reduce_sum3A_1482, %mul3A_1495 : vector<128xf32>
    %swap3A_1497 = arith.constant 5504 : index
    %swap3A_1498 = vector.load %arg5[%swap3A_1497] : memref<8192xf32, #tpu.memory_space<vmem>>, vector<128xf32>
    tpu.vector_store %arg5[%swap3A_1497], %add3A_1496 {strides = array<i32>} : memref<8192xf32, #tpu.memory_space<vmem>>, vector<128xf32>,
    %get3A_1499 = arith.constant 44 : index
    %get3A_1500 = arith.index_cast %select_n3A_7 : i32 to index
    %get3A_1501 = arith.constant 0 : index
    %get3A_1502 = vector.load %arg3[%get3A_1499, %get3A_1500, %get3A_1501] : memref<64x8x128xi32, #tpu.memory_space<vmem>>, vector<1x1x128xi32>
    %get3A_1503 = vector.shape_cast %get3A_1502 : vector<1x1x128xi32> to vector<128xi32>
    %broadcast_in_dim3A_1504 = vector.shape_cast %get3A_1503 : vector<128xi32> to vector<1x128xi32>
    %eq3A_1505 = vector.broadcast %broadcast_in_dim3A_1504 : vector<1x128xi32> to vector<16x128xi32>
    %eq3A_1506 = arith.cmpi eq, %iota3A, %eq3A_1505 : vector<16x128xi32>
    %get3A_1507 = arith.constant 0 : index
    %get3A_1508 = arith.constant 0 : index
    %get3A_1509 = arith.constant 5632 : index
    %get3A_1510 = vector.load %arg1[%get3A_1507, %get3A_1508, %get3A_1509] : memref<1x16x8192xf32, #tpu.memory_space<vmem>>, vector<1x16x128xf32>
    %get3A_1511 = vector.shape_cast %get3A_1510 : vector<1x16x128xf32> to vector<16x128xf32>
    %jit3A_1512 = arith.constant 0.000000e+00 : f32
    %broadcast_in_dim3A_1513 = vector.broadcast %jit3A_1512 : f32 to vector<16x128xf32>
    %select_n3A_1514 = arith.select %eq3A_1506, %get3A_1511, %broadcast_in_dim3A_1513 : vector<16x128xi1>, vector<16x128xf32>
    %reduce_sum3A_1515 = arith.constant dense<0.000000e+00> : vector<128xf32>
    %reduce_sum3A_1516 = vector.multi_reduction <add>, %select_n3A_1514, %reduce_sum3A_1515 [0] : vector<16x128xf32> to vector<128xf32>
    %get3A_1517 = arith.constant 0 : index
    %get3A_1518 = arith.constant 0 : index
    %get3A_1519 = arith.constant 5632 : index
    %get3A_1520 = vector.load %arg2[%get3A_1517, %get3A_1518, %get3A_1519] : memref<1x16x8192xf32, #tpu.memory_space<vmem>>, vector<1x16x128xf32>
    %get3A_1521 = vector.shape_cast %get3A_1520 : vector<1x16x128xf32> to vector<16x128xf32>
    %jit3A_1522 = arith.constant 0.000000e+00 : f32
    %broadcast_in_dim3A_1523 = vector.broadcast %jit3A_1522 : f32 to vector<16x128xf32>
    %select_n3A_1524 = arith.select %eq3A_1506, %get3A_1521, %broadcast_in_dim3A_1523 : vector<16x128xi1>, vector<16x128xf32>
    %reduce_sum3A_1525 = arith.constant dense<0.000000e+00> : vector<128xf32>
    %reduce_sum3A_1526 = vector.multi_reduction <add>, %select_n3A_1524, %reduce_sum3A_1525 [0] : vector<16x128xf32> to vector<128xf32>
    %get3A_1527 = arith.constant 5632 : index
    %get3A_1528 = vector.load %arg4[%get3A_1527] : memref<8192xf32, #tpu.memory_space<vmem>>, vector<128xf32>
    %mul3A_1529 = arith.mulf %reduce_sum3A_1526, %get3A_1528 : vector<128xf32>
    %add3A_1530 = arith.addf %reduce_sum3A_1516, %mul3A_1529 : vector<128xf32>
    %swap3A_1531 = arith.constant 5632 : index
    %swap3A_1532 = vector.load %arg5[%swap3A_1531] : memref<8192xf32, #tpu.memory_space<vmem>>, vector<128xf32>
    tpu.vector_store %arg5[%swap3A_1531], %add3A_1530 {strides = array<i32>} : memref<8192xf32, #tpu.memory_space<vmem>>, vector<128xf32>,
    %get3A_1533 = arith.constant 45 : index
    %get3A_1534 = arith.index_cast %select_n3A_7 : i32 to index
    %get3A_1535 = arith.constant 0 : index
    %get3A_1536 = vector.load %arg3[%get3A_1533, %get3A_1534, %get3A_1535] : memref<64x8x128xi32, #tpu.memory_space<vmem>>, vector<1x1x128xi32>
    %get3A_1537 = vector.shape_cast %get3A_1536 : vector<1x1x128xi32> to vector<128xi32>
    %broadcast_in_dim3A_1538 = vector.shape_cast %get3A_1537 : vector<128xi32> to vector<1x128xi32>
    %eq3A_1539 = vector.broadcast %broadcast_in_dim3A_1538 : vector<1x128xi32> to vector<16x128xi32>
    %eq3A_1540 = arith.cmpi eq, %iota3A, %eq3A_1539 : vector<16x128xi32>
    %get3A_1541 = arith.constant 0 : index
    %get3A_1542 = arith.constant 0 : index
    %get3A_1543 = arith.constant 5760 : index
    %get3A_1544 = vector.load %arg1[%get3A_1541, %get3A_1542, %get3A_1543] : memref<1x16x8192xf32, #tpu.memory_space<vmem>>, vector<1x16x128xf32>
    %get3A_1545 = vector.shape_cast %get3A_1544 : vector<1x16x128xf32> to vector<16x128xf32>
    %jit3A_1546 = arith.constant 0.000000e+00 : f32
    %broadcast_in_dim3A_1547 = vector.broadcast %jit3A_1546 : f32 to vector<16x128xf32>
    %select_n3A_1548 = arith.select %eq3A_1540, %get3A_1545, %broadcast_in_dim3A_1547 : vector<16x128xi1>, vector<16x128xf32>
    %reduce_sum3A_1549 = arith.constant dense<0.000000e+00> : vector<128xf32>
    %reduce_sum3A_1550 = vector.multi_reduction <add>, %select_n3A_1548, %reduce_sum3A_1549 [0] : vector<16x128xf32> to vector<128xf32>
    %get3A_1551 = arith.constant 0 : index
    %get3A_1552 = arith.constant 0 : index
    %get3A_1553 = arith.constant 5760 : index
    %get3A_1554 = vector.load %arg2[%get3A_1551, %get3A_1552, %get3A_1553] : memref<1x16x8192xf32, #tpu.memory_space<vmem>>, vector<1x16x128xf32>
    %get3A_1555 = vector.shape_cast %get3A_1554 : vector<1x16x128xf32> to vector<16x128xf32>
    %jit3A_1556 = arith.constant 0.000000e+00 : f32
    %broadcast_in_dim3A_1557 = vector.broadcast %jit3A_1556 : f32 to vector<16x128xf32>
    %select_n3A_1558 = arith.select %eq3A_1540, %get3A_1555, %broadcast_in_dim3A_1557 : vector<16x128xi1>, vector<16x128xf32>
    %reduce_sum3A_1559 = arith.constant dense<0.000000e+00> : vector<128xf32>
    %reduce_sum3A_1560 = vector.multi_reduction <add>, %select_n3A_1558, %reduce_sum3A_1559 [0] : vector<16x128xf32> to vector<128xf32>
    %get3A_1561 = arith.constant 5760 : index
    %get3A_1562 = vector.load %arg4[%get3A_1561] : memref<8192xf32, #tpu.memory_space<vmem>>, vector<128xf32>
    %mul3A_1563 = arith.mulf %reduce_sum3A_1560, %get3A_1562 : vector<128xf32>
    %add3A_1564 = arith.addf %reduce_sum3A_1550, %mul3A_1563 : vector<128xf32>
    %swap3A_1565 = arith.constant 5760 : index
    %swap3A_1566 = vector.load %arg5[%swap3A_1565] : memref<8192xf32, #tpu.memory_space<vmem>>, vector<128xf32>
    tpu.vector_store %arg5[%swap3A_1565], %add3A_1564 {strides = array<i32>} : memref<8192xf32, #tpu.memory_space<vmem>>, vector<128xf32>,
    %get3A_1567 = arith.constant 46 : index
    %get3A_1568 = arith.index_cast %select_n3A_7 : i32 to index
    %get3A_1569 = arith.constant 0 : index
    %get3A_1570 = vector.load %arg3[%get3A_1567, %get3A_1568, %get3A_1569] : memref<64x8x128xi32, #tpu.memory_space<vmem>>, vector<1x1x128xi32>
    %get3A_1571 = vector.shape_cast %get3A_1570 : vector<1x1x128xi32> to vector<128xi32>
    %broadcast_in_dim3A_1572 = vector.shape_cast %get3A_1571 : vector<128xi32> to vector<1x128xi32>
    %eq3A_1573 = vector.broadcast %broadcast_in_dim3A_1572 : vector<1x128xi32> to vector<16x128xi32>
    %eq3A_1574 = arith.cmpi eq, %iota3A, %eq3A_1573 : vector<16x128xi32>
    %get3A_1575 = arith.constant 0 : index
    %get3A_1576 = arith.constant 0 : index
    %get3A_1577 = arith.constant 5888 : index
    %get3A_1578 = vector.load %arg1[%get3A_1575, %get3A_1576, %get3A_1577] : memref<1x16x8192xf32, #tpu.memory_space<vmem>>, vector<1x16x128xf32>
    %get3A_1579 = vector.shape_cast %get3A_1578 : vector<1x16x128xf32> to vector<16x128xf32>
    %jit3A_1580 = arith.constant 0.000000e+00 : f32
    %broadcast_in_dim3A_1581 = vector.broadcast %jit3A_1580 : f32 to vector<16x128xf32>
    %select_n3A_1582 = arith.select %eq3A_1574, %get3A_1579, %broadcast_in_dim3A_1581 : vector<16x128xi1>, vector<16x128xf32>
    %reduce_sum3A_1583 = arith.constant dense<0.000000e+00> : vector<128xf32>
    %reduce_sum3A_1584 = vector.multi_reduction <add>, %select_n3A_1582, %reduce_sum3A_1583 [0] : vector<16x128xf32> to vector<128xf32>
    %get3A_1585 = arith.constant 0 : index
    %get3A_1586 = arith.constant 0 : index
    %get3A_1587 = arith.constant 5888 : index
    %get3A_1588 = vector.load %arg2[%get3A_1585, %get3A_1586, %get3A_1587] : memref<1x16x8192xf32, #tpu.memory_space<vmem>>, vector<1x16x128xf32>
    %get3A_1589 = vector.shape_cast %get3A_1588 : vector<1x16x128xf32> to vector<16x128xf32>
    %jit3A_1590 = arith.constant 0.000000e+00 : f32
    %broadcast_in_dim3A_1591 = vector.broadcast %jit3A_1590 : f32 to vector<16x128xf32>
    %select_n3A_1592 = arith.select %eq3A_1574, %get3A_1589, %broadcast_in_dim3A_1591 : vector<16x128xi1>, vector<16x128xf32>
    %reduce_sum3A_1593 = arith.constant dense<0.000000e+00> : vector<128xf32>
    %reduce_sum3A_1594 = vector.multi_reduction <add>, %select_n3A_1592, %reduce_sum3A_1593 [0] : vector<16x128xf32> to vector<128xf32>
    %get3A_1595 = arith.constant 5888 : index
    %get3A_1596 = vector.load %arg4[%get3A_1595] : memref<8192xf32, #tpu.memory_space<vmem>>, vector<128xf32>
    %mul3A_1597 = arith.mulf %reduce_sum3A_1594, %get3A_1596 : vector<128xf32>
    %add3A_1598 = arith.addf %reduce_sum3A_1584, %mul3A_1597 : vector<128xf32>
    %swap3A_1599 = arith.constant 5888 : index
    %swap3A_1600 = vector.load %arg5[%swap3A_1599] : memref<8192xf32, #tpu.memory_space<vmem>>, vector<128xf32>
    tpu.vector_store %arg5[%swap3A_1599], %add3A_1598 {strides = array<i32>} : memref<8192xf32, #tpu.memory_space<vmem>>, vector<128xf32>,
    %get3A_1601 = arith.constant 47 : index
    %get3A_1602 = arith.index_cast %select_n3A_7 : i32 to index
    %get3A_1603 = arith.constant 0 : index
    %get3A_1604 = vector.load %arg3[%get3A_1601, %get3A_1602, %get3A_1603] : memref<64x8x128xi32, #tpu.memory_space<vmem>>, vector<1x1x128xi32>
    %get3A_1605 = vector.shape_cast %get3A_1604 : vector<1x1x128xi32> to vector<128xi32>
    %broadcast_in_dim3A_1606 = vector.shape_cast %get3A_1605 : vector<128xi32> to vector<1x128xi32>
    %eq3A_1607 = vector.broadcast %broadcast_in_dim3A_1606 : vector<1x128xi32> to vector<16x128xi32>
    %eq3A_1608 = arith.cmpi eq, %iota3A, %eq3A_1607 : vector<16x128xi32>
    %get3A_1609 = arith.constant 0 : index
    %get3A_1610 = arith.constant 0 : index
    %get3A_1611 = arith.constant 6016 : index
    %get3A_1612 = vector.load %arg1[%get3A_1609, %get3A_1610, %get3A_1611] : memref<1x16x8192xf32, #tpu.memory_space<vmem>>, vector<1x16x128xf32>
    %get3A_1613 = vector.shape_cast %get3A_1612 : vector<1x16x128xf32> to vector<16x128xf32>
    %jit3A_1614 = arith.constant 0.000000e+00 : f32
    %broadcast_in_dim3A_1615 = vector.broadcast %jit3A_1614 : f32 to vector<16x128xf32>
    %select_n3A_1616 = arith.select %eq3A_1608, %get3A_1613, %broadcast_in_dim3A_1615 : vector<16x128xi1>, vector<16x128xf32>
    %reduce_sum3A_1617 = arith.constant dense<0.000000e+00> : vector<128xf32>
    %reduce_sum3A_1618 = vector.multi_reduction <add>, %select_n3A_1616, %reduce_sum3A_1617 [0] : vector<16x128xf32> to vector<128xf32>
    %get3A_1619 = arith.constant 0 : index
    %get3A_1620 = arith.constant 0 : index
    %get3A_1621 = arith.constant 6016 : index
    %get3A_1622 = vector.load %arg2[%get3A_1619, %get3A_1620, %get3A_1621] : memref<1x16x8192xf32, #tpu.memory_space<vmem>>, vector<1x16x128xf32>
    %get3A_1623 = vector.shape_cast %get3A_1622 : vector<1x16x128xf32> to vector<16x128xf32>
    %jit3A_1624 = arith.constant 0.000000e+00 : f32
    %broadcast_in_dim3A_1625 = vector.broadcast %jit3A_1624 : f32 to vector<16x128xf32>
    %select_n3A_1626 = arith.select %eq3A_1608, %get3A_1623, %broadcast_in_dim3A_1625 : vector<16x128xi1>, vector<16x128xf32>
    %reduce_sum3A_1627 = arith.constant dense<0.000000e+00> : vector<128xf32>
    %reduce_sum3A_1628 = vector.multi_reduction <add>, %select_n3A_1626, %reduce_sum3A_1627 [0] : vector<16x128xf32> to vector<128xf32>
    %get3A_1629 = arith.constant 6016 : index
    %get3A_1630 = vector.load %arg4[%get3A_1629] : memref<8192xf32, #tpu.memory_space<vmem>>, vector<128xf32>
    %mul3A_1631 = arith.mulf %reduce_sum3A_1628, %get3A_1630 : vector<128xf32>
    %add3A_1632 = arith.addf %reduce_sum3A_1618, %mul3A_1631 : vector<128xf32>
    %swap3A_1633 = arith.constant 6016 : index
    %swap3A_1634 = vector.load %arg5[%swap3A_1633] : memref<8192xf32, #tpu.memory_space<vmem>>, vector<128xf32>
    tpu.vector_store %arg5[%swap3A_1633], %add3A_1632 {strides = array<i32>} : memref<8192xf32, #tpu.memory_space<vmem>>, vector<128xf32>,
    %get3A_1635 = arith.constant 48 : index
    %get3A_1636 = arith.index_cast %select_n3A_7 : i32 to index
    %get3A_1637 = arith.constant 0 : index
    %get3A_1638 = vector.load %arg3[%get3A_1635, %get3A_1636, %get3A_1637] : memref<64x8x128xi32, #tpu.memory_space<vmem>>, vector<1x1x128xi32>
    %get3A_1639 = vector.shape_cast %get3A_1638 : vector<1x1x128xi32> to vector<128xi32>
    %broadcast_in_dim3A_1640 = vector.shape_cast %get3A_1639 : vector<128xi32> to vector<1x128xi32>
    %eq3A_1641 = vector.broadcast %broadcast_in_dim3A_1640 : vector<1x128xi32> to vector<16x128xi32>
    %eq3A_1642 = arith.cmpi eq, %iota3A, %eq3A_1641 : vector<16x128xi32>
    %get3A_1643 = arith.constant 0 : index
    %get3A_1644 = arith.constant 0 : index
    %get3A_1645 = arith.constant 6144 : index
    %get3A_1646 = vector.load %arg1[%get3A_1643, %get3A_1644, %get3A_1645] : memref<1x16x8192xf32, #tpu.memory_space<vmem>>, vector<1x16x128xf32>
    %get3A_1647 = vector.shape_cast %get3A_1646 : vector<1x16x128xf32> to vector<16x128xf32>
    %jit3A_1648 = arith.constant 0.000000e+00 : f32
    %broadcast_in_dim3A_1649 = vector.broadcast %jit3A_1648 : f32 to vector<16x128xf32>
    %select_n3A_1650 = arith.select %eq3A_1642, %get3A_1647, %broadcast_in_dim3A_1649 : vector<16x128xi1>, vector<16x128xf32>
    %reduce_sum3A_1651 = arith.constant dense<0.000000e+00> : vector<128xf32>
    %reduce_sum3A_1652 = vector.multi_reduction <add>, %select_n3A_1650, %reduce_sum3A_1651 [0] : vector<16x128xf32> to vector<128xf32>
    %get3A_1653 = arith.constant 0 : index
    %get3A_1654 = arith.constant 0 : index
    %get3A_1655 = arith.constant 6144 : index
    %get3A_1656 = vector.load %arg2[%get3A_1653, %get3A_1654, %get3A_1655] : memref<1x16x8192xf32, #tpu.memory_space<vmem>>, vector<1x16x128xf32>
    %get3A_1657 = vector.shape_cast %get3A_1656 : vector<1x16x128xf32> to vector<16x128xf32>
    %jit3A_1658 = arith.constant 0.000000e+00 : f32
    %broadcast_in_dim3A_1659 = vector.broadcast %jit3A_1658 : f32 to vector<16x128xf32>
    %select_n3A_1660 = arith.select %eq3A_1642, %get3A_1657, %broadcast_in_dim3A_1659 : vector<16x128xi1>, vector<16x128xf32>
    %reduce_sum3A_1661 = arith.constant dense<0.000000e+00> : vector<128xf32>
    %reduce_sum3A_1662 = vector.multi_reduction <add>, %select_n3A_1660, %reduce_sum3A_1661 [0] : vector<16x128xf32> to vector<128xf32>
    %get3A_1663 = arith.constant 6144 : index
    %get3A_1664 = vector.load %arg4[%get3A_1663] : memref<8192xf32, #tpu.memory_space<vmem>>, vector<128xf32>
    %mul3A_1665 = arith.mulf %reduce_sum3A_1662, %get3A_1664 : vector<128xf32>
    %add3A_1666 = arith.addf %reduce_sum3A_1652, %mul3A_1665 : vector<128xf32>
    %swap3A_1667 = arith.constant 6144 : index
    %swap3A_1668 = vector.load %arg5[%swap3A_1667] : memref<8192xf32, #tpu.memory_space<vmem>>, vector<128xf32>
    tpu.vector_store %arg5[%swap3A_1667], %add3A_1666 {strides = array<i32>} : memref<8192xf32, #tpu.memory_space<vmem>>, vector<128xf32>,
    %get3A_1669 = arith.constant 49 : index
    %get3A_1670 = arith.index_cast %select_n3A_7 : i32 to index
    %get3A_1671 = arith.constant 0 : index
    %get3A_1672 = vector.load %arg3[%get3A_1669, %get3A_1670, %get3A_1671] : memref<64x8x128xi32, #tpu.memory_space<vmem>>, vector<1x1x128xi32>
    %get3A_1673 = vector.shape_cast %get3A_1672 : vector<1x1x128xi32> to vector<128xi32>
    %broadcast_in_dim3A_1674 = vector.shape_cast %get3A_1673 : vector<128xi32> to vector<1x128xi32>
    %eq3A_1675 = vector.broadcast %broadcast_in_dim3A_1674 : vector<1x128xi32> to vector<16x128xi32>
    %eq3A_1676 = arith.cmpi eq, %iota3A, %eq3A_1675 : vector<16x128xi32>
    %get3A_1677 = arith.constant 0 : index
    %get3A_1678 = arith.constant 0 : index
    %get3A_1679 = arith.constant 6272 : index
    %get3A_1680 = vector.load %arg1[%get3A_1677, %get3A_1678, %get3A_1679] : memref<1x16x8192xf32, #tpu.memory_space<vmem>>, vector<1x16x128xf32>
    %get3A_1681 = vector.shape_cast %get3A_1680 : vector<1x16x128xf32> to vector<16x128xf32>
    %jit3A_1682 = arith.constant 0.000000e+00 : f32
    %broadcast_in_dim3A_1683 = vector.broadcast %jit3A_1682 : f32 to vector<16x128xf32>
    %select_n3A_1684 = arith.select %eq3A_1676, %get3A_1681, %broadcast_in_dim3A_1683 : vector<16x128xi1>, vector<16x128xf32>
    %reduce_sum3A_1685 = arith.constant dense<0.000000e+00> : vector<128xf32>
    %reduce_sum3A_1686 = vector.multi_reduction <add>, %select_n3A_1684, %reduce_sum3A_1685 [0] : vector<16x128xf32> to vector<128xf32>
    %get3A_1687 = arith.constant 0 : index
    %get3A_1688 = arith.constant 0 : index
    %get3A_1689 = arith.constant 6272 : index
    %get3A_1690 = vector.load %arg2[%get3A_1687, %get3A_1688, %get3A_1689] : memref<1x16x8192xf32, #tpu.memory_space<vmem>>, vector<1x16x128xf32>
    %get3A_1691 = vector.shape_cast %get3A_1690 : vector<1x16x128xf32> to vector<16x128xf32>
    %jit3A_1692 = arith.constant 0.000000e+00 : f32
    %broadcast_in_dim3A_1693 = vector.broadcast %jit3A_1692 : f32 to vector<16x128xf32>
    %select_n3A_1694 = arith.select %eq3A_1676, %get3A_1691, %broadcast_in_dim3A_1693 : vector<16x128xi1>, vector<16x128xf32>
    %reduce_sum3A_1695 = arith.constant dense<0.000000e+00> : vector<128xf32>
    %reduce_sum3A_1696 = vector.multi_reduction <add>, %select_n3A_1694, %reduce_sum3A_1695 [0] : vector<16x128xf32> to vector<128xf32>
    %get3A_1697 = arith.constant 6272 : index
    %get3A_1698 = vector.load %arg4[%get3A_1697] : memref<8192xf32, #tpu.memory_space<vmem>>, vector<128xf32>
    %mul3A_1699 = arith.mulf %reduce_sum3A_1696, %get3A_1698 : vector<128xf32>
    %add3A_1700 = arith.addf %reduce_sum3A_1686, %mul3A_1699 : vector<128xf32>
    %swap3A_1701 = arith.constant 6272 : index
    %swap3A_1702 = vector.load %arg5[%swap3A_1701] : memref<8192xf32, #tpu.memory_space<vmem>>, vector<128xf32>
    tpu.vector_store %arg5[%swap3A_1701], %add3A_1700 {strides = array<i32>} : memref<8192xf32, #tpu.memory_space<vmem>>, vector<128xf32>,
    %get3A_1703 = arith.constant 50 : index
    %get3A_1704 = arith.index_cast %select_n3A_7 : i32 to index
    %get3A_1705 = arith.constant 0 : index
    %get3A_1706 = vector.load %arg3[%get3A_1703, %get3A_1704, %get3A_1705] : memref<64x8x128xi32, #tpu.memory_space<vmem>>, vector<1x1x128xi32>
    %get3A_1707 = vector.shape_cast %get3A_1706 : vector<1x1x128xi32> to vector<128xi32>
    %broadcast_in_dim3A_1708 = vector.shape_cast %get3A_1707 : vector<128xi32> to vector<1x128xi32>
    %eq3A_1709 = vector.broadcast %broadcast_in_dim3A_1708 : vector<1x128xi32> to vector<16x128xi32>
    %eq3A_1710 = arith.cmpi eq, %iota3A, %eq3A_1709 : vector<16x128xi32>
    %get3A_1711 = arith.constant 0 : index
    %get3A_1712 = arith.constant 0 : index
    %get3A_1713 = arith.constant 6400 : index
    %get3A_1714 = vector.load %arg1[%get3A_1711, %get3A_1712, %get3A_1713] : memref<1x16x8192xf32, #tpu.memory_space<vmem>>, vector<1x16x128xf32>
    %get3A_1715 = vector.shape_cast %get3A_1714 : vector<1x16x128xf32> to vector<16x128xf32>
    %jit3A_1716 = arith.constant 0.000000e+00 : f32
    %broadcast_in_dim3A_1717 = vector.broadcast %jit3A_1716 : f32 to vector<16x128xf32>
    %select_n3A_1718 = arith.select %eq3A_1710, %get3A_1715, %broadcast_in_dim3A_1717 : vector<16x128xi1>, vector<16x128xf32>
    %reduce_sum3A_1719 = arith.constant dense<0.000000e+00> : vector<128xf32>
    %reduce_sum3A_1720 = vector.multi_reduction <add>, %select_n3A_1718, %reduce_sum3A_1719 [0] : vector<16x128xf32> to vector<128xf32>
    %get3A_1721 = arith.constant 0 : index
    %get3A_1722 = arith.constant 0 : index
    %get3A_1723 = arith.constant 6400 : index
    %get3A_1724 = vector.load %arg2[%get3A_1721, %get3A_1722, %get3A_1723] : memref<1x16x8192xf32, #tpu.memory_space<vmem>>, vector<1x16x128xf32>
    %get3A_1725 = vector.shape_cast %get3A_1724 : vector<1x16x128xf32> to vector<16x128xf32>
    %jit3A_1726 = arith.constant 0.000000e+00 : f32
    %broadcast_in_dim3A_1727 = vector.broadcast %jit3A_1726 : f32 to vector<16x128xf32>
    %select_n3A_1728 = arith.select %eq3A_1710, %get3A_1725, %broadcast_in_dim3A_1727 : vector<16x128xi1>, vector<16x128xf32>
    %reduce_sum3A_1729 = arith.constant dense<0.000000e+00> : vector<128xf32>
    %reduce_sum3A_1730 = vector.multi_reduction <add>, %select_n3A_1728, %reduce_sum3A_1729 [0] : vector<16x128xf32> to vector<128xf32>
    %get3A_1731 = arith.constant 6400 : index
    %get3A_1732 = vector.load %arg4[%get3A_1731] : memref<8192xf32, #tpu.memory_space<vmem>>, vector<128xf32>
    %mul3A_1733 = arith.mulf %reduce_sum3A_1730, %get3A_1732 : vector<128xf32>
    %add3A_1734 = arith.addf %reduce_sum3A_1720, %mul3A_1733 : vector<128xf32>
    %swap3A_1735 = arith.constant 6400 : index
    %swap3A_1736 = vector.load %arg5[%swap3A_1735] : memref<8192xf32, #tpu.memory_space<vmem>>, vector<128xf32>
    tpu.vector_store %arg5[%swap3A_1735], %add3A_1734 {strides = array<i32>} : memref<8192xf32, #tpu.memory_space<vmem>>, vector<128xf32>,
    %get3A_1737 = arith.constant 51 : index
    %get3A_1738 = arith.index_cast %select_n3A_7 : i32 to index
    %get3A_1739 = arith.constant 0 : index
    %get3A_1740 = vector.load %arg3[%get3A_1737, %get3A_1738, %get3A_1739] : memref<64x8x128xi32, #tpu.memory_space<vmem>>, vector<1x1x128xi32>
    %get3A_1741 = vector.shape_cast %get3A_1740 : vector<1x1x128xi32> to vector<128xi32>
    %broadcast_in_dim3A_1742 = vector.shape_cast %get3A_1741 : vector<128xi32> to vector<1x128xi32>
    %eq3A_1743 = vector.broadcast %broadcast_in_dim3A_1742 : vector<1x128xi32> to vector<16x128xi32>
    %eq3A_1744 = arith.cmpi eq, %iota3A, %eq3A_1743 : vector<16x128xi32>
    %get3A_1745 = arith.constant 0 : index
    %get3A_1746 = arith.constant 0 : index
    %get3A_1747 = arith.constant 6528 : index
    %get3A_1748 = vector.load %arg1[%get3A_1745, %get3A_1746, %get3A_1747] : memref<1x16x8192xf32, #tpu.memory_space<vmem>>, vector<1x16x128xf32>
    %get3A_1749 = vector.shape_cast %get3A_1748 : vector<1x16x128xf32> to vector<16x128xf32>
    %jit3A_1750 = arith.constant 0.000000e+00 : f32
    %broadcast_in_dim3A_1751 = vector.broadcast %jit3A_1750 : f32 to vector<16x128xf32>
    %select_n3A_1752 = arith.select %eq3A_1744, %get3A_1749, %broadcast_in_dim3A_1751 : vector<16x128xi1>, vector<16x128xf32>
    %reduce_sum3A_1753 = arith.constant dense<0.000000e+00> : vector<128xf32>
    %reduce_sum3A_1754 = vector.multi_reduction <add>, %select_n3A_1752, %reduce_sum3A_1753 [0] : vector<16x128xf32> to vector<128xf32>
    %get3A_1755 = arith.constant 0 : index
    %get3A_1756 = arith.constant 0 : index
    %get3A_1757 = arith.constant 6528 : index
    %get3A_1758 = vector.load %arg2[%get3A_1755, %get3A_1756, %get3A_1757] : memref<1x16x8192xf32, #tpu.memory_space<vmem>>, vector<1x16x128xf32>
    %get3A_1759 = vector.shape_cast %get3A_1758 : vector<1x16x128xf32> to vector<16x128xf32>
    %jit3A_1760 = arith.constant 0.000000e+00 : f32
    %broadcast_in_dim3A_1761 = vector.broadcast %jit3A_1760 : f32 to vector<16x128xf32>
    %select_n3A_1762 = arith.select %eq3A_1744, %get3A_1759, %broadcast_in_dim3A_1761 : vector<16x128xi1>, vector<16x128xf32>
    %reduce_sum3A_1763 = arith.constant dense<0.000000e+00> : vector<128xf32>
    %reduce_sum3A_1764 = vector.multi_reduction <add>, %select_n3A_1762, %reduce_sum3A_1763 [0] : vector<16x128xf32> to vector<128xf32>
    %get3A_1765 = arith.constant 6528 : index
    %get3A_1766 = vector.load %arg4[%get3A_1765] : memref<8192xf32, #tpu.memory_space<vmem>>, vector<128xf32>
    %mul3A_1767 = arith.mulf %reduce_sum3A_1764, %get3A_1766 : vector<128xf32>
    %add3A_1768 = arith.addf %reduce_sum3A_1754, %mul3A_1767 : vector<128xf32>
    %swap3A_1769 = arith.constant 6528 : index
    %swap3A_1770 = vector.load %arg5[%swap3A_1769] : memref<8192xf32, #tpu.memory_space<vmem>>, vector<128xf32>
    tpu.vector_store %arg5[%swap3A_1769], %add3A_1768 {strides = array<i32>} : memref<8192xf32, #tpu.memory_space<vmem>>, vector<128xf32>,
    %get3A_1771 = arith.constant 52 : index
    %get3A_1772 = arith.index_cast %select_n3A_7 : i32 to index
    %get3A_1773 = arith.constant 0 : index
    %get3A_1774 = vector.load %arg3[%get3A_1771, %get3A_1772, %get3A_1773] : memref<64x8x128xi32, #tpu.memory_space<vmem>>, vector<1x1x128xi32>
    %get3A_1775 = vector.shape_cast %get3A_1774 : vector<1x1x128xi32> to vector<128xi32>
    %broadcast_in_dim3A_1776 = vector.shape_cast %get3A_1775 : vector<128xi32> to vector<1x128xi32>
    %eq3A_1777 = vector.broadcast %broadcast_in_dim3A_1776 : vector<1x128xi32> to vector<16x128xi32>
    %eq3A_1778 = arith.cmpi eq, %iota3A, %eq3A_1777 : vector<16x128xi32>
    %get3A_1779 = arith.constant 0 : index
    %get3A_1780 = arith.constant 0 : index
    %get3A_1781 = arith.constant 6656 : index
    %get3A_1782 = vector.load %arg1[%get3A_1779, %get3A_1780, %get3A_1781] : memref<1x16x8192xf32, #tpu.memory_space<vmem>>, vector<1x16x128xf32>
    %get3A_1783 = vector.shape_cast %get3A_1782 : vector<1x16x128xf32> to vector<16x128xf32>
    %jit3A_1784 = arith.constant 0.000000e+00 : f32
    %broadcast_in_dim3A_1785 = vector.broadcast %jit3A_1784 : f32 to vector<16x128xf32>
    %select_n3A_1786 = arith.select %eq3A_1778, %get3A_1783, %broadcast_in_dim3A_1785 : vector<16x128xi1>, vector<16x128xf32>
    %reduce_sum3A_1787 = arith.constant dense<0.000000e+00> : vector<128xf32>
    %reduce_sum3A_1788 = vector.multi_reduction <add>, %select_n3A_1786, %reduce_sum3A_1787 [0] : vector<16x128xf32> to vector<128xf32>
    %get3A_1789 = arith.constant 0 : index
    %get3A_1790 = arith.constant 0 : index
    %get3A_1791 = arith.constant 6656 : index
    %get3A_1792 = vector.load %arg2[%get3A_1789, %get3A_1790, %get3A_1791] : memref<1x16x8192xf32, #tpu.memory_space<vmem>>, vector<1x16x128xf32>
    %get3A_1793 = vector.shape_cast %get3A_1792 : vector<1x16x128xf32> to vector<16x128xf32>
    %jit3A_1794 = arith.constant 0.000000e+00 : f32
    %broadcast_in_dim3A_1795 = vector.broadcast %jit3A_1794 : f32 to vector<16x128xf32>
    %select_n3A_1796 = arith.select %eq3A_1778, %get3A_1793, %broadcast_in_dim3A_1795 : vector<16x128xi1>, vector<16x128xf32>
    %reduce_sum3A_1797 = arith.constant dense<0.000000e+00> : vector<128xf32>
    %reduce_sum3A_1798 = vector.multi_reduction <add>, %select_n3A_1796, %reduce_sum3A_1797 [0] : vector<16x128xf32> to vector<128xf32>
    %get3A_1799 = arith.constant 6656 : index
    %get3A_1800 = vector.load %arg4[%get3A_1799] : memref<8192xf32, #tpu.memory_space<vmem>>, vector<128xf32>
    %mul3A_1801 = arith.mulf %reduce_sum3A_1798, %get3A_1800 : vector<128xf32>
    %add3A_1802 = arith.addf %reduce_sum3A_1788, %mul3A_1801 : vector<128xf32>
    %swap3A_1803 = arith.constant 6656 : index
    %swap3A_1804 = vector.load %arg5[%swap3A_1803] : memref<8192xf32, #tpu.memory_space<vmem>>, vector<128xf32>
    tpu.vector_store %arg5[%swap3A_1803], %add3A_1802 {strides = array<i32>} : memref<8192xf32, #tpu.memory_space<vmem>>, vector<128xf32>,
    %get3A_1805 = arith.constant 53 : index
    %get3A_1806 = arith.index_cast %select_n3A_7 : i32 to index
    %get3A_1807 = arith.constant 0 : index
    %get3A_1808 = vector.load %arg3[%get3A_1805, %get3A_1806, %get3A_1807] : memref<64x8x128xi32, #tpu.memory_space<vmem>>, vector<1x1x128xi32>
    %get3A_1809 = vector.shape_cast %get3A_1808 : vector<1x1x128xi32> to vector<128xi32>
    %broadcast_in_dim3A_1810 = vector.shape_cast %get3A_1809 : vector<128xi32> to vector<1x128xi32>
    %eq3A_1811 = vector.broadcast %broadcast_in_dim3A_1810 : vector<1x128xi32> to vector<16x128xi32>
    %eq3A_1812 = arith.cmpi eq, %iota3A, %eq3A_1811 : vector<16x128xi32>
    %get3A_1813 = arith.constant 0 : index
    %get3A_1814 = arith.constant 0 : index
    %get3A_1815 = arith.constant 6784 : index
    %get3A_1816 = vector.load %arg1[%get3A_1813, %get3A_1814, %get3A_1815] : memref<1x16x8192xf32, #tpu.memory_space<vmem>>, vector<1x16x128xf32>
    %get3A_1817 = vector.shape_cast %get3A_1816 : vector<1x16x128xf32> to vector<16x128xf32>
    %jit3A_1818 = arith.constant 0.000000e+00 : f32
    %broadcast_in_dim3A_1819 = vector.broadcast %jit3A_1818 : f32 to vector<16x128xf32>
    %select_n3A_1820 = arith.select %eq3A_1812, %get3A_1817, %broadcast_in_dim3A_1819 : vector<16x128xi1>, vector<16x128xf32>
    %reduce_sum3A_1821 = arith.constant dense<0.000000e+00> : vector<128xf32>
    %reduce_sum3A_1822 = vector.multi_reduction <add>, %select_n3A_1820, %reduce_sum3A_1821 [0] : vector<16x128xf32> to vector<128xf32>
    %get3A_1823 = arith.constant 0 : index
    %get3A_1824 = arith.constant 0 : index
    %get3A_1825 = arith.constant 6784 : index
    %get3A_1826 = vector.load %arg2[%get3A_1823, %get3A_1824, %get3A_1825] : memref<1x16x8192xf32, #tpu.memory_space<vmem>>, vector<1x16x128xf32>
    %get3A_1827 = vector.shape_cast %get3A_1826 : vector<1x16x128xf32> to vector<16x128xf32>
    %jit3A_1828 = arith.constant 0.000000e+00 : f32
    %broadcast_in_dim3A_1829 = vector.broadcast %jit3A_1828 : f32 to vector<16x128xf32>
    %select_n3A_1830 = arith.select %eq3A_1812, %get3A_1827, %broadcast_in_dim3A_1829 : vector<16x128xi1>, vector<16x128xf32>
    %reduce_sum3A_1831 = arith.constant dense<0.000000e+00> : vector<128xf32>
    %reduce_sum3A_1832 = vector.multi_reduction <add>, %select_n3A_1830, %reduce_sum3A_1831 [0] : vector<16x128xf32> to vector<128xf32>
    %get3A_1833 = arith.constant 6784 : index
    %get3A_1834 = vector.load %arg4[%get3A_1833] : memref<8192xf32, #tpu.memory_space<vmem>>, vector<128xf32>
    %mul3A_1835 = arith.mulf %reduce_sum3A_1832, %get3A_1834 : vector<128xf32>
    %add3A_1836 = arith.addf %reduce_sum3A_1822, %mul3A_1835 : vector<128xf32>
    %swap3A_1837 = arith.constant 6784 : index
    %swap3A_1838 = vector.load %arg5[%swap3A_1837] : memref<8192xf32, #tpu.memory_space<vmem>>, vector<128xf32>
    tpu.vector_store %arg5[%swap3A_1837], %add3A_1836 {strides = array<i32>} : memref<8192xf32, #tpu.memory_space<vmem>>, vector<128xf32>,
    %get3A_1839 = arith.constant 54 : index
    %get3A_1840 = arith.index_cast %select_n3A_7 : i32 to index
    %get3A_1841 = arith.constant 0 : index
    %get3A_1842 = vector.load %arg3[%get3A_1839, %get3A_1840, %get3A_1841] : memref<64x8x128xi32, #tpu.memory_space<vmem>>, vector<1x1x128xi32>
    %get3A_1843 = vector.shape_cast %get3A_1842 : vector<1x1x128xi32> to vector<128xi32>
    %broadcast_in_dim3A_1844 = vector.shape_cast %get3A_1843 : vector<128xi32> to vector<1x128xi32>
    %eq3A_1845 = vector.broadcast %broadcast_in_dim3A_1844 : vector<1x128xi32> to vector<16x128xi32>
    %eq3A_1846 = arith.cmpi eq, %iota3A, %eq3A_1845 : vector<16x128xi32>
    %get3A_1847 = arith.constant 0 : index
    %get3A_1848 = arith.constant 0 : index
    %get3A_1849 = arith.constant 6912 : index
    %get3A_1850 = vector.load %arg1[%get3A_1847, %get3A_1848, %get3A_1849] : memref<1x16x8192xf32, #tpu.memory_space<vmem>>, vector<1x16x128xf32>
    %get3A_1851 = vector.shape_cast %get3A_1850 : vector<1x16x128xf32> to vector<16x128xf32>
    %jit3A_1852 = arith.constant 0.000000e+00 : f32
    %broadcast_in_dim3A_1853 = vector.broadcast %jit3A_1852 : f32 to vector<16x128xf32>
    %select_n3A_1854 = arith.select %eq3A_1846, %get3A_1851, %broadcast_in_dim3A_1853 : vector<16x128xi1>, vector<16x128xf32>
    %reduce_sum3A_1855 = arith.constant dense<0.000000e+00> : vector<128xf32>
    %reduce_sum3A_1856 = vector.multi_reduction <add>, %select_n3A_1854, %reduce_sum3A_1855 [0] : vector<16x128xf32> to vector<128xf32>
    %get3A_1857 = arith.constant 0 : index
    %get3A_1858 = arith.constant 0 : index
    %get3A_1859 = arith.constant 6912 : index
    %get3A_1860 = vector.load %arg2[%get3A_1857, %get3A_1858, %get3A_1859] : memref<1x16x8192xf32, #tpu.memory_space<vmem>>, vector<1x16x128xf32>
    %get3A_1861 = vector.shape_cast %get3A_1860 : vector<1x16x128xf32> to vector<16x128xf32>
    %jit3A_1862 = arith.constant 0.000000e+00 : f32
    %broadcast_in_dim3A_1863 = vector.broadcast %jit3A_1862 : f32 to vector<16x128xf32>
    %select_n3A_1864 = arith.select %eq3A_1846, %get3A_1861, %broadcast_in_dim3A_1863 : vector<16x128xi1>, vector<16x128xf32>
    %reduce_sum3A_1865 = arith.constant dense<0.000000e+00> : vector<128xf32>
    %reduce_sum3A_1866 = vector.multi_reduction <add>, %select_n3A_1864, %reduce_sum3A_1865 [0] : vector<16x128xf32> to vector<128xf32>
    %get3A_1867 = arith.constant 6912 : index
    %get3A_1868 = vector.load %arg4[%get3A_1867] : memref<8192xf32, #tpu.memory_space<vmem>>, vector<128xf32>
    %mul3A_1869 = arith.mulf %reduce_sum3A_1866, %get3A_1868 : vector<128xf32>
    %add3A_1870 = arith.addf %reduce_sum3A_1856, %mul3A_1869 : vector<128xf32>
    %swap3A_1871 = arith.constant 6912 : index
    %swap3A_1872 = vector.load %arg5[%swap3A_1871] : memref<8192xf32, #tpu.memory_space<vmem>>, vector<128xf32>
    tpu.vector_store %arg5[%swap3A_1871], %add3A_1870 {strides = array<i32>} : memref<8192xf32, #tpu.memory_space<vmem>>, vector<128xf32>,
    %get3A_1873 = arith.constant 55 : index
    %get3A_1874 = arith.index_cast %select_n3A_7 : i32 to index
    %get3A_1875 = arith.constant 0 : index
    %get3A_1876 = vector.load %arg3[%get3A_1873, %get3A_1874, %get3A_1875] : memref<64x8x128xi32, #tpu.memory_space<vmem>>, vector<1x1x128xi32>
    %get3A_1877 = vector.shape_cast %get3A_1876 : vector<1x1x128xi32> to vector<128xi32>
    %broadcast_in_dim3A_1878 = vector.shape_cast %get3A_1877 : vector<128xi32> to vector<1x128xi32>
    %eq3A_1879 = vector.broadcast %broadcast_in_dim3A_1878 : vector<1x128xi32> to vector<16x128xi32>
    %eq3A_1880 = arith.cmpi eq, %iota3A, %eq3A_1879 : vector<16x128xi32>
    %get3A_1881 = arith.constant 0 : index
    %get3A_1882 = arith.constant 0 : index
    %get3A_1883 = arith.constant 7040 : index
    %get3A_1884 = vector.load %arg1[%get3A_1881, %get3A_1882, %get3A_1883] : memref<1x16x8192xf32, #tpu.memory_space<vmem>>, vector<1x16x128xf32>
    %get3A_1885 = vector.shape_cast %get3A_1884 : vector<1x16x128xf32> to vector<16x128xf32>
    %jit3A_1886 = arith.constant 0.000000e+00 : f32
    %broadcast_in_dim3A_1887 = vector.broadcast %jit3A_1886 : f32 to vector<16x128xf32>
    %select_n3A_1888 = arith.select %eq3A_1880, %get3A_1885, %broadcast_in_dim3A_1887 : vector<16x128xi1>, vector<16x128xf32>
    %reduce_sum3A_1889 = arith.constant dense<0.000000e+00> : vector<128xf32>
    %reduce_sum3A_1890 = vector.multi_reduction <add>, %select_n3A_1888, %reduce_sum3A_1889 [0] : vector<16x128xf32> to vector<128xf32>
    %get3A_1891 = arith.constant 0 : index
    %get3A_1892 = arith.constant 0 : index
    %get3A_1893 = arith.constant 7040 : index
    %get3A_1894 = vector.load %arg2[%get3A_1891, %get3A_1892, %get3A_1893] : memref<1x16x8192xf32, #tpu.memory_space<vmem>>, vector<1x16x128xf32>
    %get3A_1895 = vector.shape_cast %get3A_1894 : vector<1x16x128xf32> to vector<16x128xf32>
    %jit3A_1896 = arith.constant 0.000000e+00 : f32
    %broadcast_in_dim3A_1897 = vector.broadcast %jit3A_1896 : f32 to vector<16x128xf32>
    %select_n3A_1898 = arith.select %eq3A_1880, %get3A_1895, %broadcast_in_dim3A_1897 : vector<16x128xi1>, vector<16x128xf32>
    %reduce_sum3A_1899 = arith.constant dense<0.000000e+00> : vector<128xf32>
    %reduce_sum3A_1900 = vector.multi_reduction <add>, %select_n3A_1898, %reduce_sum3A_1899 [0] : vector<16x128xf32> to vector<128xf32>
    %get3A_1901 = arith.constant 7040 : index
    %get3A_1902 = vector.load %arg4[%get3A_1901] : memref<8192xf32, #tpu.memory_space<vmem>>, vector<128xf32>
    %mul3A_1903 = arith.mulf %reduce_sum3A_1900, %get3A_1902 : vector<128xf32>
    %add3A_1904 = arith.addf %reduce_sum3A_1890, %mul3A_1903 : vector<128xf32>
    %swap3A_1905 = arith.constant 7040 : index
    %swap3A_1906 = vector.load %arg5[%swap3A_1905] : memref<8192xf32, #tpu.memory_space<vmem>>, vector<128xf32>
    tpu.vector_store %arg5[%swap3A_1905], %add3A_1904 {strides = array<i32>} : memref<8192xf32, #tpu.memory_space<vmem>>, vector<128xf32>,
    %get3A_1907 = arith.constant 56 : index
    %get3A_1908 = arith.index_cast %select_n3A_7 : i32 to index
    %get3A_1909 = arith.constant 0 : index
    %get3A_1910 = vector.load %arg3[%get3A_1907, %get3A_1908, %get3A_1909] : memref<64x8x128xi32, #tpu.memory_space<vmem>>, vector<1x1x128xi32>
    %get3A_1911 = vector.shape_cast %get3A_1910 : vector<1x1x128xi32> to vector<128xi32>
    %broadcast_in_dim3A_1912 = vector.shape_cast %get3A_1911 : vector<128xi32> to vector<1x128xi32>
    %eq3A_1913 = vector.broadcast %broadcast_in_dim3A_1912 : vector<1x128xi32> to vector<16x128xi32>
    %eq3A_1914 = arith.cmpi eq, %iota3A, %eq3A_1913 : vector<16x128xi32>
    %get3A_1915 = arith.constant 0 : index
    %get3A_1916 = arith.constant 0 : index
    %get3A_1917 = arith.constant 7168 : index
    %get3A_1918 = vector.load %arg1[%get3A_1915, %get3A_1916, %get3A_1917] : memref<1x16x8192xf32, #tpu.memory_space<vmem>>, vector<1x16x128xf32>
    %get3A_1919 = vector.shape_cast %get3A_1918 : vector<1x16x128xf32> to vector<16x128xf32>
    %jit3A_1920 = arith.constant 0.000000e+00 : f32
    %broadcast_in_dim3A_1921 = vector.broadcast %jit3A_1920 : f32 to vector<16x128xf32>
    %select_n3A_1922 = arith.select %eq3A_1914, %get3A_1919, %broadcast_in_dim3A_1921 : vector<16x128xi1>, vector<16x128xf32>
    %reduce_sum3A_1923 = arith.constant dense<0.000000e+00> : vector<128xf32>
    %reduce_sum3A_1924 = vector.multi_reduction <add>, %select_n3A_1922, %reduce_sum3A_1923 [0] : vector<16x128xf32> to vector<128xf32>
    %get3A_1925 = arith.constant 0 : index
    %get3A_1926 = arith.constant 0 : index
    %get3A_1927 = arith.constant 7168 : index
    %get3A_1928 = vector.load %arg2[%get3A_1925, %get3A_1926, %get3A_1927] : memref<1x16x8192xf32, #tpu.memory_space<vmem>>, vector<1x16x128xf32>
    %get3A_1929 = vector.shape_cast %get3A_1928 : vector<1x16x128xf32> to vector<16x128xf32>
    %jit3A_1930 = arith.constant 0.000000e+00 : f32
    %broadcast_in_dim3A_1931 = vector.broadcast %jit3A_1930 : f32 to vector<16x128xf32>
    %select_n3A_1932 = arith.select %eq3A_1914, %get3A_1929, %broadcast_in_dim3A_1931 : vector<16x128xi1>, vector<16x128xf32>
    %reduce_sum3A_1933 = arith.constant dense<0.000000e+00> : vector<128xf32>
    %reduce_sum3A_1934 = vector.multi_reduction <add>, %select_n3A_1932, %reduce_sum3A_1933 [0] : vector<16x128xf32> to vector<128xf32>
    %get3A_1935 = arith.constant 7168 : index
    %get3A_1936 = vector.load %arg4[%get3A_1935] : memref<8192xf32, #tpu.memory_space<vmem>>, vector<128xf32>
    %mul3A_1937 = arith.mulf %reduce_sum3A_1934, %get3A_1936 : vector<128xf32>
    %add3A_1938 = arith.addf %reduce_sum3A_1924, %mul3A_1937 : vector<128xf32>
    %swap3A_1939 = arith.constant 7168 : index
    %swap3A_1940 = vector.load %arg5[%swap3A_1939] : memref<8192xf32, #tpu.memory_space<vmem>>, vector<128xf32>
    tpu.vector_store %arg5[%swap3A_1939], %add3A_1938 {strides = array<i32>} : memref<8192xf32, #tpu.memory_space<vmem>>, vector<128xf32>,
    %get3A_1941 = arith.constant 57 : index
    %get3A_1942 = arith.index_cast %select_n3A_7 : i32 to index
    %get3A_1943 = arith.constant 0 : index
    %get3A_1944 = vector.load %arg3[%get3A_1941, %get3A_1942, %get3A_1943] : memref<64x8x128xi32, #tpu.memory_space<vmem>>, vector<1x1x128xi32>
    %get3A_1945 = vector.shape_cast %get3A_1944 : vector<1x1x128xi32> to vector<128xi32>
    %broadcast_in_dim3A_1946 = vector.shape_cast %get3A_1945 : vector<128xi32> to vector<1x128xi32>
    %eq3A_1947 = vector.broadcast %broadcast_in_dim3A_1946 : vector<1x128xi32> to vector<16x128xi32>
    %eq3A_1948 = arith.cmpi eq, %iota3A, %eq3A_1947 : vector<16x128xi32>
    %get3A_1949 = arith.constant 0 : index
    %get3A_1950 = arith.constant 0 : index
    %get3A_1951 = arith.constant 7296 : index
    %get3A_1952 = vector.load %arg1[%get3A_1949, %get3A_1950, %get3A_1951] : memref<1x16x8192xf32, #tpu.memory_space<vmem>>, vector<1x16x128xf32>
    %get3A_1953 = vector.shape_cast %get3A_1952 : vector<1x16x128xf32> to vector<16x128xf32>
    %jit3A_1954 = arith.constant 0.000000e+00 : f32
    %broadcast_in_dim3A_1955 = vector.broadcast %jit3A_1954 : f32 to vector<16x128xf32>
    %select_n3A_1956 = arith.select %eq3A_1948, %get3A_1953, %broadcast_in_dim3A_1955 : vector<16x128xi1>, vector<16x128xf32>
    %reduce_sum3A_1957 = arith.constant dense<0.000000e+00> : vector<128xf32>
    %reduce_sum3A_1958 = vector.multi_reduction <add>, %select_n3A_1956, %reduce_sum3A_1957 [0] : vector<16x128xf32> to vector<128xf32>
    %get3A_1959 = arith.constant 0 : index
    %get3A_1960 = arith.constant 0 : index
    %get3A_1961 = arith.constant 7296 : index
    %get3A_1962 = vector.load %arg2[%get3A_1959, %get3A_1960, %get3A_1961] : memref<1x16x8192xf32, #tpu.memory_space<vmem>>, vector<1x16x128xf32>
    %get3A_1963 = vector.shape_cast %get3A_1962 : vector<1x16x128xf32> to vector<16x128xf32>
    %jit3A_1964 = arith.constant 0.000000e+00 : f32
    %broadcast_in_dim3A_1965 = vector.broadcast %jit3A_1964 : f32 to vector<16x128xf32>
    %select_n3A_1966 = arith.select %eq3A_1948, %get3A_1963, %broadcast_in_dim3A_1965 : vector<16x128xi1>, vector<16x128xf32>
    %reduce_sum3A_1967 = arith.constant dense<0.000000e+00> : vector<128xf32>
    %reduce_sum3A_1968 = vector.multi_reduction <add>, %select_n3A_1966, %reduce_sum3A_1967 [0] : vector<16x128xf32> to vector<128xf32>
    %get3A_1969 = arith.constant 7296 : index
    %get3A_1970 = vector.load %arg4[%get3A_1969] : memref<8192xf32, #tpu.memory_space<vmem>>, vector<128xf32>
    %mul3A_1971 = arith.mulf %reduce_sum3A_1968, %get3A_1970 : vector<128xf32>
    %add3A_1972 = arith.addf %reduce_sum3A_1958, %mul3A_1971 : vector<128xf32>
    %swap3A_1973 = arith.constant 7296 : index
    %swap3A_1974 = vector.load %arg5[%swap3A_1973] : memref<8192xf32, #tpu.memory_space<vmem>>, vector<128xf32>
    tpu.vector_store %arg5[%swap3A_1973], %add3A_1972 {strides = array<i32>} : memref<8192xf32, #tpu.memory_space<vmem>>, vector<128xf32>,
    %get3A_1975 = arith.constant 58 : index
    %get3A_1976 = arith.index_cast %select_n3A_7 : i32 to index
    %get3A_1977 = arith.constant 0 : index
    %get3A_1978 = vector.load %arg3[%get3A_1975, %get3A_1976, %get3A_1977] : memref<64x8x128xi32, #tpu.memory_space<vmem>>, vector<1x1x128xi32>
    %get3A_1979 = vector.shape_cast %get3A_1978 : vector<1x1x128xi32> to vector<128xi32>
    %broadcast_in_dim3A_1980 = vector.shape_cast %get3A_1979 : vector<128xi32> to vector<1x128xi32>
    %eq3A_1981 = vector.broadcast %broadcast_in_dim3A_1980 : vector<1x128xi32> to vector<16x128xi32>
    %eq3A_1982 = arith.cmpi eq, %iota3A, %eq3A_1981 : vector<16x128xi32>
    %get3A_1983 = arith.constant 0 : index
    %get3A_1984 = arith.constant 0 : index
    %get3A_1985 = arith.constant 7424 : index
    %get3A_1986 = vector.load %arg1[%get3A_1983, %get3A_1984, %get3A_1985] : memref<1x16x8192xf32, #tpu.memory_space<vmem>>, vector<1x16x128xf32>
    %get3A_1987 = vector.shape_cast %get3A_1986 : vector<1x16x128xf32> to vector<16x128xf32>
    %jit3A_1988 = arith.constant 0.000000e+00 : f32
    %broadcast_in_dim3A_1989 = vector.broadcast %jit3A_1988 : f32 to vector<16x128xf32>
    %select_n3A_1990 = arith.select %eq3A_1982, %get3A_1987, %broadcast_in_dim3A_1989 : vector<16x128xi1>, vector<16x128xf32>
    %reduce_sum3A_1991 = arith.constant dense<0.000000e+00> : vector<128xf32>
    %reduce_sum3A_1992 = vector.multi_reduction <add>, %select_n3A_1990, %reduce_sum3A_1991 [0] : vector<16x128xf32> to vector<128xf32>
    %get3A_1993 = arith.constant 0 : index
    %get3A_1994 = arith.constant 0 : index
    %get3A_1995 = arith.constant 7424 : index
    %get3A_1996 = vector.load %arg2[%get3A_1993, %get3A_1994, %get3A_1995] : memref<1x16x8192xf32, #tpu.memory_space<vmem>>, vector<1x16x128xf32>
    %get3A_1997 = vector.shape_cast %get3A_1996 : vector<1x16x128xf32> to vector<16x128xf32>
    %jit3A_1998 = arith.constant 0.000000e+00 : f32
    %broadcast_in_dim3A_1999 = vector.broadcast %jit3A_1998 : f32 to vector<16x128xf32>
    %select_n3A_2000 = arith.select %eq3A_1982, %get3A_1997, %broadcast_in_dim3A_1999 : vector<16x128xi1>, vector<16x128xf32>
    %reduce_sum3A_2001 = arith.constant dense<0.000000e+00> : vector<128xf32>
    %reduce_sum3A_2002 = vector.multi_reduction <add>, %select_n3A_2000, %reduce_sum3A_2001 [0] : vector<16x128xf32> to vector<128xf32>
    %get3A_2003 = arith.constant 7424 : index
    %get3A_2004 = vector.load %arg4[%get3A_2003] : memref<8192xf32, #tpu.memory_space<vmem>>, vector<128xf32>
    %mul3A_2005 = arith.mulf %reduce_sum3A_2002, %get3A_2004 : vector<128xf32>
    %add3A_2006 = arith.addf %reduce_sum3A_1992, %mul3A_2005 : vector<128xf32>
    %swap3A_2007 = arith.constant 7424 : index
    %swap3A_2008 = vector.load %arg5[%swap3A_2007] : memref<8192xf32, #tpu.memory_space<vmem>>, vector<128xf32>
    tpu.vector_store %arg5[%swap3A_2007], %add3A_2006 {strides = array<i32>} : memref<8192xf32, #tpu.memory_space<vmem>>, vector<128xf32>,
    %get3A_2009 = arith.constant 59 : index
    %get3A_2010 = arith.index_cast %select_n3A_7 : i32 to index
    %get3A_2011 = arith.constant 0 : index
    %get3A_2012 = vector.load %arg3[%get3A_2009, %get3A_2010, %get3A_2011] : memref<64x8x128xi32, #tpu.memory_space<vmem>>, vector<1x1x128xi32>
    %get3A_2013 = vector.shape_cast %get3A_2012 : vector<1x1x128xi32> to vector<128xi32>
    %broadcast_in_dim3A_2014 = vector.shape_cast %get3A_2013 : vector<128xi32> to vector<1x128xi32>
    %eq3A_2015 = vector.broadcast %broadcast_in_dim3A_2014 : vector<1x128xi32> to vector<16x128xi32>
    %eq3A_2016 = arith.cmpi eq, %iota3A, %eq3A_2015 : vector<16x128xi32>
    %get3A_2017 = arith.constant 0 : index
    %get3A_2018 = arith.constant 0 : index
    %get3A_2019 = arith.constant 7552 : index
    %get3A_2020 = vector.load %arg1[%get3A_2017, %get3A_2018, %get3A_2019] : memref<1x16x8192xf32, #tpu.memory_space<vmem>>, vector<1x16x128xf32>
    %get3A_2021 = vector.shape_cast %get3A_2020 : vector<1x16x128xf32> to vector<16x128xf32>
    %jit3A_2022 = arith.constant 0.000000e+00 : f32
    %broadcast_in_dim3A_2023 = vector.broadcast %jit3A_2022 : f32 to vector<16x128xf32>
    %select_n3A_2024 = arith.select %eq3A_2016, %get3A_2021, %broadcast_in_dim3A_2023 : vector<16x128xi1>, vector<16x128xf32>
    %reduce_sum3A_2025 = arith.constant dense<0.000000e+00> : vector<128xf32>
    %reduce_sum3A_2026 = vector.multi_reduction <add>, %select_n3A_2024, %reduce_sum3A_2025 [0] : vector<16x128xf32> to vector<128xf32>
    %get3A_2027 = arith.constant 0 : index
    %get3A_2028 = arith.constant 0 : index
    %get3A_2029 = arith.constant 7552 : index
    %get3A_2030 = vector.load %arg2[%get3A_2027, %get3A_2028, %get3A_2029] : memref<1x16x8192xf32, #tpu.memory_space<vmem>>, vector<1x16x128xf32>
    %get3A_2031 = vector.shape_cast %get3A_2030 : vector<1x16x128xf32> to vector<16x128xf32>
    %jit3A_2032 = arith.constant 0.000000e+00 : f32
    %broadcast_in_dim3A_2033 = vector.broadcast %jit3A_2032 : f32 to vector<16x128xf32>
    %select_n3A_2034 = arith.select %eq3A_2016, %get3A_2031, %broadcast_in_dim3A_2033 : vector<16x128xi1>, vector<16x128xf32>
    %reduce_sum3A_2035 = arith.constant dense<0.000000e+00> : vector<128xf32>
    %reduce_sum3A_2036 = vector.multi_reduction <add>, %select_n3A_2034, %reduce_sum3A_2035 [0] : vector<16x128xf32> to vector<128xf32>
    %get3A_2037 = arith.constant 7552 : index
    %get3A_2038 = vector.load %arg4[%get3A_2037] : memref<8192xf32, #tpu.memory_space<vmem>>, vector<128xf32>
    %mul3A_2039 = arith.mulf %reduce_sum3A_2036, %get3A_2038 : vector<128xf32>
    %add3A_2040 = arith.addf %reduce_sum3A_2026, %mul3A_2039 : vector<128xf32>
    %swap3A_2041 = arith.constant 7552 : index
    %swap3A_2042 = vector.load %arg5[%swap3A_2041] : memref<8192xf32, #tpu.memory_space<vmem>>, vector<128xf32>
    tpu.vector_store %arg5[%swap3A_2041], %add3A_2040 {strides = array<i32>} : memref<8192xf32, #tpu.memory_space<vmem>>, vector<128xf32>,
    %get3A_2043 = arith.constant 60 : index
    %get3A_2044 = arith.index_cast %select_n3A_7 : i32 to index
    %get3A_2045 = arith.constant 0 : index
    %get3A_2046 = vector.load %arg3[%get3A_2043, %get3A_2044, %get3A_2045] : memref<64x8x128xi32, #tpu.memory_space<vmem>>, vector<1x1x128xi32>
    %get3A_2047 = vector.shape_cast %get3A_2046 : vector<1x1x128xi32> to vector<128xi32>
    %broadcast_in_dim3A_2048 = vector.shape_cast %get3A_2047 : vector<128xi32> to vector<1x128xi32>
    %eq3A_2049 = vector.broadcast %broadcast_in_dim3A_2048 : vector<1x128xi32> to vector<16x128xi32>
    %eq3A_2050 = arith.cmpi eq, %iota3A, %eq3A_2049 : vector<16x128xi32>
    %get3A_2051 = arith.constant 0 : index
    %get3A_2052 = arith.constant 0 : index
    %get3A_2053 = arith.constant 7680 : index
    %get3A_2054 = vector.load %arg1[%get3A_2051, %get3A_2052, %get3A_2053] : memref<1x16x8192xf32, #tpu.memory_space<vmem>>, vector<1x16x128xf32>
    %get3A_2055 = vector.shape_cast %get3A_2054 : vector<1x16x128xf32> to vector<16x128xf32>
    %jit3A_2056 = arith.constant 0.000000e+00 : f32
    %broadcast_in_dim3A_2057 = vector.broadcast %jit3A_2056 : f32 to vector<16x128xf32>
    %select_n3A_2058 = arith.select %eq3A_2050, %get3A_2055, %broadcast_in_dim3A_2057 : vector<16x128xi1>, vector<16x128xf32>
    %reduce_sum3A_2059 = arith.constant dense<0.000000e+00> : vector<128xf32>
    %reduce_sum3A_2060 = vector.multi_reduction <add>, %select_n3A_2058, %reduce_sum3A_2059 [0] : vector<16x128xf32> to vector<128xf32>
    %get3A_2061 = arith.constant 0 : index
    %get3A_2062 = arith.constant 0 : index
    %get3A_2063 = arith.constant 7680 : index
    %get3A_2064 = vector.load %arg2[%get3A_2061, %get3A_2062, %get3A_2063] : memref<1x16x8192xf32, #tpu.memory_space<vmem>>, vector<1x16x128xf32>
    %get3A_2065 = vector.shape_cast %get3A_2064 : vector<1x16x128xf32> to vector<16x128xf32>
    %jit3A_2066 = arith.constant 0.000000e+00 : f32
    %broadcast_in_dim3A_2067 = vector.broadcast %jit3A_2066 : f32 to vector<16x128xf32>
    %select_n3A_2068 = arith.select %eq3A_2050, %get3A_2065, %broadcast_in_dim3A_2067 : vector<16x128xi1>, vector<16x128xf32>
    %reduce_sum3A_2069 = arith.constant dense<0.000000e+00> : vector<128xf32>
    %reduce_sum3A_2070 = vector.multi_reduction <add>, %select_n3A_2068, %reduce_sum3A_2069 [0] : vector<16x128xf32> to vector<128xf32>
    %get3A_2071 = arith.constant 7680 : index
    %get3A_2072 = vector.load %arg4[%get3A_2071] : memref<8192xf32, #tpu.memory_space<vmem>>, vector<128xf32>
    %mul3A_2073 = arith.mulf %reduce_sum3A_2070, %get3A_2072 : vector<128xf32>
    %add3A_2074 = arith.addf %reduce_sum3A_2060, %mul3A_2073 : vector<128xf32>
    %swap3A_2075 = arith.constant 7680 : index
    %swap3A_2076 = vector.load %arg5[%swap3A_2075] : memref<8192xf32, #tpu.memory_space<vmem>>, vector<128xf32>
    tpu.vector_store %arg5[%swap3A_2075], %add3A_2074 {strides = array<i32>} : memref<8192xf32, #tpu.memory_space<vmem>>, vector<128xf32>,
    %get3A_2077 = arith.constant 61 : index
    %get3A_2078 = arith.index_cast %select_n3A_7 : i32 to index
    %get3A_2079 = arith.constant 0 : index
    %get3A_2080 = vector.load %arg3[%get3A_2077, %get3A_2078, %get3A_2079] : memref<64x8x128xi32, #tpu.memory_space<vmem>>, vector<1x1x128xi32>
    %get3A_2081 = vector.shape_cast %get3A_2080 : vector<1x1x128xi32> to vector<128xi32>
    %broadcast_in_dim3A_2082 = vector.shape_cast %get3A_2081 : vector<128xi32> to vector<1x128xi32>
    %eq3A_2083 = vector.broadcast %broadcast_in_dim3A_2082 : vector<1x128xi32> to vector<16x128xi32>
    %eq3A_2084 = arith.cmpi eq, %iota3A, %eq3A_2083 : vector<16x128xi32>
    %get3A_2085 = arith.constant 0 : index
    %get3A_2086 = arith.constant 0 : index
    %get3A_2087 = arith.constant 7808 : index
    %get3A_2088 = vector.load %arg1[%get3A_2085, %get3A_2086, %get3A_2087] : memref<1x16x8192xf32, #tpu.memory_space<vmem>>, vector<1x16x128xf32>
    %get3A_2089 = vector.shape_cast %get3A_2088 : vector<1x16x128xf32> to vector<16x128xf32>
    %jit3A_2090 = arith.constant 0.000000e+00 : f32
    %broadcast_in_dim3A_2091 = vector.broadcast %jit3A_2090 : f32 to vector<16x128xf32>
    %select_n3A_2092 = arith.select %eq3A_2084, %get3A_2089, %broadcast_in_dim3A_2091 : vector<16x128xi1>, vector<16x128xf32>
    %reduce_sum3A_2093 = arith.constant dense<0.000000e+00> : vector<128xf32>
    %reduce_sum3A_2094 = vector.multi_reduction <add>, %select_n3A_2092, %reduce_sum3A_2093 [0] : vector<16x128xf32> to vector<128xf32>
    %get3A_2095 = arith.constant 0 : index
    %get3A_2096 = arith.constant 0 : index
    %get3A_2097 = arith.constant 7808 : index
    %get3A_2098 = vector.load %arg2[%get3A_2095, %get3A_2096, %get3A_2097] : memref<1x16x8192xf32, #tpu.memory_space<vmem>>, vector<1x16x128xf32>
    %get3A_2099 = vector.shape_cast %get3A_2098 : vector<1x16x128xf32> to vector<16x128xf32>
    %jit3A_2100 = arith.constant 0.000000e+00 : f32
    %broadcast_in_dim3A_2101 = vector.broadcast %jit3A_2100 : f32 to vector<16x128xf32>
    %select_n3A_2102 = arith.select %eq3A_2084, %get3A_2099, %broadcast_in_dim3A_2101 : vector<16x128xi1>, vector<16x128xf32>
    %reduce_sum3A_2103 = arith.constant dense<0.000000e+00> : vector<128xf32>
    %reduce_sum3A_2104 = vector.multi_reduction <add>, %select_n3A_2102, %reduce_sum3A_2103 [0] : vector<16x128xf32> to vector<128xf32>
    %get3A_2105 = arith.constant 7808 : index
    %get3A_2106 = vector.load %arg4[%get3A_2105] : memref<8192xf32, #tpu.memory_space<vmem>>, vector<128xf32>
    %mul3A_2107 = arith.mulf %reduce_sum3A_2104, %get3A_2106 : vector<128xf32>
    %add3A_2108 = arith.addf %reduce_sum3A_2094, %mul3A_2107 : vector<128xf32>
    %swap3A_2109 = arith.constant 7808 : index
    %swap3A_2110 = vector.load %arg5[%swap3A_2109] : memref<8192xf32, #tpu.memory_space<vmem>>, vector<128xf32>
    tpu.vector_store %arg5[%swap3A_2109], %add3A_2108 {strides = array<i32>} : memref<8192xf32, #tpu.memory_space<vmem>>, vector<128xf32>,
    %get3A_2111 = arith.constant 62 : index
    %get3A_2112 = arith.index_cast %select_n3A_7 : i32 to index
    %get3A_2113 = arith.constant 0 : index
    %get3A_2114 = vector.load %arg3[%get3A_2111, %get3A_2112, %get3A_2113] : memref<64x8x128xi32, #tpu.memory_space<vmem>>, vector<1x1x128xi32>
    %get3A_2115 = vector.shape_cast %get3A_2114 : vector<1x1x128xi32> to vector<128xi32>
    %broadcast_in_dim3A_2116 = vector.shape_cast %get3A_2115 : vector<128xi32> to vector<1x128xi32>
    %eq3A_2117 = vector.broadcast %broadcast_in_dim3A_2116 : vector<1x128xi32> to vector<16x128xi32>
    %eq3A_2118 = arith.cmpi eq, %iota3A, %eq3A_2117 : vector<16x128xi32>
    %get3A_2119 = arith.constant 0 : index
    %get3A_2120 = arith.constant 0 : index
    %get3A_2121 = arith.constant 7936 : index
    %get3A_2122 = vector.load %arg1[%get3A_2119, %get3A_2120, %get3A_2121] : memref<1x16x8192xf32, #tpu.memory_space<vmem>>, vector<1x16x128xf32>
    %get3A_2123 = vector.shape_cast %get3A_2122 : vector<1x16x128xf32> to vector<16x128xf32>
    %jit3A_2124 = arith.constant 0.000000e+00 : f32
    %broadcast_in_dim3A_2125 = vector.broadcast %jit3A_2124 : f32 to vector<16x128xf32>
    %select_n3A_2126 = arith.select %eq3A_2118, %get3A_2123, %broadcast_in_dim3A_2125 : vector<16x128xi1>, vector<16x128xf32>
    %reduce_sum3A_2127 = arith.constant dense<0.000000e+00> : vector<128xf32>
    %reduce_sum3A_2128 = vector.multi_reduction <add>, %select_n3A_2126, %reduce_sum3A_2127 [0] : vector<16x128xf32> to vector<128xf32>
    %get3A_2129 = arith.constant 0 : index
    %get3A_2130 = arith.constant 0 : index
    %get3A_2131 = arith.constant 7936 : index
    %get3A_2132 = vector.load %arg2[%get3A_2129, %get3A_2130, %get3A_2131] : memref<1x16x8192xf32, #tpu.memory_space<vmem>>, vector<1x16x128xf32>
    %get3A_2133 = vector.shape_cast %get3A_2132 : vector<1x16x128xf32> to vector<16x128xf32>
    %jit3A_2134 = arith.constant 0.000000e+00 : f32
    %broadcast_in_dim3A_2135 = vector.broadcast %jit3A_2134 : f32 to vector<16x128xf32>
    %select_n3A_2136 = arith.select %eq3A_2118, %get3A_2133, %broadcast_in_dim3A_2135 : vector<16x128xi1>, vector<16x128xf32>
    %reduce_sum3A_2137 = arith.constant dense<0.000000e+00> : vector<128xf32>
    %reduce_sum3A_2138 = vector.multi_reduction <add>, %select_n3A_2136, %reduce_sum3A_2137 [0] : vector<16x128xf32> to vector<128xf32>
    %get3A_2139 = arith.constant 7936 : index
    %get3A_2140 = vector.load %arg4[%get3A_2139] : memref<8192xf32, #tpu.memory_space<vmem>>, vector<128xf32>
    %mul3A_2141 = arith.mulf %reduce_sum3A_2138, %get3A_2140 : vector<128xf32>
    %add3A_2142 = arith.addf %reduce_sum3A_2128, %mul3A_2141 : vector<128xf32>
    %swap3A_2143 = arith.constant 7936 : index
    %swap3A_2144 = vector.load %arg5[%swap3A_2143] : memref<8192xf32, #tpu.memory_space<vmem>>, vector<128xf32>
    tpu.vector_store %arg5[%swap3A_2143], %add3A_2142 {strides = array<i32>} : memref<8192xf32, #tpu.memory_space<vmem>>, vector<128xf32>,
    %get3A_2145 = arith.constant 63 : index
    %get3A_2146 = arith.index_cast %select_n3A_7 : i32 to index
    %get3A_2147 = arith.constant 0 : index
    %get3A_2148 = vector.load %arg3[%get3A_2145, %get3A_2146, %get3A_2147] : memref<64x8x128xi32, #tpu.memory_space<vmem>>, vector<1x1x128xi32>
    %get3A_2149 = vector.shape_cast %get3A_2148 : vector<1x1x128xi32> to vector<128xi32>
    %broadcast_in_dim3A_2150 = vector.shape_cast %get3A_2149 : vector<128xi32> to vector<1x128xi32>
    %eq3A_2151 = vector.broadcast %broadcast_in_dim3A_2150 : vector<1x128xi32> to vector<16x128xi32>
    %eq3A_2152 = arith.cmpi eq, %iota3A, %eq3A_2151 : vector<16x128xi32>
    %get3A_2153 = arith.constant 0 : index
    %get3A_2154 = arith.constant 0 : index
    %get3A_2155 = arith.constant 8064 : index
    %get3A_2156 = vector.load %arg1[%get3A_2153, %get3A_2154, %get3A_2155] : memref<1x16x8192xf32, #tpu.memory_space<vmem>>, vector<1x16x128xf32>
    %get3A_2157 = vector.shape_cast %get3A_2156 : vector<1x16x128xf32> to vector<16x128xf32>
    %jit3A_2158 = arith.constant 0.000000e+00 : f32
    %broadcast_in_dim3A_2159 = vector.broadcast %jit3A_2158 : f32 to vector<16x128xf32>
    %select_n3A_2160 = arith.select %eq3A_2152, %get3A_2157, %broadcast_in_dim3A_2159 : vector<16x128xi1>, vector<16x128xf32>
    %reduce_sum3A_2161 = arith.constant dense<0.000000e+00> : vector<128xf32>
    %reduce_sum3A_2162 = vector.multi_reduction <add>, %select_n3A_2160, %reduce_sum3A_2161 [0] : vector<16x128xf32> to vector<128xf32>
    %get3A_2163 = arith.constant 0 : index
    %get3A_2164 = arith.constant 0 : index
    %get3A_2165 = arith.constant 8064 : index
    %get3A_2166 = vector.load %arg2[%get3A_2163, %get3A_2164, %get3A_2165] : memref<1x16x8192xf32, #tpu.memory_space<vmem>>, vector<1x16x128xf32>
    %get3A_2167 = vector.shape_cast %get3A_2166 : vector<1x16x128xf32> to vector<16x128xf32>
    %jit3A_2168 = arith.constant 0.000000e+00 : f32
    %broadcast_in_dim3A_2169 = vector.broadcast %jit3A_2168 : f32 to vector<16x128xf32>
    %select_n3A_2170 = arith.select %eq3A_2152, %get3A_2167, %broadcast_in_dim3A_2169 : vector<16x128xi1>, vector<16x128xf32>
    %reduce_sum3A_2171 = arith.constant dense<0.000000e+00> : vector<128xf32>
    %reduce_sum3A_2172 = vector.multi_reduction <add>, %select_n3A_2170, %reduce_sum3A_2171 [0] : vector<16x128xf32> to vector<128xf32>
    %get3A_2173 = arith.constant 8064 : index
    %get3A_2174 = vector.load %arg4[%get3A_2173] : memref<8192xf32, #tpu.memory_space<vmem>>, vector<128xf32>
    %mul3A_2175 = arith.mulf %reduce_sum3A_2172, %get3A_2174 : vector<128xf32>
    %add3A_2176 = arith.addf %reduce_sum3A_2162, %mul3A_2175 : vector<128xf32>
    %swap3A_2177 = arith.constant 8064 : index
    %swap3A_2178 = vector.load %arg5[%swap3A_2177] : memref<8192xf32, #tpu.memory_space<vmem>>, vector<128xf32>
    tpu.vector_store %arg5[%swap3A_2177], %add3A_2176 {strides = array<i32>} : memref<8192xf32, #tpu.memory_space<vmem>>, vector<128xf32>,
    return
  }
  func.func @transform_0(%arg0: i32) -> (i32, i32, i32) {
    %c0_i32 = arith.constant 0 : i32
    %c0_i32_0 = arith.constant 0 : i32
    %c0_i32_1 = arith.constant 0 : i32
    return %arg0, %c0_i32, %c0_i32_0 : i32, i32, i32
  }
  func.func @transform_1(%arg0: i32) -> (i32, i32, i32) {
    %c0_i32 = arith.constant 0 : i32
    %c0_i32_0 = arith.constant 0 : i32
    %c0_i32_1 = arith.constant 0 : i32
    return %arg0, %c0_i32, %c0_i32_0 : i32, i32, i32
  }
  func.func @transform_2(%arg0: i32) -> (i32, i32, i32) {
    %jit3A = arith.constant 8 : i32
    %div3A = arith.divsi %arg0, %jit3A : i32
    %sign3A = arith.constant 0 : i32
    %sign3A_0 = arith.cmpi sgt, %arg0, %sign3A : i32
    %sign3A_1 = arith.extui %sign3A_0 : i1 to i32
    %sign3A_2 = arith.constant 0 : i32
    %sign3A_3 = arith.cmpi slt, %arg0, %sign3A_2 : i32
    %sign3A_4 = arith.extui %sign3A_3 : i1 to i32
    %sign3A_5 = arith.subi %sign3A_1, %sign3A_4 : i32
    %sign3A_6 = arith.constant 0 : i32
    %sign3A_7 = arith.cmpi sgt, %jit3A, %sign3A_6 : i32
    %sign3A_8 = arith.extui %sign3A_7 : i1 to i32
    %sign3A_9 = arith.constant 0 : i32
    %sign3A_10 = arith.cmpi slt, %jit3A, %sign3A_9 : i32
    %sign3A_11 = arith.extui %sign3A_10 : i1 to i32
    %sign3A_12 = arith.subi %sign3A_8, %sign3A_11 : i32
    %ne3A = arith.cmpi ne, %sign3A_5, %sign3A_12 : i32
    %rem3A = arith.remsi %arg0, %jit3A : i32
    %ne3A_13 = arith.constant 0 : i32
    %ne3A_14 = arith.cmpi ne, %rem3A, %ne3A_13 : i32
    %and3A = arith.andi %ne3A, %ne3A_14 : i1
    %sub3A = arith.constant 1 : i32
    %sub3A_15 = arith.subi %div3A, %sub3A : i32
    %select_n3A = arith.select %and3A, %sub3A_15, %div3A : i32
    %c0_i32 = arith.constant 0 : i32
    %c0_i32_16 = arith.constant 0 : i32
    %c0_i32_17 = arith.constant 0 : i32
    return %select_n3A, %c0_i32, %c0_i32_16 : i32, i32, i32
  }
  func.func @transform_3(%arg0: i32) -> i32 {
    %c0_i32 = arith.constant 0 : i32
    return %arg0 : i32
  }
  func.func @transform_4(%arg0: i32) -> i32 {
    %c0_i32 = arith.constant 0 : i32
    return %arg0 : i32
  }
}

</mosaic_0001>

<sc_bundles>
// kernel: kernel.4.cloned.1.call-start
scs
__scs_entry_jumppad:
0x0: {  	(pc) =	sbr.rel $0x88, $3  }
0x1: {  	(tag) =	ssettag $0x0;
	lr =	simm.s32 $0x1  }
0x2: {  	[smem:$0x3F9D] =	sst lr;
	_ =	strace $0xD0000000  }
0x3: {  	_ = 	snop  }
0x4: {  	_ = 	snop  }
0x5: {  	_ = 	snop  }
0x6: {  	_ = 	snop  }
0x7: {  	_ = 	snop  }
__scs_overlays_trampoline_lowered:
0x8: {  	[smem:$0x3FAC] =	sst s0  }
0x9: {  	[smem:$0x3FAD] =	sst s1  }
0xa: {  	[smem:$0x3FAE] =	sst s2  }
0xb: {  	[smem:$0x3FAF] =	sst s3  }
0xc: {  	[smem:$0x3FB0] =	sst s4  }
0xd: {  	[smem:$0x3FB1] =	sst s5  }
0xe: {  	[smem:$0x3FB2] =	sst s6  }
0xf: {  	[smem:$0x3FB3] =	sst s7  }
0x10: {  	[smem:$0x3FB4] =	sst s8  }
0x11: {  	[smem:$0x3FB5] =	sst s9;
	s0 =	simm.s32 @!p0 $0x0  }
0x12: {  	s1 =	sld [smem:$0x3F9B];
	s0 =	simm.s32 @p0 $0x1  }
0x13: {  	[smem:$0x3FB6] =	sst s0;
	s0 =	simm.s32 @!p1 $0x0  }
0x14: {  	s2 =	sld [smem:$0x3F9A];
	s0 =	simm.s32 @p1 $0x1  }
0x15: {  	[smem:$0x3FB7] =	sst s0;
	s0 =	simm.s32 @!p2 $0x0  }
0x16: {  	s3 =	sld [smem:$0x3FDB];
	s0 =	simm.s32 @p2 $0x1  }
0x17: {  	s4 =	simm.s32 $0x1BF5;
	[smem:$0x3FB9] =	sst s0  }
0x18: {  	s0 =	sld [smem:$0x3F9C];
	_ =	swait.ge [sflag:s4], $0x0  }
0x19: {  	s7 =	sld [smem:$0x3F9D]  }
0x1a: {  	s8 =	sadd.s32 $0xFFFFE003, lr  }
0x1b: {  	s9 =	sadd.s32 $0xFFFFFEF7, lr;
	s5 =	simm.s32 $0xFFFFFFFF;
	p2 =	slt.u32 s8, $0xFFFFF086  }
0x1c: {  	p1 =	slt.u32 s9, $0xF7A;
	s5 =	simm.s32 @!p2 $0x0  }
0x1d: {  	s5 =	simm.s32 @p1 $0x1;
	p0 =	seq.s32 s7, s2  }
0x1e: {  	s7 =	smul.u32 @!p0 $0xF7A, s2;
	p2 =	seq.s32 @!p0 s5, $0x0  }
0x1f: {  	s9 =	smul.u32 $0xF7A, s1;
	s8 =	simm.s32 @!p0 $0x1BF5;
	p2 =	por !p2, p0  }
0x20: {  	[sflag:s8] =	ssyncset.s32 @!p0 $0xFFFFF086;
	s6 =	sadd.s32 @!p0 s3, s7;
	s7 =	simm.s32 @!p0 $0x108  }
0x21: {  	s3 =	sadd.s32 s3, s9;
	s6 =	sadd.s32 @!p0 $0x88, s6;
	s7 =	simm.s32 @p2 $0x1082  }
0x22: {  	[simem:s7], [sflag:s8] =	dma.local @!p0 [hbm:s6], $0xF7A  }
0x23: {  	s9 =	sor.u32 $0xD0000000, s2;
	s6 =	simm.s32 $0x108;
	_ =	swait.ge @!p0 [sflag:s8], $0x0  }
0x24: {  	s3 =	sadd.s32 $0x88, s3;
	s6 =	simm.s32 @!p1 $0x1082;
	[sflag:s4] =	ssyncset.s32 $0xFFFFF086  }
0x25: {  	[simem:s6], [sflag:s4] =	dma.local [hbm:s3], $0xF7A  }
0x26: {  	[smem:$0x3F9D] =	sst s1;
	(tag) =	ssettag s2;
	_ =	strace s9  }
0x27: {  	s1 =	sld [smem:$0x3FAD]  }
0x28: {  	s2 =	sld [smem:$0x3FAE]  }
0x29: {  	s4 =	sld [smem:$0x3FB0]  }
0x2a: {  	p0 =	seq.s32 s5, $0x0;
	s5 =	sld [smem:$0x3FB1]  }
0x2b: {  	s6 =	sld [smem:$0x3FB2]  }
0x2c: {  	s7 =	sld [smem:$0x3FB3]  }
0x2d: {  	s3 =	simm.s32 $0x108;
	s8 =	sld [smem:$0x3FB4]  }
0x2e: {  	s3 =	simm.s32 @!p0 $0x1082;
	s9 =	sld [smem:$0x3FB5]  }
0x2f: {  	lr =	sadd.s32 s0, s3;
	s0 =	sld [smem:$0x3FAC]  }
0x30: {  	s3 =	sld [smem:$0x3FAF]  }
0x31: {  	[smem:$0x3FB8] =	sst s10  }
0x32: {  	s10 =	sld [smem:$0x3FB6];
	_ =	sdelay $0x3  }
0x33: {  	p0 =	seq.s32 s10, $0x1;
	s10 =	sld [smem:$0x3FB8];
	_ =	sdelay $0x3  }
0x34: {  	[smem:$0x3FB8] =	sst s10  }
0x35: {  	s10 =	sld [smem:$0x3FB7];
	_ =	sdelay $0x3  }
0x36: {  	p1 =	seq.s32 s10, $0x1;
	s10 =	sld [smem:$0x3FB8];
	_ =	sdelay $0x3  }
0x37: {  	[smem:$0x3FB8] =	sst s10  }
0x38: {  	s10 =	sld [smem:$0x3FB9]  }
0x39: {  	_ = 	snop;
	(pc) =	sbr.ind lr, $3  }
0x3a: {  	_ = 	snop  }
0x3b: {  	_ = 	snop  }
0x3c: {  	p2 =	seq.s32 s10, $0x1;
	s10 =	sld [smem:$0x3FB8]  }
0x3d: {  	_ =	shalt  }
0x3e: {  	_ =	shalt  }
0x3f: {  	_ =	shalt  }
0x40: {  	_ =	shalt  }
0x41: {  	_ =	shalt  }
0x42: {  	_ =	shalt  }
0x43: {  	_ =	shalt  }
0x44: {  	_ =	shalt  }
0x45: {  	_ =	shalt  }
0x46: {  	_ =	shalt  }
0x47: {  	_ =	shalt  }
0x48: {  	_ =	shalt  }
0x49: {  	_ =	shalt  }
0x4a: {  	_ =	shalt  }
0x4b: {  	_ =	shalt  }
0x4c: {  	_ =	shalt  }
0x4d: {  	_ =	shalt  }
0x4e: {  	_ =	shalt  }
0x4f: {  	_ =	shalt  }
0x50: {  	_ =	shalt  }
0x51: {  	_ =	shalt  }
0x52: {  	_ =	shalt  }
0x53: {  	_ =	shalt  }
0x54: {  	_ =	shalt  }
0x55: {  	_ =	shalt  }
0x56: {  	_ =	shalt  }
0x57: {  	_ =	shalt  }
0x58: {  	_ =	shalt  }
0x59: {  	_ =	shalt  }
0x5a: {  	_ =	shalt  }
0x5b: {  	_ =	shalt  }
0x5c: {  	_ =	shalt  }
0x5d: {  	_ =	shalt  }
0x5e: {  	_ =	shalt  }
0x5f: {  	_ =	shalt  }
0x60: {  	_ =	shalt  }
0x61: {  	_ =	shalt  }
0x62: {  	_ =	shalt  }
0x63: {  	_ =	shalt  }
0x64: {  	_ =	shalt  }
0x65: {  	_ =	shalt  }
0x66: {  	_ =	shalt  }
0x67: {  	_ =	shalt  }
0x68: {  	_ =	shalt  }
0x69: {  	_ =	shalt  }
0x6a: {  	_ =	shalt  }
0x6b: {  	_ =	shalt  }
0x6c: {  	_ =	shalt  }
0x6d: {  	_ =	shalt  }
0x6e: {  	_ =	shalt  }
0x6f: {  	_ =	shalt  }
0x70: {  	_ =	shalt  }
0x71: {  	_ =	shalt  }
0x72: {  	_ =	shalt  }
0x73: {  	_ =	shalt  }
0x74: {  	_ =	shalt  }
0x75: {  	_ =	shalt  }
0x76: {  	_ =	shalt  }
0x77: {  	_ =	shalt  }
0x78: {  	_ =	shalt  }
0x79: {  	_ =	shalt  }
0x7a: {  	_ =	shalt  }
0x7b: {  	_ =	shalt  }
0x7c: {  	_ =	shalt  }
0x7d: {  	_ =	shalt  }
0x7e: {  	_ =	shalt  }
0x7f: {  	_ =	shalt  }
0x80: {  	_ =	shalt  }
0x81: {  	_ =	shalt  }
0x82: {  	_ =	shalt  }
0x83: {  	_ =	shalt  }
0x84: {  	_ =	shalt  }
0x85: {  	_ =	shalt  }
0x86: {  	_ =	shalt  }
0x87: {  	_ =	shalt  }
.Lfunc_end0:
.L_simem_size_0:
called_computation_lowered:
.L_overlay_start_0:
0x88: {  	s2 =	sld [smem:$0x3FD9]  }
0x89: {  	s3 =	sld [smem:$0x3FFE];
	_ =	sdelay $0x1  }
0x8a: {  	s1 =	srdreg.scid  }
0x8b: {  	s0 =	sand.u32 $0x1, s1  }
0x8c: {  	s17 =	sshll.u32 s0, $0xA;
	s2 =	sadd.s32 s3, s2  }
0x8d: {  	s2 =	sadd.s32 s2, s17  }
0x8e: {  	[smem:$0x3FC4] =	sst s2  }
0x8f: {  	_ = 	snop  }
0x90: {  	s2 =	sld [smem:$0x3FC9]  }
0x91: {  	s18 =	sld [smem:$0x3FC8]  }
0x92: {  	s4 =	sld [smem:$0x3FC7]  }
0x93: {  	s5 =	sld [smem:$0x3FC6];
	(tm) =	ssettm $0x1  }
0x94: {  	s6 =	sld [smem:$0x3FFB];
	_ =	sdelay $0x3  }
0x95: {  	_ =	strace s6  }
0x96: {  	s6 =	sld [smem:$0x3FFC];
	_ =	sdelay $0x3  }
0x97: {  	_ =	strace s6  }
0x98: {  	s6 =	sld [smem:$0x3FFD];
	_ =	sdelay $0x3  }
0x99: {  	_ =	strace s6  }
0x9a: {  	_ =	strace $0x8FFFFFFF  }
0x9b: {  	s19 =	sld [smem:$0x3FDB];
	_ =	sdelay $0x1  }
0x9c: {  	s7 =	simm.s32 $_scs_section_size  }
0x9d: {  	s8 =	simm.s32 $_size__tile_overlayer_lowered;
	s9 =	simm.s32 $_tile_overlayer_lowered  }
0x9e: {  	s22 =	simm.s32 $0x1BFF;
	s21 =	sshll.u32 s9, $0x1;
	s6 =	sadd.s32 s7, s19  }
0x9f: {  	s10 =	simm.s32 $0x0;
	s20 =	sshll.u32 s8, $0x1;
	s8 =	sadd.s32 s21, s6  }
0xa0: {  	[timem:s10], [sflag:s22] =	dma.local [hbm:s8], s20  }
0xa1: {  	_ =	swait.ge [sflag:s22], s20  }
0xa2: {  	s7 =	ssub.s32 $0x0, s20;
	[sflag:s22] =	ssyncset.done $0x0  }
0xa3: {  	[sflag:s22] =	ssyncadd.s32 s7;
	_ =	sdelay $0x1  }
0xa4: {  	s23 =	simm.s32 $0x1B8B  }
0xa5: {  	_ =	swait.ge [sflag:s23], $0x1  }
0xa6: {  	[sflag:s23] =	ssyncset.done $0x0  }
0xa7: {  	s25 =	simm.s32 $0x1B8E;
	s24 =	sld [smem:$0x3FFE];
	[sflag:s23] =	ssyncadd.s32 $0xFFFFFFFF  }
0xa8: {  	s26 =	simm.s32 $execute0_lowered;
	[smem:$0x3FD2] =	sst s25  }
0xa9: {  	s8 =	sshll.u32 s26, $0x1;
	_ =	strace $0x80000046;
	[dreg:$0x1] =	wrdreg $0xFFFFFFFF  }
0xaa: {  	s28 =	simm.s32 $_size_execute0_lowered;
	s6 =	sadd.s32 s6, s8;
	[dreg:$0x0] =	wrdreg $0x0  }
0xab: {  	s8 =	sshll.u32 s28, $0x1;
	[dreg:$0x2] =	wrdreg s6  }
0xac: {  	[dreg:$0x3] =	wrdreg s8  }
0xad: {  	[dreg:$0x4] =	wrdreg $0xC0  }
0xae: {  	_ =	task [dreg:s10], $0x5FFFF  }
0xaf: {  	[dreg:$0x1] =	wrdreg $0xFFFFFFFF  }
0xb0: {  	[dreg:$0x0] =	wrdreg $0x60  }
0xb1: {  	[dreg:$0x2] =	wrdreg s2  }
0xb2: {  	[dreg:$0x3] =	wrdreg s18  }
0xb3: {  	[dreg:$0x4] =	wrdreg s4  }
0xb4: {  	[dreg:$0x5] =	wrdreg s5  }
0xb5: {  	[dreg:$0x6] =	wrdreg s24  }
0xb6: {  	[dreg:$0x7] =	wrdreg $0x9  }
0xb7: {  	_ =	task.clear_ibuf [dreg:s10], $0x8FFFF;
	_ =	strace $0x90000046  }
0xb8: {  	s29 =	simm.s32 $0x9;
	_ =	strace $0x80000048  }
0xb9: {  	_ =	swait.ge [sflag:s29], $0x1  }
0xba: {  	[sflag:s29] =	ssyncadd.s32 $0xFFFFFFFF  }
0xbb: {  	_ =	strace $0x90000048  }
0xbc: {  	_ =	sfence  }
0xbd: {  	s30 =	sld [smem:$0x0];
	_ =	sdelay $0x2  }
0xbe: {  	s31 =	sshll.u32 s1, $0xD;
	s1 =	sshrl.u32 s1, $0x2  }
0xbf: {  	s3 =	sand.u32 $0x4000, s31;
	s1 =	sadd.s32 s1, s30  }
0xc0: {  	s0 =	sor.u32 s3, s0;
	s1 =	sshll.u32 s1, $0x11  }
0xc1: {  	s0 =	sor.u32 s1, s0  }
0xc2: {  	s0 =	sadd.s32 $0x8F2B, s0  }
0xc3: {  	[sflag:s0] =	ssyncadd.remote.s32 $0x1  }
0xc4: {  	_ =	sfence.sel $0xFFFF  }
0xc5: {  	[dreg:$0x0] =	wrdreg $0xFFFFFFFF;
	(pc) =	sbr.abs _section_cstart, $3  }
0xc6: {  	[dreg:$0x1] =	wrdreg $0xFFFFFFFF  }
0xc7: {  	_ =	task.clear_ibuf [dreg:s10], $0x2FFFF;
	_ =	strace $0x9FFFFFFF  }
0xc8: {  	(tm) =	ssettm $0x7FFFFFFF  }
0xc9: {  	_ =	shalt  }
tec
execute0_lowered:
.L_overlay_start_1:
0x0: {  	(tag) =	ssettag $0x1  }
0x1: {  	s1 =	rddreg [dreg:$0x0]  }
0x2: {  	s2 =	rddreg [dreg:$0x1];
	s0 =	srdreg.scid  }
0x3: {  	s4 =	stileid.u32;
	s3 =	rddreg [dreg:$0x2]  }
0x4: {  	s5 =	rddreg [dreg:$0x3];
	s0 =	sand.u32 $0x1, s0;
	s4 =	sshll.u32 s4, $0x1  }
0x5: {  	s8 =	rddreg [dreg:$0x4];
	s6 =	simm.s32 $0x0;
	s4 =	sor.u32 s0, s4  }
0x6: {  	[smem:$0x7FF] =	sst s6;
	s9 =	smul.u32 $0x15, s4  }
0x7: {  	s8 =	sadd.s32 $0x800, s8;
	s0 =	ssub.s32 $0x2, s0;
	s10 =	smul.u32 $0x28, s4  }
0x8: {  	_ =	strace $0x80000047;
	s13 =	sshrl.u32 s0, $0x1;
	s4 =	smul.u32 $0x5400, s4  }
0x9: {  	s0 =	ssub.s32 s0, s13;
	s7 =	sadd.s32 $0x160, s9;
	s10 =	sand.u32 $0x38, s10  }
0xa: {  	s4 =	sshrl.u32 s4, $0x3;
	s0 =	smax.u32 s0, $0x1;
	s11 =	sshll.u32 s7, $0x4  }
0xb: {  	s14 =	sand.u32 $0x7C0, s7;
	s4 =	sadd.s32 s8, s4;
	s12 =	sand.u32 $0x7F80, s11  }
0xc: {  	[dreg:$0xd] =	wrdreg s0;
	s11 =	sand.u32 $0x380, s11;
	s12 =	sor.u32 s10, s12  }
0xd: {  	s4 =	sadd.s32 $0xA00, s4;
	s10 =	sor.u32 s10, s14;
	s12 =	sshll.u32 s12, $0x7  }
0xe: {  	[dreg:$0xc] =	wrdreg s4;
	s10 =	sshll.u32 s10, $0xA;
	s26 =	sadd.s32 s1, s12  }
0xf: {  	s15 =	sor.u32 $0x2000, s12;
	s17 =	sadd.s32 s2, s12;
	[dreg:$0x6] =	wrdreg s26  }
0x10: {  	s10 =	sor.u32 s11, s10;
	s16 =	sadd.s32 s1, s15;
	[dreg:$0x8] =	wrdreg s17  }
0x11: {  	s18 =	sadd.s32 s2, s15;
	s10 =	sshrl.u32 s10, $0x3;
	[dreg:$0x7] =	wrdreg s16  }
0x12: {  	s19 =	sshll.u32 s7, $0x7;
	[dreg:$0x9] =	wrdreg s18;
	s10 =	sadd.s32 s3, s10  }
0x13: {  	s29 =	simm.s32 $0x80;
	[dreg:$0xa] =	wrdreg s10;
	s10 =	sadd.s32 s5, s19  }
0x14: {  	s30 =	simm.s32 $0x400;
	s20 =	sadd.s32 $0x10, s10;
	[dreg:$0xb] =	wrdreg s10  }
0x15: {  	s28 =	simm.s32 $0x11400;
	s21 =	sadd.s32 $0x20, s10;
	[dreg:$0xe] =	wrdreg s20  }
0x16: {  	s31 =	simm.s32 $0x2;
	s22 =	sadd.s32 $0x30, s10;
	[dreg:$0xf] =	wrdreg s21  }
0x17: {  	s4 =	simm.s32 $0x0;
	s23 =	sadd.s32 $0x40, s10;
	[dreg:$0x10] =	wrdreg s22  }
0x18: {  	s15 =	sadd.s32 $0x162, s9;
	s24 =	sadd.s32 $0x50, s10;
	[dreg:$0x11] =	wrdreg s23  }
0x19: {  	s18 =	simm.s32 $0x4000;
	s25 =	sadd.s32 $0x60, s10;
	[dreg:$0x12] =	wrdreg s24  }
0x1a: {  	v0 =	vlaneseq.u32;
	s16 =	simm.s32 $0x11200;
	s26 =	sadd.s32 $0x70, s10;
	[dreg:$0x13] =	wrdreg s25  }
0x1b: {  	v1 =	vor.u32 $0x10, v0;
	s19 =	simm.s32 $0x11300;
	[dreg:$0x14] =	wrdreg s26;
	s26 =	simm.s32 $0x8000  }
0x1c: {  	v2 =	vor.u32 $0x20, v0;
	v3 =	vor.u32 $0x30, v0;
	v4 =	vor.u32 $0x40, v0;
	s20 =	simm.s32 $0xC000;
	s24 =	simm.s32 $0x1;
	s21 =	simm.s32 $0x11500  }
0x1d: {  	v5 =	vor.u32 $0x50, v0;
	v6 =	vor.u32 $0x60, v0;
	v7 =	vor.u32 $0x70, v0;
	s22 =	simm.s32 $0x11600;
	s23 =	simm.s32 $0x11700;
	s25 =	simm.s32 $0x6000  }
.LBB2_1:
0x1e: {  	[dreg:$0x15] =	wrdreg s4  }
0x1f: {  	s0 =	rddreg [dreg:$0x6]  }
0x20: {  	[tilespmem:s6], [sflag:$0x1] =	stream.linear.gather [hbm4b:s0+s6], $0x2000, $0x38;
	[tilespmem:$0x11800] =	vst v63  }
0x21: {  	s9 =	rddreg [dreg:$0x7];
	s10 =	simm.s32 $0x2000  }
0x22: {  	[tilespmem:s10], [sflag:$0x1] =	stream.linear.gather [hbm4b:s9+s6], $0x2000, $0x38;
	[tilespmem:$0x11800] =	vst v63  }
0x23: {  	s11 =	rddreg [dreg:$0x8]  }
0x24: {  	[tilespmem:s26], [sflag:$0x1] =	stream.linear.gather [hbm4b:s11+s6], $0x2000, $0x38;
	[tilespmem:$0x11800] =	vst v63  }
0x25: {  	s12 =	rddreg [dreg:$0x9];
	s13 =	simm.s32 $0xA000  }
0x26: {  	[tilespmem:s13], [sflag:$0x1] =	stream.linear.gather [hbm4b:s12+s6], $0x2000, $0x38;
	[tilespmem:$0x11800] =	vst v63  }
0x27: {  	s14 =	rddreg [dreg:$0xa];
	s17 =	simm.s32 $0x10000  }
0x28: {  	[tilespmem:s17], [sflag:$0x1] =	stream.strided.gather [hbm4b:s14+s29], $0x400, s30, s29, $0x38;
	[tilespmem:$0x11800] =	vst v63  }
0x29: {  	s4 =	rddreg [dreg:$0xb];
	s9 =	simm.s32 $0x10800  }
0x2a: {  	[tilespmem:s9], [sflag:$0x1] =	stream.linear.gather [hbm4b:s4+s6], $0x80, $0x38;
	[tilespmem:$0x11800] =	vst v63  }
0x2b: {  	s10 =	rddreg [dreg:$0xe];
	s11 =	simm.s32 $0x10900  }
0x2c: {  	[tilespmem:s11], [sflag:$0x1] =	stream.linear.gather [hbm4b:s10+s6], $0x80, $0x38;
	[tilespmem:$0x11800] =	vst v63  }
0x2d: {  	s12 =	rddreg [dreg:$0xf];
	s13 =	simm.s32 $0x10A00  }
0x2e: {  	[tilespmem:s13], [sflag:$0x1] =	stream.linear.gather [hbm4b:s12+s6], $0x80, $0x38;
	[tilespmem:$0x11800] =	vst v63  }
0x2f: {  	s14 =	rddreg [dreg:$0x10];
	s17 =	simm.s32 $0x10B00  }
0x30: {  	[tilespmem:s17], [sflag:$0x1] =	stream.linear.gather [hbm4b:s14+s6], $0x80, $0x38;
	[tilespmem:$0x11800] =	vst v63  }
0x31: {  	s4 =	rddreg [dreg:$0x11];
	s9 =	simm.s32 $0x10C00  }
0x32: {  	[tilespmem:s9], [sflag:$0x1] =	stream.linear.gather [hbm4b:s4+s6], $0x80, $0x38;
	[tilespmem:$0x11800] =	vst v63  }
0x33: {  	s10 =	rddreg [dreg:$0x12];
	s11 =	simm.s32 $0x10D00  }
0x34: {  	[tilespmem:s11], [sflag:$0x1] =	stream.linear.gather [hbm4b:s10+s6], $0x80, $0x38;
	[tilespmem:$0x11800] =	vst v63  }
0x35: {  	s12 =	rddreg [dreg:$0x13];
	s13 =	simm.s32 $0x10E00  }
0x36: {  	[tilespmem:s13], [sflag:$0x1] =	stream.linear.gather [hbm4b:s12+s6], $0x80, $0x38;
	[tilespmem:$0x11800] =	vst v63  }
0x37: {  	s14 =	rddreg [dreg:$0x14];
	s17 =	simm.s32 $0x10F00;
	s4 =	simm.s32 $0x0  }
0x38: {  	[tilespmem:s17], [sflag:$0x1] =	stream.linear.gather [hbm4b:s14+s6], $0x80, $0x38;
	[tilespmem:$0x11800] =	vst v63  }
.LBB2_2:
0x39: {  	s9 =	sshll.u32 s4, $0x1  }
0x3a: {  	s10 =	sadd.s32 s7, s9  }
0x3b: {  	s0 =	sadd.s32 $0x1, s10  }
0x3c: {  	s11 =	sshll.u32 s0, $0x3;
	s12 =	sshll.u32 s0, $0x4  }
0x3d: {  	s11 =	sand.u32 $0x38, s11;
	s13 =	sand.u32 $0x3FFF80, s12  }
0x3e: {  	s13 =	sor.u32 s11, s13  }
0x3f: {  	s13 =	sshll.u32 s13, $0x7  }
0x40: {  	s14 =	sadd.s32 s1, s13  }
0x41: {  	[tilespmem:s18], [sflag:$0x2] =	stream.linear.gather [hbm4b:s14+s6], $0x2000, $0x38;
	[tilespmem:$0x11800] =	vst v63  }
0x42: {  	s14 =	sor.u32 $0x2000, s13  }
0x43: {  	s17 =	sadd.s32 s1, s14  }
0x44: {  	[tilespmem:s25], [sflag:$0x2] =	stream.linear.gather [hbm4b:s17+s6], $0x2000, $0x38;
	[tilespmem:$0x11800] =	vst v63  }
0x45: {  	s13 =	sadd.s32 s2, s13  }
0x46: {  	[tilespmem:s20], [sflag:$0x2] =	stream.linear.gather [hbm4b:s13+s6], $0x2000, $0x38;
	[tilespmem:$0x11800] =	vst v63  }
0x47: {  	s14 =	sadd.s32 s2, s14;
	s17 =	simm.s32 $0xE000  }
0x48: {  	[tilespmem:s17], [sflag:$0x2] =	stream.linear.gather [hbm4b:s14+s6], $0x2000, $0x38;
	[tilespmem:$0x11800] =	vst v63  }
0x49: {  	s14 =	sand.u32 $0x1FFFC0, s0  }
0x4a: {  	s11 =	sor.u32 s14, s11  }
0x4b: {  	s12 =	sand.u32 $0x380, s12;
	s11 =	sshll.u32 s11, $0xA  }
0x4c: {  	s11 =	sor.u32 s12, s11  }
0x4d: {  	s11 =	sshrl.u32 s11, $0x3  }
0x4e: {  	s17 =	simm.s32 $0x10400;
	s12 =	sshll.u32 s0, $0x7;
	s11 =	sadd.s32 s3, s11  }
0x4f: {  	[tilespmem:s17], [sflag:$0x2] =	stream.strided.gather [hbm4b:s11+s29], $0x400, s30, s29, $0x38;
	[tilespmem:$0x11800] =	vst v63  }
0x50: {  	s11 =	sand.u32 $0x1FFFFF80, s12  }
0x51: {  	s13 =	simm.s32 $0x10880;
	s11 =	sadd.s32 s5, s11  }
0x52: {  	[tilespmem:s13], [sflag:$0x2] =	stream.linear.gather [hbm4b:s11+s6], $0x80, $0x38;
	[tilespmem:$0x11800] =	vst v63  }
0x53: {  	s17 =	simm.s32 $0x10980;
	s14 =	sadd.s32 $0x10, s11  }
0x54: {  	[tilespmem:s17], [sflag:$0x2] =	stream.linear.gather [hbm4b:s14+s6], $0x80, $0x38;
	[tilespmem:$0x11800] =	vst v63  }
0x55: {  	s14 =	sadd.s32 $0x20, s11;
	s17 =	simm.s32 $0x10A80  }
0x56: {  	[tilespmem:s17], [sflag:$0x2] =	stream.linear.gather [hbm4b:s14+s6], $0x80, $0x38;
	[tilespmem:$0x11800] =	vst v63  }
0x57: {  	s14 =	sadd.s32 $0x30, s11;
	s17 =	simm.s32 $0x10B80  }
0x58: {  	[tilespmem:s17], [sflag:$0x2] =	stream.linear.gather [hbm4b:s14+s6], $0x80, $0x38;
	[tilespmem:$0x11800] =	vst v63  }
0x59: {  	s14 =	sadd.s32 $0x40, s11;
	s17 =	simm.s32 $0x10C80  }
0x5a: {  	[tilespmem:s17], [sflag:$0x2] =	stream.linear.gather [hbm4b:s14+s6], $0x80, $0x38;
	[tilespmem:$0x11800] =	vst v63  }
0x5b: {  	s14 =	sadd.s32 $0x50, s11;
	s17 =	simm.s32 $0x10D80  }
0x5c: {  	[tilespmem:s17], [sflag:$0x2] =	stream.linear.gather [hbm4b:s14+s6], $0x80, $0x38;
	[tilespmem:$0x11800] =	vst v63  }
0x5d: {  	s13 =	sadd.s32 $0x60, s11;
	s14 =	simm.s32 $0x10E80  }
0x5e: {  	[tilespmem:s14], [sflag:$0x2] =	stream.linear.gather [hbm4b:s13+s6], $0x80, $0x38;
	[tilespmem:$0x11800] =	vst v63  }
0x5f: {  	s11 =	sadd.s32 $0x70, s11;
	s17 =	simm.s32 $0x10F80  }
0x60: {  	[tilespmem:s17], [sflag:$0x2] =	stream.linear.gather [hbm4b:s11+s6], $0x80, $0x38;
	[tilespmem:$0x11800] =	vst v63  }
0x61: {  	_ =	swait.ge [sflag:s24], $0x2000  }
0x62: {  	[sflag:s24] =	ssyncset.done $0x0  }
0x63: {  	[sflag:s24] =	ssyncadd.s32 $0xFFFFE000  }
0x64: {  	_ =	swait.ge [sflag:s24], $0x2000  }
0x65: {  	[sflag:s24] =	ssyncset.done $0x0  }
0x66: {  	[sflag:s24] =	ssyncadd.s32 $0xFFFFE000  }
0x67: {  	_ =	swait.ge [sflag:s24], $0x2000  }
0x68: {  	[sflag:s24] =	ssyncset.done $0x0  }
0x69: {  	[sflag:s24] =	ssyncadd.s32 $0xFFFFE000  }
0x6a: {  	_ =	swait.ge [sflag:s24], $0x2000  }
0x6b: {  	[sflag:s24] =	ssyncset.done $0x0  }
0x6c: {  	[sflag:s24] =	ssyncadd.s32 $0xFFFFE000  }
0x6d: {  	_ =	swait.ge [sflag:s24], $0x400  }
0x6e: {  	[sflag:s24] =	ssyncset.done $0x0  }
0x6f: {  	[sflag:s24] =	ssyncadd.s32 $0xFFFFFC00  }
0x70: {  	_ =	swait.ge [sflag:s24], $0x400  }
0x71: {  	p0 =	seq.s32 s4, $0x0;
	[sflag:s24] =	ssyncset.done $0x0  }
0x72: {  	s11 =	simm.s32 @!p0 $0x3;
	[sflag:s24] =	ssyncadd.s32 $0xFFFFFC00  }
0x73: {  	s10 =	sshll.u32 s10, $0xA;
	s12 =	simm.s32 $0x0;
	_ =	swait.ge @!p0 [sflag:s11], $0x400  }
0x74: {  	s13 =	simm.s32 $0x10040;
	s14 =	simm.s32 $0x11040;
	[sflag:s11] =	ssyncset.done @!p0 $0x0  }
0x75: {  	s17 =	simm.s32 $0x10840;
	[sflag:s11] =	ssyncadd.s32 @!p0 $0xFFFFFC00;
	s11 =	simm.s32 $0xFFFFFFF8  }
.LBB2_3:
0x76: {  	v8 =	vld [tilespmem:s13+$0xFFFFFFC0];
	_ =	sdelay $0x1  }
0x77: {  	v9 =	vmov s12  }
0x78: {  	v9 =	vshrl.u32 v9, $0x7  }
0x79: {  	v9 =	vshll.u32 v9, $0xA  }
0x7a: {  	v9 =	vbroadcast v9, $0x0;
	v10 =	vshll.u32 v8, $0xA  }
0x7b: {  	v8 =	vshll.u32 v8, $0x7;
	v10 =	vand.u32 $0xFFFFE000, v10  }
0x7c: {  	v8 =	vand.u32 $0x380, v8;
	v10 =	vor.u32 v10, v9  }
0x7d: {  	v8 =	vor.u32 v8, v10  }
0x7e: {  	v8 =	vor.u32 v0, v8;
	_ =	sdelay $0x3  }
0x7f: {  	v42 =	vld [tilespmem:s17+$0xFFFFFFC0]  }
0x80: {  	v11 =	vld.idx.msk [tilespmem:v8+s26+$0x0], $0xffff;
	_ =	sdelay $0x1  }
0x81: {  	v8 =	vld.idx.msk [tilespmem:v8+s6+$0x0], $0xffff;
	_ =	sdelay $0x2  }
0x82: {  	v10 =	vmul.f32 v11, v42;
	_ =	sdelay $0x1  }
0x83: {  	v8 =	vadd.f32 v10, v8;
	_ =	sdelay $0x1  }
0x84: {  	[tilespmem:s14+$0xFFFFFFC0] =	vst v8  }
0x85: {  	v8 =	vld [tilespmem:s13+$0xFFFFFFD0];
	_ =	sdelay $0x4  }
0x86: {  	v43 =	vshll.u32 v8, $0xA  }
0x87: {  	v8 =	vshll.u32 v8, $0x7;
	v10 =	vand.u32 $0xFFFFE000, v43  }
0x88: {  	v8 =	vand.u32 $0x380, v8;
	v10 =	vadd.s32 v9, v10  }
0x89: {  	v8 =	vor.u32 v8, v10  }
0x8a: {  	v8 =	vor.u32 v1, v8;
	_ =	sdelay $0x3  }
0x8b: {  	v44 =	vld [tilespmem:s17+$0xFFFFFFD0]  }
0x8c: {  	v45 =	vld.idx.msk [tilespmem:v8+s26+$0x0], $0xffff;
	_ =	sdelay $0x1  }
0x8d: {  	v8 =	vld.idx.msk [tilespmem:v8+s6+$0x0], $0xffff;
	_ =	sdelay $0x2  }
0x8e: {  	v10 =	vmul.f32 v45, v44;
	_ =	sdelay $0x1  }
0x8f: {  	v8 =	vadd.f32 v10, v8;
	_ =	sdelay $0x1  }
0x90: {  	[tilespmem:s14+$0xFFFFFFD0] =	vst v8  }
0x91: {  	v8 =	vld [tilespmem:s13+$0xFFFFFFE0];
	_ =	sdelay $0x4  }
0x92: {  	v46 =	vshll.u32 v8, $0xA  }
0x93: {  	v8 =	vshll.u32 v8, $0x7;
	v10 =	vand.u32 $0xFFFFE000, v46  }
0x94: {  	v8 =	vand.u32 $0x380, v8;
	v10 =	vadd.s32 v9, v10  }
0x95: {  	v8 =	vor.u32 v8, v10  }
0x96: {  	v8 =	vor.u32 v2, v8;
	_ =	sdelay $0x3  }
0x97: {  	v47 =	vld [tilespmem:s17+$0xFFFFFFE0]  }
0x98: {  	v48 =	vld.idx.msk [tilespmem:v8+s26+$0x0], $0xffff;
	_ =	sdelay $0x1  }
0x99: {  	v8 =	vld.idx.msk [tilespmem:v8+s6+$0x0], $0xffff;
	_ =	sdelay $0x2  }
0x9a: {  	v10 =	vmul.f32 v48, v47;
	_ =	sdelay $0x1  }
0x9b: {  	v8 =	vadd.f32 v10, v8;
	_ =	sdelay $0x1  }
0x9c: {  	[tilespmem:s14+$0xFFFFFFE0] =	vst v8  }
0x9d: {  	v8 =	vld [tilespmem:s13+$0xFFFFFFF0];
	_ =	sdelay $0x4  }
0x9e: {  	v49 =	vshll.u32 v8, $0xA  }
0x9f: {  	v8 =	vshll.u32 v8, $0x7;
	v10 =	vand.u32 $0xFFFFE000, v49  }
0xa0: {  	v8 =	vand.u32 $0x380, v8;
	v10 =	vadd.s32 v9, v10  }
0xa1: {  	v8 =	vor.u32 v8, v10  }
0xa2: {  	v8 =	vor.u32 v3, v8;
	_ =	sdelay $0x3  }
0xa3: {  	v50 =	vld [tilespmem:s17+$0xFFFFFFF0]  }
0xa4: {  	v51 =	vld.idx.msk [tilespmem:v8+s26+$0x0], $0xffff;
	_ =	sdelay $0x1  }
0xa5: {  	v8 =	vld.idx.msk [tilespmem:v8+s6+$0x0], $0xffff;
	_ =	sdelay $0x2  }
0xa6: {  	v10 =	vmul.f32 v51, v50;
	_ =	sdelay $0x1  }
0xa7: {  	v8 =	vadd.f32 v10, v8;
	_ =	sdelay $0x1  }
0xa8: {  	[tilespmem:s14+$0xFFFFFFF0] =	vst v8  }
0xa9: {  	v8 =	vld [tilespmem:s13+$0x0];
	_ =	sdelay $0x4  }
0xaa: {  	v52 =	vshll.u32 v8, $0xA  }
0xab: {  	v8 =	vshll.u32 v8, $0x7;
	v10 =	vand.u32 $0xFFFFE000, v52  }
0xac: {  	v8 =	vand.u32 $0x380, v8;
	v10 =	vadd.s32 v9, v10  }
0xad: {  	v8 =	vor.u32 v8, v10  }
0xae: {  	v8 =	vor.u32 v4, v8;
	_ =	sdelay $0x3  }
0xaf: {  	v53 =	vld [tilespmem:s17+$0x0]  }
0xb0: {  	v54 =	vld.idx.msk [tilespmem:v8+s26+$0x0], $0xffff;
	_ =	sdelay $0x1  }
0xb1: {  	v8 =	vld.idx.msk [tilespmem:v8+s6+$0x0], $0xffff;
	_ =	sdelay $0x2  }
0xb2: {  	v10 =	vmul.f32 v54, v53;
	_ =	sdelay $0x1  }
0xb3: {  	v8 =	vadd.f32 v10, v8;
	_ =	sdelay $0x1  }
0xb4: {  	[tilespmem:s14+$0x0] =	vst v8  }
0xb5: {  	v8 =	vld [tilespmem:s13+$0x10];
	_ =	sdelay $0x4  }
0xb6: {  	v55 =	vshll.u32 v8, $0xA  }
0xb7: {  	v8 =	vshll.u32 v8, $0x7;
	v10 =	vand.u32 $0xFFFFE000, v55  }
0xb8: {  	v8 =	vand.u32 $0x380, v8;
	v10 =	vadd.s32 v9, v10  }
0xb9: {  	v8 =	vor.u32 v8, v10  }
0xba: {  	v8 =	vor.u32 v5, v8;
	_ =	sdelay $0x3  }
0xbb: {  	v56 =	vld [tilespmem:s17+$0x10]  }
0xbc: {  	v57 =	vld.idx.msk [tilespmem:v8+s26+$0x0], $0xffff;
	_ =	sdelay $0x1  }
0xbd: {  	v8 =	vld.idx.msk [tilespmem:v8+s6+$0x0], $0xffff;
	_ =	sdelay $0x2  }
0xbe: {  	v10 =	vmul.f32 v57, v56;
	_ =	sdelay $0x1  }
0xbf: {  	v8 =	vadd.f32 v10, v8;
	_ =	sdelay $0x1  }
0xc0: {  	[tilespmem:s14+$0x10] =	vst v8  }
0xc1: {  	v8 =	vld [tilespmem:s13+$0x20];
	_ =	sdelay $0x4  }
0xc2: {  	v58 =	vshll.u32 v8, $0xA  }
0xc3: {  	v8 =	vshll.u32 v8, $0x7;
	v10 =	vand.u32 $0xFFFFE000, v58  }
0xc4: {  	v8 =	vand.u32 $0x380, v8;
	v10 =	vadd.s32 v9, v10  }
0xc5: {  	v8 =	vor.u32 v8, v10  }
0xc6: {  	v8 =	vor.u32 v6, v8;
	_ =	sdelay $0x3  }
0xc7: {  	v59 =	vld [tilespmem:s17+$0x20]  }
0xc8: {  	v60 =	vld.idx.msk [tilespmem:v8+s26+$0x0], $0xffff;
	_ =	sdelay $0x1  }
0xc9: {  	v8 =	vld.idx.msk [tilespmem:v8+s6+$0x0], $0xffff;
	_ =	sdelay $0x2  }
0xca: {  	v10 =	vmul.f32 v60, v59;
	_ =	sdelay $0x1  }
0xcb: {  	v8 =	vadd.f32 v10, v8;
	_ =	sdelay $0x1  }
0xcc: {  	[tilespmem:s14+$0x20] =	vst v8  }
0xcd: {  	v8 =	vld [tilespmem:s13+$0x30];
	_ =	sdelay $0x4  }
0xce: {  	v61 =	vshll.u32 v8, $0xA  }
0xcf: {  	v8 =	vshll.u32 v8, $0x7;
	v10 =	vand.u32 $0xFFFFE000, v61  }
0xd0: {  	v8 =	vand.u32 $0x380, v8;
	v9 =	vadd.s32 v9, v10  }
0xd1: {  	v8 =	vor.u32 v8, v9  }
0xd2: {  	v8 =	vor.u32 v7, v8;
	_ =	sdelay $0x3  }
0xd3: {  	v62 =	vld [tilespmem:s17+$0x30]  }
0xd4: {  	v63 =	vld.idx.msk [tilespmem:v8+s26+$0x0], $0xffff;
	_ =	sdelay $0x1  }
0xd5: {  	v8 =	vld.idx.msk [tilespmem:v8+s6+$0x0], $0xffff  }
0xd6: {  	s11 =	sadd.s32 $0x8, s11  }
0xd7: {  	p1 =	slt.u32 s11, $0x38  }
.Ltmp0:
0xd8: {  	v9 =	vmul.f32 v63, v62;
	(pc) =	sbr.rel @p1 .LBB2_3-.Ltmp0, $4  }
0xd9: {  	_ = 	snop  }
0xda: {  	v8 =	vadd.f32 v9, v8  }
0xdb: {  	s12 =	sadd.s32 $0x80, s12  }
0xdc: {  	s13 =	sadd.s32 $0x80, s13;
	s17 =	sadd.s32 $0x100, s17;
	[tilespmem:s14+$0x30] =	vst v8;
	s14 =	sadd.s32 $0x100, s14  }
0xdd: {  	s10 =	sadd.s32 $0xFFFA8000, s10  }
0xde: {  	s10 =	sshrl.u32 s10, $0x3  }
0xdf: {  	s11 =	simm.s32 $0x11000;
	s10 =	sadd.s32 s8, s10  }
0xe0: {  	[hbm4b:s10+s6] =	stream.linear.scatter [tilespmem:s11], [sflag:$0x3], $0x80, $0x38;
	[tilespmem:$0x11800] =	vst v63  }
0xe1: {  	s12 =	simm.s32 $0x11100;
	s14 =	sadd.s32 $0x10, s10  }
0xe2: {  	[hbm4b:s14+s6] =	stream.linear.scatter [tilespmem:s12], [sflag:$0x3], $0x80, $0x38;
	[tilespmem:$0x11800] =	vst v63  }
0xe3: {  	s17 =	sadd.s32 $0x20, s10  }
0xe4: {  	[hbm4b:s17+s6] =	stream.linear.scatter [tilespmem:s16], [sflag:$0x3], $0x80, $0x38;
	[tilespmem:$0x11800] =	vst v63  }
0xe5: {  	s12 =	sadd.s32 $0x30, s10  }
0xe6: {  	[hbm4b:s12+s6] =	stream.linear.scatter [tilespmem:s19], [sflag:$0x3], $0x80, $0x38;
	[tilespmem:$0x11800] =	vst v63  }
0xe7: {  	s13 =	sadd.s32 $0x40, s10  }
0xe8: {  	[hbm4b:s13+s6] =	stream.linear.scatter [tilespmem:s28], [sflag:$0x3], $0x80, $0x38;
	[tilespmem:$0x11800] =	vst v63  }
0xe9: {  	s14 =	sadd.s32 $0x50, s10  }
0xea: {  	[hbm4b:s14+s6] =	stream.linear.scatter [tilespmem:s21], [sflag:$0x3], $0x80, $0x38;
	[tilespmem:$0x11800] =	vst v63  }
0xeb: {  	s9 =	sadd.s32 s9, s15;
	s17 =	sadd.s32 $0x60, s10  }
0xec: {  	[hbm4b:s17+s6] =	stream.linear.scatter [tilespmem:s22], [sflag:$0x3], $0x80, $0x38;
	[tilespmem:$0x11800] =	vst v63  }
0xed: {  	s11 =	sshll.u32 s9, $0x4;
	s10 =	sadd.s32 $0x70, s10;
	s12 =	sshll.u32 s9, $0x3  }
0xee: {  	[hbm4b:s10+s6] =	stream.linear.scatter [tilespmem:s23], [sflag:$0x3], $0x80, $0x38;
	[tilespmem:$0x11800] =	vst v63  }
0xef: {  	s13 =	sand.u32 $0x3FFF80, s11;
	s10 =	sand.u32 $0x38, s12  }
0xf0: {  	s12 =	sor.u32 s10, s13  }
0xf1: {  	s12 =	sshll.u32 s12, $0x7  }
0xf2: {  	s13 =	sadd.s32 s1, s12  }
0xf3: {  	[tilespmem:s6], [sflag:$0x1] =	stream.linear.gather [hbm4b:s13+s6], $0x2000, $0x38;
	[tilespmem:$0x11800] =	vst v63  }
0xf4: {  	s13 =	sor.u32 $0x2000, s12  }
0xf5: {  	s17 =	simm.s32 $0x2000;
	s14 =	sadd.s32 s1, s13  }
0xf6: {  	[tilespmem:s17], [sflag:$0x1] =	stream.linear.gather [hbm4b:s14+s6], $0x2000, $0x38;
	[tilespmem:$0x11800] =	vst v63  }
0xf7: {  	s12 =	sadd.s32 s2, s12  }
0xf8: {  	[tilespmem:s26], [sflag:$0x1] =	stream.linear.gather [hbm4b:s12+s6], $0x2000, $0x38;
	[tilespmem:$0x11800] =	vst v63  }
0xf9: {  	s14 =	sadd.s32 s2, s13;
	s17 =	simm.s32 $0xA000  }
0xfa: {  	[tilespmem:s17], [sflag:$0x1] =	stream.linear.gather [hbm4b:s14+s6], $0x2000, $0x38;
	[tilespmem:$0x11800] =	vst v63  }
0xfb: {  	s14 =	sand.u32 $0x1FFFC0, s9  }
0xfc: {  	s10 =	sor.u32 s14, s10  }
0xfd: {  	s11 =	sand.u32 $0x380, s11;
	s10 =	sshll.u32 s10, $0xA  }
0xfe: {  	s10 =	sor.u32 s11, s10  }
0xff: {  	s9 =	sshll.u32 s9, $0x7;
	s10 =	sshrl.u32 s10, $0x3  }
0x100: {  	s17 =	simm.s32 $0x10000;
	s9 =	sand.u32 $0x1FFFFF80, s9;
	s10 =	sadd.s32 s3, s10  }
0x101: {  	[tilespmem:s17], [sflag:$0x1] =	stream.strided.gather [hbm4b:s10+s29], $0x400, s30, s29, $0x38;
	[tilespmem:$0x11800] =	vst v63  }
0x102: {  	s9 =	sadd.s32 s5, s9;
	s11 =	simm.s32 $0x10800  }
0x103: {  	[tilespmem:s11], [sflag:$0x1] =	stream.linear.gather [hbm4b:s9+s6], $0x80, $0x38;
	[tilespmem:$0x11800] =	vst v63  }
0x104: {  	s13 =	simm.s32 $0x10900;
	s12 =	sadd.s32 $0x10, s9  }
0x105: {  	[tilespmem:s13], [sflag:$0x1] =	stream.linear.gather [hbm4b:s12+s6], $0x80, $0x38;
	[tilespmem:$0x11800] =	vst v63  }
0x106: {  	s14 =	sadd.s32 $0x20, s9;
	s17 =	simm.s32 $0x10A00  }
0x107: {  	[tilespmem:s17], [sflag:$0x1] =	stream.linear.gather [hbm4b:s14+s6], $0x80, $0x38;
	[tilespmem:$0x11800] =	vst v63  }
0x108: {  	s12 =	sadd.s32 $0x30, s9;
	s13 =	simm.s32 $0x10B00  }
0x109: {  	[tilespmem:s13], [sflag:$0x1] =	stream.linear.gather [hbm4b:s12+s6], $0x80, $0x38;
	[tilespmem:$0x11800] =	vst v63  }
0x10a: {  	s14 =	sadd.s32 $0x40, s9;
	s17 =	simm.s32 $0x10C00  }
0x10b: {  	[tilespmem:s17], [sflag:$0x1] =	stream.linear.gather [hbm4b:s14+s6], $0x80, $0x38;
	[tilespmem:$0x11800] =	vst v63  }
0x10c: {  	s11 =	sadd.s32 $0x50, s9;
	s12 =	simm.s32 $0x10D00  }
0x10d: {  	[tilespmem:s12], [sflag:$0x1] =	stream.linear.gather [hbm4b:s11+s6], $0x80, $0x38;
	[tilespmem:$0x11800] =	vst v63  }
0x10e: {  	s13 =	sadd.s32 $0x60, s9;
	s14 =	simm.s32 $0x10E00  }
0x10f: {  	[tilespmem:s14], [sflag:$0x1] =	stream.linear.gather [hbm4b:s13+s6], $0x80, $0x38;
	[tilespmem:$0x11800] =	vst v63  }
0x110: {  	s9 =	sadd.s32 $0x70, s9;
	s17 =	simm.s32 $0x10F00  }
0x111: {  	[tilespmem:s17], [sflag:$0x1] =	stream.linear.gather [hbm4b:s9+s6], $0x80, $0x38;
	[tilespmem:$0x11800] =	vst v63  }
0x112: {  	_ =	swait.ge [sflag:s31], $0x2000  }
0x113: {  	[sflag:s31] =	ssyncset.done $0x0  }
0x114: {  	[sflag:s31] =	ssyncadd.s32 $0xFFFFE000  }
0x115: {  	_ =	swait.ge [sflag:s31], $0x2000  }
0x116: {  	[sflag:s31] =	ssyncset.done $0x0  }
0x117: {  	[sflag:s31] =	ssyncadd.s32 $0xFFFFE000  }
0x118: {  	_ =	swait.ge [sflag:s31], $0x2000  }
0x119: {  	[sflag:s31] =	ssyncset.done $0x0  }
0x11a: {  	[sflag:s31] =	ssyncadd.s32 $0xFFFFE000  }
0x11b: {  	_ =	swait.ge [sflag:s31], $0x2000  }
0x11c: {  	[sflag:s31] =	ssyncset.done $0x0  }
0x11d: {  	[sflag:s31] =	ssyncadd.s32 $0xFFFFE000  }
0x11e: {  	_ =	swait.ge [sflag:s31], $0x400  }
0x11f: {  	[sflag:s31] =	ssyncset.done $0x0  }
0x120: {  	[sflag:s31] =	ssyncadd.s32 $0xFFFFFC00  }
0x121: {  	_ =	swait.ge [sflag:s31], $0x400  }
0x122: {  	[sflag:s31] =	ssyncset.done $0x0  }
0x123: {  	s9 =	simm.s32 @!p0 $0x4;
	[sflag:s31] =	ssyncadd.s32 $0xFFFFFC00  }
0x124: {  	s0 =	sshll.u32 s0, $0xA;
	s10 =	simm.s32 $0x0;
	_ =	swait.ge @!p0 [sflag:s9], $0x400  }
0x125: {  	s11 =	simm.s32 $0x10470;
	s12 =	simm.s32 $0x110F0;
	[sflag:s9] =	ssyncset.done @!p0 $0x0  }
0x126: {  	s13 =	simm.s32 $0x108F0;
	[sflag:s9] =	ssyncadd.s32 @!p0 $0xFFFFFC00;
	s9 =	simm.s32 $0xFFFFFFF8  }
.LBB2_5:
0x127: {  	v8 =	vld [tilespmem:s11+$0xFFFFFF90];
	_ =	sdelay $0x1  }
0x128: {  	v9 =	vmov s10  }
0x129: {  	v9 =	vshrl.u32 v9, $0x7  }
0x12a: {  	v9 =	vshll.u32 v9, $0xA  }
0x12b: {  	v9 =	vbroadcast v9, $0x0;
	v10 =	vshll.u32 v8, $0xA  }
0x12c: {  	v8 =	vshll.u32 v8, $0x7;
	v10 =	vand.u32 $0xFFFFE000, v10  }
0x12d: {  	v8 =	vand.u32 $0x380, v8;
	v10 =	vor.u32 v10, v9  }
0x12e: {  	v8 =	vor.u32 v8, v10  }
0x12f: {  	v8 =	vor.u32 v0, v8;
	_ =	sdelay $0x3  }
0x130: {  	v42 =	vld [tilespmem:s13+$0xFFFFFF90]  }
0x131: {  	v11 =	vld.idx.msk [tilespmem:v8+s20+$0x0], $0xffff;
	_ =	sdelay $0x1  }
0x132: {  	v8 =	vld.idx.msk [tilespmem:v8+s18+$0x0], $0xffff;
	_ =	sdelay $0x2  }
0x133: {  	v10 =	vmul.f32 v11, v42;
	_ =	sdelay $0x1  }
0x134: {  	v8 =	vadd.f32 v10, v8;
	_ =	sdelay $0x1  }
0x135: {  	[tilespmem:s12+$0xFFFFFF90] =	vst v8  }
0x136: {  	v8 =	vld [tilespmem:s11+$0xFFFFFFA0];
	_ =	sdelay $0x4  }
0x137: {  	v43 =	vshll.u32 v8, $0xA  }
0x138: {  	v8 =	vshll.u32 v8, $0x7;
	v10 =	vand.u32 $0xFFFFE000, v43  }
0x139: {  	v8 =	vand.u32 $0x380, v8;
	v10 =	vadd.s32 v9, v10  }
0x13a: {  	v8 =	vor.u32 v8, v10  }
0x13b: {  	v8 =	vor.u32 v1, v8;
	_ =	sdelay $0x3  }
0x13c: {  	v44 =	vld [tilespmem:s13+$0xFFFFFFA0]  }
0x13d: {  	v45 =	vld.idx.msk [tilespmem:v8+s20+$0x0], $0xffff;
	_ =	sdelay $0x1  }
0x13e: {  	v8 =	vld.idx.msk [tilespmem:v8+s18+$0x0], $0xffff;
	_ =	sdelay $0x2  }
0x13f: {  	v10 =	vmul.f32 v45, v44;
	_ =	sdelay $0x1  }
0x140: {  	v8 =	vadd.f32 v10, v8;
	_ =	sdelay $0x1  }
0x141: {  	[tilespmem:s12+$0xFFFFFFA0] =	vst v8  }
0x142: {  	v8 =	vld [tilespmem:s11+$0xFFFFFFB0];
	_ =	sdelay $0x4  }
0x143: {  	v46 =	vshll.u32 v8, $0xA  }
0x144: {  	v8 =	vshll.u32 v8, $0x7;
	v10 =	vand.u32 $0xFFFFE000, v46  }
0x145: {  	v8 =	vand.u32 $0x380, v8;
	v10 =	vadd.s32 v9, v10  }
0x146: {  	v8 =	vor.u32 v8, v10  }
0x147: {  	v8 =	vor.u32 v2, v8;
	_ =	sdelay $0x3  }
0x148: {  	v47 =	vld [tilespmem:s13+$0xFFFFFFB0]  }
0x149: {  	v48 =	vld.idx.msk [tilespmem:v8+s20+$0x0], $0xffff;
	_ =	sdelay $0x1  }
0x14a: {  	v8 =	vld.idx.msk [tilespmem:v8+s18+$0x0], $0xffff;
	_ =	sdelay $0x2  }
0x14b: {  	v10 =	vmul.f32 v48, v47;
	_ =	sdelay $0x1  }
0x14c: {  	v8 =	vadd.f32 v10, v8;
	_ =	sdelay $0x1  }
0x14d: {  	[tilespmem:s12+$0xFFFFFFB0] =	vst v8  }
0x14e: {  	v8 =	vld [tilespmem:s11+$0xFFFFFFC0];
	_ =	sdelay $0x4  }
0x14f: {  	v49 =	vshll.u32 v8, $0xA  }
0x150: {  	v8 =	vshll.u32 v8, $0x7;
	v10 =	vand.u32 $0xFFFFE000, v49  }
0x151: {  	v8 =	vand.u32 $0x380, v8;
	v10 =	vadd.s32 v9, v10  }
0x152: {  	v8 =	vor.u32 v8, v10  }
0x153: {  	v8 =	vor.u32 v3, v8;
	_ =	sdelay $0x3  }
0x154: {  	v50 =	vld [tilespmem:s13+$0xFFFFFFC0]  }
0x155: {  	v51 =	vld.idx.msk [tilespmem:v8+s20+$0x0], $0xffff;
	_ =	sdelay $0x1  }
0x156: {  	v8 =	vld.idx.msk [tilespmem:v8+s18+$0x0], $0xffff;
	_ =	sdelay $0x2  }
0x157: {  	v10 =	vmul.f32 v51, v50;
	_ =	sdelay $0x1  }
0x158: {  	v8 =	vadd.f32 v10, v8;
	_ =	sdelay $0x1  }
0x159: {  	[tilespmem:s12+$0xFFFFFFC0] =	vst v8  }
0x15a: {  	v8 =	vld [tilespmem:s11+$0xFFFFFFD0];
	_ =	sdelay $0x4  }
0x15b: {  	v52 =	vshll.u32 v8, $0xA  }
0x15c: {  	v8 =	vshll.u32 v8, $0x7;
	v10 =	vand.u32 $0xFFFFE000, v52  }
0x15d: {  	v8 =	vand.u32 $0x380, v8;
	v10 =	vadd.s32 v9, v10  }
0x15e: {  	v8 =	vor.u32 v8, v10  }
0x15f: {  	v8 =	vor.u32 v4, v8;
	_ =	sdelay $0x3  }
0x160: {  	v53 =	vld [tilespmem:s13+$0xFFFFFFD0]  }
0x161: {  	v54 =	vld.idx.msk [tilespmem:v8+s20+$0x0], $0xffff;
	_ =	sdelay $0x1  }
0x162: {  	v8 =	vld.idx.msk [tilespmem:v8+s18+$0x0], $0xffff;
	_ =	sdelay $0x2  }
0x163: {  	v10 =	vmul.f32 v54, v53;
	_ =	sdelay $0x1  }
0x164: {  	v8 =	vadd.f32 v10, v8;
	_ =	sdelay $0x1  }
0x165: {  	[tilespmem:s12+$0xFFFFFFD0] =	vst v8  }
0x166: {  	v8 =	vld [tilespmem:s11+$0xFFFFFFE0];
	_ =	sdelay $0x4  }
0x167: {  	v55 =	vshll.u32 v8, $0xA  }
0x168: {  	v8 =	vshll.u32 v8, $0x7;
	v10 =	vand.u32 $0xFFFFE000, v55  }
0x169: {  	v8 =	vand.u32 $0x380, v8;
	v10 =	vadd.s32 v9, v10  }
0x16a: {  	v8 =	vor.u32 v8, v10  }
0x16b: {  	v8 =	vor.u32 v5, v8;
	_ =	sdelay $0x3  }
0x16c: {  	v56 =	vld [tilespmem:s13+$0xFFFFFFE0]  }
0x16d: {  	v57 =	vld.idx.msk [tilespmem:v8+s20+$0x0], $0xffff;
	_ =	sdelay $0x1  }
0x16e: {  	v8 =	vld.idx.msk [tilespmem:v8+s18+$0x0], $0xffff;
	_ =	sdelay $0x2  }
0x16f: {  	v10 =	vmul.f32 v57, v56;
	_ =	sdelay $0x1  }
0x170: {  	v8 =	vadd.f32 v10, v8;
	_ =	sdelay $0x1  }
0x171: {  	[tilespmem:s12+$0xFFFFFFE0] =	vst v8  }
0x172: {  	v8 =	vld [tilespmem:s11+$0xFFFFFFF0];
	_ =	sdelay $0x4  }
0x173: {  	v58 =	vshll.u32 v8, $0xA  }
0x174: {  	v8 =	vshll.u32 v8, $0x7;
	v10 =	vand.u32 $0xFFFFE000, v58  }
0x175: {  	v8 =	vand.u32 $0x380, v8;
	v10 =	vadd.s32 v9, v10  }
0x176: {  	v8 =	vor.u32 v8, v10  }
0x177: {  	v8 =	vor.u32 v6, v8;
	_ =	sdelay $0x3  }
0x178: {  	v59 =	vld [tilespmem:s13+$0xFFFFFFF0]  }
0x179: {  	v60 =	vld.idx.msk [tilespmem:v8+s20+$0x0], $0xffff;
	_ =	sdelay $0x1  }
0x17a: {  	v8 =	vld.idx.msk [tilespmem:v8+s18+$0x0], $0xffff;
	_ =	sdelay $0x2  }
0x17b: {  	v10 =	vmul.f32 v60, v59;
	_ =	sdelay $0x1  }
0x17c: {  	v8 =	vadd.f32 v10, v8;
	_ =	sdelay $0x1  }
0x17d: {  	[tilespmem:s12+$0xFFFFFFF0] =	vst v8  }
0x17e: {  	v8 =	vld [tilespmem:s11+$0x0];
	_ =	sdelay $0x4  }
0x17f: {  	v61 =	vshll.u32 v8, $0xA  }
0x180: {  	v8 =	vshll.u32 v8, $0x7;
	v10 =	vand.u32 $0xFFFFE000, v61  }
0x181: {  	v8 =	vand.u32 $0x380, v8;
	v9 =	vadd.s32 v9, v10  }
0x182: {  	v8 =	vor.u32 v8, v9  }
0x183: {  	v8 =	vor.u32 v7, v8;
	_ =	sdelay $0x3  }
0x184: {  	v62 =	vld [tilespmem:s13+$0x0]  }
0x185: {  	v63 =	vld.idx.msk [tilespmem:v8+s20+$0x0], $0xffff;
	_ =	sdelay $0x1  }
0x186: {  	v8 =	vld.idx.msk [tilespmem:v8+s18+$0x0], $0xffff  }
0x187: {  	s9 =	sadd.s32 $0x8, s9  }
0x188: {  	p0 =	slt.u32 s9, $0x38  }
.Ltmp1:
0x189: {  	v9 =	vmul.f32 v63, v62;
	(pc) =	sbr.rel @p0 .LBB2_5-.Ltmp1, $4  }
0x18a: {  	_ = 	snop  }
0x18b: {  	v8 =	vadd.f32 v9, v8  }
0x18c: {  	s10 =	sadd.s32 $0x80, s10  }
0x18d: {  	s11 =	sadd.s32 $0x80, s11;
	s13 =	sadd.s32 $0x100, s13;
	[tilespmem:s12+$0x0] =	vst v8;
	s12 =	sadd.s32 $0x100, s12  }
0x18e: {  	s0 =	sadd.s32 $0xFFFA8000, s0  }
0x18f: {  	s0 =	sshrl.u32 s0, $0x3  }
0x190: {  	s9 =	simm.s32 $0x11080;
	s0 =	sadd.s32 s8, s0  }
0x191: {  	[hbm4b:s0+s6] =	stream.linear.scatter [tilespmem:s9], [sflag:$0x4], $0x80, $0x38;
	[tilespmem:$0x11800] =	vst v63  }
0x192: {  	s10 =	simm.s32 $0x11180;
	s17 =	sadd.s32 $0x10, s0  }
0x193: {  	[hbm4b:s17+s6] =	stream.linear.scatter [tilespmem:s10], [sflag:$0x4], $0x80, $0x38;
	[tilespmem:$0x11800] =	vst v63  }
0x194: {  	s11 =	simm.s32 $0x11280;
	s10 =	sadd.s32 $0x20, s0  }
0x195: {  	[hbm4b:s10+s6] =	stream.linear.scatter [tilespmem:s11], [sflag:$0x4], $0x80, $0x38;
	[tilespmem:$0x11800] =	vst v63  }
0x196: {  	s13 =	simm.s32 $0x11380;
	s12 =	sadd.s32 $0x30, s0  }
0x197: {  	[hbm4b:s12+s6] =	stream.linear.scatter [tilespmem:s13], [sflag:$0x4], $0x80, $0x38;
	[tilespmem:$0x11800] =	vst v63  }
0x198: {  	s4 =	sadd.s32 $0x1, s4;
	s14 =	sadd.s32 $0x40, s0;
	s17 =	simm.s32 $0x11480  }
0x199: {  	[hbm4b:s14+s6] =	stream.linear.scatter [tilespmem:s17], [sflag:$0x4], $0x80, $0x38;
	[tilespmem:$0x11800] =	vst v63  }
0x19a: {  	p0 =	sne.s32 s4, $0xA;
	s11 =	sadd.s32 $0x50, s0;
	s12 =	simm.s32 $0x11580  }
0x19b: {  	[hbm4b:s11+s6] =	stream.linear.scatter [tilespmem:s12], [sflag:$0x4], $0x80, $0x38;
	[tilespmem:$0x11800] =	vst v63  }
.Ltmp2:
0x19c: {  	_ = 	snop;
	(pc) =	sbr.rel @p0 .LBB2_2-.Ltmp2, $4  }
0x19d: {  	s13 =	sadd.s32 $0x60, s0;
	s14 =	simm.s32 $0x11680  }
0x19e: {  	[hbm4b:s13+s6] =	stream.linear.scatter [tilespmem:s14], [sflag:$0x4], $0x80, $0x38;
	[tilespmem:$0x11800] =	vst v63  }
0x19f: {  	s0 =	sadd.s32 $0x70, s0;
	s17 =	simm.s32 $0x11780  }
0x1a0: {  	[hbm4b:s0+s6] =	stream.linear.scatter [tilespmem:s17], [sflag:$0x4], $0x80, $0x38;
	[tilespmem:$0x11800] =	vst v63  }
0x1a1: {  	_ =	swait.ge [sflag:s24], $0x2000  }
0x1a2: {  	[sflag:s24] =	ssyncset.done $0x0  }
0x1a3: {  	[sflag:s24] =	ssyncadd.s32 $0xFFFFE000  }
0x1a4: {  	_ =	swait.ge [sflag:s24], $0x2000  }
0x1a5: {  	[sflag:s24] =	ssyncset.done $0x0  }
0x1a6: {  	[sflag:s24] =	ssyncadd.s32 $0xFFFFE000  }
0x1a7: {  	_ =	swait.ge [sflag:s24], $0x2000  }
0x1a8: {  	[sflag:s24] =	ssyncset.done $0x0  }
0x1a9: {  	[sflag:s24] =	ssyncadd.s32 $0xFFFFE000  }
0x1aa: {  	_ =	swait.ge [sflag:s24], $0x2000  }
0x1ab: {  	[sflag:s24] =	ssyncset.done $0x0  }
0x1ac: {  	[sflag:s24] =	ssyncadd.s32 $0xFFFFE000  }
0x1ad: {  	_ =	swait.ge [sflag:s24], $0x400  }
0x1ae: {  	[sflag:s24] =	ssyncset.done $0x0  }
0x1af: {  	[sflag:s24] =	ssyncadd.s32 $0xFFFFFC00  }
0x1b0: {  	_ =	swait.ge [sflag:s24], $0x400  }
0x1b1: {  	[sflag:s24] =	ssyncset.done $0x0  }
0x1b2: {  	s12 =	simm.s32 $0x3;
	[sflag:s24] =	ssyncadd.s32 $0xFFFFFC00  }
0x1b3: {  	s0 =	simm.s32 $0xFFFFFFF8;
	_ =	swait.ge [sflag:s12], $0x400  }
0x1b4: {  	s4 =	simm.s32 $0x0;
	s9 =	simm.s32 $0x10040;
	[sflag:s12] =	ssyncset.done $0x0  }
0x1b5: {  	s10 =	simm.s32 $0x11040;
	s11 =	simm.s32 $0x10840;
	[sflag:s12] =	ssyncadd.s32 $0xFFFFFC00  }
.LBB2_8:
0x1b6: {  	v8 =	vld [tilespmem:s9+$0xFFFFFFC0];
	_ =	sdelay $0x1  }
0x1b7: {  	v9 =	vmov s4  }
0x1b8: {  	v9 =	vshrl.u32 v9, $0x7  }
0x1b9: {  	v9 =	vshll.u32 v9, $0xA  }
0x1ba: {  	v9 =	vbroadcast v9, $0x0;
	v10 =	vshll.u32 v8, $0xA  }
0x1bb: {  	v8 =	vshll.u32 v8, $0x7;
	v10 =	vand.u32 $0xFFFFE000, v10  }
0x1bc: {  	v8 =	vand.u32 $0x380, v8;
	v10 =	vor.u32 v10, v9  }
0x1bd: {  	v8 =	vor.u32 v8, v10  }
0x1be: {  	v8 =	vor.u32 v0, v8;
	_ =	sdelay $0x3  }
0x1bf: {  	v42 =	vld [tilespmem:s11+$0xFFFFFFC0]  }
0x1c0: {  	v11 =	vld.idx.msk [tilespmem:v8+s26+$0x0], $0xffff;
	_ =	sdelay $0x1  }
0x1c1: {  	v8 =	vld.idx.msk [tilespmem:v8+s6+$0x0], $0xffff;
	_ =	sdelay $0x2  }
0x1c2: {  	v10 =	vmul.f32 v11, v42;
	_ =	sdelay $0x1  }
0x1c3: {  	v8 =	vadd.f32 v10, v8;
	_ =	sdelay $0x1  }
0x1c4: {  	[tilespmem:s10+$0xFFFFFFC0] =	vst v8  }
0x1c5: {  	v8 =	vld [tilespmem:s9+$0xFFFFFFD0];
	_ =	sdelay $0x4  }
0x1c6: {  	v43 =	vshll.u32 v8, $0xA  }
0x1c7: {  	v8 =	vshll.u32 v8, $0x7;
	v10 =	vand.u32 $0xFFFFE000, v43  }
0x1c8: {  	v8 =	vand.u32 $0x380, v8;
	v10 =	vadd.s32 v9, v10  }
0x1c9: {  	v8 =	vor.u32 v8, v10  }
0x1ca: {  	v8 =	vor.u32 v1, v8;
	_ =	sdelay $0x3  }
0x1cb: {  	v44 =	vld [tilespmem:s11+$0xFFFFFFD0]  }
0x1cc: {  	v45 =	vld.idx.msk [tilespmem:v8+s26+$0x0], $0xffff;
	_ =	sdelay $0x1  }
0x1cd: {  	v8 =	vld.idx.msk [tilespmem:v8+s6+$0x0], $0xffff;
	_ =	sdelay $0x2  }
0x1ce: {  	v10 =	vmul.f32 v45, v44;
	_ =	sdelay $0x1  }
0x1cf: {  	v8 =	vadd.f32 v10, v8;
	_ =	sdelay $0x1  }
0x1d0: {  	[tilespmem:s10+$0xFFFFFFD0] =	vst v8  }
0x1d1: {  	v8 =	vld [tilespmem:s9+$0xFFFFFFE0];
	_ =	sdelay $0x4  }
0x1d2: {  	v46 =	vshll.u32 v8, $0xA  }
0x1d3: {  	v8 =	vshll.u32 v8, $0x7;
	v10 =	vand.u32 $0xFFFFE000, v46  }
0x1d4: {  	v8 =	vand.u32 $0x380, v8;
	v10 =	vadd.s32 v9, v10  }
0x1d5: {  	v8 =	vor.u32 v8, v10  }
0x1d6: {  	v8 =	vor.u32 v2, v8;
	_ =	sdelay $0x3  }
0x1d7: {  	v47 =	vld [tilespmem:s11+$0xFFFFFFE0]  }
0x1d8: {  	v48 =	vld.idx.msk [tilespmem:v8+s26+$0x0], $0xffff;
	_ =	sdelay $0x1  }
0x1d9: {  	v8 =	vld.idx.msk [tilespmem:v8+s6+$0x0], $0xffff;
	_ =	sdelay $0x2  }
0x1da: {  	v10 =	vmul.f32 v48, v47;
	_ =	sdelay $0x1  }
0x1db: {  	v8 =	vadd.f32 v10, v8;
	_ =	sdelay $0x1  }
0x1dc: {  	[tilespmem:s10+$0xFFFFFFE0] =	vst v8  }
0x1dd: {  	v8 =	vld [tilespmem:s9+$0xFFFFFFF0];
	_ =	sdelay $0x4  }
0x1de: {  	v49 =	vshll.u32 v8, $0xA  }
0x1df: {  	v8 =	vshll.u32 v8, $0x7;
	v10 =	vand.u32 $0xFFFFE000, v49  }
0x1e0: {  	v8 =	vand.u32 $0x380, v8;
	v10 =	vadd.s32 v9, v10  }
0x1e1: {  	v8 =	vor.u32 v8, v10  }
0x1e2: {  	v8 =	vor.u32 v3, v8;
	_ =	sdelay $0x3  }
0x1e3: {  	v50 =	vld [tilespmem:s11+$0xFFFFFFF0]  }
0x1e4: {  	v51 =	vld.idx.msk [tilespmem:v8+s26+$0x0], $0xffff;
	_ =	sdelay $0x1  }
0x1e5: {  	v8 =	vld.idx.msk [tilespmem:v8+s6+$0x0], $0xffff;
	_ =	sdelay $0x2  }
0x1e6: {  	v10 =	vmul.f32 v51, v50;
	_ =	sdelay $0x1  }
0x1e7: {  	v8 =	vadd.f32 v10, v8;
	_ =	sdelay $0x1  }
0x1e8: {  	[tilespmem:s10+$0xFFFFFFF0] =	vst v8  }
0x1e9: {  	v8 =	vld [tilespmem:s9+$0x0];
	_ =	sdelay $0x4  }
0x1ea: {  	v52 =	vshll.u32 v8, $0xA  }
0x1eb: {  	v8 =	vshll.u32 v8, $0x7;
	v10 =	vand.u32 $0xFFFFE000, v52  }
0x1ec: {  	v8 =	vand.u32 $0x380, v8;
	v10 =	vadd.s32 v9, v10  }
0x1ed: {  	v8 =	vor.u32 v8, v10  }
0x1ee: {  	v8 =	vor.u32 v4, v8;
	_ =	sdelay $0x3  }
0x1ef: {  	v53 =	vld [tilespmem:s11+$0x0]  }
0x1f0: {  	v54 =	vld.idx.msk [tilespmem:v8+s26+$0x0], $0xffff;
	_ =	sdelay $0x1  }
0x1f1: {  	v8 =	vld.idx.msk [tilespmem:v8+s6+$0x0], $0xffff;
	_ =	sdelay $0x2  }
0x1f2: {  	v10 =	vmul.f32 v54, v53;
	_ =	sdelay $0x1  }
0x1f3: {  	v8 =	vadd.f32 v10, v8;
	_ =	sdelay $0x1  }
0x1f4: {  	[tilespmem:s10+$0x0] =	vst v8  }
0x1f5: {  	v8 =	vld [tilespmem:s9+$0x10];
	_ =	sdelay $0x4  }
0x1f6: {  	v55 =	vshll.u32 v8, $0xA  }
0x1f7: {  	v8 =	vshll.u32 v8, $0x7;
	v10 =	vand.u32 $0xFFFFE000, v55  }
0x1f8: {  	v8 =	vand.u32 $0x380, v8;
	v10 =	vadd.s32 v9, v10  }
0x1f9: {  	v8 =	vor.u32 v8, v10  }
0x1fa: {  	v8 =	vor.u32 v5, v8;
	_ =	sdelay $0x3  }
0x1fb: {  	v56 =	vld [tilespmem:s11+$0x10]  }
0x1fc: {  	v57 =	vld.idx.msk [tilespmem:v8+s26+$0x0], $0xffff;
	_ =	sdelay $0x1  }
0x1fd: {  	v8 =	vld.idx.msk [tilespmem:v8+s6+$0x0], $0xffff;
	_ =	sdelay $0x2  }
0x1fe: {  	v10 =	vmul.f32 v57, v56;
	_ =	sdelay $0x1  }
0x1ff: {  	v8 =	vadd.f32 v10, v8;
	_ =	sdelay $0x1  }
0x200: {  	[tilespmem:s10+$0x10] =	vst v8  }
0x201: {  	v8 =	vld [tilespmem:s9+$0x20];
	_ =	sdelay $0x4  }
0x202: {  	v58 =	vshll.u32 v8, $0xA  }
0x203: {  	v8 =	vshll.u32 v8, $0x7;
	v10 =	vand.u32 $0xFFFFE000, v58  }
0x204: {  	v8 =	vand.u32 $0x380, v8;
	v10 =	vadd.s32 v9, v10  }
0x205: {  	v8 =	vor.u32 v8, v10  }
0x206: {  	v8 =	vor.u32 v6, v8;
	_ =	sdelay $0x3  }
0x207: {  	v59 =	vld [tilespmem:s11+$0x20]  }
0x208: {  	v60 =	vld.idx.msk [tilespmem:v8+s26+$0x0], $0xffff;
	_ =	sdelay $0x1  }
0x209: {  	v8 =	vld.idx.msk [tilespmem:v8+s6+$0x0], $0xffff;
	_ =	sdelay $0x2  }
0x20a: {  	v10 =	vmul.f32 v60, v59;
	_ =	sdelay $0x1  }
0x20b: {  	v8 =	vadd.f32 v10, v8;
	_ =	sdelay $0x1  }
0x20c: {  	[tilespmem:s10+$0x20] =	vst v8  }
0x20d: {  	v8 =	vld [tilespmem:s9+$0x30];
	_ =	sdelay $0x4  }
0x20e: {  	v61 =	vshll.u32 v8, $0xA  }
0x20f: {  	v8 =	vshll.u32 v8, $0x7;
	v10 =	vand.u32 $0xFFFFE000, v61  }
0x210: {  	v8 =	vand.u32 $0x380, v8;
	v9 =	vadd.s32 v9, v10  }
0x211: {  	v8 =	vor.u32 v8, v9  }
0x212: {  	v8 =	vor.u32 v7, v8;
	_ =	sdelay $0x3  }
0x213: {  	v62 =	vld [tilespmem:s11+$0x30]  }
0x214: {  	v63 =	vld.idx.msk [tilespmem:v8+s26+$0x0], $0xffff;
	_ =	sdelay $0x1  }
0x215: {  	v8 =	vld.idx.msk [tilespmem:v8+s6+$0x0], $0xffff  }
0x216: {  	s0 =	sadd.s32 $0x8, s0  }
0x217: {  	p0 =	slt.u32 s0, $0x38  }
.Ltmp3:
0x218: {  	v9 =	vmul.f32 v63, v62;
	(pc) =	sbr.rel @p0 .LBB2_8-.Ltmp3, $4  }
0x219: {  	_ = 	snop  }
0x21a: {  	v8 =	vadd.f32 v9, v8  }
0x21b: {  	s4 =	sadd.s32 $0x80, s4  }
0x21c: {  	s9 =	sadd.s32 $0x80, s9;
	s11 =	sadd.s32 $0x100, s11;
	[tilespmem:s10+$0x30] =	vst v8;
	s10 =	sadd.s32 $0x100, s10  }
0x21d: {  	s4 =	rddreg [dreg:$0xc];
	s0 =	simm.s32 $0x11000  }
0x21e: {  	[hbm4b:s4+s6] =	stream.linear.scatter [tilespmem:s0], [sflag:$0x3], $0x80, $0x38;
	[tilespmem:$0x11800] =	vst v63  }
0x21f: {  	s9 =	simm.s32 $0x11100;
	s11 =	sadd.s32 $0x10, s4  }
0x220: {  	[hbm4b:s11+s6] =	stream.linear.scatter [tilespmem:s9], [sflag:$0x3], $0x80, $0x38;
	[tilespmem:$0x11800] =	vst v63  }
0x221: {  	s13 =	sadd.s32 $0x20, s4  }
0x222: {  	[hbm4b:s13+s6] =	stream.linear.scatter [tilespmem:s16], [sflag:$0x3], $0x80, $0x38;
	[tilespmem:$0x11800] =	vst v63  }
0x223: {  	s14 =	sadd.s32 $0x30, s4  }
0x224: {  	[hbm4b:s14+s6] =	stream.linear.scatter [tilespmem:s19], [sflag:$0x3], $0x80, $0x38;
	[tilespmem:$0x11800] =	vst v63  }
0x225: {  	s17 =	sadd.s32 $0x40, s4  }
0x226: {  	[hbm4b:s17+s6] =	stream.linear.scatter [tilespmem:s28], [sflag:$0x3], $0x80, $0x38;
	[tilespmem:$0x11800] =	vst v63  }
0x227: {  	s9 =	sadd.s32 $0x50, s4  }
0x228: {  	[hbm4b:s9+s6] =	stream.linear.scatter [tilespmem:s21], [sflag:$0x3], $0x80, $0x38;
	[tilespmem:$0x11800] =	vst v63  }
0x229: {  	s10 =	sadd.s32 $0x60, s4  }
0x22a: {  	[hbm4b:s10+s6] =	stream.linear.scatter [tilespmem:s22], [sflag:$0x3], $0x80, $0x38;
	[tilespmem:$0x11800] =	vst v63  }
0x22b: {  	s11 =	sadd.s32 $0x70, s4;
	s13 =	simm.s32 $0x4  }
0x22c: {  	[hbm4b:s11+s6] =	stream.linear.scatter [tilespmem:s23], [sflag:$0x3], $0x80, $0x38;
	[tilespmem:$0x11800] =	vst v63  }
0x22d: {  	_ =	swait.ge [sflag:s13], $0x400  }
0x22e: {  	[sflag:s13] =	ssyncset.done $0x0  }
0x22f: {  	[sflag:s13] =	ssyncadd.s32 $0xFFFFFC00  }
0x230: {  	_ =	swait.ge [sflag:s12], $0x400  }
0x231: {  	s14 =	rddreg [dreg:$0x15]  }
0x232: {  	s17 =	rddreg [dreg:$0xd];
	s4 =	sadd.s32 $0x1, s14  }
0x233: {  	p0 =	sne.s32 s4, s17  }
.Ltmp4:
0x234: {  	_ = 	snop;
	(pc) =	sbr.rel @p0 .LBB2_1-.Ltmp4, $3  }
0x235: {  	_ =	sdelay $0x1  }
0x236: {  	[sflag:s12] =	ssyncset.done $0x0  }
0x237: {  	[sflag:s12] =	ssyncadd.s32 $0xFFFFFC00  }
0x238: {  	_ =	sfence.sel $0x180000  }
0x239: {  	[bflag:$0x0] =	sbarrier.arrive $0xFFFF  }
0x23a: {  	_ =	strace $0x90000047  }
0x23b: {  	s0 =	stileid.u32;
	[bflag:$0x2] =	sbarrier.arrive $0xFFFF  }
0x23c: {  	p0 =	sne.s32 s0, $0x0;
	s0 =	rddreg [dreg:$0x5]  }
0x23d: {  	s0 =	sadd.s32 @!p0 $0x100000, s0  }
0x23e: {  	[sflag:s0] =	ssyncadd.tile.s32 @!p0 $0x1;
	_ =	shalt  }
.Lfunc_end2:
_tile_overlayer_lowered:
.L_overlay_start_2:
0x23f: {  	(tag) =	ssettag $0x2  }
0x240: {  	s0 =	rddreg [dreg:$0x0];
	s2 =	stileid.u32  }
0x241: {  	s1 =	rddreg [dreg:$0x1];
	p0 =	sne.s32 s2, $0x0  }
0x242: {  	s3 =	rddreg [dreg:$0x2];
	[bflag:$0x3] =	sbarrier.arrive $0xFFFF;
	s2 =	simm.s32 @!p0 $0x1C05  }
0x243: {  	[timem:s3], [sflag:s2] =	dma.local @!p0 [hbm:s0], s1  }
0x244: {  	s0 =	simm.s32 @!p0 $0x5  }
0x245: {  	_ =	swait.ge @!p0 [sflag:s0], s1  }
0x246: {  	s1 =	ssub.s32 @!p0 $0x0, s1;
	[sflag:s0] =	ssyncset.done @!p0 $0x0  }
0x247: {  	[sflag:s0] =	ssyncadd.s32 @!p0 s1  }
0x248: {  	[bflag:$0x3] =	sbarrier.arrive $0xFFFF  }
0x249: {  	_ =	shalt  }

</sc_bundles>
